<compile_context>
chip_gen: v7x
topology: tpu7x:2x2x1
jax: 0.10.2.dev20260603
libtpu: 0.0.44.dev20260713+nightly
codegen_flags: <defaults>
</compile_context>

<pallas_src>
import functools

import jax
import jax.numpy as jnp
from jax import lax
from jax.experimental import pallas as pl
from jax.experimental.pallas import tpu as pltpu
from jax.experimental.pallas import tpu_sc as plsc

_BASE_HU = -2.0
_BASE_NORM = 0.0

_NW = 32
_CH = 8192
_UNROLL = 4
_SUB = 512
_SC_BLOCKS = 3


def _cumsum16(x, tmp_v, iot):
    acc = x
    for s in (1, 2, 4, 8):
        tmp_v[...] = acc
        t = plsc.load_gather(tmp_v, [jnp.maximum(iot - s, 0)])
        acc = acc + jnp.where(iot >= s, t, 0.0)
    return acc


def _build_tables(hu_v, norm_v, bt_v, a_v, c_v, tmp_v):
    iot = lax.iota(jnp.int32, 16)
    inf = jnp.float32(jnp.inf)
    for j in range(4):
        habs = jnp.abs(hu_v[j])
        nabs = jnp.abs(norm_v[j])
        H = _cumsum16(habs, tmp_v, iot)
        N = _cumsum16(nabs, tmp_v, iot)
        Hprev = H - habs
        Nprev = N - nabs
        k = nabs / habs
        mid = (iot >= 1) & (iot <= 7)
        avec = jnp.where(mid, k, 0.0)
        cin = Nprev - k * Hprev
        cvec = jnp.where(iot == 8, Nprev + _BASE_NORM, jnp.where(mid, cin, 0.0))
        bvec = jnp.where(iot <= 7, _BASE_HU + H, inf)
        bt_v[j + 1] = bvec
        a_v[j + 1] = avec
        c_v[j + 1] = cvec


def _splats(bt_v, a_v, c_v, j):
    jv = jnp.full((16,), j + 1, jnp.int32)
    bs = [plsc.load_gather(bt_v, [jv, jnp.full((16,), i, jnp.int32)]) for i in range(8)]
    as_ = [plsc.load_gather(a_v, [jv, jnp.full((16,), i, jnp.int32)]) for i in range(1, 8)]
    cs = [plsc.load_gather(c_v, [jv, jnp.full((16,), i, jnp.int32)]) for i in range(1, 8)]
    top = plsc.load_gather(c_v, [jv, jnp.full((16,), 8, jnp.int32)])
    return bs, as_, cs, top


def _make_body(nch):
    def _sc_body(img_hbm, hu_hbm, norm_hbm, out_hbm,
                 hu_v, norm_v, bt_v, a_v, c_v, tmp_v, x_v, y_v,
                 in_sems, out_sems):
        c = lax.axis_index("c")
        s = lax.axis_index("s")
        wid = s * 2 + c
        b = wid // 16
        col0 = (wid % 16) * (_CH * nch)

        pltpu.sync_copy(hu_hbm, hu_v)
        pltpu.sync_copy(norm_hbm, norm_v)
        _build_tables(hu_v, norm_v, bt_v, a_v, c_v, tmp_v)

        def in_copy(g, buf):
            return pltpu.make_async_copy(
                img_hbm.at[b, pl.ds(col0 + g * _CH, _CH)], x_v.at[buf], in_sems.at[buf])

        def out_copy(g, buf, j):
            col = col0 + g * _CH
            bi = col // (_SUB * 256)
            r0 = pl.multiple_of((col % (_SUB * 256)) // 256, _CH // 256)
            return pltpu.make_async_copy(
                y_v.at[buf, j],
                out_hbm.at[b, j, bi, pl.ds(r0, _CH // 256)],
                out_sems.at[buf])

        in_copy(0, 0).start()

        def chunk_body(g, _):
            buf = lax.rem(g, 2)
            in_copy(g, buf).wait()

            @pl.when(g + 1 < nch)
            def _():
                in_copy(g + 1, lax.rem(g + 1, 2)).start()

            @pl.when(g >= 2)
            def _():
                for j in range(4):
                    out_copy(g - 2, buf, j).wait()

            for j in range(4):
                bs, as_, cs, top = _splats(bt_v, a_v, c_v, j)

                def vec_body(i, _, buf=buf, j=j, bs=bs, as_=as_, cs=cs, top=top):
                    for u in range(_UNROLL):
                        off = (i * _UNROLL + u) * 16
                        x = x_v[buf, pl.ds(off, 16)]
                        y = jnp.zeros((16,), jnp.float32)
                        for t in range(7):
                            y = jnp.where(x >= bs[t], as_[t] * x + cs[t], y)
                        y = jnp.where(x >= bs[7], top, y)
                        y_v[buf, j, off // 256, pl.ds(off % 256, 16)] = y
                    return 0

                lax.fori_loop(0, _CH // (16 * _UNROLL), vec_body, 0)
                out_copy(g, buf, j).start()
            return 0

        lax.fori_loop(0, nch, chunk_body, 0)
        for g in (nch - 2, nch - 1):
            for j in range(4):
                out_copy(g, g % 2, j).wait()

    return _sc_body


def _sc_part(x, hu_lis, norm_lis, B, Ma):
    nch = Ma // 16 // _CH
    assert Ma % (16 * _CH) == 0
    hu16 = jnp.pad(hu_lis, ((0, 0), (0, 8)))
    norm16 = jnp.pad(norm_lis, ((0, 0), (0, 8)))
    mesh = plsc.VectorSubcoreMesh(core_axis_name="c", subcore_axis_name="s")
    f = pl.kernel(
        _make_body(nch),
        out_type=jax.ShapeDtypeStruct((B, 4, Ma // (_SUB * 256), _SUB, 256), jnp.float32),
        mesh=mesh,
        scratch_types=[
            pltpu.VMEM((4, 16), jnp.float32),
            pltpu.VMEM((4, 16), jnp.float32),
            pltpu.VMEM((5, 16), jnp.float32),
            pltpu.VMEM((5, 16), jnp.float32),
            pltpu.VMEM((5, 16), jnp.float32),
            pltpu.VMEM((16,), jnp.float32),
            pltpu.VMEM((2, _CH), jnp.float32),
            pltpu.VMEM((2, 4, _CH // 256, 256), jnp.float32),
            pltpu.SemaphoreType.DMA((2,)),
            pltpu.SemaphoreType.DMA((2,)),
        ],
        compiler_params=pltpu.CompilerParams(needs_layout_passes=False),
    )
    return f(x, hu16, norm16)


def _tc_body(hu_ref, norm_ref, x_ref, out_ref):
    x = x_ref[0, 0]
    for j in range(4):
        h_low = jnp.abs(hu_ref[j, 0])
        n_low = jnp.abs(norm_ref[j, 0])
        y = jnp.zeros_like(x)
        for i in range(1, 8):
            h_high = h_low + jnp.abs(hu_ref[j, i])
            n_high = n_low + jnp.abs(norm_ref[j, i])
            k = (n_high - n_low) / (h_high - h_low)
            c = n_low - k * h_low
            y = jnp.where(x >= _BASE_HU + h_low, k * x + c, y)
            h_low, n_low = h_high, n_high
        y = jnp.where(x >= _BASE_HU + h_low, n_low + _BASE_NORM, y)
        out_ref[0, j, 0] = y


def _merge_body(sc_ref, alias_ref, out_ref):
    del alias_ref
    out_ref[...] = sc_ref[...]


def kernel(img, hu_lis, norm_lis):
    B, C, D, H, W = img.shape
    M = D * H * W
    blk = _SUB * 256
    m = _SC_BLOCKS
    Ma = m * blk
    x = img.reshape(B, M)

    sc = _sc_part(x, hu_lis, norm_lis, B, Ma)

    x4 = x.reshape(B, 16, _SUB, 256)
    tc_full = pl.pallas_call(
        _tc_body,
        grid=(B, 16 - m),
        in_specs=[
            pl.BlockSpec(memory_space=pltpu.SMEM),
            pl.BlockSpec(memory_space=pltpu.SMEM),
            pl.BlockSpec((1, 1, _SUB, 256), lambda b, i: (b, i + m, 0, 0)),
        ],
        out_specs=pl.BlockSpec((1, 4, 1, _SUB, 256), lambda b, i: (b, 0, i + m, 0, 0)),
        out_shape=jax.ShapeDtypeStruct((B, 4, 16, _SUB, 256), jnp.float32),
    )(hu_lis, norm_lis, x4)

    out = pl.pallas_call(
        _merge_body,
        grid=(B, m),
        in_specs=[
            pl.BlockSpec((1, 4, 1, _SUB, 256), lambda b, i: (b, 0, i, 0, 0)),
            pl.BlockSpec(memory_space=pl.ANY),
        ],
        out_specs=pl.BlockSpec((1, 4, 1, _SUB, 256), lambda b, i: (b, 0, i, 0, 0)),
        out_shape=jax.ShapeDtypeStruct((B, 4, 16, _SUB, 256), jnp.float32),
        input_output_aliases={1: 0},
    )(sc, tc_full)

    return out.reshape(B, 4, D, H, W)

# --- scband reference (transcript-rebuilt; emitter-appended) ---
"""Pipeline reference for scband-adapt-transform-33423435497879 (READ-ONLY COPY).

The authoritative reference and input builder live on the scoring server;
editing this copy changes nothing except your own understanding.
"""

import jax, jax.numpy as jnp
import numpy as np

BASE_HU = -2.0
BASE_NORM = 0.0

HU_LIS = np.array([
    [0.0, 0.3, 0.3, 0.3, 0.3, 0.3, 0.3, 0.3],
    [0.0, 0.45, 0.45, 0.45, 0.45, 0.45, 0.45, 0.45],
    [0.0, 0.6, 0.6, 0.6, 0.6, 0.6, 0.6, 0.6],
    [0.25, 0.5, 0.5, 0.5, 0.5, 0.5, 0.5, 0.5],
], dtype=np.float32)

NORM_LIS = np.array([
    [0.0, 0.125, 0.125, 0.125, 0.125, 0.125, 0.125, 0.125],
    [0.0, 0.125, 0.125, 0.125, 0.125, 0.125, 0.125, 0.125],
    [0.0, 0.125, 0.125, 0.125, 0.125, 0.125, 0.125, 0.125],
    [0.0, 0.125, 0.125, 0.125, 0.125, 0.125, 0.125, 0.125],
], dtype=np.float32)


def setup_inputs(seed: int = 0) -> dict:
    key = jax.random.key(seed)
    img = jax.random.normal(key, (2, 1, 32, 256, 256), dtype=jnp.float32)
    return {
        "img": img,
        "hu_lis": jnp.asarray(HU_LIS),
        "norm_lis": jnp.asarray(NORM_LIS),
    }


def reference(img, hu_lis, norm_lis):
    J, I = hu_lis.shape
    outs = []
    for j in range(J):
        cur_file = jnp.zeros_like(img)
        hu_high = None
        norm_high = None
        for i in range(1, I):
            hu_high = jnp.sum(jnp.abs(hu_lis[j, 0:i + 1]))
            hu_low = jnp.sum(jnp.abs(hu_lis[j, 0:i]))
            norm_high = jnp.sum(jnp.abs(norm_lis[j, 0:i + 1]))
            norm_low = jnp.sum(jnp.abs(norm_lis[j, 0:i]))
            mask = (img < BASE_HU + hu_high) & (img >= BASE_HU + hu_low)
            k = (norm_high - norm_low) / (hu_high - hu_low)
            cur_file = jnp.where(mask, k * (img - hu_low) + norm_low, cur_file)
        cur_file = jnp.where(img >= BASE_HU + hu_high, norm_high + BASE_NORM, cur_file)
        outs.append(cur_file)
    return jnp.concatenate(outs, axis=1)

if __name__ == "__main__":
    import jax
    _d = setup_inputs()
    print(jax.jit(kernel)(*tuple(_d.values())))

</pallas_src>

<mosaic_0001>
#map = affine_map<(d0, d1) -> (0, 0)>
#map1 = affine_map<(d0, d1) -> (0, 0, 0, 0, 0)>
module attributes {stable_mosaic.version = 14 : i64} {
  func.func @_sc_body(%arg0: i32, %arg1: i32, %arg2: memref<2x2097152xf32, #tpu.memory_space<hbm>>, %arg3: memref<4x16xf32, #tpu.memory_space<hbm>>, %arg4: memref<4x16xf32, #tpu.memory_space<hbm>>, %arg5: memref<2x4x3x512x256xf32, #tpu.memory_space<hbm>>, %arg6: memref<4x16xf32, #tpu.memory_space<vmem>>, %arg7: memref<4x16xf32, #tpu.memory_space<vmem>>, %arg8: memref<5x16xf32, #tpu.memory_space<vmem>>, %arg9: memref<5x16xf32, #tpu.memory_space<vmem>>, %arg10: memref<5x16xf32, #tpu.memory_space<vmem>>, %arg11: memref<16xf32, #tpu.memory_space<vmem>>, %arg12: memref<2x8192xf32, #tpu.memory_space<vmem>>, %arg13: memref<2x4x32x256xf32, #tpu.memory_space<vmem>>, %arg14: memref<2x!tpu.dma_semaphore, #tpu.memory_space<semaphore_mem>>, %arg15: memref<2x!tpu.dma_semaphore, #tpu.memory_space<semaphore_mem>>) attributes {dimension_semantics = [#tpu.dimension_semantics<core_parallel>, #tpu.dimension_semantics<subcore_parallel>], iteration_bounds = array<i64: 2, 16>, scalar_prefetch = 0 : i64, scratch_operands = 10 : i64, tpu.core_type = #tpu.core_type<sc_vector_subcore>, window_params = [{transform_indices = #map}, {transform_indices = #map}, {transform_indices = #map}, {transform_indices = #map1}]} {
    %mul3A = arith.constant 2 : i32
    %mul3A_0 = arith.muli %arg1, %mul3A : i32
    %add3A = arith.addi %mul3A_0, %arg0 : i32
    %jit3A = arith.constant 16 : i32
    %div3A = arith.divsi %add3A, %jit3A : i32
    %sign3A = arith.constant 0 : i32
    %sign3A_1 = arith.cmpi sgt, %add3A, %sign3A : i32
    %sign3A_2 = arith.extui %sign3A_1 : i1 to i32
    %sign3A_3 = arith.constant 0 : i32
    %sign3A_4 = arith.cmpi slt, %add3A, %sign3A_3 : i32
    %sign3A_5 = arith.extui %sign3A_4 : i1 to i32
    %sign3A_6 = arith.subi %sign3A_2, %sign3A_5 : i32
    %sign3A_7 = arith.constant 0 : i32
    %sign3A_8 = arith.cmpi sgt, %jit3A, %sign3A_7 : i32
    %sign3A_9 = arith.extui %sign3A_8 : i1 to i32
    %sign3A_10 = arith.constant 0 : i32
    %sign3A_11 = arith.cmpi slt, %jit3A, %sign3A_10 : i32
    %sign3A_12 = arith.extui %sign3A_11 : i1 to i32
    %sign3A_13 = arith.subi %sign3A_9, %sign3A_12 : i32
    %ne3A = arith.cmpi ne, %sign3A_6, %sign3A_13 : i32
    %rem3A = arith.remsi %add3A, %jit3A : i32
    %ne3A_14 = arith.constant 0 : i32
    %ne3A_15 = arith.cmpi ne, %rem3A, %ne3A_14 : i32
    %and3A = arith.andi %ne3A, %ne3A_15 : i1
    %sub3A = arith.constant 1 : i32
    %sub3A_16 = arith.subi %div3A, %sub3A : i32
    %select_n3A = arith.select %and3A, %sub3A_16, %div3A : i32
    %jit3A_17 = arith.constant 16 : i32
    %eq3A = arith.constant 0 : i32
    %eq3A_18 = arith.cmpi eq, %jit3A_17, %eq3A : i32
    %jit3A_19 = arith.constant 1 : i32
    %select_n3A_20 = arith.select %eq3A_18, %jit3A_19, %jit3A_17 : i32
    %rem3A_21 = arith.remsi %add3A, %select_n3A_20 : i32
    %ne3A_22 = arith.constant 0 : i32
    %ne3A_23 = arith.cmpi ne, %rem3A_21, %ne3A_22 : i32
    %lt3A = arith.constant 0 : i32
    %lt3A_24 = arith.cmpi slt, %rem3A_21, %lt3A : i32
    %lt3A_25 = arith.constant 0 : i32
    %lt3A_26 = arith.cmpi slt, %select_n3A_20, %lt3A_25 : i32
    %ne3A_27 = arith.xori %lt3A_24, %lt3A_26 : i1
    %and3A_28 = arith.andi %ne3A_27, %ne3A_23 : i1
    %add3A_29 = arith.addi %rem3A_21, %select_n3A_20 : i32
    %select_n3A_30 = arith.select %and3A_28, %add3A_29, %rem3A_21 : i32
    %mul3A_31 = arith.constant 24576 : i32
    %mul3A_32 = arith.muli %select_n3A_30, %mul3A_31 : i32
    "tpu.region"() ({
      %run_scoped3A = tpu.sem_alloc : memref<!tpu.dma_semaphore, #tpu.memory_space<semaphore_mem>>
      tpu.enqueue_dma source(%arg3 : memref<4x16xf32, #tpu.memory_space<hbm>>) target(%arg6 : memref<4x16xf32, #tpu.memory_space<vmem>>) target_semaphore(%run_scoped3A : memref<!tpu.dma_semaphore, #tpu.memory_space<semaphore_mem>>)
      tpu.wait_dma2 semaphore(%run_scoped3A : memref<!tpu.dma_semaphore, #tpu.memory_space<semaphore_mem>>) src(%arg3 : memref<4x16xf32, #tpu.memory_space<hbm>>) dst(%arg6 : memref<4x16xf32, #tpu.memory_space<vmem>>)
      tpu.yield
    }) : () -> ()
    "tpu.region"() ({
      %run_scoped3A = tpu.sem_alloc : memref<!tpu.dma_semaphore, #tpu.memory_space<semaphore_mem>>
      tpu.enqueue_dma source(%arg4 : memref<4x16xf32, #tpu.memory_space<hbm>>) target(%arg7 : memref<4x16xf32, #tpu.memory_space<vmem>>) target_semaphore(%run_scoped3A : memref<!tpu.dma_semaphore, #tpu.memory_space<semaphore_mem>>)
      tpu.wait_dma2 semaphore(%run_scoped3A : memref<!tpu.dma_semaphore, #tpu.memory_space<semaphore_mem>>) src(%arg4 : memref<4x16xf32, #tpu.memory_space<hbm>>) dst(%arg7 : memref<4x16xf32, #tpu.memory_space<vmem>>)
      tpu.yield
    }) : () -> ()
    %iota3A = tpu.iota {dimensions = array<i32: 0>} : vector<16xi32>
    %get3A = arith.constant 0 : i32
    %get3A_33 = arith.index_cast %get3A : i32 to index
    %get3A_34 = arith.constant 0 : index
    %get3A_35 = tpu.vector_load %arg6[%get3A_33, %get3A_34] {strides = array<i32>} : memref<4x16xf32, #tpu.memory_space<vmem>>, vector<16xf32>,
    %abs3A = math.absf %get3A_35 : vector<16xf32>
    %get3A_36 = arith.constant 0 : i32
    %get3A_37 = arith.index_cast %get3A_36 : i32 to index
    %get3A_38 = arith.constant 0 : index
    %get3A_39 = tpu.vector_load %arg7[%get3A_37, %get3A_38] {strides = array<i32>} : memref<4x16xf32, #tpu.memory_space<vmem>>, vector<16xf32>,
    %abs3A_40 = math.absf %get3A_39 : vector<16xf32>
    %swap3A = arith.constant 0 : index
    %swap3A_41 = tpu.vector_load %arg11[%swap3A] {strides = array<i32>} : memref<16xf32, #tpu.memory_space<vmem>>, vector<16xf32>,
    tpu.vector_store %arg11[%swap3A], %abs3A {strides = array<i32>} : memref<16xf32, #tpu.memory_space<vmem>>, vector<16xf32>,
    %sub3A_42 = arith.constant 1 : i32
    %sub3A_43 = vector.broadcast %sub3A_42 : i32 to vector<16xi32>
    %sub3A_44 = arith.subi %iota3A, %sub3A_43 : vector<16xi32>
    %max3A = arith.constant 0 : i32
    %max3A_45 = vector.broadcast %max3A : i32 to vector<16xi32>
    %max3A_46 = arith.maxsi %sub3A_44, %max3A_45 : vector<16xi32>
    %gather3A = tpu.vector_load_idx %arg11[%max3A_46] : memref<16xf32, #tpu.memory_space<vmem>>[vector<16xi32>], vector<16xf32>,
    %ge3A = arith.constant 1 : i32
    %ge3A_47 = vector.broadcast %ge3A : i32 to vector<16xi32>
    %ge3A_48 = arith.cmpi sge, %iota3A, %ge3A_47 : vector<16xi32>
    %jit3A_49 = arith.constant 0.000000e+00 : f32
    %broadcast_in_dim3A = vector.broadcast %jit3A_49 : f32 to vector<16xf32>
    %select_n3A_50 = arith.select %ge3A_48, %gather3A, %broadcast_in_dim3A : vector<16xi1>, vector<16xf32>
    %add3A_51 = arith.addf %abs3A, %select_n3A_50 : vector<16xf32>
    %swap3A_52 = arith.constant 0 : index
    %swap3A_53 = tpu.vector_load %arg11[%swap3A_52] {strides = array<i32>} : memref<16xf32, #tpu.memory_space<vmem>>, vector<16xf32>,
    tpu.vector_store %arg11[%swap3A_52], %add3A_51 {strides = array<i32>} : memref<16xf32, #tpu.memory_space<vmem>>, vector<16xf32>,
    %sub3A_54 = arith.constant 2 : i32
    %sub3A_55 = vector.broadcast %sub3A_54 : i32 to vector<16xi32>
    %sub3A_56 = arith.subi %iota3A, %sub3A_55 : vector<16xi32>
    %max3A_57 = arith.constant 0 : i32
    %max3A_58 = vector.broadcast %max3A_57 : i32 to vector<16xi32>
    %max3A_59 = arith.maxsi %sub3A_56, %max3A_58 : vector<16xi32>
    %gather3A_60 = tpu.vector_load_idx %arg11[%max3A_59] : memref<16xf32, #tpu.memory_space<vmem>>[vector<16xi32>], vector<16xf32>,
    %ge3A_61 = arith.constant 2 : i32
    %ge3A_62 = vector.broadcast %ge3A_61 : i32 to vector<16xi32>
    %ge3A_63 = arith.cmpi sge, %iota3A, %ge3A_62 : vector<16xi32>
    %jit3A_64 = arith.constant 0.000000e+00 : f32
    %broadcast_in_dim3A_65 = vector.broadcast %jit3A_64 : f32 to vector<16xf32>
    %select_n3A_66 = arith.select %ge3A_63, %gather3A_60, %broadcast_in_dim3A_65 : vector<16xi1>, vector<16xf32>
    %add3A_67 = arith.addf %add3A_51, %select_n3A_66 : vector<16xf32>
    %swap3A_68 = arith.constant 0 : index
    %swap3A_69 = tpu.vector_load %arg11[%swap3A_68] {strides = array<i32>} : memref<16xf32, #tpu.memory_space<vmem>>, vector<16xf32>,
    tpu.vector_store %arg11[%swap3A_68], %add3A_67 {strides = array<i32>} : memref<16xf32, #tpu.memory_space<vmem>>, vector<16xf32>,
    %sub3A_70 = arith.constant 4 : i32
    %sub3A_71 = vector.broadcast %sub3A_70 : i32 to vector<16xi32>
    %sub3A_72 = arith.subi %iota3A, %sub3A_71 : vector<16xi32>
    %max3A_73 = arith.constant 0 : i32
    %max3A_74 = vector.broadcast %max3A_73 : i32 to vector<16xi32>
    %max3A_75 = arith.maxsi %sub3A_72, %max3A_74 : vector<16xi32>
    %gather3A_76 = tpu.vector_load_idx %arg11[%max3A_75] : memref<16xf32, #tpu.memory_space<vmem>>[vector<16xi32>], vector<16xf32>,
    %ge3A_77 = arith.constant 4 : i32
    %ge3A_78 = vector.broadcast %ge3A_77 : i32 to vector<16xi32>
    %ge3A_79 = arith.cmpi sge, %iota3A, %ge3A_78 : vector<16xi32>
    %jit3A_80 = arith.constant 0.000000e+00 : f32
    %broadcast_in_dim3A_81 = vector.broadcast %jit3A_80 : f32 to vector<16xf32>
    %select_n3A_82 = arith.select %ge3A_79, %gather3A_76, %broadcast_in_dim3A_81 : vector<16xi1>, vector<16xf32>
    %add3A_83 = arith.addf %add3A_67, %select_n3A_82 : vector<16xf32>
    %swap3A_84 = arith.constant 0 : index
    %swap3A_85 = tpu.vector_load %arg11[%swap3A_84] {strides = array<i32>} : memref<16xf32, #tpu.memory_space<vmem>>, vector<16xf32>,
    tpu.vector_store %arg11[%swap3A_84], %add3A_83 {strides = array<i32>} : memref<16xf32, #tpu.memory_space<vmem>>, vector<16xf32>,
    %sub3A_86 = arith.constant 8 : i32
    %sub3A_87 = vector.broadcast %sub3A_86 : i32 to vector<16xi32>
    %sub3A_88 = arith.subi %iota3A, %sub3A_87 : vector<16xi32>
    %max3A_89 = arith.constant 0 : i32
    %max3A_90 = vector.broadcast %max3A_89 : i32 to vector<16xi32>
    %max3A_91 = arith.maxsi %sub3A_88, %max3A_90 : vector<16xi32>
    %gather3A_92 = tpu.vector_load_idx %arg11[%max3A_91] : memref<16xf32, #tpu.memory_space<vmem>>[vector<16xi32>], vector<16xf32>,
    %ge3A_93 = arith.constant 8 : i32
    %ge3A_94 = vector.broadcast %ge3A_93 : i32 to vector<16xi32>
    %ge3A_95 = arith.cmpi sge, %iota3A, %ge3A_94 : vector<16xi32>
    %jit3A_96 = arith.constant 0.000000e+00 : f32
    %broadcast_in_dim3A_97 = vector.broadcast %jit3A_96 : f32 to vector<16xf32>
    %select_n3A_98 = arith.select %ge3A_95, %gather3A_92, %broadcast_in_dim3A_97 : vector<16xi1>, vector<16xf32>
    %add3A_99 = arith.addf %add3A_83, %select_n3A_98 : vector<16xf32>
    %swap3A_100 = arith.constant 0 : index
    %swap3A_101 = tpu.vector_load %arg11[%swap3A_100] {strides = array<i32>} : memref<16xf32, #tpu.memory_space<vmem>>, vector<16xf32>,
    tpu.vector_store %arg11[%swap3A_100], %abs3A_40 {strides = array<i32>} : memref<16xf32, #tpu.memory_space<vmem>>, vector<16xf32>,
    %sub3A_102 = arith.constant 1 : i32
    %sub3A_103 = vector.broadcast %sub3A_102 : i32 to vector<16xi32>
    %sub3A_104 = arith.subi %iota3A, %sub3A_103 : vector<16xi32>
    %max3A_105 = arith.constant 0 : i32
    %max3A_106 = vector.broadcast %max3A_105 : i32 to vector<16xi32>
    %max3A_107 = arith.maxsi %sub3A_104, %max3A_106 : vector<16xi32>
    %gather3A_108 = tpu.vector_load_idx %arg11[%max3A_107] : memref<16xf32, #tpu.memory_space<vmem>>[vector<16xi32>], vector<16xf32>,
    %ge3A_109 = arith.constant 1 : i32
    %ge3A_110 = vector.broadcast %ge3A_109 : i32 to vector<16xi32>
    %ge3A_111 = arith.cmpi sge, %iota3A, %ge3A_110 : vector<16xi32>
    %jit3A_112 = arith.constant 0.000000e+00 : f32
    %broadcast_in_dim3A_113 = vector.broadcast %jit3A_112 : f32 to vector<16xf32>
    %select_n3A_114 = arith.select %ge3A_111, %gather3A_108, %broadcast_in_dim3A_113 : vector<16xi1>, vector<16xf32>
    %add3A_115 = arith.addf %abs3A_40, %select_n3A_114 : vector<16xf32>
    %swap3A_116 = arith.constant 0 : index
    %swap3A_117 = tpu.vector_load %arg11[%swap3A_116] {strides = array<i32>} : memref<16xf32, #tpu.memory_space<vmem>>, vector<16xf32>,
    tpu.vector_store %arg11[%swap3A_116], %add3A_115 {strides = array<i32>} : memref<16xf32, #tpu.memory_space<vmem>>, vector<16xf32>,
    %sub3A_118 = arith.constant 2 : i32
    %sub3A_119 = vector.broadcast %sub3A_118 : i32 to vector<16xi32>
    %sub3A_120 = arith.subi %iota3A, %sub3A_119 : vector<16xi32>
    %max3A_121 = arith.constant 0 : i32
    %max3A_122 = vector.broadcast %max3A_121 : i32 to vector<16xi32>
    %max3A_123 = arith.maxsi %sub3A_120, %max3A_122 : vector<16xi32>
    %gather3A_124 = tpu.vector_load_idx %arg11[%max3A_123] : memref<16xf32, #tpu.memory_space<vmem>>[vector<16xi32>], vector<16xf32>,
    %ge3A_125 = arith.constant 2 : i32
    %ge3A_126 = vector.broadcast %ge3A_125 : i32 to vector<16xi32>
    %ge3A_127 = arith.cmpi sge, %iota3A, %ge3A_126 : vector<16xi32>
    %jit3A_128 = arith.constant 0.000000e+00 : f32
    %broadcast_in_dim3A_129 = vector.broadcast %jit3A_128 : f32 to vector<16xf32>
    %select_n3A_130 = arith.select %ge3A_127, %gather3A_124, %broadcast_in_dim3A_129 : vector<16xi1>, vector<16xf32>
    %add3A_131 = arith.addf %add3A_115, %select_n3A_130 : vector<16xf32>
    %swap3A_132 = arith.constant 0 : index
    %swap3A_133 = tpu.vector_load %arg11[%swap3A_132] {strides = array<i32>} : memref<16xf32, #tpu.memory_space<vmem>>, vector<16xf32>,
    tpu.vector_store %arg11[%swap3A_132], %add3A_131 {strides = array<i32>} : memref<16xf32, #tpu.memory_space<vmem>>, vector<16xf32>,
    %sub3A_134 = arith.constant 4 : i32
    %sub3A_135 = vector.broadcast %sub3A_134 : i32 to vector<16xi32>
    %sub3A_136 = arith.subi %iota3A, %sub3A_135 : vector<16xi32>
    %max3A_137 = arith.constant 0 : i32
    %max3A_138 = vector.broadcast %max3A_137 : i32 to vector<16xi32>
    %max3A_139 = arith.maxsi %sub3A_136, %max3A_138 : vector<16xi32>
    %gather3A_140 = tpu.vector_load_idx %arg11[%max3A_139] : memref<16xf32, #tpu.memory_space<vmem>>[vector<16xi32>], vector<16xf32>,
    %ge3A_141 = arith.constant 4 : i32
    %ge3A_142 = vector.broadcast %ge3A_141 : i32 to vector<16xi32>
    %ge3A_143 = arith.cmpi sge, %iota3A, %ge3A_142 : vector<16xi32>
    %jit3A_144 = arith.constant 0.000000e+00 : f32
    %broadcast_in_dim3A_145 = vector.broadcast %jit3A_144 : f32 to vector<16xf32>
    %select_n3A_146 = arith.select %ge3A_143, %gather3A_140, %broadcast_in_dim3A_145 : vector<16xi1>, vector<16xf32>
    %add3A_147 = arith.addf %add3A_131, %select_n3A_146 : vector<16xf32>
    %swap3A_148 = arith.constant 0 : index
    %swap3A_149 = tpu.vector_load %arg11[%swap3A_148] {strides = array<i32>} : memref<16xf32, #tpu.memory_space<vmem>>, vector<16xf32>,
    tpu.vector_store %arg11[%swap3A_148], %add3A_147 {strides = array<i32>} : memref<16xf32, #tpu.memory_space<vmem>>, vector<16xf32>,
    %sub3A_150 = arith.constant 8 : i32
    %sub3A_151 = vector.broadcast %sub3A_150 : i32 to vector<16xi32>
    %sub3A_152 = arith.subi %iota3A, %sub3A_151 : vector<16xi32>
    %max3A_153 = arith.constant 0 : i32
    %max3A_154 = vector.broadcast %max3A_153 : i32 to vector<16xi32>
    %max3A_155 = arith.maxsi %sub3A_152, %max3A_154 : vector<16xi32>
    %gather3A_156 = tpu.vector_load_idx %arg11[%max3A_155] : memref<16xf32, #tpu.memory_space<vmem>>[vector<16xi32>], vector<16xf32>,
    %ge3A_157 = arith.constant 8 : i32
    %ge3A_158 = vector.broadcast %ge3A_157 : i32 to vector<16xi32>
    %ge3A_159 = arith.cmpi sge, %iota3A, %ge3A_158 : vector<16xi32>
    %jit3A_160 = arith.constant 0.000000e+00 : f32
    %broadcast_in_dim3A_161 = vector.broadcast %jit3A_160 : f32 to vector<16xf32>
    %select_n3A_162 = arith.select %ge3A_159, %gather3A_156, %broadcast_in_dim3A_161 : vector<16xi1>, vector<16xf32>
    %add3A_163 = arith.addf %add3A_147, %select_n3A_162 : vector<16xf32>
    %sub3A_164 = arith.subf %add3A_99, %abs3A : vector<16xf32>
    %sub3A_165 = arith.subf %add3A_163, %abs3A_40 : vector<16xf32>
    %div3A_166 = arith.divf %abs3A_40, %abs3A : vector<16xf32>
    %ge3A_167 = arith.constant 1 : i32
    %ge3A_168 = vector.broadcast %ge3A_167 : i32 to vector<16xi32>
    %ge3A_169 = arith.cmpi sge, %iota3A, %ge3A_168 : vector<16xi32>
    %le3A = arith.constant 7 : i32
    %le3A_170 = vector.broadcast %le3A : i32 to vector<16xi32>
    %le3A_171 = arith.cmpi sle, %iota3A, %le3A_170 : vector<16xi32>
    %and3A_172 = arith.andi %ge3A_169, %le3A_171 : vector<16xi1>
    %jit3A_173 = arith.constant 0.000000e+00 : f32
    %broadcast_in_dim3A_174 = vector.broadcast %jit3A_173 : f32 to vector<16xf32>
    %select_n3A_175 = arith.select %and3A_172, %div3A_166, %broadcast_in_dim3A_174 : vector<16xi1>, vector<16xf32>
    %mul3A_176 = arith.mulf %div3A_166, %sub3A_164 : vector<16xf32>
    %sub3A_177 = arith.subf %sub3A_165, %mul3A_176 : vector<16xf32>
    %eq3A_178 = arith.constant 8 : i32
    %eq3A_179 = vector.broadcast %eq3A_178 : i32 to vector<16xi32>
    %eq3A_180 = arith.cmpi eq, %iota3A, %eq3A_179 : vector<16xi32>
    %add3A_181 = arith.constant 0.000000e+00 : f32
    %add3A_182 = vector.broadcast %add3A_181 : f32 to vector<16xf32>
    %add3A_183 = arith.addf %sub3A_165, %add3A_182 : vector<16xf32>
    %jit3A_184 = arith.constant 0.000000e+00 : f32
    %broadcast_in_dim3A_185 = vector.broadcast %jit3A_184 : f32 to vector<16xf32>
    %select_n3A_186 = arith.select %and3A_172, %sub3A_177, %broadcast_in_dim3A_185 : vector<16xi1>, vector<16xf32>
    %select_n3A_187 = arith.select %eq3A_180, %add3A_183, %select_n3A_186 : vector<16xi1>, vector<16xf32>
    %le3A_188 = arith.constant 7 : i32
    %le3A_189 = vector.broadcast %le3A_188 : i32 to vector<16xi32>
    %le3A_190 = arith.cmpi sle, %iota3A, %le3A_189 : vector<16xi32>
    %add3A_191 = arith.constant -2.000000e+00 : f32
    %add3A_192 = vector.broadcast %add3A_191 : f32 to vector<16xf32>
    %add3A_193 = arith.addf %add3A_192, %add3A_99 : vector<16xf32>
    %jit3A_194 = arith.constant 0x7F800000 : f32
    %broadcast_in_dim3A_195 = vector.broadcast %jit3A_194 : f32 to vector<16xf32>
    %select_n3A_196 = arith.select %le3A_190, %add3A_193, %broadcast_in_dim3A_195 : vector<16xi1>, vector<16xf32>
    %swap3A_197 = arith.constant 1 : i32
    %swap3A_198 = arith.index_cast %swap3A_197 : i32 to index
    %swap3A_199 = arith.constant 0 : index
    %swap3A_200 = tpu.vector_load %arg8[%swap3A_198, %swap3A_199] {strides = array<i32>} : memref<5x16xf32, #tpu.memory_space<vmem>>, vector<16xf32>,
    tpu.vector_store %arg8[%swap3A_198, %swap3A_199], %select_n3A_196 {strides = array<i32>} : memref<5x16xf32, #tpu.memory_space<vmem>>, vector<16xf32>,
    %swap3A_201 = arith.constant 1 : i32
    %swap3A_202 = arith.index_cast %swap3A_201 : i32 to index
    %swap3A_203 = arith.constant 0 : index
    %swap3A_204 = tpu.vector_load %arg9[%swap3A_202, %swap3A_203] {strides = array<i32>} : memref<5x16xf32, #tpu.memory_space<vmem>>, vector<16xf32>,
    tpu.vector_store %arg9[%swap3A_202, %swap3A_203], %select_n3A_175 {strides = array<i32>} : memref<5x16xf32, #tpu.memory_space<vmem>>, vector<16xf32>,
    %swap3A_205 = arith.constant 1 : i32
    %swap3A_206 = arith.index_cast %swap3A_205 : i32 to index
    %swap3A_207 = arith.constant 0 : index
    %swap3A_208 = tpu.vector_load %arg10[%swap3A_206, %swap3A_207] {strides = array<i32>} : memref<5x16xf32, #tpu.memory_space<vmem>>, vector<16xf32>,
    tpu.vector_store %arg10[%swap3A_206, %swap3A_207], %select_n3A_187 {strides = array<i32>} : memref<5x16xf32, #tpu.memory_space<vmem>>, vector<16xf32>,
    %get3A_209 = arith.constant 1 : i32
    %get3A_210 = arith.index_cast %get3A_209 : i32 to index
    %get3A_211 = arith.constant 0 : index
    %get3A_212 = tpu.vector_load %arg6[%get3A_210, %get3A_211] {strides = array<i32>} : memref<4x16xf32, #tpu.memory_space<vmem>>, vector<16xf32>,
    %abs3A_213 = math.absf %get3A_212 : vector<16xf32>
    %get3A_214 = arith.constant 1 : i32
    %get3A_215 = arith.index_cast %get3A_214 : i32 to index
    %get3A_216 = arith.constant 0 : index
    %get3A_217 = tpu.vector_load %arg7[%get3A_215, %get3A_216] {strides = array<i32>} : memref<4x16xf32, #tpu.memory_space<vmem>>, vector<16xf32>,
    %abs3A_218 = math.absf %get3A_217 : vector<16xf32>
    %swap3A_219 = arith.constant 0 : index
    %swap3A_220 = tpu.vector_load %arg11[%swap3A_219] {strides = array<i32>} : memref<16xf32, #tpu.memory_space<vmem>>, vector<16xf32>,
    tpu.vector_store %arg11[%swap3A_219], %abs3A_213 {strides = array<i32>} : memref<16xf32, #tpu.memory_space<vmem>>, vector<16xf32>,
    %sub3A_221 = arith.constant 1 : i32
    %sub3A_222 = vector.broadcast %sub3A_221 : i32 to vector<16xi32>
    %sub3A_223 = arith.subi %iota3A, %sub3A_222 : vector<16xi32>
    %max3A_224 = arith.constant 0 : i32
    %max3A_225 = vector.broadcast %max3A_224 : i32 to vector<16xi32>
    %max3A_226 = arith.maxsi %sub3A_223, %max3A_225 : vector<16xi32>
    %gather3A_227 = tpu.vector_load_idx %arg11[%max3A_226] : memref<16xf32, #tpu.memory_space<vmem>>[vector<16xi32>], vector<16xf32>,
    %ge3A_228 = arith.constant 1 : i32
    %ge3A_229 = vector.broadcast %ge3A_228 : i32 to vector<16xi32>
    %ge3A_230 = arith.cmpi sge, %iota3A, %ge3A_229 : vector<16xi32>
    %jit3A_231 = arith.constant 0.000000e+00 : f32
    %broadcast_in_dim3A_232 = vector.broadcast %jit3A_231 : f32 to vector<16xf32>
    %select_n3A_233 = arith.select %ge3A_230, %gather3A_227, %broadcast_in_dim3A_232 : vector<16xi1>, vector<16xf32>
    %add3A_234 = arith.addf %abs3A_213, %select_n3A_233 : vector<16xf32>
    %swap3A_235 = arith.constant 0 : index
    %swap3A_236 = tpu.vector_load %arg11[%swap3A_235] {strides = array<i32>} : memref<16xf32, #tpu.memory_space<vmem>>, vector<16xf32>,
    tpu.vector_store %arg11[%swap3A_235], %add3A_234 {strides = array<i32>} : memref<16xf32, #tpu.memory_space<vmem>>, vector<16xf32>,
    %sub3A_237 = arith.constant 2 : i32
    %sub3A_238 = vector.broadcast %sub3A_237 : i32 to vector<16xi32>
    %sub3A_239 = arith.subi %iota3A, %sub3A_238 : vector<16xi32>
    %max3A_240 = arith.constant 0 : i32
    %max3A_241 = vector.broadcast %max3A_240 : i32 to vector<16xi32>
    %max3A_242 = arith.maxsi %sub3A_239, %max3A_241 : vector<16xi32>
    %gather3A_243 = tpu.vector_load_idx %arg11[%max3A_242] : memref<16xf32, #tpu.memory_space<vmem>>[vector<16xi32>], vector<16xf32>,
    %ge3A_244 = arith.constant 2 : i32
    %ge3A_245 = vector.broadcast %ge3A_244 : i32 to vector<16xi32>
    %ge3A_246 = arith.cmpi sge, %iota3A, %ge3A_245 : vector<16xi32>
    %jit3A_247 = arith.constant 0.000000e+00 : f32
    %broadcast_in_dim3A_248 = vector.broadcast %jit3A_247 : f32 to vector<16xf32>
    %select_n3A_249 = arith.select %ge3A_246, %gather3A_243, %broadcast_in_dim3A_248 : vector<16xi1>, vector<16xf32>
    %add3A_250 = arith.addf %add3A_234, %select_n3A_249 : vector<16xf32>
    %swap3A_251 = arith.constant 0 : index
    %swap3A_252 = tpu.vector_load %arg11[%swap3A_251] {strides = array<i32>} : memref<16xf32, #tpu.memory_space<vmem>>, vector<16xf32>,
    tpu.vector_store %arg11[%swap3A_251], %add3A_250 {strides = array<i32>} : memref<16xf32, #tpu.memory_space<vmem>>, vector<16xf32>,
    %sub3A_253 = arith.constant 4 : i32
    %sub3A_254 = vector.broadcast %sub3A_253 : i32 to vector<16xi32>
    %sub3A_255 = arith.subi %iota3A, %sub3A_254 : vector<16xi32>
    %max3A_256 = arith.constant 0 : i32
    %max3A_257 = vector.broadcast %max3A_256 : i32 to vector<16xi32>
    %max3A_258 = arith.maxsi %sub3A_255, %max3A_257 : vector<16xi32>
    %gather3A_259 = tpu.vector_load_idx %arg11[%max3A_258] : memref<16xf32, #tpu.memory_space<vmem>>[vector<16xi32>], vector<16xf32>,
    %ge3A_260 = arith.constant 4 : i32
    %ge3A_261 = vector.broadcast %ge3A_260 : i32 to vector<16xi32>
    %ge3A_262 = arith.cmpi sge, %iota3A, %ge3A_261 : vector<16xi32>
    %jit3A_263 = arith.constant 0.000000e+00 : f32
    %broadcast_in_dim3A_264 = vector.broadcast %jit3A_263 : f32 to vector<16xf32>
    %select_n3A_265 = arith.select %ge3A_262, %gather3A_259, %broadcast_in_dim3A_264 : vector<16xi1>, vector<16xf32>
    %add3A_266 = arith.addf %add3A_250, %select_n3A_265 : vector<16xf32>
    %swap3A_267 = arith.constant 0 : index
    %swap3A_268 = tpu.vector_load %arg11[%swap3A_267] {strides = array<i32>} : memref<16xf32, #tpu.memory_space<vmem>>, vector<16xf32>,
    tpu.vector_store %arg11[%swap3A_267], %add3A_266 {strides = array<i32>} : memref<16xf32, #tpu.memory_space<vmem>>, vector<16xf32>,
    %sub3A_269 = arith.constant 8 : i32
    %sub3A_270 = vector.broadcast %sub3A_269 : i32 to vector<16xi32>
    %sub3A_271 = arith.subi %iota3A, %sub3A_270 : vector<16xi32>
    %max3A_272 = arith.constant 0 : i32
    %max3A_273 = vector.broadcast %max3A_272 : i32 to vector<16xi32>
    %max3A_274 = arith.maxsi %sub3A_271, %max3A_273 : vector<16xi32>
    %gather3A_275 = tpu.vector_load_idx %arg11[%max3A_274] : memref<16xf32, #tpu.memory_space<vmem>>[vector<16xi32>], vector<16xf32>,
    %ge3A_276 = arith.constant 8 : i32
    %ge3A_277 = vector.broadcast %ge3A_276 : i32 to vector<16xi32>
    %ge3A_278 = arith.cmpi sge, %iota3A, %ge3A_277 : vector<16xi32>
    %jit3A_279 = arith.constant 0.000000e+00 : f32
    %broadcast_in_dim3A_280 = vector.broadcast %jit3A_279 : f32 to vector<16xf32>
    %select_n3A_281 = arith.select %ge3A_278, %gather3A_275, %broadcast_in_dim3A_280 : vector<16xi1>, vector<16xf32>
    %add3A_282 = arith.addf %add3A_266, %select_n3A_281 : vector<16xf32>
    %swap3A_283 = arith.constant 0 : index
    %swap3A_284 = tpu.vector_load %arg11[%swap3A_283] {strides = array<i32>} : memref<16xf32, #tpu.memory_space<vmem>>, vector<16xf32>,
    tpu.vector_store %arg11[%swap3A_283], %abs3A_218 {strides = array<i32>} : memref<16xf32, #tpu.memory_space<vmem>>, vector<16xf32>,
    %sub3A_285 = arith.constant 1 : i32
    %sub3A_286 = vector.broadcast %sub3A_285 : i32 to vector<16xi32>
    %sub3A_287 = arith.subi %iota3A, %sub3A_286 : vector<16xi32>
    %max3A_288 = arith.constant 0 : i32
    %max3A_289 = vector.broadcast %max3A_288 : i32 to vector<16xi32>
    %max3A_290 = arith.maxsi %sub3A_287, %max3A_289 : vector<16xi32>
    %gather3A_291 = tpu.vector_load_idx %arg11[%max3A_290] : memref<16xf32, #tpu.memory_space<vmem>>[vector<16xi32>], vector<16xf32>,
    %ge3A_292 = arith.constant 1 : i32
    %ge3A_293 = vector.broadcast %ge3A_292 : i32 to vector<16xi32>
    %ge3A_294 = arith.cmpi sge, %iota3A, %ge3A_293 : vector<16xi32>
    %jit3A_295 = arith.constant 0.000000e+00 : f32
    %broadcast_in_dim3A_296 = vector.broadcast %jit3A_295 : f32 to vector<16xf32>
    %select_n3A_297 = arith.select %ge3A_294, %gather3A_291, %broadcast_in_dim3A_296 : vector<16xi1>, vector<16xf32>
    %add3A_298 = arith.addf %abs3A_218, %select_n3A_297 : vector<16xf32>
    %swap3A_299 = arith.constant 0 : index
    %swap3A_300 = tpu.vector_load %arg11[%swap3A_299] {strides = array<i32>} : memref<16xf32, #tpu.memory_space<vmem>>, vector<16xf32>,
    tpu.vector_store %arg11[%swap3A_299], %add3A_298 {strides = array<i32>} : memref<16xf32, #tpu.memory_space<vmem>>, vector<16xf32>,
    %sub3A_301 = arith.constant 2 : i32
    %sub3A_302 = vector.broadcast %sub3A_301 : i32 to vector<16xi32>
    %sub3A_303 = arith.subi %iota3A, %sub3A_302 : vector<16xi32>
    %max3A_304 = arith.constant 0 : i32
    %max3A_305 = vector.broadcast %max3A_304 : i32 to vector<16xi32>
    %max3A_306 = arith.maxsi %sub3A_303, %max3A_305 : vector<16xi32>
    %gather3A_307 = tpu.vector_load_idx %arg11[%max3A_306] : memref<16xf32, #tpu.memory_space<vmem>>[vector<16xi32>], vector<16xf32>,
    %ge3A_308 = arith.constant 2 : i32
    %ge3A_309 = vector.broadcast %ge3A_308 : i32 to vector<16xi32>
    %ge3A_310 = arith.cmpi sge, %iota3A, %ge3A_309 : vector<16xi32>
    %jit3A_311 = arith.constant 0.000000e+00 : f32
    %broadcast_in_dim3A_312 = vector.broadcast %jit3A_311 : f32 to vector<16xf32>
    %select_n3A_313 = arith.select %ge3A_310, %gather3A_307, %broadcast_in_dim3A_312 : vector<16xi1>, vector<16xf32>
    %add3A_314 = arith.addf %add3A_298, %select_n3A_313 : vector<16xf32>
    %swap3A_315 = arith.constant 0 : index
    %swap3A_316 = tpu.vector_load %arg11[%swap3A_315] {strides = array<i32>} : memref<16xf32, #tpu.memory_space<vmem>>, vector<16xf32>,
    tpu.vector_store %arg11[%swap3A_315], %add3A_314 {strides = array<i32>} : memref<16xf32, #tpu.memory_space<vmem>>, vector<16xf32>,
    %sub3A_317 = arith.constant 4 : i32
    %sub3A_318 = vector.broadcast %sub3A_317 : i32 to vector<16xi32>
    %sub3A_319 = arith.subi %iota3A, %sub3A_318 : vector<16xi32>
    %max3A_320 = arith.constant 0 : i32
    %max3A_321 = vector.broadcast %max3A_320 : i32 to vector<16xi32>
    %max3A_322 = arith.maxsi %sub3A_319, %max3A_321 : vector<16xi32>
    %gather3A_323 = tpu.vector_load_idx %arg11[%max3A_322] : memref<16xf32, #tpu.memory_space<vmem>>[vector<16xi32>], vector<16xf32>,
    %ge3A_324 = arith.constant 4 : i32
    %ge3A_325 = vector.broadcast %ge3A_324 : i32 to vector<16xi32>
    %ge3A_326 = arith.cmpi sge, %iota3A, %ge3A_325 : vector<16xi32>
    %jit3A_327 = arith.constant 0.000000e+00 : f32
    %broadcast_in_dim3A_328 = vector.broadcast %jit3A_327 : f32 to vector<16xf32>
    %select_n3A_329 = arith.select %ge3A_326, %gather3A_323, %broadcast_in_dim3A_328 : vector<16xi1>, vector<16xf32>
    %add3A_330 = arith.addf %add3A_314, %select_n3A_329 : vector<16xf32>
    %swap3A_331 = arith.constant 0 : index
    %swap3A_332 = tpu.vector_load %arg11[%swap3A_331] {strides = array<i32>} : memref<16xf32, #tpu.memory_space<vmem>>, vector<16xf32>,
    tpu.vector_store %arg11[%swap3A_331], %add3A_330 {strides = array<i32>} : memref<16xf32, #tpu.memory_space<vmem>>, vector<16xf32>,
    %sub3A_333 = arith.constant 8 : i32
    %sub3A_334 = vector.broadcast %sub3A_333 : i32 to vector<16xi32>
    %sub3A_335 = arith.subi %iota3A, %sub3A_334 : vector<16xi32>
    %max3A_336 = arith.constant 0 : i32
    %max3A_337 = vector.broadcast %max3A_336 : i32 to vector<16xi32>
    %max3A_338 = arith.maxsi %sub3A_335, %max3A_337 : vector<16xi32>
    %gather3A_339 = tpu.vector_load_idx %arg11[%max3A_338] : memref<16xf32, #tpu.memory_space<vmem>>[vector<16xi32>], vector<16xf32>,
    %ge3A_340 = arith.constant 8 : i32
    %ge3A_341 = vector.broadcast %ge3A_340 : i32 to vector<16xi32>
    %ge3A_342 = arith.cmpi sge, %iota3A, %ge3A_341 : vector<16xi32>
    %jit3A_343 = arith.constant 0.000000e+00 : f32
    %broadcast_in_dim3A_344 = vector.broadcast %jit3A_343 : f32 to vector<16xf32>
    %select_n3A_345 = arith.select %ge3A_342, %gather3A_339, %broadcast_in_dim3A_344 : vector<16xi1>, vector<16xf32>
    %add3A_346 = arith.addf %add3A_330, %select_n3A_345 : vector<16xf32>
    %sub3A_347 = arith.subf %add3A_282, %abs3A_213 : vector<16xf32>
    %sub3A_348 = arith.subf %add3A_346, %abs3A_218 : vector<16xf32>
    %div3A_349 = arith.divf %abs3A_218, %abs3A_213 : vector<16xf32>
    %ge3A_350 = arith.constant 1 : i32
    %ge3A_351 = vector.broadcast %ge3A_350 : i32 to vector<16xi32>
    %ge3A_352 = arith.cmpi sge, %iota3A, %ge3A_351 : vector<16xi32>
    %le3A_353 = arith.constant 7 : i32
    %le3A_354 = vector.broadcast %le3A_353 : i32 to vector<16xi32>
    %le3A_355 = arith.cmpi sle, %iota3A, %le3A_354 : vector<16xi32>
    %and3A_356 = arith.andi %ge3A_352, %le3A_355 : vector<16xi1>
    %jit3A_357 = arith.constant 0.000000e+00 : f32
    %broadcast_in_dim3A_358 = vector.broadcast %jit3A_357 : f32 to vector<16xf32>
    %select_n3A_359 = arith.select %and3A_356, %div3A_349, %broadcast_in_dim3A_358 : vector<16xi1>, vector<16xf32>
    %mul3A_360 = arith.mulf %div3A_349, %sub3A_347 : vector<16xf32>
    %sub3A_361 = arith.subf %sub3A_348, %mul3A_360 : vector<16xf32>
    %eq3A_362 = arith.constant 8 : i32
    %eq3A_363 = vector.broadcast %eq3A_362 : i32 to vector<16xi32>
    %eq3A_364 = arith.cmpi eq, %iota3A, %eq3A_363 : vector<16xi32>
    %add3A_365 = arith.constant 0.000000e+00 : f32
    %add3A_366 = vector.broadcast %add3A_365 : f32 to vector<16xf32>
    %add3A_367 = arith.addf %sub3A_348, %add3A_366 : vector<16xf32>
    %jit3A_368 = arith.constant 0.000000e+00 : f32
    %broadcast_in_dim3A_369 = vector.broadcast %jit3A_368 : f32 to vector<16xf32>
    %select_n3A_370 = arith.select %and3A_356, %sub3A_361, %broadcast_in_dim3A_369 : vector<16xi1>, vector<16xf32>
    %select_n3A_371 = arith.select %eq3A_364, %add3A_367, %select_n3A_370 : vector<16xi1>, vector<16xf32>
    %le3A_372 = arith.constant 7 : i32
    %le3A_373 = vector.broadcast %le3A_372 : i32 to vector<16xi32>
    %le3A_374 = arith.cmpi sle, %iota3A, %le3A_373 : vector<16xi32>
    %add3A_375 = arith.constant -2.000000e+00 : f32
    %add3A_376 = vector.broadcast %add3A_375 : f32 to vector<16xf32>
    %add3A_377 = arith.addf %add3A_376, %add3A_282 : vector<16xf32>
    %jit3A_378 = arith.constant 0x7F800000 : f32
    %broadcast_in_dim3A_379 = vector.broadcast %jit3A_378 : f32 to vector<16xf32>
    %select_n3A_380 = arith.select %le3A_374, %add3A_377, %broadcast_in_dim3A_379 : vector<16xi1>, vector<16xf32>
    %swap3A_381 = arith.constant 2 : i32
    %swap3A_382 = arith.index_cast %swap3A_381 : i32 to index
    %swap3A_383 = arith.constant 0 : index
    %swap3A_384 = tpu.vector_load %arg8[%swap3A_382, %swap3A_383] {strides = array<i32>} : memref<5x16xf32, #tpu.memory_space<vmem>>, vector<16xf32>,
    tpu.vector_store %arg8[%swap3A_382, %swap3A_383], %select_n3A_380 {strides = array<i32>} : memref<5x16xf32, #tpu.memory_space<vmem>>, vector<16xf32>,
    %swap3A_385 = arith.constant 2 : i32
    %swap3A_386 = arith.index_cast %swap3A_385 : i32 to index
    %swap3A_387 = arith.constant 0 : index
    %swap3A_388 = tpu.vector_load %arg9[%swap3A_386, %swap3A_387] {strides = array<i32>} : memref<5x16xf32, #tpu.memory_space<vmem>>, vector<16xf32>,
    tpu.vector_store %arg9[%swap3A_386, %swap3A_387], %select_n3A_359 {strides = array<i32>} : memref<5x16xf32, #tpu.memory_space<vmem>>, vector<16xf32>,
    %swap3A_389 = arith.constant 2 : i32
    %swap3A_390 = arith.index_cast %swap3A_389 : i32 to index
    %swap3A_391 = arith.constant 0 : index
    %swap3A_392 = tpu.vector_load %arg10[%swap3A_390, %swap3A_391] {strides = array<i32>} : memref<5x16xf32, #tpu.memory_space<vmem>>, vector<16xf32>,
    tpu.vector_store %arg10[%swap3A_390, %swap3A_391], %select_n3A_371 {strides = array<i32>} : memref<5x16xf32, #tpu.memory_space<vmem>>, vector<16xf32>,
    %get3A_393 = arith.constant 2 : i32
    %get3A_394 = arith.index_cast %get3A_393 : i32 to index
    %get3A_395 = arith.constant 0 : index
    %get3A_396 = tpu.vector_load %arg6[%get3A_394, %get3A_395] {strides = array<i32>} : memref<4x16xf32, #tpu.memory_space<vmem>>, vector<16xf32>,
    %abs3A_397 = math.absf %get3A_396 : vector<16xf32>
    %get3A_398 = arith.constant 2 : i32
    %get3A_399 = arith.index_cast %get3A_398 : i32 to index
    %get3A_400 = arith.constant 0 : index
    %get3A_401 = tpu.vector_load %arg7[%get3A_399, %get3A_400] {strides = array<i32>} : memref<4x16xf32, #tpu.memory_space<vmem>>, vector<16xf32>,
    %abs3A_402 = math.absf %get3A_401 : vector<16xf32>
    %swap3A_403 = arith.constant 0 : index
    %swap3A_404 = tpu.vector_load %arg11[%swap3A_403] {strides = array<i32>} : memref<16xf32, #tpu.memory_space<vmem>>, vector<16xf32>,
    tpu.vector_store %arg11[%swap3A_403], %abs3A_397 {strides = array<i32>} : memref<16xf32, #tpu.memory_space<vmem>>, vector<16xf32>,
    %sub3A_405 = arith.constant 1 : i32
    %sub3A_406 = vector.broadcast %sub3A_405 : i32 to vector<16xi32>
    %sub3A_407 = arith.subi %iota3A, %sub3A_406 : vector<16xi32>
    %max3A_408 = arith.constant 0 : i32
    %max3A_409 = vector.broadcast %max3A_408 : i32 to vector<16xi32>
    %max3A_410 = arith.maxsi %sub3A_407, %max3A_409 : vector<16xi32>
    %gather3A_411 = tpu.vector_load_idx %arg11[%max3A_410] : memref<16xf32, #tpu.memory_space<vmem>>[vector<16xi32>], vector<16xf32>,
    %ge3A_412 = arith.constant 1 : i32
    %ge3A_413 = vector.broadcast %ge3A_412 : i32 to vector<16xi32>
    %ge3A_414 = arith.cmpi sge, %iota3A, %ge3A_413 : vector<16xi32>
    %jit3A_415 = arith.constant 0.000000e+00 : f32
    %broadcast_in_dim3A_416 = vector.broadcast %jit3A_415 : f32 to vector<16xf32>
    %select_n3A_417 = arith.select %ge3A_414, %gather3A_411, %broadcast_in_dim3A_416 : vector<16xi1>, vector<16xf32>
    %add3A_418 = arith.addf %abs3A_397, %select_n3A_417 : vector<16xf32>
    %swap3A_419 = arith.constant 0 : index
    %swap3A_420 = tpu.vector_load %arg11[%swap3A_419] {strides = array<i32>} : memref<16xf32, #tpu.memory_space<vmem>>, vector<16xf32>,
    tpu.vector_store %arg11[%swap3A_419], %add3A_418 {strides = array<i32>} : memref<16xf32, #tpu.memory_space<vmem>>, vector<16xf32>,
    %sub3A_421 = arith.constant 2 : i32
    %sub3A_422 = vector.broadcast %sub3A_421 : i32 to vector<16xi32>
    %sub3A_423 = arith.subi %iota3A, %sub3A_422 : vector<16xi32>
    %max3A_424 = arith.constant 0 : i32
    %max3A_425 = vector.broadcast %max3A_424 : i32 to vector<16xi32>
    %max3A_426 = arith.maxsi %sub3A_423, %max3A_425 : vector<16xi32>
    %gather3A_427 = tpu.vector_load_idx %arg11[%max3A_426] : memref<16xf32, #tpu.memory_space<vmem>>[vector<16xi32>], vector<16xf32>,
    %ge3A_428 = arith.constant 2 : i32
    %ge3A_429 = vector.broadcast %ge3A_428 : i32 to vector<16xi32>
    %ge3A_430 = arith.cmpi sge, %iota3A, %ge3A_429 : vector<16xi32>
    %jit3A_431 = arith.constant 0.000000e+00 : f32
    %broadcast_in_dim3A_432 = vector.broadcast %jit3A_431 : f32 to vector<16xf32>
    %select_n3A_433 = arith.select %ge3A_430, %gather3A_427, %broadcast_in_dim3A_432 : vector<16xi1>, vector<16xf32>
    %add3A_434 = arith.addf %add3A_418, %select_n3A_433 : vector<16xf32>
    %swap3A_435 = arith.constant 0 : index
    %swap3A_436 = tpu.vector_load %arg11[%swap3A_435] {strides = array<i32>} : memref<16xf32, #tpu.memory_space<vmem>>, vector<16xf32>,
    tpu.vector_store %arg11[%swap3A_435], %add3A_434 {strides = array<i32>} : memref<16xf32, #tpu.memory_space<vmem>>, vector<16xf32>,
    %sub3A_437 = arith.constant 4 : i32
    %sub3A_438 = vector.broadcast %sub3A_437 : i32 to vector<16xi32>
    %sub3A_439 = arith.subi %iota3A, %sub3A_438 : vector<16xi32>
    %max3A_440 = arith.constant 0 : i32
    %max3A_441 = vector.broadcast %max3A_440 : i32 to vector<16xi32>
    %max3A_442 = arith.maxsi %sub3A_439, %max3A_441 : vector<16xi32>
    %gather3A_443 = tpu.vector_load_idx %arg11[%max3A_442] : memref<16xf32, #tpu.memory_space<vmem>>[vector<16xi32>], vector<16xf32>,
    %ge3A_444 = arith.constant 4 : i32
    %ge3A_445 = vector.broadcast %ge3A_444 : i32 to vector<16xi32>
    %ge3A_446 = arith.cmpi sge, %iota3A, %ge3A_445 : vector<16xi32>
    %jit3A_447 = arith.constant 0.000000e+00 : f32
    %broadcast_in_dim3A_448 = vector.broadcast %jit3A_447 : f32 to vector<16xf32>
    %select_n3A_449 = arith.select %ge3A_446, %gather3A_443, %broadcast_in_dim3A_448 : vector<16xi1>, vector<16xf32>
    %add3A_450 = arith.addf %add3A_434, %select_n3A_449 : vector<16xf32>
    %swap3A_451 = arith.constant 0 : index
    %swap3A_452 = tpu.vector_load %arg11[%swap3A_451] {strides = array<i32>} : memref<16xf32, #tpu.memory_space<vmem>>, vector<16xf32>,
    tpu.vector_store %arg11[%swap3A_451], %add3A_450 {strides = array<i32>} : memref<16xf32, #tpu.memory_space<vmem>>, vector<16xf32>,
    %sub3A_453 = arith.constant 8 : i32
    %sub3A_454 = vector.broadcast %sub3A_453 : i32 to vector<16xi32>
    %sub3A_455 = arith.subi %iota3A, %sub3A_454 : vector<16xi32>
    %max3A_456 = arith.constant 0 : i32
    %max3A_457 = vector.broadcast %max3A_456 : i32 to vector<16xi32>
    %max3A_458 = arith.maxsi %sub3A_455, %max3A_457 : vector<16xi32>
    %gather3A_459 = tpu.vector_load_idx %arg11[%max3A_458] : memref<16xf32, #tpu.memory_space<vmem>>[vector<16xi32>], vector<16xf32>,
    %ge3A_460 = arith.constant 8 : i32
    %ge3A_461 = vector.broadcast %ge3A_460 : i32 to vector<16xi32>
    %ge3A_462 = arith.cmpi sge, %iota3A, %ge3A_461 : vector<16xi32>
    %jit3A_463 = arith.constant 0.000000e+00 : f32
    %broadcast_in_dim3A_464 = vector.broadcast %jit3A_463 : f32 to vector<16xf32>
    %select_n3A_465 = arith.select %ge3A_462, %gather3A_459, %broadcast_in_dim3A_464 : vector<16xi1>, vector<16xf32>
    %add3A_466 = arith.addf %add3A_450, %select_n3A_465 : vector<16xf32>
    %swap3A_467 = arith.constant 0 : index
    %swap3A_468 = tpu.vector_load %arg11[%swap3A_467] {strides = array<i32>} : memref<16xf32, #tpu.memory_space<vmem>>, vector<16xf32>,
    tpu.vector_store %arg11[%swap3A_467], %abs3A_402 {strides = array<i32>} : memref<16xf32, #tpu.memory_space<vmem>>, vector<16xf32>,
    %sub3A_469 = arith.constant 1 : i32
    %sub3A_470 = vector.broadcast %sub3A_469 : i32 to vector<16xi32>
    %sub3A_471 = arith.subi %iota3A, %sub3A_470 : vector<16xi32>
    %max3A_472 = arith.constant 0 : i32
    %max3A_473 = vector.broadcast %max3A_472 : i32 to vector<16xi32>
    %max3A_474 = arith.maxsi %sub3A_471, %max3A_473 : vector<16xi32>
    %gather3A_475 = tpu.vector_load_idx %arg11[%max3A_474] : memref<16xf32, #tpu.memory_space<vmem>>[vector<16xi32>], vector<16xf32>,
    %ge3A_476 = arith.constant 1 : i32
    %ge3A_477 = vector.broadcast %ge3A_476 : i32 to vector<16xi32>
    %ge3A_478 = arith.cmpi sge, %iota3A, %ge3A_477 : vector<16xi32>
    %jit3A_479 = arith.constant 0.000000e+00 : f32
    %broadcast_in_dim3A_480 = vector.broadcast %jit3A_479 : f32 to vector<16xf32>
    %select_n3A_481 = arith.select %ge3A_478, %gather3A_475, %broadcast_in_dim3A_480 : vector<16xi1>, vector<16xf32>
    %add3A_482 = arith.addf %abs3A_402, %select_n3A_481 : vector<16xf32>
    %swap3A_483 = arith.constant 0 : index
    %swap3A_484 = tpu.vector_load %arg11[%swap3A_483] {strides = array<i32>} : memref<16xf32, #tpu.memory_space<vmem>>, vector<16xf32>,
    tpu.vector_store %arg11[%swap3A_483], %add3A_482 {strides = array<i32>} : memref<16xf32, #tpu.memory_space<vmem>>, vector<16xf32>,
    %sub3A_485 = arith.constant 2 : i32
    %sub3A_486 = vector.broadcast %sub3A_485 : i32 to vector<16xi32>
    %sub3A_487 = arith.subi %iota3A, %sub3A_486 : vector<16xi32>
    %max3A_488 = arith.constant 0 : i32
    %max3A_489 = vector.broadcast %max3A_488 : i32 to vector<16xi32>
    %max3A_490 = arith.maxsi %sub3A_487, %max3A_489 : vector<16xi32>
    %gather3A_491 = tpu.vector_load_idx %arg11[%max3A_490] : memref<16xf32, #tpu.memory_space<vmem>>[vector<16xi32>], vector<16xf32>,
    %ge3A_492 = arith.constant 2 : i32
    %ge3A_493 = vector.broadcast %ge3A_492 : i32 to vector<16xi32>
    %ge3A_494 = arith.cmpi sge, %iota3A, %ge3A_493 : vector<16xi32>
    %jit3A_495 = arith.constant 0.000000e+00 : f32
    %broadcast_in_dim3A_496 = vector.broadcast %jit3A_495 : f32 to vector<16xf32>
    %select_n3A_497 = arith.select %ge3A_494, %gather3A_491, %broadcast_in_dim3A_496 : vector<16xi1>, vector<16xf32>
    %add3A_498 = arith.addf %add3A_482, %select_n3A_497 : vector<16xf32>
    %swap3A_499 = arith.constant 0 : index
    %swap3A_500 = tpu.vector_load %arg11[%swap3A_499] {strides = array<i32>} : memref<16xf32, #tpu.memory_space<vmem>>, vector<16xf32>,
    tpu.vector_store %arg11[%swap3A_499], %add3A_498 {strides = array<i32>} : memref<16xf32, #tpu.memory_space<vmem>>, vector<16xf32>,
    %sub3A_501 = arith.constant 4 : i32
    %sub3A_502 = vector.broadcast %sub3A_501 : i32 to vector<16xi32>
    %sub3A_503 = arith.subi %iota3A, %sub3A_502 : vector<16xi32>
    %max3A_504 = arith.constant 0 : i32
    %max3A_505 = vector.broadcast %max3A_504 : i32 to vector<16xi32>
    %max3A_506 = arith.maxsi %sub3A_503, %max3A_505 : vector<16xi32>
    %gather3A_507 = tpu.vector_load_idx %arg11[%max3A_506] : memref<16xf32, #tpu.memory_space<vmem>>[vector<16xi32>], vector<16xf32>,
    %ge3A_508 = arith.constant 4 : i32
    %ge3A_509 = vector.broadcast %ge3A_508 : i32 to vector<16xi32>
    %ge3A_510 = arith.cmpi sge, %iota3A, %ge3A_509 : vector<16xi32>
    %jit3A_511 = arith.constant 0.000000e+00 : f32
    %broadcast_in_dim3A_512 = vector.broadcast %jit3A_511 : f32 to vector<16xf32>
    %select_n3A_513 = arith.select %ge3A_510, %gather3A_507, %broadcast_in_dim3A_512 : vector<16xi1>, vector<16xf32>
    %add3A_514 = arith.addf %add3A_498, %select_n3A_513 : vector<16xf32>
    %swap3A_515 = arith.constant 0 : index
    %swap3A_516 = tpu.vector_load %arg11[%swap3A_515] {strides = array<i32>} : memref<16xf32, #tpu.memory_space<vmem>>, vector<16xf32>,
    tpu.vector_store %arg11[%swap3A_515], %add3A_514 {strides = array<i32>} : memref<16xf32, #tpu.memory_space<vmem>>, vector<16xf32>,
    %sub3A_517 = arith.constant 8 : i32
    %sub3A_518 = vector.broadcast %sub3A_517 : i32 to vector<16xi32>
    %sub3A_519 = arith.subi %iota3A, %sub3A_518 : vector<16xi32>
    %max3A_520 = arith.constant 0 : i32
    %max3A_521 = vector.broadcast %max3A_520 : i32 to vector<16xi32>
    %max3A_522 = arith.maxsi %sub3A_519, %max3A_521 : vector<16xi32>
    %gather3A_523 = tpu.vector_load_idx %arg11[%max3A_522] : memref<16xf32, #tpu.memory_space<vmem>>[vector<16xi32>], vector<16xf32>,
    %ge3A_524 = arith.constant 8 : i32
    %ge3A_525 = vector.broadcast %ge3A_524 : i32 to vector<16xi32>
    %ge3A_526 = arith.cmpi sge, %iota3A, %ge3A_525 : vector<16xi32>
    %jit3A_527 = arith.constant 0.000000e+00 : f32
    %broadcast_in_dim3A_528 = vector.broadcast %jit3A_527 : f32 to vector<16xf32>
    %select_n3A_529 = arith.select %ge3A_526, %gather3A_523, %broadcast_in_dim3A_528 : vector<16xi1>, vector<16xf32>
    %add3A_530 = arith.addf %add3A_514, %select_n3A_529 : vector<16xf32>
    %sub3A_531 = arith.subf %add3A_466, %abs3A_397 : vector<16xf32>
    %sub3A_532 = arith.subf %add3A_530, %abs3A_402 : vector<16xf32>
    %div3A_533 = arith.divf %abs3A_402, %abs3A_397 : vector<16xf32>
    %ge3A_534 = arith.constant 1 : i32
    %ge3A_535 = vector.broadcast %ge3A_534 : i32 to vector<16xi32>
    %ge3A_536 = arith.cmpi sge, %iota3A, %ge3A_535 : vector<16xi32>
    %le3A_537 = arith.constant 7 : i32
    %le3A_538 = vector.broadcast %le3A_537 : i32 to vector<16xi32>
    %le3A_539 = arith.cmpi sle, %iota3A, %le3A_538 : vector<16xi32>
    %and3A_540 = arith.andi %ge3A_536, %le3A_539 : vector<16xi1>
    %jit3A_541 = arith.constant 0.000000e+00 : f32
    %broadcast_in_dim3A_542 = vector.broadcast %jit3A_541 : f32 to vector<16xf32>
    %select_n3A_543 = arith.select %and3A_540, %div3A_533, %broadcast_in_dim3A_542 : vector<16xi1>, vector<16xf32>
    %mul3A_544 = arith.mulf %div3A_533, %sub3A_531 : vector<16xf32>
    %sub3A_545 = arith.subf %sub3A_532, %mul3A_544 : vector<16xf32>
    %eq3A_546 = arith.constant 8 : i32
    %eq3A_547 = vector.broadcast %eq3A_546 : i32 to vector<16xi32>
    %eq3A_548 = arith.cmpi eq, %iota3A, %eq3A_547 : vector<16xi32>
    %add3A_549 = arith.constant 0.000000e+00 : f32
    %add3A_550 = vector.broadcast %add3A_549 : f32 to vector<16xf32>
    %add3A_551 = arith.addf %sub3A_532, %add3A_550 : vector<16xf32>
    %jit3A_552 = arith.constant 0.000000e+00 : f32
    %broadcast_in_dim3A_553 = vector.broadcast %jit3A_552 : f32 to vector<16xf32>
    %select_n3A_554 = arith.select %and3A_540, %sub3A_545, %broadcast_in_dim3A_553 : vector<16xi1>, vector<16xf32>
    %select_n3A_555 = arith.select %eq3A_548, %add3A_551, %select_n3A_554 : vector<16xi1>, vector<16xf32>
    %le3A_556 = arith.constant 7 : i32
    %le3A_557 = vector.broadcast %le3A_556 : i32 to vector<16xi32>
    %le3A_558 = arith.cmpi sle, %iota3A, %le3A_557 : vector<16xi32>
    %add3A_559 = arith.constant -2.000000e+00 : f32
    %add3A_560 = vector.broadcast %add3A_559 : f32 to vector<16xf32>
    %add3A_561 = arith.addf %add3A_560, %add3A_466 : vector<16xf32>
    %jit3A_562 = arith.constant 0x7F800000 : f32
    %broadcast_in_dim3A_563 = vector.broadcast %jit3A_562 : f32 to vector<16xf32>
    %select_n3A_564 = arith.select %le3A_558, %add3A_561, %broadcast_in_dim3A_563 : vector<16xi1>, vector<16xf32>
    %swap3A_565 = arith.constant 3 : i32
    %swap3A_566 = arith.index_cast %swap3A_565 : i32 to index
    %swap3A_567 = arith.constant 0 : index
    %swap3A_568 = tpu.vector_load %arg8[%swap3A_566, %swap3A_567] {strides = array<i32>} : memref<5x16xf32, #tpu.memory_space<vmem>>, vector<16xf32>,
    tpu.vector_store %arg8[%swap3A_566, %swap3A_567], %select_n3A_564 {strides = array<i32>} : memref<5x16xf32, #tpu.memory_space<vmem>>, vector<16xf32>,
    %swap3A_569 = arith.constant 3 : i32
    %swap3A_570 = arith.index_cast %swap3A_569 : i32 to index
    %swap3A_571 = arith.constant 0 : index
    %swap3A_572 = tpu.vector_load %arg9[%swap3A_570, %swap3A_571] {strides = array<i32>} : memref<5x16xf32, #tpu.memory_space<vmem>>, vector<16xf32>,
    tpu.vector_store %arg9[%swap3A_570, %swap3A_571], %select_n3A_543 {strides = array<i32>} : memref<5x16xf32, #tpu.memory_space<vmem>>, vector<16xf32>,
    %swap3A_573 = arith.constant 3 : i32
    %swap3A_574 = arith.index_cast %swap3A_573 : i32 to index
    %swap3A_575 = arith.constant 0 : index
    %swap3A_576 = tpu.vector_load %arg10[%swap3A_574, %swap3A_575] {strides = array<i32>} : memref<5x16xf32, #tpu.memory_space<vmem>>, vector<16xf32>,
    tpu.vector_store %arg10[%swap3A_574, %swap3A_575], %select_n3A_555 {strides = array<i32>} : memref<5x16xf32, #tpu.memory_space<vmem>>, vector<16xf32>,
    %get3A_577 = arith.constant 3 : i32
    %get3A_578 = arith.index_cast %get3A_577 : i32 to index
    %get3A_579 = arith.constant 0 : index
    %get3A_580 = tpu.vector_load %arg6[%get3A_578, %get3A_579] {strides = array<i32>} : memref<4x16xf32, #tpu.memory_space<vmem>>, vector<16xf32>,
    %abs3A_581 = math.absf %get3A_580 : vector<16xf32>
    %get3A_582 = arith.constant 3 : i32
    %get3A_583 = arith.index_cast %get3A_582 : i32 to index
    %get3A_584 = arith.constant 0 : index
    %get3A_585 = tpu.vector_load %arg7[%get3A_583, %get3A_584] {strides = array<i32>} : memref<4x16xf32, #tpu.memory_space<vmem>>, vector<16xf32>,
    %abs3A_586 = math.absf %get3A_585 : vector<16xf32>
    %swap3A_587 = arith.constant 0 : index
    %swap3A_588 = tpu.vector_load %arg11[%swap3A_587] {strides = array<i32>} : memref<16xf32, #tpu.memory_space<vmem>>, vector<16xf32>,
    tpu.vector_store %arg11[%swap3A_587], %abs3A_581 {strides = array<i32>} : memref<16xf32, #tpu.memory_space<vmem>>, vector<16xf32>,
    %sub3A_589 = arith.constant 1 : i32
    %sub3A_590 = vector.broadcast %sub3A_589 : i32 to vector<16xi32>
    %sub3A_591 = arith.subi %iota3A, %sub3A_590 : vector<16xi32>
    %max3A_592 = arith.constant 0 : i32
    %max3A_593 = vector.broadcast %max3A_592 : i32 to vector<16xi32>
    %max3A_594 = arith.maxsi %sub3A_591, %max3A_593 : vector<16xi32>
    %gather3A_595 = tpu.vector_load_idx %arg11[%max3A_594] : memref<16xf32, #tpu.memory_space<vmem>>[vector<16xi32>], vector<16xf32>,
    %ge3A_596 = arith.constant 1 : i32
    %ge3A_597 = vector.broadcast %ge3A_596 : i32 to vector<16xi32>
    %ge3A_598 = arith.cmpi sge, %iota3A, %ge3A_597 : vector<16xi32>
    %jit3A_599 = arith.constant 0.000000e+00 : f32
    %broadcast_in_dim3A_600 = vector.broadcast %jit3A_599 : f32 to vector<16xf32>
    %select_n3A_601 = arith.select %ge3A_598, %gather3A_595, %broadcast_in_dim3A_600 : vector<16xi1>, vector<16xf32>
    %add3A_602 = arith.addf %abs3A_581, %select_n3A_601 : vector<16xf32>
    %swap3A_603 = arith.constant 0 : index
    %swap3A_604 = tpu.vector_load %arg11[%swap3A_603] {strides = array<i32>} : memref<16xf32, #tpu.memory_space<vmem>>, vector<16xf32>,
    tpu.vector_store %arg11[%swap3A_603], %add3A_602 {strides = array<i32>} : memref<16xf32, #tpu.memory_space<vmem>>, vector<16xf32>,
    %sub3A_605 = arith.constant 2 : i32
    %sub3A_606 = vector.broadcast %sub3A_605 : i32 to vector<16xi32>
    %sub3A_607 = arith.subi %iota3A, %sub3A_606 : vector<16xi32>
    %max3A_608 = arith.constant 0 : i32
    %max3A_609 = vector.broadcast %max3A_608 : i32 to vector<16xi32>
    %max3A_610 = arith.maxsi %sub3A_607, %max3A_609 : vector<16xi32>
    %gather3A_611 = tpu.vector_load_idx %arg11[%max3A_610] : memref<16xf32, #tpu.memory_space<vmem>>[vector<16xi32>], vector<16xf32>,
    %ge3A_612 = arith.constant 2 : i32
    %ge3A_613 = vector.broadcast %ge3A_612 : i32 to vector<16xi32>
    %ge3A_614 = arith.cmpi sge, %iota3A, %ge3A_613 : vector<16xi32>
    %jit3A_615 = arith.constant 0.000000e+00 : f32
    %broadcast_in_dim3A_616 = vector.broadcast %jit3A_615 : f32 to vector<16xf32>
    %select_n3A_617 = arith.select %ge3A_614, %gather3A_611, %broadcast_in_dim3A_616 : vector<16xi1>, vector<16xf32>
    %add3A_618 = arith.addf %add3A_602, %select_n3A_617 : vector<16xf32>
    %swap3A_619 = arith.constant 0 : index
    %swap3A_620 = tpu.vector_load %arg11[%swap3A_619] {strides = array<i32>} : memref<16xf32, #tpu.memory_space<vmem>>, vector<16xf32>,
    tpu.vector_store %arg11[%swap3A_619], %add3A_618 {strides = array<i32>} : memref<16xf32, #tpu.memory_space<vmem>>, vector<16xf32>,
    %sub3A_621 = arith.constant 4 : i32
    %sub3A_622 = vector.broadcast %sub3A_621 : i32 to vector<16xi32>
    %sub3A_623 = arith.subi %iota3A, %sub3A_622 : vector<16xi32>
    %max3A_624 = arith.constant 0 : i32
    %max3A_625 = vector.broadcast %max3A_624 : i32 to vector<16xi32>
    %max3A_626 = arith.maxsi %sub3A_623, %max3A_625 : vector<16xi32>
    %gather3A_627 = tpu.vector_load_idx %arg11[%max3A_626] : memref<16xf32, #tpu.memory_space<vmem>>[vector<16xi32>], vector<16xf32>,
    %ge3A_628 = arith.constant 4 : i32
    %ge3A_629 = vector.broadcast %ge3A_628 : i32 to vector<16xi32>
    %ge3A_630 = arith.cmpi sge, %iota3A, %ge3A_629 : vector<16xi32>
    %jit3A_631 = arith.constant 0.000000e+00 : f32
    %broadcast_in_dim3A_632 = vector.broadcast %jit3A_631 : f32 to vector<16xf32>
    %select_n3A_633 = arith.select %ge3A_630, %gather3A_627, %broadcast_in_dim3A_632 : vector<16xi1>, vector<16xf32>
    %add3A_634 = arith.addf %add3A_618, %select_n3A_633 : vector<16xf32>
    %swap3A_635 = arith.constant 0 : index
    %swap3A_636 = tpu.vector_load %arg11[%swap3A_635] {strides = array<i32>} : memref<16xf32, #tpu.memory_space<vmem>>, vector<16xf32>,
    tpu.vector_store %arg11[%swap3A_635], %add3A_634 {strides = array<i32>} : memref<16xf32, #tpu.memory_space<vmem>>, vector<16xf32>,
    %sub3A_637 = arith.constant 8 : i32
    %sub3A_638 = vector.broadcast %sub3A_637 : i32 to vector<16xi32>
    %sub3A_639 = arith.subi %iota3A, %sub3A_638 : vector<16xi32>
    %max3A_640 = arith.constant 0 : i32
    %max3A_641 = vector.broadcast %max3A_640 : i32 to vector<16xi32>
    %max3A_642 = arith.maxsi %sub3A_639, %max3A_641 : vector<16xi32>
    %gather3A_643 = tpu.vector_load_idx %arg11[%max3A_642] : memref<16xf32, #tpu.memory_space<vmem>>[vector<16xi32>], vector<16xf32>,
    %ge3A_644 = arith.constant 8 : i32
    %ge3A_645 = vector.broadcast %ge3A_644 : i32 to vector<16xi32>
    %ge3A_646 = arith.cmpi sge, %iota3A, %ge3A_645 : vector<16xi32>
    %jit3A_647 = arith.constant 0.000000e+00 : f32
    %broadcast_in_dim3A_648 = vector.broadcast %jit3A_647 : f32 to vector<16xf32>
    %select_n3A_649 = arith.select %ge3A_646, %gather3A_643, %broadcast_in_dim3A_648 : vector<16xi1>, vector<16xf32>
    %add3A_650 = arith.addf %add3A_634, %select_n3A_649 : vector<16xf32>
    %swap3A_651 = arith.constant 0 : index
    %swap3A_652 = tpu.vector_load %arg11[%swap3A_651] {strides = array<i32>} : memref<16xf32, #tpu.memory_space<vmem>>, vector<16xf32>,
    tpu.vector_store %arg11[%swap3A_651], %abs3A_586 {strides = array<i32>} : memref<16xf32, #tpu.memory_space<vmem>>, vector<16xf32>,
    %sub3A_653 = arith.constant 1 : i32
    %sub3A_654 = vector.broadcast %sub3A_653 : i32 to vector<16xi32>
    %sub3A_655 = arith.subi %iota3A, %sub3A_654 : vector<16xi32>
    %max3A_656 = arith.constant 0 : i32
    %max3A_657 = vector.broadcast %max3A_656 : i32 to vector<16xi32>
    %max3A_658 = arith.maxsi %sub3A_655, %max3A_657 : vector<16xi32>
    %gather3A_659 = tpu.vector_load_idx %arg11[%max3A_658] : memref<16xf32, #tpu.memory_space<vmem>>[vector<16xi32>], vector<16xf32>,
    %ge3A_660 = arith.constant 1 : i32
    %ge3A_661 = vector.broadcast %ge3A_660 : i32 to vector<16xi32>
    %ge3A_662 = arith.cmpi sge, %iota3A, %ge3A_661 : vector<16xi32>
    %jit3A_663 = arith.constant 0.000000e+00 : f32
    %broadcast_in_dim3A_664 = vector.broadcast %jit3A_663 : f32 to vector<16xf32>
    %select_n3A_665 = arith.select %ge3A_662, %gather3A_659, %broadcast_in_dim3A_664 : vector<16xi1>, vector<16xf32>
    %add3A_666 = arith.addf %abs3A_586, %select_n3A_665 : vector<16xf32>
    %swap3A_667 = arith.constant 0 : index
    %swap3A_668 = tpu.vector_load %arg11[%swap3A_667] {strides = array<i32>} : memref<16xf32, #tpu.memory_space<vmem>>, vector<16xf32>,
    tpu.vector_store %arg11[%swap3A_667], %add3A_666 {strides = array<i32>} : memref<16xf32, #tpu.memory_space<vmem>>, vector<16xf32>,
    %sub3A_669 = arith.constant 2 : i32
    %sub3A_670 = vector.broadcast %sub3A_669 : i32 to vector<16xi32>
    %sub3A_671 = arith.subi %iota3A, %sub3A_670 : vector<16xi32>
    %max3A_672 = arith.constant 0 : i32
    %max3A_673 = vector.broadcast %max3A_672 : i32 to vector<16xi32>
    %max3A_674 = arith.maxsi %sub3A_671, %max3A_673 : vector<16xi32>
    %gather3A_675 = tpu.vector_load_idx %arg11[%max3A_674] : memref<16xf32, #tpu.memory_space<vmem>>[vector<16xi32>], vector<16xf32>,
    %ge3A_676 = arith.constant 2 : i32
    %ge3A_677 = vector.broadcast %ge3A_676 : i32 to vector<16xi32>
    %ge3A_678 = arith.cmpi sge, %iota3A, %ge3A_677 : vector<16xi32>
    %jit3A_679 = arith.constant 0.000000e+00 : f32
    %broadcast_in_dim3A_680 = vector.broadcast %jit3A_679 : f32 to vector<16xf32>
    %select_n3A_681 = arith.select %ge3A_678, %gather3A_675, %broadcast_in_dim3A_680 : vector<16xi1>, vector<16xf32>
    %add3A_682 = arith.addf %add3A_666, %select_n3A_681 : vector<16xf32>
    %swap3A_683 = arith.constant 0 : index
    %swap3A_684 = tpu.vector_load %arg11[%swap3A_683] {strides = array<i32>} : memref<16xf32, #tpu.memory_space<vmem>>, vector<16xf32>,
    tpu.vector_store %arg11[%swap3A_683], %add3A_682 {strides = array<i32>} : memref<16xf32, #tpu.memory_space<vmem>>, vector<16xf32>,
    %sub3A_685 = arith.constant 4 : i32
    %sub3A_686 = vector.broadcast %sub3A_685 : i32 to vector<16xi32>
    %sub3A_687 = arith.subi %iota3A, %sub3A_686 : vector<16xi32>
    %max3A_688 = arith.constant 0 : i32
    %max3A_689 = vector.broadcast %max3A_688 : i32 to vector<16xi32>
    %max3A_690 = arith.maxsi %sub3A_687, %max3A_689 : vector<16xi32>
    %gather3A_691 = tpu.vector_load_idx %arg11[%max3A_690] : memref<16xf32, #tpu.memory_space<vmem>>[vector<16xi32>], vector<16xf32>,
    %ge3A_692 = arith.constant 4 : i32
    %ge3A_693 = vector.broadcast %ge3A_692 : i32 to vector<16xi32>
    %ge3A_694 = arith.cmpi sge, %iota3A, %ge3A_693 : vector<16xi32>
    %jit3A_695 = arith.constant 0.000000e+00 : f32
    %broadcast_in_dim3A_696 = vector.broadcast %jit3A_695 : f32 to vector<16xf32>
    %select_n3A_697 = arith.select %ge3A_694, %gather3A_691, %broadcast_in_dim3A_696 : vector<16xi1>, vector<16xf32>
    %add3A_698 = arith.addf %add3A_682, %select_n3A_697 : vector<16xf32>
    %swap3A_699 = arith.constant 0 : index
    %swap3A_700 = tpu.vector_load %arg11[%swap3A_699] {strides = array<i32>} : memref<16xf32, #tpu.memory_space<vmem>>, vector<16xf32>,
    tpu.vector_store %arg11[%swap3A_699], %add3A_698 {strides = array<i32>} : memref<16xf32, #tpu.memory_space<vmem>>, vector<16xf32>,
    %sub3A_701 = arith.constant 8 : i32
    %sub3A_702 = vector.broadcast %sub3A_701 : i32 to vector<16xi32>
    %sub3A_703 = arith.subi %iota3A, %sub3A_702 : vector<16xi32>
    %max3A_704 = arith.constant 0 : i32
    %max3A_705 = vector.broadcast %max3A_704 : i32 to vector<16xi32>
    %max3A_706 = arith.maxsi %sub3A_703, %max3A_705 : vector<16xi32>
    %gather3A_707 = tpu.vector_load_idx %arg11[%max3A_706] : memref<16xf32, #tpu.memory_space<vmem>>[vector<16xi32>], vector<16xf32>,
    %ge3A_708 = arith.constant 8 : i32
    %ge3A_709 = vector.broadcast %ge3A_708 : i32 to vector<16xi32>
    %ge3A_710 = arith.cmpi sge, %iota3A, %ge3A_709 : vector<16xi32>
    %jit3A_711 = arith.constant 0.000000e+00 : f32
    %broadcast_in_dim3A_712 = vector.broadcast %jit3A_711 : f32 to vector<16xf32>
    %select_n3A_713 = arith.select %ge3A_710, %gather3A_707, %broadcast_in_dim3A_712 : vector<16xi1>, vector<16xf32>
    %add3A_714 = arith.addf %add3A_698, %select_n3A_713 : vector<16xf32>
    %sub3A_715 = arith.subf %add3A_650, %abs3A_581 : vector<16xf32>
    %sub3A_716 = arith.subf %add3A_714, %abs3A_586 : vector<16xf32>
    %div3A_717 = arith.divf %abs3A_586, %abs3A_581 : vector<16xf32>
    %ge3A_718 = arith.constant 1 : i32
    %ge3A_719 = vector.broadcast %ge3A_718 : i32 to vector<16xi32>
    %ge3A_720 = arith.cmpi sge, %iota3A, %ge3A_719 : vector<16xi32>
    %le3A_721 = arith.constant 7 : i32
    %le3A_722 = vector.broadcast %le3A_721 : i32 to vector<16xi32>
    %le3A_723 = arith.cmpi sle, %iota3A, %le3A_722 : vector<16xi32>
    %and3A_724 = arith.andi %ge3A_720, %le3A_723 : vector<16xi1>
    %jit3A_725 = arith.constant 0.000000e+00 : f32
    %broadcast_in_dim3A_726 = vector.broadcast %jit3A_725 : f32 to vector<16xf32>
    %select_n3A_727 = arith.select %and3A_724, %div3A_717, %broadcast_in_dim3A_726 : vector<16xi1>, vector<16xf32>
    %mul3A_728 = arith.mulf %div3A_717, %sub3A_715 : vector<16xf32>
    %sub3A_729 = arith.subf %sub3A_716, %mul3A_728 : vector<16xf32>
    %eq3A_730 = arith.constant 8 : i32
    %eq3A_731 = vector.broadcast %eq3A_730 : i32 to vector<16xi32>
    %eq3A_732 = arith.cmpi eq, %iota3A, %eq3A_731 : vector<16xi32>
    %add3A_733 = arith.constant 0.000000e+00 : f32
    %add3A_734 = vector.broadcast %add3A_733 : f32 to vector<16xf32>
    %add3A_735 = arith.addf %sub3A_716, %add3A_734 : vector<16xf32>
    %jit3A_736 = arith.constant 0.000000e+00 : f32
    %broadcast_in_dim3A_737 = vector.broadcast %jit3A_736 : f32 to vector<16xf32>
    %select_n3A_738 = arith.select %and3A_724, %sub3A_729, %broadcast_in_dim3A_737 : vector<16xi1>, vector<16xf32>
    %select_n3A_739 = arith.select %eq3A_732, %add3A_735, %select_n3A_738 : vector<16xi1>, vector<16xf32>
    %le3A_740 = arith.constant 7 : i32
    %le3A_741 = vector.broadcast %le3A_740 : i32 to vector<16xi32>
    %le3A_742 = arith.cmpi sle, %iota3A, %le3A_741 : vector<16xi32>
    %add3A_743 = arith.constant -2.000000e+00 : f32
    %add3A_744 = vector.broadcast %add3A_743 : f32 to vector<16xf32>
    %add3A_745 = arith.addf %add3A_744, %add3A_650 : vector<16xf32>
    %jit3A_746 = arith.constant 0x7F800000 : f32
    %broadcast_in_dim3A_747 = vector.broadcast %jit3A_746 : f32 to vector<16xf32>
    %select_n3A_748 = arith.select %le3A_742, %add3A_745, %broadcast_in_dim3A_747 : vector<16xi1>, vector<16xf32>
    %swap3A_749 = arith.constant 4 : i32
    %swap3A_750 = arith.index_cast %swap3A_749 : i32 to index
    %swap3A_751 = arith.constant 0 : index
    %swap3A_752 = tpu.vector_load %arg8[%swap3A_750, %swap3A_751] {strides = array<i32>} : memref<5x16xf32, #tpu.memory_space<vmem>>, vector<16xf32>,
    tpu.vector_store %arg8[%swap3A_750, %swap3A_751], %select_n3A_748 {strides = array<i32>} : memref<5x16xf32, #tpu.memory_space<vmem>>, vector<16xf32>,
    %swap3A_753 = arith.constant 4 : i32
    %swap3A_754 = arith.index_cast %swap3A_753 : i32 to index
    %swap3A_755 = arith.constant 0 : index
    %swap3A_756 = tpu.vector_load %arg9[%swap3A_754, %swap3A_755] {strides = array<i32>} : memref<5x16xf32, #tpu.memory_space<vmem>>, vector<16xf32>,
    tpu.vector_store %arg9[%swap3A_754, %swap3A_755], %select_n3A_727 {strides = array<i32>} : memref<5x16xf32, #tpu.memory_space<vmem>>, vector<16xf32>,
    %swap3A_757 = arith.constant 4 : i32
    %swap3A_758 = arith.index_cast %swap3A_757 : i32 to index
    %swap3A_759 = arith.constant 0 : index
    %swap3A_760 = tpu.vector_load %arg10[%swap3A_758, %swap3A_759] {strides = array<i32>} : memref<5x16xf32, #tpu.memory_space<vmem>>, vector<16xf32>,
    tpu.vector_store %arg10[%swap3A_758, %swap3A_759], %select_n3A_739 {strides = array<i32>} : memref<5x16xf32, #tpu.memory_space<vmem>>, vector<16xf32>,
    %add3A_761 = arith.constant 0 : i32
    %add3A_762 = arith.addi %mul3A_32, %add3A_761 : i32
    %dma_start3A = arith.constant 0 : i32
    %dma_start3A_763 = arith.constant 0 : i32
    %dma_start3A_764 = arith.constant 0 : i32
    %dma_start3A_765 = tpu.memref_slice %arg12[%dma_start3A, %dma_start3A_764] : memref<2x8192xf32, #tpu.memory_space<vmem>> -> memref<1x8192xf32, #tpu.memory_space<vmem>>
    %dma_start3A_766 = tpu.memref_squeeze %dma_start3A_765 : memref<1x8192xf32, #tpu.memory_space<vmem>> -> memref<8192xf32, #tpu.memory_space<vmem>>
    %dma_start3A_767 = tpu.memref_slice %arg2[%select_n3A, %add3A_762] : memref<2x2097152xf32, #tpu.memory_space<hbm>> -> memref<1x8192xf32, #tpu.memory_space<hbm>>
    %dma_start3A_768 = tpu.memref_squeeze %dma_start3A_767 : memref<1x8192xf32, #tpu.memory_space<hbm>> -> memref<8192xf32, #tpu.memory_space<hbm>>
    %dma_start3A_769 = tpu.memref_slice %arg14[%dma_start3A_763] : memref<2x!tpu.dma_semaphore, #tpu.memory_space<semaphore_mem>> -> memref<1x!tpu.dma_semaphore, #tpu.memory_space<semaphore_mem>>
    %dma_start3A_770 = tpu.memref_squeeze %dma_start3A_769 : memref<1x!tpu.dma_semaphore, #tpu.memory_space<semaphore_mem>> -> memref<!tpu.dma_semaphore, #tpu.memory_space<semaphore_mem>>
    %dma_start3A_771 = arith.constant 0 : i32
    %dma_start3A_772 = tpu.memref_slice %arg12[%dma_start3A, %dma_start3A_771] : memref<2x8192xf32, #tpu.memory_space<vmem>> -> memref<1x8192xf32, #tpu.memory_space<vmem>>
    %dma_start3A_773 = tpu.memref_squeeze %dma_start3A_772 : memref<1x8192xf32, #tpu.memory_space<vmem>> -> memref<8192xf32, #tpu.memory_space<vmem>>
    %dma_start3A_774 = tpu.memref_slice %arg2[%select_n3A, %add3A_762] : memref<2x2097152xf32, #tpu.memory_space<hbm>> -> memref<1x8192xf32, #tpu.memory_space<hbm>>
    %dma_start3A_775 = tpu.memref_squeeze %dma_start3A_774 : memref<1x8192xf32, #tpu.memory_space<hbm>> -> memref<8192xf32, #tpu.memory_space<hbm>>
    tpu.enqueue_dma source(%dma_start3A_775 : memref<8192xf32, #tpu.memory_space<hbm>>) target(%dma_start3A_773 : memref<8192xf32, #tpu.memory_space<vmem>>) target_semaphore(%dma_start3A_770 : memref<!tpu.dma_semaphore, #tpu.memory_space<semaphore_mem>>)
    %scan3A = arith.constant 0 : i32
    %scan3A_776 = arith.constant 0 : i32
    %scan3A_777 = arith.constant 3 : i32
    %scan3A_778 = arith.addi %scan3A_776, %scan3A_777 : i32
    %scan3A_779 = arith.constant 1 : i32
    %scan3A_780 = scf.for %scan3A_1476 = %scan3A_776 to %scan3A_778 step %scan3A_779 iter_args(%scan3A_1477 = %scan3A) -> (i32)  : i32 {
      %rem3A_1478 = arith.constant 2 : i32
      %rem3A_1479 = arith.remsi %scan3A_1476, %rem3A_1478 : i32
      %mul3A_1480 = arith.constant 8192 : i32
      %mul3A_1481 = arith.muli %scan3A_1476, %mul3A_1480 : i32
      %add3A_1482 = arith.addi %mul3A_32, %mul3A_1481 : i32
      %dma_wait3A_1483 = arith.constant 0 : i32
      %dma_wait3A_1484 = tpu.memref_slice %arg12[%rem3A_1479, %dma_wait3A_1483] : memref<2x8192xf32, #tpu.memory_space<vmem>> -> memref<1x8192xf32, #tpu.memory_space<vmem>>
      %dma_wait3A_1485 = tpu.memref_squeeze %dma_wait3A_1484 : memref<1x8192xf32, #tpu.memory_space<vmem>> -> memref<8192xf32, #tpu.memory_space<vmem>>
      %dma_wait3A_1486 = tpu.memref_slice %arg2[%select_n3A, %add3A_1482] : memref<2x2097152xf32, #tpu.memory_space<hbm>> -> memref<1x8192xf32, #tpu.memory_space<hbm>>
      %dma_wait3A_1487 = tpu.memref_squeeze %dma_wait3A_1486 : memref<1x8192xf32, #tpu.memory_space<hbm>> -> memref<8192xf32, #tpu.memory_space<hbm>>
      %dma_wait3A_1488 = tpu.memref_slice %arg14[%rem3A_1479] : memref<2x!tpu.dma_semaphore, #tpu.memory_space<semaphore_mem>> -> memref<1x!tpu.dma_semaphore, #tpu.memory_space<semaphore_mem>>
      %dma_wait3A_1489 = tpu.memref_squeeze %dma_wait3A_1488 : memref<1x!tpu.dma_semaphore, #tpu.memory_space<semaphore_mem>> -> memref<!tpu.dma_semaphore, #tpu.memory_space<semaphore_mem>>
      %dma_wait3A_1490 = arith.constant 0 : i32
      %dma_wait3A_1491 = tpu.memref_slice %arg12[%rem3A_1479, %dma_wait3A_1490] : memref<2x8192xf32, #tpu.memory_space<vmem>> -> memref<1x8192xf32, #tpu.memory_space<vmem>>
      %dma_wait3A_1492 = tpu.memref_squeeze %dma_wait3A_1491 : memref<1x8192xf32, #tpu.memory_space<vmem>> -> memref<8192xf32, #tpu.memory_space<vmem>>
      %dma_wait3A_1493 = tpu.memref_slice %arg2[%select_n3A, %add3A_1482] : memref<2x2097152xf32, #tpu.memory_space<hbm>> -> memref<1x8192xf32, #tpu.memory_space<hbm>>
      %dma_wait3A_1494 = tpu.memref_squeeze %dma_wait3A_1493 : memref<1x8192xf32, #tpu.memory_space<hbm>> -> memref<8192xf32, #tpu.memory_space<hbm>>
      tpu.wait_dma2 semaphore(%dma_wait3A_1489 : memref<!tpu.dma_semaphore, #tpu.memory_space<semaphore_mem>>) src(%dma_wait3A_1494 : memref<8192xf32, #tpu.memory_space<hbm>>) dst(%dma_wait3A_1492 : memref<8192xf32, #tpu.memory_space<vmem>>)
      %add3A_1495 = arith.constant 1 : i32
      %add3A_1496 = arith.addi %scan3A_1476, %add3A_1495 : i32
      %lt3A_1497 = arith.constant 3 : i32
      %lt3A_1498 = arith.cmpi slt, %add3A_1496, %lt3A_1497 : i32
      %convert_element_type3A = arith.extui %lt3A_1498 : i1 to i32
      %cond3A = arith.constant 0 : i32
      %cond3A_1499 = arith.cmpi ne, %convert_element_type3A, %cond3A : i32
      scf.if %cond3A_1499 {
        %add3A_2162 = arith.constant 1 : i32
        %add3A_2163 = arith.addi %scan3A_1476, %add3A_2162 : i32
        %add3A_2164 = arith.constant 1 : i32
        %add3A_2165 = arith.addi %scan3A_1476, %add3A_2164 : i32
        %rem3A_2166 = arith.constant 2 : i32
        %rem3A_2167 = arith.remsi %add3A_2165, %rem3A_2166 : i32
        %mul3A_2168 = arith.constant 8192 : i32
        %mul3A_2169 = arith.muli %add3A_2163, %mul3A_2168 : i32
        %add3A_2170 = arith.addi %mul3A_32, %mul3A_2169 : i32
        %dma_start3A_2171 = arith.constant 0 : i32
        %dma_start3A_2172 = tpu.memref_slice %arg12[%rem3A_2167, %dma_start3A_2171] : memref<2x8192xf32, #tpu.memory_space<vmem>> -> memref<1x8192xf32, #tpu.memory_space<vmem>>
        %dma_start3A_2173 = tpu.memref_squeeze %dma_start3A_2172 : memref<1x8192xf32, #tpu.memory_space<vmem>> -> memref<8192xf32, #tpu.memory_space<vmem>>
        %dma_start3A_2174 = tpu.memref_slice %arg2[%select_n3A, %add3A_2170] : memref<2x2097152xf32, #tpu.memory_space<hbm>> -> memref<1x8192xf32, #tpu.memory_space<hbm>>
        %dma_start3A_2175 = tpu.memref_squeeze %dma_start3A_2174 : memref<1x8192xf32, #tpu.memory_space<hbm>> -> memref<8192xf32, #tpu.memory_space<hbm>>
        %dma_start3A_2176 = tpu.memref_slice %arg14[%rem3A_2167] : memref<2x!tpu.dma_semaphore, #tpu.memory_space<semaphore_mem>> -> memref<1x!tpu.dma_semaphore, #tpu.memory_space<semaphore_mem>>
        %dma_start3A_2177 = tpu.memref_squeeze %dma_start3A_2176 : memref<1x!tpu.dma_semaphore, #tpu.memory_space<semaphore_mem>> -> memref<!tpu.dma_semaphore, #tpu.memory_space<semaphore_mem>>
        %dma_start3A_2178 = arith.constant 0 : i32
        %dma_start3A_2179 = tpu.memref_slice %arg12[%rem3A_2167, %dma_start3A_2178] : memref<2x8192xf32, #tpu.memory_space<vmem>> -> memref<1x8192xf32, #tpu.memory_space<vmem>>
        %dma_start3A_2180 = tpu.memref_squeeze %dma_start3A_2179 : memref<1x8192xf32, #tpu.memory_space<vmem>> -> memref<8192xf32, #tpu.memory_space<vmem>>
        %dma_start3A_2181 = tpu.memref_slice %arg2[%select_n3A, %add3A_2170] : memref<2x2097152xf32, #tpu.memory_space<hbm>> -> memref<1x8192xf32, #tpu.memory_space<hbm>>
        %dma_start3A_2182 = tpu.memref_squeeze %dma_start3A_2181 : memref<1x8192xf32, #tpu.memory_space<hbm>> -> memref<8192xf32, #tpu.memory_space<hbm>>
        tpu.enqueue_dma source(%dma_start3A_2182 : memref<8192xf32, #tpu.memory_space<hbm>>) target(%dma_start3A_2180 : memref<8192xf32, #tpu.memory_space<vmem>>) target_semaphore(%dma_start3A_2177 : memref<!tpu.dma_semaphore, #tpu.memory_space<semaphore_mem>>)
      } else {
      }
      %ge3A_1500 = arith.constant 2 : i32
      %ge3A_1501 = arith.cmpi sge, %scan3A_1476, %ge3A_1500 : i32
      %convert_element_type3A_1502 = arith.extui %ge3A_1501 : i1 to i32
      %cond3A_1503 = arith.constant 0 : i32
      %cond3A_1504 = arith.cmpi ne, %convert_element_type3A_1502, %cond3A_1503 : i32
      scf.if %cond3A_1504 {
        %sub3A_2162 = arith.constant 2 : i32
        %sub3A_2163 = arith.subi %scan3A_1476, %sub3A_2162 : i32
        %mul3A_2164 = arith.constant 8192 : i32
        %mul3A_2165 = arith.muli %sub3A_2163, %mul3A_2164 : i32
        %add3A_2166 = arith.addi %mul3A_32, %mul3A_2165 : i32
        %jit3A_2167 = arith.constant 131072 : i32
        %div3A_2168 = arith.divsi %add3A_2166, %jit3A_2167 : i32
        %sign3A_2169 = arith.constant 0 : i32
        %sign3A_2170 = arith.cmpi sgt, %add3A_2166, %sign3A_2169 : i32
        %sign3A_2171 = arith.extui %sign3A_2170 : i1 to i32
        %sign3A_2172 = arith.constant 0 : i32
        %sign3A_2173 = arith.cmpi slt, %add3A_2166, %sign3A_2172 : i32
        %sign3A_2174 = arith.extui %sign3A_2173 : i1 to i32
        %sign3A_2175 = arith.subi %sign3A_2171, %sign3A_2174 : i32
        %sign3A_2176 = arith.constant 0 : i32
        %sign3A_2177 = arith.cmpi sgt, %jit3A_2167, %sign3A_2176 : i32
        %sign3A_2178 = arith.extui %sign3A_2177 : i1 to i32
        %sign3A_2179 = arith.constant 0 : i32
        %sign3A_2180 = arith.cmpi slt, %jit3A_2167, %sign3A_2179 : i32
        %sign3A_2181 = arith.extui %sign3A_2180 : i1 to i32
        %sign3A_2182 = arith.subi %sign3A_2178, %sign3A_2181 : i32
        %ne3A_2183 = arith.cmpi ne, %sign3A_2175, %sign3A_2182 : i32
        %rem3A_2184 = arith.remsi %add3A_2166, %jit3A_2167 : i32
        %ne3A_2185 = arith.constant 0 : i32
        %ne3A_2186 = arith.cmpi ne, %rem3A_2184, %ne3A_2185 : i32
        %and3A_2187 = arith.andi %ne3A_2183, %ne3A_2186 : i1
        %sub3A_2188 = arith.constant 1 : i32
        %sub3A_2189 = arith.subi %div3A_2168, %sub3A_2188 : i32
        %select_n3A_2190 = arith.select %and3A_2187, %sub3A_2189, %div3A_2168 : i32
        %jit3A_2191 = arith.constant 131072 : i32
        %eq3A_2192 = arith.constant 0 : i32
        %eq3A_2193 = arith.cmpi eq, %jit3A_2191, %eq3A_2192 : i32
        %jit3A_2194 = arith.constant 1 : i32
        %select_n3A_2195 = arith.select %eq3A_2193, %jit3A_2194, %jit3A_2191 : i32
        %rem3A_2196 = arith.remsi %add3A_2166, %select_n3A_2195 : i32
        %ne3A_2197 = arith.constant 0 : i32
        %ne3A_2198 = arith.cmpi ne, %rem3A_2196, %ne3A_2197 : i32
        %lt3A_2199 = arith.constant 0 : i32
        %lt3A_2200 = arith.cmpi slt, %rem3A_2196, %lt3A_2199 : i32
        %lt3A_2201 = arith.constant 0 : i32
        %lt3A_2202 = arith.cmpi slt, %select_n3A_2195, %lt3A_2201 : i32
        %ne3A_2203 = arith.xori %lt3A_2200, %lt3A_2202 : i1
        %and3A_2204 = arith.andi %ne3A_2203, %ne3A_2198 : i1
        %add3A_2205 = arith.addi %rem3A_2196, %select_n3A_2195 : i32
        %select_n3A_2206 = arith.select %and3A_2204, %add3A_2205, %rem3A_2196 : i32
        %jit3A_2207 = arith.constant 256 : i32
        %div3A_2208 = arith.divsi %select_n3A_2206, %jit3A_2207 : i32
        %sign3A_2209 = arith.constant 0 : i32
        %sign3A_2210 = arith.cmpi sgt, %select_n3A_2206, %sign3A_2209 : i32
        %sign3A_2211 = arith.extui %sign3A_2210 : i1 to i32
        %sign3A_2212 = arith.constant 0 : i32
        %sign3A_2213 = arith.cmpi slt, %select_n3A_2206, %sign3A_2212 : i32
        %sign3A_2214 = arith.extui %sign3A_2213 : i1 to i32
        %sign3A_2215 = arith.subi %sign3A_2211, %sign3A_2214 : i32
        %sign3A_2216 = arith.constant 0 : i32
        %sign3A_2217 = arith.cmpi sgt, %jit3A_2207, %sign3A_2216 : i32
        %sign3A_2218 = arith.extui %sign3A_2217 : i1 to i32
        %sign3A_2219 = arith.constant 0 : i32
        %sign3A_2220 = arith.cmpi slt, %jit3A_2207, %sign3A_2219 : i32
        %sign3A_2221 = arith.extui %sign3A_2220 : i1 to i32
        %sign3A_2222 = arith.subi %sign3A_2218, %sign3A_2221 : i32
        %ne3A_2223 = arith.cmpi ne, %sign3A_2215, %sign3A_2222 : i32
        %rem3A_2224 = arith.remsi %select_n3A_2206, %jit3A_2207 : i32
        %ne3A_2225 = arith.constant 0 : i32
        %ne3A_2226 = arith.cmpi ne, %rem3A_2224, %ne3A_2225 : i32
        %and3A_2227 = arith.andi %ne3A_2223, %ne3A_2226 : i1
        %sub3A_2228 = arith.constant 1 : i32
        %sub3A_2229 = arith.subi %div3A_2208, %sub3A_2228 : i32
        %select_n3A_2230 = arith.select %and3A_2227, %sub3A_2229, %div3A_2208 : i32
        %multiple_of3A_2231 = tpu.assume_multiple %select_n3A_2230, 32 : i32
        %dma_wait3A_2232 = arith.constant 0 : i32
        %dma_wait3A_2233 = arith.constant 0 : i32
        %dma_wait3A_2234 = arith.constant 0 : i32
        %dma_wait3A_2235 = arith.constant 0 : i32
        %dma_wait3A_2236 = tpu.memref_slice %arg13[%rem3A_1479, %dma_wait3A_2232, %dma_wait3A_2234, %dma_wait3A_2235] : memref<2x4x32x256xf32, #tpu.memory_space<vmem>> -> memref<1x1x32x256xf32, #tpu.memory_space<vmem>>
        %dma_wait3A_2237 = tpu.memref_squeeze %dma_wait3A_2236 : memref<1x1x32x256xf32, #tpu.memory_space<vmem>> -> memref<32x256xf32, #tpu.memory_space<vmem>>
        %dma_wait3A_2238 = arith.constant 0 : i32
        %dma_wait3A_2239 = tpu.memref_slice %arg5[%select_n3A, %dma_wait3A_2233, %select_n3A_2190, %multiple_of3A_2231, %dma_wait3A_2238] : memref<2x4x3x512x256xf32, #tpu.memory_space<hbm>> -> memref<1x1x1x32x256xf32, #tpu.memory_space<hbm>>
        %dma_wait3A_2240 = tpu.memref_squeeze %dma_wait3A_2239 : memref<1x1x1x32x256xf32, #tpu.memory_space<hbm>> -> memref<32x256xf32, #tpu.memory_space<hbm>>
        %dma_wait3A_2241 = tpu.memref_slice %arg15[%rem3A_1479] : memref<2x!tpu.dma_semaphore, #tpu.memory_space<semaphore_mem>> -> memref<1x!tpu.dma_semaphore, #tpu.memory_space<semaphore_mem>>
        %dma_wait3A_2242 = tpu.memref_squeeze %dma_wait3A_2241 : memref<1x!tpu.dma_semaphore, #tpu.memory_space<semaphore_mem>> -> memref<!tpu.dma_semaphore, #tpu.memory_space<semaphore_mem>>
        %dma_wait3A_2243 = arith.constant 0 : i32
        %dma_wait3A_2244 = tpu.memref_slice %arg5[%select_n3A, %dma_wait3A_2233, %select_n3A_2190, %multiple_of3A_2231, %dma_wait3A_2243] : memref<2x4x3x512x256xf32, #tpu.memory_space<hbm>> -> memref<1x1x1x32x256xf32, #tpu.memory_space<hbm>>
        %dma_wait3A_2245 = tpu.memref_squeeze %dma_wait3A_2244 : memref<1x1x1x32x256xf32, #tpu.memory_space<hbm>> -> memref<32x256xf32, #tpu.memory_space<hbm>>
        %dma_wait3A_2246 = arith.constant 0 : i32
        %dma_wait3A_2247 = arith.constant 0 : i32
        %dma_wait3A_2248 = tpu.memref_slice %arg13[%rem3A_1479, %dma_wait3A_2232, %dma_wait3A_2246, %dma_wait3A_2247] : memref<2x4x32x256xf32, #tpu.memory_space<vmem>> -> memref<1x1x32x256xf32, #tpu.memory_space<vmem>>
        %dma_wait3A_2249 = tpu.memref_squeeze %dma_wait3A_2248 : memref<1x1x32x256xf32, #tpu.memory_space<vmem>> -> memref<32x256xf32, #tpu.memory_space<vmem>>
        tpu.wait_dma2 semaphore(%dma_wait3A_2242 : memref<!tpu.dma_semaphore, #tpu.memory_space<semaphore_mem>>) src(%dma_wait3A_2249 : memref<32x256xf32, #tpu.memory_space<vmem>>) dst(%dma_wait3A_2245 : memref<32x256xf32, #tpu.memory_space<hbm>>)
        %sub3A_2250 = arith.constant 2 : i32
        %sub3A_2251 = arith.subi %scan3A_1476, %sub3A_2250 : i32
        %mul3A_2252 = arith.constant 8192 : i32
        %mul3A_2253 = arith.muli %sub3A_2251, %mul3A_2252 : i32
        %add3A_2254 = arith.addi %mul3A_32, %mul3A_2253 : i32
        %jit3A_2255 = arith.constant 131072 : i32
        %div3A_2256 = arith.divsi %add3A_2254, %jit3A_2255 : i32
        %sign3A_2257 = arith.constant 0 : i32
        %sign3A_2258 = arith.cmpi sgt, %add3A_2254, %sign3A_2257 : i32
        %sign3A_2259 = arith.extui %sign3A_2258 : i1 to i32
        %sign3A_2260 = arith.constant 0 : i32
        %sign3A_2261 = arith.cmpi slt, %add3A_2254, %sign3A_2260 : i32
        %sign3A_2262 = arith.extui %sign3A_2261 : i1 to i32
        %sign3A_2263 = arith.subi %sign3A_2259, %sign3A_2262 : i32
        %sign3A_2264 = arith.constant 0 : i32
        %sign3A_2265 = arith.cmpi sgt, %jit3A_2255, %sign3A_2264 : i32
        %sign3A_2266 = arith.extui %sign3A_2265 : i1 to i32
        %sign3A_2267 = arith.constant 0 : i32
        %sign3A_2268 = arith.cmpi slt, %jit3A_2255, %sign3A_2267 : i32
        %sign3A_2269 = arith.extui %sign3A_2268 : i1 to i32
        %sign3A_2270 = arith.subi %sign3A_2266, %sign3A_2269 : i32
        %ne3A_2271 = arith.cmpi ne, %sign3A_2263, %sign3A_2270 : i32
        %rem3A_2272 = arith.remsi %add3A_2254, %jit3A_2255 : i32
        %ne3A_2273 = arith.constant 0 : i32
        %ne3A_2274 = arith.cmpi ne, %rem3A_2272, %ne3A_2273 : i32
        %and3A_2275 = arith.andi %ne3A_2271, %ne3A_2274 : i1
        %sub3A_2276 = arith.constant 1 : i32
        %sub3A_2277 = arith.subi %div3A_2256, %sub3A_2276 : i32
        %select_n3A_2278 = arith.select %and3A_2275, %sub3A_2277, %div3A_2256 : i32
        %jit3A_2279 = arith.constant 131072 : i32
        %eq3A_2280 = arith.constant 0 : i32
        %eq3A_2281 = arith.cmpi eq, %jit3A_2279, %eq3A_2280 : i32
        %jit3A_2282 = arith.constant 1 : i32
        %select_n3A_2283 = arith.select %eq3A_2281, %jit3A_2282, %jit3A_2279 : i32
        %rem3A_2284 = arith.remsi %add3A_2254, %select_n3A_2283 : i32
        %ne3A_2285 = arith.constant 0 : i32
        %ne3A_2286 = arith.cmpi ne, %rem3A_2284, %ne3A_2285 : i32
        %lt3A_2287 = arith.constant 0 : i32
        %lt3A_2288 = arith.cmpi slt, %rem3A_2284, %lt3A_2287 : i32
        %lt3A_2289 = arith.constant 0 : i32
        %lt3A_2290 = arith.cmpi slt, %select_n3A_2283, %lt3A_2289 : i32
        %ne3A_2291 = arith.xori %lt3A_2288, %lt3A_2290 : i1
        %and3A_2292 = arith.andi %ne3A_2291, %ne3A_2286 : i1
        %add3A_2293 = arith.addi %rem3A_2284, %select_n3A_2283 : i32
        %select_n3A_2294 = arith.select %and3A_2292, %add3A_2293, %rem3A_2284 : i32
        %jit3A_2295 = arith.constant 256 : i32
        %div3A_2296 = arith.divsi %select_n3A_2294, %jit3A_2295 : i32
        %sign3A_2297 = arith.constant 0 : i32
        %sign3A_2298 = arith.cmpi sgt, %select_n3A_2294, %sign3A_2297 : i32
        %sign3A_2299 = arith.extui %sign3A_2298 : i1 to i32
        %sign3A_2300 = arith.constant 0 : i32
        %sign3A_2301 = arith.cmpi slt, %select_n3A_2294, %sign3A_2300 : i32
        %sign3A_2302 = arith.extui %sign3A_2301 : i1 to i32
        %sign3A_2303 = arith.subi %sign3A_2299, %sign3A_2302 : i32
        %sign3A_2304 = arith.constant 0 : i32
        %sign3A_2305 = arith.cmpi sgt, %jit3A_2295, %sign3A_2304 : i32
        %sign3A_2306 = arith.extui %sign3A_2305 : i1 to i32
        %sign3A_2307 = arith.constant 0 : i32
        %sign3A_2308 = arith.cmpi slt, %jit3A_2295, %sign3A_2307 : i32
        %sign3A_2309 = arith.extui %sign3A_2308 : i1 to i32
        %sign3A_2310 = arith.subi %sign3A_2306, %sign3A_2309 : i32
        %ne3A_2311 = arith.cmpi ne, %sign3A_2303, %sign3A_2310 : i32
        %rem3A_2312 = arith.remsi %select_n3A_2294, %jit3A_2295 : i32
        %ne3A_2313 = arith.constant 0 : i32
        %ne3A_2314 = arith.cmpi ne, %rem3A_2312, %ne3A_2313 : i32
        %and3A_2315 = arith.andi %ne3A_2311, %ne3A_2314 : i1
        %sub3A_2316 = arith.constant 1 : i32
        %sub3A_2317 = arith.subi %div3A_2296, %sub3A_2316 : i32
        %select_n3A_2318 = arith.select %and3A_2315, %sub3A_2317, %div3A_2296 : i32
        %multiple_of3A_2319 = tpu.assume_multiple %select_n3A_2318, 32 : i32
        %dma_wait3A_2320 = arith.constant 1 : i32
        %dma_wait3A_2321 = arith.constant 1 : i32
        %dma_wait3A_2322 = arith.constant 0 : i32
        %dma_wait3A_2323 = arith.constant 0 : i32
        %dma_wait3A_2324 = tpu.memref_slice %arg13[%rem3A_1479, %dma_wait3A_2320, %dma_wait3A_2322, %dma_wait3A_2323] : memref<2x4x32x256xf32, #tpu.memory_space<vmem>> -> memref<1x1x32x256xf32, #tpu.memory_space<vmem>>
        %dma_wait3A_2325 = tpu.memref_squeeze %dma_wait3A_2324 : memref<1x1x32x256xf32, #tpu.memory_space<vmem>> -> memref<32x256xf32, #tpu.memory_space<vmem>>
        %dma_wait3A_2326 = arith.constant 0 : i32
        %dma_wait3A_2327 = tpu.memref_slice %arg5[%select_n3A, %dma_wait3A_2321, %select_n3A_2278, %multiple_of3A_2319, %dma_wait3A_2326] : memref<2x4x3x512x256xf32, #tpu.memory_space<hbm>> -> memref<1x1x1x32x256xf32, #tpu.memory_space<hbm>>
        %dma_wait3A_2328 = tpu.memref_squeeze %dma_wait3A_2327 : memref<1x1x1x32x256xf32, #tpu.memory_space<hbm>> -> memref<32x256xf32, #tpu.memory_space<hbm>>
        %dma_wait3A_2329 = tpu.memref_slice %arg15[%rem3A_1479] : memref<2x!tpu.dma_semaphore, #tpu.memory_space<semaphore_mem>> -> memref<1x!tpu.dma_semaphore, #tpu.memory_space<semaphore_mem>>
        %dma_wait3A_2330 = tpu.memref_squeeze %dma_wait3A_2329 : memref<1x!tpu.dma_semaphore, #tpu.memory_space<semaphore_mem>> -> memref<!tpu.dma_semaphore, #tpu.memory_space<semaphore_mem>>
        %dma_wait3A_2331 = arith.constant 0 : i32
        %dma_wait3A_2332 = tpu.memref_slice %arg5[%select_n3A, %dma_wait3A_2321, %select_n3A_2278, %multiple_of3A_2319, %dma_wait3A_2331] : memref<2x4x3x512x256xf32, #tpu.memory_space<hbm>> -> memref<1x1x1x32x256xf32, #tpu.memory_space<hbm>>
        %dma_wait3A_2333 = tpu.memref_squeeze %dma_wait3A_2332 : memref<1x1x1x32x256xf32, #tpu.memory_space<hbm>> -> memref<32x256xf32, #tpu.memory_space<hbm>>
        %dma_wait3A_2334 = arith.constant 0 : i32
        %dma_wait3A_2335 = arith.constant 0 : i32
        %dma_wait3A_2336 = tpu.memref_slice %arg13[%rem3A_1479, %dma_wait3A_2320, %dma_wait3A_2334, %dma_wait3A_2335] : memref<2x4x32x256xf32, #tpu.memory_space<vmem>> -> memref<1x1x32x256xf32, #tpu.memory_space<vmem>>
        %dma_wait3A_2337 = tpu.memref_squeeze %dma_wait3A_2336 : memref<1x1x32x256xf32, #tpu.memory_space<vmem>> -> memref<32x256xf32, #tpu.memory_space<vmem>>
        tpu.wait_dma2 semaphore(%dma_wait3A_2330 : memref<!tpu.dma_semaphore, #tpu.memory_space<semaphore_mem>>) src(%dma_wait3A_2337 : memref<32x256xf32, #tpu.memory_space<vmem>>) dst(%dma_wait3A_2333 : memref<32x256xf32, #tpu.memory_space<hbm>>)
        %sub3A_2338 = arith.constant 2 : i32
        %sub3A_2339 = arith.subi %scan3A_1476, %sub3A_2338 : i32
        %mul3A_2340 = arith.constant 8192 : i32
        %mul3A_2341 = arith.muli %sub3A_2339, %mul3A_2340 : i32
        %add3A_2342 = arith.addi %mul3A_32, %mul3A_2341 : i32
        %jit3A_2343 = arith.constant 131072 : i32
        %div3A_2344 = arith.divsi %add3A_2342, %jit3A_2343 : i32
        %sign3A_2345 = arith.constant 0 : i32
        %sign3A_2346 = arith.cmpi sgt, %add3A_2342, %sign3A_2345 : i32
        %sign3A_2347 = arith.extui %sign3A_2346 : i1 to i32
        %sign3A_2348 = arith.constant 0 : i32
        %sign3A_2349 = arith.cmpi slt, %add3A_2342, %sign3A_2348 : i32
        %sign3A_2350 = arith.extui %sign3A_2349 : i1 to i32
        %sign3A_2351 = arith.subi %sign3A_2347, %sign3A_2350 : i32
        %sign3A_2352 = arith.constant 0 : i32
        %sign3A_2353 = arith.cmpi sgt, %jit3A_2343, %sign3A_2352 : i32
        %sign3A_2354 = arith.extui %sign3A_2353 : i1 to i32
        %sign3A_2355 = arith.constant 0 : i32
        %sign3A_2356 = arith.cmpi slt, %jit3A_2343, %sign3A_2355 : i32
        %sign3A_2357 = arith.extui %sign3A_2356 : i1 to i32
        %sign3A_2358 = arith.subi %sign3A_2354, %sign3A_2357 : i32
        %ne3A_2359 = arith.cmpi ne, %sign3A_2351, %sign3A_2358 : i32
        %rem3A_2360 = arith.remsi %add3A_2342, %jit3A_2343 : i32
        %ne3A_2361 = arith.constant 0 : i32
        %ne3A_2362 = arith.cmpi ne, %rem3A_2360, %ne3A_2361 : i32
        %and3A_2363 = arith.andi %ne3A_2359, %ne3A_2362 : i1
        %sub3A_2364 = arith.constant 1 : i32
        %sub3A_2365 = arith.subi %div3A_2344, %sub3A_2364 : i32
        %select_n3A_2366 = arith.select %and3A_2363, %sub3A_2365, %div3A_2344 : i32
        %jit3A_2367 = arith.constant 131072 : i32
        %eq3A_2368 = arith.constant 0 : i32
        %eq3A_2369 = arith.cmpi eq, %jit3A_2367, %eq3A_2368 : i32
        %jit3A_2370 = arith.constant 1 : i32
        %select_n3A_2371 = arith.select %eq3A_2369, %jit3A_2370, %jit3A_2367 : i32
        %rem3A_2372 = arith.remsi %add3A_2342, %select_n3A_2371 : i32
        %ne3A_2373 = arith.constant 0 : i32
        %ne3A_2374 = arith.cmpi ne, %rem3A_2372, %ne3A_2373 : i32
        %lt3A_2375 = arith.constant 0 : i32
        %lt3A_2376 = arith.cmpi slt, %rem3A_2372, %lt3A_2375 : i32
        %lt3A_2377 = arith.constant 0 : i32
        %lt3A_2378 = arith.cmpi slt, %select_n3A_2371, %lt3A_2377 : i32
        %ne3A_2379 = arith.xori %lt3A_2376, %lt3A_2378 : i1
        %and3A_2380 = arith.andi %ne3A_2379, %ne3A_2374 : i1
        %add3A_2381 = arith.addi %rem3A_2372, %select_n3A_2371 : i32
        %select_n3A_2382 = arith.select %and3A_2380, %add3A_2381, %rem3A_2372 : i32
        %jit3A_2383 = arith.constant 256 : i32
        %div3A_2384 = arith.divsi %select_n3A_2382, %jit3A_2383 : i32
        %sign3A_2385 = arith.constant 0 : i32
        %sign3A_2386 = arith.cmpi sgt, %select_n3A_2382, %sign3A_2385 : i32
        %sign3A_2387 = arith.extui %sign3A_2386 : i1 to i32
        %sign3A_2388 = arith.constant 0 : i32
        %sign3A_2389 = arith.cmpi slt, %select_n3A_2382, %sign3A_2388 : i32
        %sign3A_2390 = arith.extui %sign3A_2389 : i1 to i32
        %sign3A_2391 = arith.subi %sign3A_2387, %sign3A_2390 : i32
        %sign3A_2392 = arith.constant 0 : i32
        %sign3A_2393 = arith.cmpi sgt, %jit3A_2383, %sign3A_2392 : i32
        %sign3A_2394 = arith.extui %sign3A_2393 : i1 to i32
        %sign3A_2395 = arith.constant 0 : i32
        %sign3A_2396 = arith.cmpi slt, %jit3A_2383, %sign3A_2395 : i32
        %sign3A_2397 = arith.extui %sign3A_2396 : i1 to i32
        %sign3A_2398 = arith.subi %sign3A_2394, %sign3A_2397 : i32
        %ne3A_2399 = arith.cmpi ne, %sign3A_2391, %sign3A_2398 : i32
        %rem3A_2400 = arith.remsi %select_n3A_2382, %jit3A_2383 : i32
        %ne3A_2401 = arith.constant 0 : i32
        %ne3A_2402 = arith.cmpi ne, %rem3A_2400, %ne3A_2401 : i32
        %and3A_2403 = arith.andi %ne3A_2399, %ne3A_2402 : i1
        %sub3A_2404 = arith.constant 1 : i32
        %sub3A_2405 = arith.subi %div3A_2384, %sub3A_2404 : i32
        %select_n3A_2406 = arith.select %and3A_2403, %sub3A_2405, %div3A_2384 : i32
        %multiple_of3A_2407 = tpu.assume_multiple %select_n3A_2406, 32 : i32
        %dma_wait3A_2408 = arith.constant 2 : i32
        %dma_wait3A_2409 = arith.constant 2 : i32
        %dma_wait3A_2410 = arith.constant 0 : i32
        %dma_wait3A_2411 = arith.constant 0 : i32
        %dma_wait3A_2412 = tpu.memref_slice %arg13[%rem3A_1479, %dma_wait3A_2408, %dma_wait3A_2410, %dma_wait3A_2411] : memref<2x4x32x256xf32, #tpu.memory_space<vmem>> -> memref<1x1x32x256xf32, #tpu.memory_space<vmem>>
        %dma_wait3A_2413 = tpu.memref_squeeze %dma_wait3A_2412 : memref<1x1x32x256xf32, #tpu.memory_space<vmem>> -> memref<32x256xf32, #tpu.memory_space<vmem>>
        %dma_wait3A_2414 = arith.constant 0 : i32
        %dma_wait3A_2415 = tpu.memref_slice %arg5[%select_n3A, %dma_wait3A_2409, %select_n3A_2366, %multiple_of3A_2407, %dma_wait3A_2414] : memref<2x4x3x512x256xf32, #tpu.memory_space<hbm>> -> memref<1x1x1x32x256xf32, #tpu.memory_space<hbm>>
        %dma_wait3A_2416 = tpu.memref_squeeze %dma_wait3A_2415 : memref<1x1x1x32x256xf32, #tpu.memory_space<hbm>> -> memref<32x256xf32, #tpu.memory_space<hbm>>
        %dma_wait3A_2417 = tpu.memref_slice %arg15[%rem3A_1479] : memref<2x!tpu.dma_semaphore, #tpu.memory_space<semaphore_mem>> -> memref<1x!tpu.dma_semaphore, #tpu.memory_space<semaphore_mem>>
        %dma_wait3A_2418 = tpu.memref_squeeze %dma_wait3A_2417 : memref<1x!tpu.dma_semaphore, #tpu.memory_space<semaphore_mem>> -> memref<!tpu.dma_semaphore, #tpu.memory_space<semaphore_mem>>
        %dma_wait3A_2419 = arith.constant 0 : i32
        %dma_wait3A_2420 = tpu.memref_slice %arg5[%select_n3A, %dma_wait3A_2409, %select_n3A_2366, %multiple_of3A_2407, %dma_wait3A_2419] : memref<2x4x3x512x256xf32, #tpu.memory_space<hbm>> -> memref<1x1x1x32x256xf32, #tpu.memory_space<hbm>>
        %dma_wait3A_2421 = tpu.memref_squeeze %dma_wait3A_2420 : memref<1x1x1x32x256xf32, #tpu.memory_space<hbm>> -> memref<32x256xf32, #tpu.memory_space<hbm>>
        %dma_wait3A_2422 = arith.constant 0 : i32
        %dma_wait3A_2423 = arith.constant 0 : i32
        %dma_wait3A_2424 = tpu.memref_slice %arg13[%rem3A_1479, %dma_wait3A_2408, %dma_wait3A_2422, %dma_wait3A_2423] : memref<2x4x32x256xf32, #tpu.memory_space<vmem>> -> memref<1x1x32x256xf32, #tpu.memory_space<vmem>>
        %dma_wait3A_2425 = tpu.memref_squeeze %dma_wait3A_2424 : memref<1x1x32x256xf32, #tpu.memory_space<vmem>> -> memref<32x256xf32, #tpu.memory_space<vmem>>
        tpu.wait_dma2 semaphore(%dma_wait3A_2418 : memref<!tpu.dma_semaphore, #tpu.memory_space<semaphore_mem>>) src(%dma_wait3A_2425 : memref<32x256xf32, #tpu.memory_space<vmem>>) dst(%dma_wait3A_2421 : memref<32x256xf32, #tpu.memory_space<hbm>>)
        %sub3A_2426 = arith.constant 2 : i32
        %sub3A_2427 = arith.subi %scan3A_1476, %sub3A_2426 : i32
        %mul3A_2428 = arith.constant 8192 : i32
        %mul3A_2429 = arith.muli %sub3A_2427, %mul3A_2428 : i32
        %add3A_2430 = arith.addi %mul3A_32, %mul3A_2429 : i32
        %jit3A_2431 = arith.constant 131072 : i32
        %div3A_2432 = arith.divsi %add3A_2430, %jit3A_2431 : i32
        %sign3A_2433 = arith.constant 0 : i32
        %sign3A_2434 = arith.cmpi sgt, %add3A_2430, %sign3A_2433 : i32
        %sign3A_2435 = arith.extui %sign3A_2434 : i1 to i32
        %sign3A_2436 = arith.constant 0 : i32
        %sign3A_2437 = arith.cmpi slt, %add3A_2430, %sign3A_2436 : i32
        %sign3A_2438 = arith.extui %sign3A_2437 : i1 to i32
        %sign3A_2439 = arith.subi %sign3A_2435, %sign3A_2438 : i32
        %sign3A_2440 = arith.constant 0 : i32
        %sign3A_2441 = arith.cmpi sgt, %jit3A_2431, %sign3A_2440 : i32
        %sign3A_2442 = arith.extui %sign3A_2441 : i1 to i32
        %sign3A_2443 = arith.constant 0 : i32
        %sign3A_2444 = arith.cmpi slt, %jit3A_2431, %sign3A_2443 : i32
        %sign3A_2445 = arith.extui %sign3A_2444 : i1 to i32
        %sign3A_2446 = arith.subi %sign3A_2442, %sign3A_2445 : i32
        %ne3A_2447 = arith.cmpi ne, %sign3A_2439, %sign3A_2446 : i32
        %rem3A_2448 = arith.remsi %add3A_2430, %jit3A_2431 : i32
        %ne3A_2449 = arith.constant 0 : i32
        %ne3A_2450 = arith.cmpi ne, %rem3A_2448, %ne3A_2449 : i32
        %and3A_2451 = arith.andi %ne3A_2447, %ne3A_2450 : i1
        %sub3A_2452 = arith.constant 1 : i32
        %sub3A_2453 = arith.subi %div3A_2432, %sub3A_2452 : i32
        %select_n3A_2454 = arith.select %and3A_2451, %sub3A_2453, %div3A_2432 : i32
        %jit3A_2455 = arith.constant 131072 : i32
        %eq3A_2456 = arith.constant 0 : i32
        %eq3A_2457 = arith.cmpi eq, %jit3A_2455, %eq3A_2456 : i32
        %jit3A_2458 = arith.constant 1 : i32
        %select_n3A_2459 = arith.select %eq3A_2457, %jit3A_2458, %jit3A_2455 : i32
        %rem3A_2460 = arith.remsi %add3A_2430, %select_n3A_2459 : i32
        %ne3A_2461 = arith.constant 0 : i32
        %ne3A_2462 = arith.cmpi ne, %rem3A_2460, %ne3A_2461 : i32
        %lt3A_2463 = arith.constant 0 : i32
        %lt3A_2464 = arith.cmpi slt, %rem3A_2460, %lt3A_2463 : i32
        %lt3A_2465 = arith.constant 0 : i32
        %lt3A_2466 = arith.cmpi slt, %select_n3A_2459, %lt3A_2465 : i32
        %ne3A_2467 = arith.xori %lt3A_2464, %lt3A_2466 : i1
        %and3A_2468 = arith.andi %ne3A_2467, %ne3A_2462 : i1
        %add3A_2469 = arith.addi %rem3A_2460, %select_n3A_2459 : i32
        %select_n3A_2470 = arith.select %and3A_2468, %add3A_2469, %rem3A_2460 : i32
        %jit3A_2471 = arith.constant 256 : i32
        %div3A_2472 = arith.divsi %select_n3A_2470, %jit3A_2471 : i32
        %sign3A_2473 = arith.constant 0 : i32
        %sign3A_2474 = arith.cmpi sgt, %select_n3A_2470, %sign3A_2473 : i32
        %sign3A_2475 = arith.extui %sign3A_2474 : i1 to i32
        %sign3A_2476 = arith.constant 0 : i32
        %sign3A_2477 = arith.cmpi slt, %select_n3A_2470, %sign3A_2476 : i32
        %sign3A_2478 = arith.extui %sign3A_2477 : i1 to i32
        %sign3A_2479 = arith.subi %sign3A_2475, %sign3A_2478 : i32
        %sign3A_2480 = arith.constant 0 : i32
        %sign3A_2481 = arith.cmpi sgt, %jit3A_2471, %sign3A_2480 : i32
        %sign3A_2482 = arith.extui %sign3A_2481 : i1 to i32
        %sign3A_2483 = arith.constant 0 : i32
        %sign3A_2484 = arith.cmpi slt, %jit3A_2471, %sign3A_2483 : i32
        %sign3A_2485 = arith.extui %sign3A_2484 : i1 to i32
        %sign3A_2486 = arith.subi %sign3A_2482, %sign3A_2485 : i32
        %ne3A_2487 = arith.cmpi ne, %sign3A_2479, %sign3A_2486 : i32
        %rem3A_2488 = arith.remsi %select_n3A_2470, %jit3A_2471 : i32
        %ne3A_2489 = arith.constant 0 : i32
        %ne3A_2490 = arith.cmpi ne, %rem3A_2488, %ne3A_2489 : i32
        %and3A_2491 = arith.andi %ne3A_2487, %ne3A_2490 : i1
        %sub3A_2492 = arith.constant 1 : i32
        %sub3A_2493 = arith.subi %div3A_2472, %sub3A_2492 : i32
        %select_n3A_2494 = arith.select %and3A_2491, %sub3A_2493, %div3A_2472 : i32
        %multiple_of3A_2495 = tpu.assume_multiple %select_n3A_2494, 32 : i32
        %dma_wait3A_2496 = arith.constant 3 : i32
        %dma_wait3A_2497 = arith.constant 3 : i32
        %dma_wait3A_2498 = arith.constant 0 : i32
        %dma_wait3A_2499 = arith.constant 0 : i32
        %dma_wait3A_2500 = tpu.memref_slice %arg13[%rem3A_1479, %dma_wait3A_2496, %dma_wait3A_2498, %dma_wait3A_2499] : memref<2x4x32x256xf32, #tpu.memory_space<vmem>> -> memref<1x1x32x256xf32, #tpu.memory_space<vmem>>
        %dma_wait3A_2501 = tpu.memref_squeeze %dma_wait3A_2500 : memref<1x1x32x256xf32, #tpu.memory_space<vmem>> -> memref<32x256xf32, #tpu.memory_space<vmem>>
        %dma_wait3A_2502 = arith.constant 0 : i32
        %dma_wait3A_2503 = tpu.memref_slice %arg5[%select_n3A, %dma_wait3A_2497, %select_n3A_2454, %multiple_of3A_2495, %dma_wait3A_2502] : memref<2x4x3x512x256xf32, #tpu.memory_space<hbm>> -> memref<1x1x1x32x256xf32, #tpu.memory_space<hbm>>
        %dma_wait3A_2504 = tpu.memref_squeeze %dma_wait3A_2503 : memref<1x1x1x32x256xf32, #tpu.memory_space<hbm>> -> memref<32x256xf32, #tpu.memory_space<hbm>>
        %dma_wait3A_2505 = tpu.memref_slice %arg15[%rem3A_1479] : memref<2x!tpu.dma_semaphore, #tpu.memory_space<semaphore_mem>> -> memref<1x!tpu.dma_semaphore, #tpu.memory_space<semaphore_mem>>
        %dma_wait3A_2506 = tpu.memref_squeeze %dma_wait3A_2505 : memref<1x!tpu.dma_semaphore, #tpu.memory_space<semaphore_mem>> -> memref<!tpu.dma_semaphore, #tpu.memory_space<semaphore_mem>>
        %dma_wait3A_2507 = arith.constant 0 : i32
        %dma_wait3A_2508 = tpu.memref_slice %arg5[%select_n3A, %dma_wait3A_2497, %select_n3A_2454, %multiple_of3A_2495, %dma_wait3A_2507] : memref<2x4x3x512x256xf32, #tpu.memory_space<hbm>> -> memref<1x1x1x32x256xf32, #tpu.memory_space<hbm>>
        %dma_wait3A_2509 = tpu.memref_squeeze %dma_wait3A_2508 : memref<1x1x1x32x256xf32, #tpu.memory_space<hbm>> -> memref<32x256xf32, #tpu.memory_space<hbm>>
        %dma_wait3A_2510 = arith.constant 0 : i32
        %dma_wait3A_2511 = arith.constant 0 : i32
        %dma_wait3A_2512 = tpu.memref_slice %arg13[%rem3A_1479, %dma_wait3A_2496, %dma_wait3A_2510, %dma_wait3A_2511] : memref<2x4x32x256xf32, #tpu.memory_space<vmem>> -> memref<1x1x32x256xf32, #tpu.memory_space<vmem>>
        %dma_wait3A_2513 = tpu.memref_squeeze %dma_wait3A_2512 : memref<1x1x32x256xf32, #tpu.memory_space<vmem>> -> memref<32x256xf32, #tpu.memory_space<vmem>>
        tpu.wait_dma2 semaphore(%dma_wait3A_2506 : memref<!tpu.dma_semaphore, #tpu.memory_space<semaphore_mem>>) src(%dma_wait3A_2513 : memref<32x256xf32, #tpu.memory_space<vmem>>) dst(%dma_wait3A_2509 : memref<32x256xf32, #tpu.memory_space<hbm>>)
      } else {
      }
      %broadcast_in_dim3A_1505 = arith.constant 1 : i32
      %broadcast_in_dim3A_1506 = vector.broadcast %broadcast_in_dim3A_1505 : i32 to vector<16xi32>
      %broadcast_in_dim3A_1507 = arith.constant 0 : i32
      %broadcast_in_dim3A_1508 = vector.broadcast %broadcast_in_dim3A_1507 : i32 to vector<16xi32>
      %gather3A_1509 = tpu.vector_load_idx %arg8[%broadcast_in_dim3A_1506, %broadcast_in_dim3A_1508] : memref<5x16xf32, #tpu.memory_space<vmem>>[vector<16xi32>, vector<16xi32>], vector<16xf32>,
      %broadcast_in_dim3A_1510 = arith.constant 1 : i32
      %broadcast_in_dim3A_1511 = vector.broadcast %broadcast_in_dim3A_1510 : i32 to vector<16xi32>
      %gather3A_1512 = tpu.vector_load_idx %arg8[%broadcast_in_dim3A_1506, %broadcast_in_dim3A_1511] : memref<5x16xf32, #tpu.memory_space<vmem>>[vector<16xi32>, vector<16xi32>], vector<16xf32>,
      %broadcast_in_dim3A_1513 = arith.constant 2 : i32
      %broadcast_in_dim3A_1514 = vector.broadcast %broadcast_in_dim3A_1513 : i32 to vector<16xi32>
      %gather3A_1515 = tpu.vector_load_idx %arg8[%broadcast_in_dim3A_1506, %broadcast_in_dim3A_1514] : memref<5x16xf32, #tpu.memory_space<vmem>>[vector<16xi32>, vector<16xi32>], vector<16xf32>,
      %broadcast_in_dim3A_1516 = arith.constant 3 : i32
      %broadcast_in_dim3A_1517 = vector.broadcast %broadcast_in_dim3A_1516 : i32 to vector<16xi32>
      %gather3A_1518 = tpu.vector_load_idx %arg8[%broadcast_in_dim3A_1506, %broadcast_in_dim3A_1517] : memref<5x16xf32, #tpu.memory_space<vmem>>[vector<16xi32>, vector<16xi32>], vector<16xf32>,
      %broadcast_in_dim3A_1519 = arith.constant 4 : i32
      %broadcast_in_dim3A_1520 = vector.broadcast %broadcast_in_dim3A_1519 : i32 to vector<16xi32>
      %gather3A_1521 = tpu.vector_load_idx %arg8[%broadcast_in_dim3A_1506, %broadcast_in_dim3A_1520] : memref<5x16xf32, #tpu.memory_space<vmem>>[vector<16xi32>, vector<16xi32>], vector<16xf32>,
      %broadcast_in_dim3A_1522 = arith.constant 5 : i32
      %broadcast_in_dim3A_1523 = vector.broadcast %broadcast_in_dim3A_1522 : i32 to vector<16xi32>
      %gather3A_1524 = tpu.vector_load_idx %arg8[%broadcast_in_dim3A_1506, %broadcast_in_dim3A_1523] : memref<5x16xf32, #tpu.memory_space<vmem>>[vector<16xi32>, vector<16xi32>], vector<16xf32>,
      %broadcast_in_dim3A_1525 = arith.constant 6 : i32
      %broadcast_in_dim3A_1526 = vector.broadcast %broadcast_in_dim3A_1525 : i32 to vector<16xi32>
      %gather3A_1527 = tpu.vector_load_idx %arg8[%broadcast_in_dim3A_1506, %broadcast_in_dim3A_1526] : memref<5x16xf32, #tpu.memory_space<vmem>>[vector<16xi32>, vector<16xi32>], vector<16xf32>,
      %broadcast_in_dim3A_1528 = arith.constant 7 : i32
      %broadcast_in_dim3A_1529 = vector.broadcast %broadcast_in_dim3A_1528 : i32 to vector<16xi32>
      %gather3A_1530 = tpu.vector_load_idx %arg8[%broadcast_in_dim3A_1506, %broadcast_in_dim3A_1529] : memref<5x16xf32, #tpu.memory_space<vmem>>[vector<16xi32>, vector<16xi32>], vector<16xf32>,
      %broadcast_in_dim3A_1531 = arith.constant 1 : i32
      %broadcast_in_dim3A_1532 = vector.broadcast %broadcast_in_dim3A_1531 : i32 to vector<16xi32>
      %gather3A_1533 = tpu.vector_load_idx %arg9[%broadcast_in_dim3A_1506, %broadcast_in_dim3A_1532] : memref<5x16xf32, #tpu.memory_space<vmem>>[vector<16xi32>, vector<16xi32>], vector<16xf32>,
      %broadcast_in_dim3A_1534 = arith.constant 2 : i32
      %broadcast_in_dim3A_1535 = vector.broadcast %broadcast_in_dim3A_1534 : i32 to vector<16xi32>
      %gather3A_1536 = tpu.vector_load_idx %arg9[%broadcast_in_dim3A_1506, %broadcast_in_dim3A_1535] : memref<5x16xf32, #tpu.memory_space<vmem>>[vector<16xi32>, vector<16xi32>], vector<16xf32>,
      %broadcast_in_dim3A_1537 = arith.constant 3 : i32
      %broadcast_in_dim3A_1538 = vector.broadcast %broadcast_in_dim3A_1537 : i32 to vector<16xi32>
      %gather3A_1539 = tpu.vector_load_idx %arg9[%broadcast_in_dim3A_1506, %broadcast_in_dim3A_1538] : memref<5x16xf32, #tpu.memory_space<vmem>>[vector<16xi32>, vector<16xi32>], vector<16xf32>,
      %broadcast_in_dim3A_1540 = arith.constant 4 : i32
      %broadcast_in_dim3A_1541 = vector.broadcast %broadcast_in_dim3A_1540 : i32 to vector<16xi32>
      %gather3A_1542 = tpu.vector_load_idx %arg9[%broadcast_in_dim3A_1506, %broadcast_in_dim3A_1541] : memref<5x16xf32, #tpu.memory_space<vmem>>[vector<16xi32>, vector<16xi32>], vector<16xf32>,
      %broadcast_in_dim3A_1543 = arith.constant 5 : i32
      %broadcast_in_dim3A_1544 = vector.broadcast %broadcast_in_dim3A_1543 : i32 to vector<16xi32>
      %gather3A_1545 = tpu.vector_load_idx %arg9[%broadcast_in_dim3A_1506, %broadcast_in_dim3A_1544] : memref<5x16xf32, #tpu.memory_space<vmem>>[vector<16xi32>, vector<16xi32>], vector<16xf32>,
      %broadcast_in_dim3A_1546 = arith.constant 6 : i32
      %broadcast_in_dim3A_1547 = vector.broadcast %broadcast_in_dim3A_1546 : i32 to vector<16xi32>
      %gather3A_1548 = tpu.vector_load_idx %arg9[%broadcast_in_dim3A_1506, %broadcast_in_dim3A_1547] : memref<5x16xf32, #tpu.memory_space<vmem>>[vector<16xi32>, vector<16xi32>], vector<16xf32>,
      %broadcast_in_dim3A_1549 = arith.constant 7 : i32
      %broadcast_in_dim3A_1550 = vector.broadcast %broadcast_in_dim3A_1549 : i32 to vector<16xi32>
      %gather3A_1551 = tpu.vector_load_idx %arg9[%broadcast_in_dim3A_1506, %broadcast_in_dim3A_1550] : memref<5x16xf32, #tpu.memory_space<vmem>>[vector<16xi32>, vector<16xi32>], vector<16xf32>,
      %broadcast_in_dim3A_1552 = arith.constant 1 : i32
      %broadcast_in_dim3A_1553 = vector.broadcast %broadcast_in_dim3A_1552 : i32 to vector<16xi32>
      %gather3A_1554 = tpu.vector_load_idx %arg10[%broadcast_in_dim3A_1506, %broadcast_in_dim3A_1553] : memref<5x16xf32, #tpu.memory_space<vmem>>[vector<16xi32>, vector<16xi32>], vector<16xf32>,
      %broadcast_in_dim3A_1555 = arith.constant 2 : i32
      %broadcast_in_dim3A_1556 = vector.broadcast %broadcast_in_dim3A_1555 : i32 to vector<16xi32>
      %gather3A_1557 = tpu.vector_load_idx %arg10[%broadcast_in_dim3A_1506, %broadcast_in_dim3A_1556] : memref<5x16xf32, #tpu.memory_space<vmem>>[vector<16xi32>, vector<16xi32>], vector<16xf32>,
      %broadcast_in_dim3A_1558 = arith.constant 3 : i32
      %broadcast_in_dim3A_1559 = vector.broadcast %broadcast_in_dim3A_1558 : i32 to vector<16xi32>
      %gather3A_1560 = tpu.vector_load_idx %arg10[%broadcast_in_dim3A_1506, %broadcast_in_dim3A_1559] : memref<5x16xf32, #tpu.memory_space<vmem>>[vector<16xi32>, vector<16xi32>], vector<16xf32>,
      %broadcast_in_dim3A_1561 = arith.constant 4 : i32
      %broadcast_in_dim3A_1562 = vector.broadcast %broadcast_in_dim3A_1561 : i32 to vector<16xi32>
      %gather3A_1563 = tpu.vector_load_idx %arg10[%broadcast_in_dim3A_1506, %broadcast_in_dim3A_1562] : memref<5x16xf32, #tpu.memory_space<vmem>>[vector<16xi32>, vector<16xi32>], vector<16xf32>,
      %broadcast_in_dim3A_1564 = arith.constant 5 : i32
      %broadcast_in_dim3A_1565 = vector.broadcast %broadcast_in_dim3A_1564 : i32 to vector<16xi32>
      %gather3A_1566 = tpu.vector_load_idx %arg10[%broadcast_in_dim3A_1506, %broadcast_in_dim3A_1565] : memref<5x16xf32, #tpu.memory_space<vmem>>[vector<16xi32>, vector<16xi32>], vector<16xf32>,
      %broadcast_in_dim3A_1567 = arith.constant 6 : i32
      %broadcast_in_dim3A_1568 = vector.broadcast %broadcast_in_dim3A_1567 : i32 to vector<16xi32>
      %gather3A_1569 = tpu.vector_load_idx %arg10[%broadcast_in_dim3A_1506, %broadcast_in_dim3A_1568] : memref<5x16xf32, #tpu.memory_space<vmem>>[vector<16xi32>, vector<16xi32>], vector<16xf32>,
      %broadcast_in_dim3A_1570 = arith.constant 7 : i32
      %broadcast_in_dim3A_1571 = vector.broadcast %broadcast_in_dim3A_1570 : i32 to vector<16xi32>
      %gather3A_1572 = tpu.vector_load_idx %arg10[%broadcast_in_dim3A_1506, %broadcast_in_dim3A_1571] : memref<5x16xf32, #tpu.memory_space<vmem>>[vector<16xi32>, vector<16xi32>], vector<16xf32>,
      %broadcast_in_dim3A_1573 = arith.constant 8 : i32
      %broadcast_in_dim3A_1574 = vector.broadcast %broadcast_in_dim3A_1573 : i32 to vector<16xi32>
      %gather3A_1575 = tpu.vector_load_idx %arg10[%broadcast_in_dim3A_1506, %broadcast_in_dim3A_1574] : memref<5x16xf32, #tpu.memory_space<vmem>>[vector<16xi32>, vector<16xi32>], vector<16xf32>,
      %scan3A_1576 = arith.constant 0 : i32
      %scan3A_1577 = arith.constant 0 : i32
      %scan3A_1578 = arith.constant 128 : i32
      %scan3A_1579 = arith.addi %scan3A_1577, %scan3A_1578 : i32
      %scan3A_1580 = arith.constant 1 : i32
      %scan3A_1581 = scf.for %scan3A_2162 = %scan3A_1577 to %scan3A_1579 step %scan3A_1580 iter_args(%scan3A_2163 = %scan3A_1576) -> (i32)  : i32 {
        %mul3A_2164 = arith.constant 4 : i32
        %mul3A_2165 = arith.muli %scan3A_2162, %mul3A_2164 : i32
        %add3A_2166 = arith.constant 0 : i32
        %add3A_2167 = arith.addi %mul3A_2165, %add3A_2166 : i32
        %mul3A_2168 = arith.constant 16 : i32
        %mul3A_2169 = arith.muli %add3A_2167, %mul3A_2168 : i32
        %get3A_2170 = arith.index_cast %rem3A_1479 : i32 to index
        %get3A_2171 = arith.index_cast %mul3A_2169 : i32 to index
        %get3A_2172 = tpu.vector_load %arg12[%get3A_2170, %get3A_2171] {strides = array<i32>} : memref<2x8192xf32, #tpu.memory_space<vmem>>, vector<16xf32>,
        %broadcast_in_dim3A_2173 = arith.constant 0.000000e+00 : f32
        %broadcast_in_dim3A_2174 = vector.broadcast %broadcast_in_dim3A_2173 : f32 to vector<16xf32>
        %ge3A_2175 = arith.cmpf oge, %get3A_2172, %gather3A_1509 : vector<16xf32>
        %mul3A_2176 = arith.mulf %gather3A_1533, %get3A_2172 : vector<16xf32>
        %add3A_2177 = arith.addf %mul3A_2176, %gather3A_1554 : vector<16xf32>
        %select_n3A_2178 = arith.select %ge3A_2175, %add3A_2177, %broadcast_in_dim3A_2174 : vector<16xi1>, vector<16xf32>
        %ge3A_2179 = arith.cmpf oge, %get3A_2172, %gather3A_1512 : vector<16xf32>
        %mul3A_2180 = arith.mulf %gather3A_1536, %get3A_2172 : vector<16xf32>
        %add3A_2181 = arith.addf %mul3A_2180, %gather3A_1557 : vector<16xf32>
        %select_n3A_2182 = arith.select %ge3A_2179, %add3A_2181, %select_n3A_2178 : vector<16xi1>, vector<16xf32>
        %ge3A_2183 = arith.cmpf oge, %get3A_2172, %gather3A_1515 : vector<16xf32>
        %mul3A_2184 = arith.mulf %gather3A_1539, %get3A_2172 : vector<16xf32>
        %add3A_2185 = arith.addf %mul3A_2184, %gather3A_1560 : vector<16xf32>
        %select_n3A_2186 = arith.select %ge3A_2183, %add3A_2185, %select_n3A_2182 : vector<16xi1>, vector<16xf32>
        %ge3A_2187 = arith.cmpf oge, %get3A_2172, %gather3A_1518 : vector<16xf32>
        %mul3A_2188 = arith.mulf %gather3A_1542, %get3A_2172 : vector<16xf32>
        %add3A_2189 = arith.addf %mul3A_2188, %gather3A_1563 : vector<16xf32>
        %select_n3A_2190 = arith.select %ge3A_2187, %add3A_2189, %select_n3A_2186 : vector<16xi1>, vector<16xf32>
        %ge3A_2191 = arith.cmpf oge, %get3A_2172, %gather3A_1521 : vector<16xf32>
        %mul3A_2192 = arith.mulf %gather3A_1545, %get3A_2172 : vector<16xf32>
        %add3A_2193 = arith.addf %mul3A_2192, %gather3A_1566 : vector<16xf32>
        %select_n3A_2194 = arith.select %ge3A_2191, %add3A_2193, %select_n3A_2190 : vector<16xi1>, vector<16xf32>
        %ge3A_2195 = arith.cmpf oge, %get3A_2172, %gather3A_1524 : vector<16xf32>
        %mul3A_2196 = arith.mulf %gather3A_1548, %get3A_2172 : vector<16xf32>
        %add3A_2197 = arith.addf %mul3A_2196, %gather3A_1569 : vector<16xf32>
        %select_n3A_2198 = arith.select %ge3A_2195, %add3A_2197, %select_n3A_2194 : vector<16xi1>, vector<16xf32>
        %ge3A_2199 = arith.cmpf oge, %get3A_2172, %gather3A_1527 : vector<16xf32>
        %mul3A_2200 = arith.mulf %gather3A_1551, %get3A_2172 : vector<16xf32>
        %add3A_2201 = arith.addf %mul3A_2200, %gather3A_1572 : vector<16xf32>
        %select_n3A_2202 = arith.select %ge3A_2199, %add3A_2201, %select_n3A_2198 : vector<16xi1>, vector<16xf32>
        %ge3A_2203 = arith.cmpf oge, %get3A_2172, %gather3A_1530 : vector<16xf32>
        %select_n3A_2204 = arith.select %ge3A_2203, %gather3A_1575, %select_n3A_2202 : vector<16xi1>, vector<16xf32>
        %jit3A_2205 = arith.constant 256 : i32
        %div3A_2206 = arith.divsi %mul3A_2169, %jit3A_2205 : i32
        %sign3A_2207 = arith.constant 0 : i32
        %sign3A_2208 = arith.cmpi sgt, %mul3A_2169, %sign3A_2207 : i32
        %sign3A_2209 = arith.extui %sign3A_2208 : i1 to i32
        %sign3A_2210 = arith.constant 0 : i32
        %sign3A_2211 = arith.cmpi slt, %mul3A_2169, %sign3A_2210 : i32
        %sign3A_2212 = arith.extui %sign3A_2211 : i1 to i32
        %sign3A_2213 = arith.subi %sign3A_2209, %sign3A_2212 : i32
        %sign3A_2214 = arith.constant 0 : i32
        %sign3A_2215 = arith.cmpi sgt, %jit3A_2205, %sign3A_2214 : i32
        %sign3A_2216 = arith.extui %sign3A_2215 : i1 to i32
        %sign3A_2217 = arith.constant 0 : i32
        %sign3A_2218 = arith.cmpi slt, %jit3A_2205, %sign3A_2217 : i32
        %sign3A_2219 = arith.extui %sign3A_2218 : i1 to i32
        %sign3A_2220 = arith.subi %sign3A_2216, %sign3A_2219 : i32
        %ne3A_2221 = arith.cmpi ne, %sign3A_2213, %sign3A_2220 : i32
        %rem3A_2222 = arith.remsi %mul3A_2169, %jit3A_2205 : i32
        %ne3A_2223 = arith.constant 0 : i32
        %ne3A_2224 = arith.cmpi ne, %rem3A_2222, %ne3A_2223 : i32
        %and3A_2225 = arith.andi %ne3A_2221, %ne3A_2224 : i1
        %sub3A_2226 = arith.constant 1 : i32
        %sub3A_2227 = arith.subi %div3A_2206, %sub3A_2226 : i32
        %select_n3A_2228 = arith.select %and3A_2225, %sub3A_2227, %div3A_2206 : i32
        %jit3A_2229 = arith.constant 256 : i32
        %eq3A_2230 = arith.constant 0 : i32
        %eq3A_2231 = arith.cmpi eq, %jit3A_2229, %eq3A_2230 : i32
        %jit3A_2232 = arith.constant 1 : i32
        %select_n3A_2233 = arith.select %eq3A_2231, %jit3A_2232, %jit3A_2229 : i32
        %rem3A_2234 = arith.remsi %mul3A_2169, %select_n3A_2233 : i32
        %ne3A_2235 = arith.constant 0 : i32
        %ne3A_2236 = arith.cmpi ne, %rem3A_2234, %ne3A_2235 : i32
        %lt3A_2237 = arith.constant 0 : i32
        %lt3A_2238 = arith.cmpi slt, %rem3A_2234, %lt3A_2237 : i32
        %lt3A_2239 = arith.constant 0 : i32
        %lt3A_2240 = arith.cmpi slt, %select_n3A_2233, %lt3A_2239 : i32
        %ne3A_2241 = arith.xori %lt3A_2238, %lt3A_2240 : i1
        %and3A_2242 = arith.andi %ne3A_2241, %ne3A_2236 : i1
        %add3A_2243 = arith.addi %rem3A_2234, %select_n3A_2233 : i32
        %select_n3A_2244 = arith.select %and3A_2242, %add3A_2243, %rem3A_2234 : i32
        %swap3A_2245 = arith.constant 0 : i32
        %swap3A_2246 = arith.index_cast %rem3A_1479 : i32 to index
        %swap3A_2247 = arith.index_cast %swap3A_2245 : i32 to index
        %swap3A_2248 = arith.index_cast %select_n3A_2228 : i32 to index
        %swap3A_2249 = arith.index_cast %select_n3A_2244 : i32 to index
        %swap3A_2250 = tpu.vector_load %arg13[%swap3A_2246, %swap3A_2247, %swap3A_2248, %swap3A_2249] {strides = array<i32>} : memref<2x4x32x256xf32, #tpu.memory_space<vmem>>, vector<16xf32>,
        tpu.vector_store %arg13[%swap3A_2246, %swap3A_2247, %swap3A_2248, %swap3A_2249], %select_n3A_2204 {strides = array<i32>} : memref<2x4x32x256xf32, #tpu.memory_space<vmem>>, vector<16xf32>,
        %mul3A_2251 = arith.constant 4 : i32
        %mul3A_2252 = arith.muli %scan3A_2162, %mul3A_2251 : i32
        %add3A_2253 = arith.constant 1 : i32
        %add3A_2254 = arith.addi %mul3A_2252, %add3A_2253 : i32
        %mul3A_2255 = arith.constant 16 : i32
        %mul3A_2256 = arith.muli %add3A_2254, %mul3A_2255 : i32
        %get3A_2257 = arith.index_cast %rem3A_1479 : i32 to index
        %get3A_2258 = arith.index_cast %mul3A_2256 : i32 to index
        %get3A_2259 = tpu.vector_load %arg12[%get3A_2257, %get3A_2258] {strides = array<i32>} : memref<2x8192xf32, #tpu.memory_space<vmem>>, vector<16xf32>,
        %broadcast_in_dim3A_2260 = arith.constant 0.000000e+00 : f32
        %broadcast_in_dim3A_2261 = vector.broadcast %broadcast_in_dim3A_2260 : f32 to vector<16xf32>
        %ge3A_2262 = arith.cmpf oge, %get3A_2259, %gather3A_1509 : vector<16xf32>
        %mul3A_2263 = arith.mulf %gather3A_1533, %get3A_2259 : vector<16xf32>
        %add3A_2264 = arith.addf %mul3A_2263, %gather3A_1554 : vector<16xf32>
        %select_n3A_2265 = arith.select %ge3A_2262, %add3A_2264, %broadcast_in_dim3A_2261 : vector<16xi1>, vector<16xf32>
        %ge3A_2266 = arith.cmpf oge, %get3A_2259, %gather3A_1512 : vector<16xf32>
        %mul3A_2267 = arith.mulf %gather3A_1536, %get3A_2259 : vector<16xf32>
        %add3A_2268 = arith.addf %mul3A_2267, %gather3A_1557 : vector<16xf32>
        %select_n3A_2269 = arith.select %ge3A_2266, %add3A_2268, %select_n3A_2265 : vector<16xi1>, vector<16xf32>
        %ge3A_2270 = arith.cmpf oge, %get3A_2259, %gather3A_1515 : vector<16xf32>
        %mul3A_2271 = arith.mulf %gather3A_1539, %get3A_2259 : vector<16xf32>
        %add3A_2272 = arith.addf %mul3A_2271, %gather3A_1560 : vector<16xf32>
        %select_n3A_2273 = arith.select %ge3A_2270, %add3A_2272, %select_n3A_2269 : vector<16xi1>, vector<16xf32>
        %ge3A_2274 = arith.cmpf oge, %get3A_2259, %gather3A_1518 : vector<16xf32>
        %mul3A_2275 = arith.mulf %gather3A_1542, %get3A_2259 : vector<16xf32>
        %add3A_2276 = arith.addf %mul3A_2275, %gather3A_1563 : vector<16xf32>
        %select_n3A_2277 = arith.select %ge3A_2274, %add3A_2276, %select_n3A_2273 : vector<16xi1>, vector<16xf32>
        %ge3A_2278 = arith.cmpf oge, %get3A_2259, %gather3A_1521 : vector<16xf32>
        %mul3A_2279 = arith.mulf %gather3A_1545, %get3A_2259 : vector<16xf32>
        %add3A_2280 = arith.addf %mul3A_2279, %gather3A_1566 : vector<16xf32>
        %select_n3A_2281 = arith.select %ge3A_2278, %add3A_2280, %select_n3A_2277 : vector<16xi1>, vector<16xf32>
        %ge3A_2282 = arith.cmpf oge, %get3A_2259, %gather3A_1524 : vector<16xf32>
        %mul3A_2283 = arith.mulf %gather3A_1548, %get3A_2259 : vector<16xf32>
        %add3A_2284 = arith.addf %mul3A_2283, %gather3A_1569 : vector<16xf32>
        %select_n3A_2285 = arith.select %ge3A_2282, %add3A_2284, %select_n3A_2281 : vector<16xi1>, vector<16xf32>
        %ge3A_2286 = arith.cmpf oge, %get3A_2259, %gather3A_1527 : vector<16xf32>
        %mul3A_2287 = arith.mulf %gather3A_1551, %get3A_2259 : vector<16xf32>
        %add3A_2288 = arith.addf %mul3A_2287, %gather3A_1572 : vector<16xf32>
        %select_n3A_2289 = arith.select %ge3A_2286, %add3A_2288, %select_n3A_2285 : vector<16xi1>, vector<16xf32>
        %ge3A_2290 = arith.cmpf oge, %get3A_2259, %gather3A_1530 : vector<16xf32>
        %select_n3A_2291 = arith.select %ge3A_2290, %gather3A_1575, %select_n3A_2289 : vector<16xi1>, vector<16xf32>
        %jit3A_2292 = arith.constant 256 : i32
        %div3A_2293 = arith.divsi %mul3A_2256, %jit3A_2292 : i32
        %sign3A_2294 = arith.constant 0 : i32
        %sign3A_2295 = arith.cmpi sgt, %mul3A_2256, %sign3A_2294 : i32
        %sign3A_2296 = arith.extui %sign3A_2295 : i1 to i32
        %sign3A_2297 = arith.constant 0 : i32
        %sign3A_2298 = arith.cmpi slt, %mul3A_2256, %sign3A_2297 : i32
        %sign3A_2299 = arith.extui %sign3A_2298 : i1 to i32
        %sign3A_2300 = arith.subi %sign3A_2296, %sign3A_2299 : i32
        %sign3A_2301 = arith.constant 0 : i32
        %sign3A_2302 = arith.cmpi sgt, %jit3A_2292, %sign3A_2301 : i32
        %sign3A_2303 = arith.extui %sign3A_2302 : i1 to i32
        %sign3A_2304 = arith.constant 0 : i32
        %sign3A_2305 = arith.cmpi slt, %jit3A_2292, %sign3A_2304 : i32
        %sign3A_2306 = arith.extui %sign3A_2305 : i1 to i32
        %sign3A_2307 = arith.subi %sign3A_2303, %sign3A_2306 : i32
        %ne3A_2308 = arith.cmpi ne, %sign3A_2300, %sign3A_2307 : i32
        %rem3A_2309 = arith.remsi %mul3A_2256, %jit3A_2292 : i32
        %ne3A_2310 = arith.constant 0 : i32
        %ne3A_2311 = arith.cmpi ne, %rem3A_2309, %ne3A_2310 : i32
        %and3A_2312 = arith.andi %ne3A_2308, %ne3A_2311 : i1
        %sub3A_2313 = arith.constant 1 : i32
        %sub3A_2314 = arith.subi %div3A_2293, %sub3A_2313 : i32
        %select_n3A_2315 = arith.select %and3A_2312, %sub3A_2314, %div3A_2293 : i32
        %jit3A_2316 = arith.constant 256 : i32
        %eq3A_2317 = arith.constant 0 : i32
        %eq3A_2318 = arith.cmpi eq, %jit3A_2316, %eq3A_2317 : i32
        %jit3A_2319 = arith.constant 1 : i32
        %select_n3A_2320 = arith.select %eq3A_2318, %jit3A_2319, %jit3A_2316 : i32
        %rem3A_2321 = arith.remsi %mul3A_2256, %select_n3A_2320 : i32
        %ne3A_2322 = arith.constant 0 : i32
        %ne3A_2323 = arith.cmpi ne, %rem3A_2321, %ne3A_2322 : i32
        %lt3A_2324 = arith.constant 0 : i32
        %lt3A_2325 = arith.cmpi slt, %rem3A_2321, %lt3A_2324 : i32
        %lt3A_2326 = arith.constant 0 : i32
        %lt3A_2327 = arith.cmpi slt, %select_n3A_2320, %lt3A_2326 : i32
        %ne3A_2328 = arith.xori %lt3A_2325, %lt3A_2327 : i1
        %and3A_2329 = arith.andi %ne3A_2328, %ne3A_2323 : i1
        %add3A_2330 = arith.addi %rem3A_2321, %select_n3A_2320 : i32
        %select_n3A_2331 = arith.select %and3A_2329, %add3A_2330, %rem3A_2321 : i32
        %swap3A_2332 = arith.constant 0 : i32
        %swap3A_2333 = arith.index_cast %rem3A_1479 : i32 to index
        %swap3A_2334 = arith.index_cast %swap3A_2332 : i32 to index
        %swap3A_2335 = arith.index_cast %select_n3A_2315 : i32 to index
        %swap3A_2336 = arith.index_cast %select_n3A_2331 : i32 to index
        %swap3A_2337 = tpu.vector_load %arg13[%swap3A_2333, %swap3A_2334, %swap3A_2335, %swap3A_2336] {strides = array<i32>} : memref<2x4x32x256xf32, #tpu.memory_space<vmem>>, vector<16xf32>,
        tpu.vector_store %arg13[%swap3A_2333, %swap3A_2334, %swap3A_2335, %swap3A_2336], %select_n3A_2291 {strides = array<i32>} : memref<2x4x32x256xf32, #tpu.memory_space<vmem>>, vector<16xf32>,
        %mul3A_2338 = arith.constant 4 : i32
        %mul3A_2339 = arith.muli %scan3A_2162, %mul3A_2338 : i32
        %add3A_2340 = arith.constant 2 : i32
        %add3A_2341 = arith.addi %mul3A_2339, %add3A_2340 : i32
        %mul3A_2342 = arith.constant 16 : i32
        %mul3A_2343 = arith.muli %add3A_2341, %mul3A_2342 : i32
        %get3A_2344 = arith.index_cast %rem3A_1479 : i32 to index
        %get3A_2345 = arith.index_cast %mul3A_2343 : i32 to index
        %get3A_2346 = tpu.vector_load %arg12[%get3A_2344, %get3A_2345] {strides = array<i32>} : memref<2x8192xf32, #tpu.memory_space<vmem>>, vector<16xf32>,
        %broadcast_in_dim3A_2347 = arith.constant 0.000000e+00 : f32
        %broadcast_in_dim3A_2348 = vector.broadcast %broadcast_in_dim3A_2347 : f32 to vector<16xf32>
        %ge3A_2349 = arith.cmpf oge, %get3A_2346, %gather3A_1509 : vector<16xf32>
        %mul3A_2350 = arith.mulf %gather3A_1533, %get3A_2346 : vector<16xf32>
        %add3A_2351 = arith.addf %mul3A_2350, %gather3A_1554 : vector<16xf32>
        %select_n3A_2352 = arith.select %ge3A_2349, %add3A_2351, %broadcast_in_dim3A_2348 : vector<16xi1>, vector<16xf32>
        %ge3A_2353 = arith.cmpf oge, %get3A_2346, %gather3A_1512 : vector<16xf32>
        %mul3A_2354 = arith.mulf %gather3A_1536, %get3A_2346 : vector<16xf32>
        %add3A_2355 = arith.addf %mul3A_2354, %gather3A_1557 : vector<16xf32>
        %select_n3A_2356 = arith.select %ge3A_2353, %add3A_2355, %select_n3A_2352 : vector<16xi1>, vector<16xf32>
        %ge3A_2357 = arith.cmpf oge, %get3A_2346, %gather3A_1515 : vector<16xf32>
        %mul3A_2358 = arith.mulf %gather3A_1539, %get3A_2346 : vector<16xf32>
        %add3A_2359 = arith.addf %mul3A_2358, %gather3A_1560 : vector<16xf32>
        %select_n3A_2360 = arith.select %ge3A_2357, %add3A_2359, %select_n3A_2356 : vector<16xi1>, vector<16xf32>
        %ge3A_2361 = arith.cmpf oge, %get3A_2346, %gather3A_1518 : vector<16xf32>
        %mul3A_2362 = arith.mulf %gather3A_1542, %get3A_2346 : vector<16xf32>
        %add3A_2363 = arith.addf %mul3A_2362, %gather3A_1563 : vector<16xf32>
        %select_n3A_2364 = arith.select %ge3A_2361, %add3A_2363, %select_n3A_2360 : vector<16xi1>, vector<16xf32>
        %ge3A_2365 = arith.cmpf oge, %get3A_2346, %gather3A_1521 : vector<16xf32>
        %mul3A_2366 = arith.mulf %gather3A_1545, %get3A_2346 : vector<16xf32>
        %add3A_2367 = arith.addf %mul3A_2366, %gather3A_1566 : vector<16xf32>
        %select_n3A_2368 = arith.select %ge3A_2365, %add3A_2367, %select_n3A_2364 : vector<16xi1>, vector<16xf32>
        %ge3A_2369 = arith.cmpf oge, %get3A_2346, %gather3A_1524 : vector<16xf32>
        %mul3A_2370 = arith.mulf %gather3A_1548, %get3A_2346 : vector<16xf32>
        %add3A_2371 = arith.addf %mul3A_2370, %gather3A_1569 : vector<16xf32>
        %select_n3A_2372 = arith.select %ge3A_2369, %add3A_2371, %select_n3A_2368 : vector<16xi1>, vector<16xf32>
        %ge3A_2373 = arith.cmpf oge, %get3A_2346, %gather3A_1527 : vector<16xf32>
        %mul3A_2374 = arith.mulf %gather3A_1551, %get3A_2346 : vector<16xf32>
        %add3A_2375 = arith.addf %mul3A_2374, %gather3A_1572 : vector<16xf32>
        %select_n3A_2376 = arith.select %ge3A_2373, %add3A_2375, %select_n3A_2372 : vector<16xi1>, vector<16xf32>
        %ge3A_2377 = arith.cmpf oge, %get3A_2346, %gather3A_1530 : vector<16xf32>
        %select_n3A_2378 = arith.select %ge3A_2377, %gather3A_1575, %select_n3A_2376 : vector<16xi1>, vector<16xf32>
        %jit3A_2379 = arith.constant 256 : i32
        %div3A_2380 = arith.divsi %mul3A_2343, %jit3A_2379 : i32
        %sign3A_2381 = arith.constant 0 : i32
        %sign3A_2382 = arith.cmpi sgt, %mul3A_2343, %sign3A_2381 : i32
        %sign3A_2383 = arith.extui %sign3A_2382 : i1 to i32
        %sign3A_2384 = arith.constant 0 : i32
        %sign3A_2385 = arith.cmpi slt, %mul3A_2343, %sign3A_2384 : i32
        %sign3A_2386 = arith.extui %sign3A_2385 : i1 to i32
        %sign3A_2387 = arith.subi %sign3A_2383, %sign3A_2386 : i32
        %sign3A_2388 = arith.constant 0 : i32
        %sign3A_2389 = arith.cmpi sgt, %jit3A_2379, %sign3A_2388 : i32
        %sign3A_2390 = arith.extui %sign3A_2389 : i1 to i32
        %sign3A_2391 = arith.constant 0 : i32
        %sign3A_2392 = arith.cmpi slt, %jit3A_2379, %sign3A_2391 : i32
        %sign3A_2393 = arith.extui %sign3A_2392 : i1 to i32
        %sign3A_2394 = arith.subi %sign3A_2390, %sign3A_2393 : i32
        %ne3A_2395 = arith.cmpi ne, %sign3A_2387, %sign3A_2394 : i32
        %rem3A_2396 = arith.remsi %mul3A_2343, %jit3A_2379 : i32
        %ne3A_2397 = arith.constant 0 : i32
        %ne3A_2398 = arith.cmpi ne, %rem3A_2396, %ne3A_2397 : i32
        %and3A_2399 = arith.andi %ne3A_2395, %ne3A_2398 : i1
        %sub3A_2400 = arith.constant 1 : i32
        %sub3A_2401 = arith.subi %div3A_2380, %sub3A_2400 : i32
        %select_n3A_2402 = arith.select %and3A_2399, %sub3A_2401, %div3A_2380 : i32
        %jit3A_2403 = arith.constant 256 : i32
        %eq3A_2404 = arith.constant 0 : i32
        %eq3A_2405 = arith.cmpi eq, %jit3A_2403, %eq3A_2404 : i32
        %jit3A_2406 = arith.constant 1 : i32
        %select_n3A_2407 = arith.select %eq3A_2405, %jit3A_2406, %jit3A_2403 : i32
        %rem3A_2408 = arith.remsi %mul3A_2343, %select_n3A_2407 : i32
        %ne3A_2409 = arith.constant 0 : i32
        %ne3A_2410 = arith.cmpi ne, %rem3A_2408, %ne3A_2409 : i32
        %lt3A_2411 = arith.constant 0 : i32
        %lt3A_2412 = arith.cmpi slt, %rem3A_2408, %lt3A_2411 : i32
        %lt3A_2413 = arith.constant 0 : i32
        %lt3A_2414 = arith.cmpi slt, %select_n3A_2407, %lt3A_2413 : i32
        %ne3A_2415 = arith.xori %lt3A_2412, %lt3A_2414 : i1
        %and3A_2416 = arith.andi %ne3A_2415, %ne3A_2410 : i1
        %add3A_2417 = arith.addi %rem3A_2408, %select_n3A_2407 : i32
        %select_n3A_2418 = arith.select %and3A_2416, %add3A_2417, %rem3A_2408 : i32
        %swap3A_2419 = arith.constant 0 : i32
        %swap3A_2420 = arith.index_cast %rem3A_1479 : i32 to index
        %swap3A_2421 = arith.index_cast %swap3A_2419 : i32 to index
        %swap3A_2422 = arith.index_cast %select_n3A_2402 : i32 to index
        %swap3A_2423 = arith.index_cast %select_n3A_2418 : i32 to index
        %swap3A_2424 = tpu.vector_load %arg13[%swap3A_2420, %swap3A_2421, %swap3A_2422, %swap3A_2423] {strides = array<i32>} : memref<2x4x32x256xf32, #tpu.memory_space<vmem>>, vector<16xf32>,
        tpu.vector_store %arg13[%swap3A_2420, %swap3A_2421, %swap3A_2422, %swap3A_2423], %select_n3A_2378 {strides = array<i32>} : memref<2x4x32x256xf32, #tpu.memory_space<vmem>>, vector<16xf32>,
        %mul3A_2425 = arith.constant 4 : i32
        %mul3A_2426 = arith.muli %scan3A_2162, %mul3A_2425 : i32
        %add3A_2427 = arith.constant 3 : i32
        %add3A_2428 = arith.addi %mul3A_2426, %add3A_2427 : i32
        %mul3A_2429 = arith.constant 16 : i32
        %mul3A_2430 = arith.muli %add3A_2428, %mul3A_2429 : i32
        %get3A_2431 = arith.index_cast %rem3A_1479 : i32 to index
        %get3A_2432 = arith.index_cast %mul3A_2430 : i32 to index
        %get3A_2433 = tpu.vector_load %arg12[%get3A_2431, %get3A_2432] {strides = array<i32>} : memref<2x8192xf32, #tpu.memory_space<vmem>>, vector<16xf32>,
        %broadcast_in_dim3A_2434 = arith.constant 0.000000e+00 : f32
        %broadcast_in_dim3A_2435 = vector.broadcast %broadcast_in_dim3A_2434 : f32 to vector<16xf32>
        %ge3A_2436 = arith.cmpf oge, %get3A_2433, %gather3A_1509 : vector<16xf32>
        %mul3A_2437 = arith.mulf %gather3A_1533, %get3A_2433 : vector<16xf32>
        %add3A_2438 = arith.addf %mul3A_2437, %gather3A_1554 : vector<16xf32>
        %select_n3A_2439 = arith.select %ge3A_2436, %add3A_2438, %broadcast_in_dim3A_2435 : vector<16xi1>, vector<16xf32>
        %ge3A_2440 = arith.cmpf oge, %get3A_2433, %gather3A_1512 : vector<16xf32>
        %mul3A_2441 = arith.mulf %gather3A_1536, %get3A_2433 : vector<16xf32>
        %add3A_2442 = arith.addf %mul3A_2441, %gather3A_1557 : vector<16xf32>
        %select_n3A_2443 = arith.select %ge3A_2440, %add3A_2442, %select_n3A_2439 : vector<16xi1>, vector<16xf32>
        %ge3A_2444 = arith.cmpf oge, %get3A_2433, %gather3A_1515 : vector<16xf32>
        %mul3A_2445 = arith.mulf %gather3A_1539, %get3A_2433 : vector<16xf32>
        %add3A_2446 = arith.addf %mul3A_2445, %gather3A_1560 : vector<16xf32>
        %select_n3A_2447 = arith.select %ge3A_2444, %add3A_2446, %select_n3A_2443 : vector<16xi1>, vector<16xf32>
        %ge3A_2448 = arith.cmpf oge, %get3A_2433, %gather3A_1518 : vector<16xf32>
        %mul3A_2449 = arith.mulf %gather3A_1542, %get3A_2433 : vector<16xf32>
        %add3A_2450 = arith.addf %mul3A_2449, %gather3A_1563 : vector<16xf32>
        %select_n3A_2451 = arith.select %ge3A_2448, %add3A_2450, %select_n3A_2447 : vector<16xi1>, vector<16xf32>
        %ge3A_2452 = arith.cmpf oge, %get3A_2433, %gather3A_1521 : vector<16xf32>
        %mul3A_2453 = arith.mulf %gather3A_1545, %get3A_2433 : vector<16xf32>
        %add3A_2454 = arith.addf %mul3A_2453, %gather3A_1566 : vector<16xf32>
        %select_n3A_2455 = arith.select %ge3A_2452, %add3A_2454, %select_n3A_2451 : vector<16xi1>, vector<16xf32>
        %ge3A_2456 = arith.cmpf oge, %get3A_2433, %gather3A_1524 : vector<16xf32>
        %mul3A_2457 = arith.mulf %gather3A_1548, %get3A_2433 : vector<16xf32>
        %add3A_2458 = arith.addf %mul3A_2457, %gather3A_1569 : vector<16xf32>
        %select_n3A_2459 = arith.select %ge3A_2456, %add3A_2458, %select_n3A_2455 : vector<16xi1>, vector<16xf32>
        %ge3A_2460 = arith.cmpf oge, %get3A_2433, %gather3A_1527 : vector<16xf32>
        %mul3A_2461 = arith.mulf %gather3A_1551, %get3A_2433 : vector<16xf32>
        %add3A_2462 = arith.addf %mul3A_2461, %gather3A_1572 : vector<16xf32>
        %select_n3A_2463 = arith.select %ge3A_2460, %add3A_2462, %select_n3A_2459 : vector<16xi1>, vector<16xf32>
        %ge3A_2464 = arith.cmpf oge, %get3A_2433, %gather3A_1530 : vector<16xf32>
        %select_n3A_2465 = arith.select %ge3A_2464, %gather3A_1575, %select_n3A_2463 : vector<16xi1>, vector<16xf32>
        %jit3A_2466 = arith.constant 256 : i32
        %div3A_2467 = arith.divsi %mul3A_2430, %jit3A_2466 : i32
        %sign3A_2468 = arith.constant 0 : i32
        %sign3A_2469 = arith.cmpi sgt, %mul3A_2430, %sign3A_2468 : i32
        %sign3A_2470 = arith.extui %sign3A_2469 : i1 to i32
        %sign3A_2471 = arith.constant 0 : i32
        %sign3A_2472 = arith.cmpi slt, %mul3A_2430, %sign3A_2471 : i32
        %sign3A_2473 = arith.extui %sign3A_2472 : i1 to i32
        %sign3A_2474 = arith.subi %sign3A_2470, %sign3A_2473 : i32
        %sign3A_2475 = arith.constant 0 : i32
        %sign3A_2476 = arith.cmpi sgt, %jit3A_2466, %sign3A_2475 : i32
        %sign3A_2477 = arith.extui %sign3A_2476 : i1 to i32
        %sign3A_2478 = arith.constant 0 : i32
        %sign3A_2479 = arith.cmpi slt, %jit3A_2466, %sign3A_2478 : i32
        %sign3A_2480 = arith.extui %sign3A_2479 : i1 to i32
        %sign3A_2481 = arith.subi %sign3A_2477, %sign3A_2480 : i32
        %ne3A_2482 = arith.cmpi ne, %sign3A_2474, %sign3A_2481 : i32
        %rem3A_2483 = arith.remsi %mul3A_2430, %jit3A_2466 : i32
        %ne3A_2484 = arith.constant 0 : i32
        %ne3A_2485 = arith.cmpi ne, %rem3A_2483, %ne3A_2484 : i32
        %and3A_2486 = arith.andi %ne3A_2482, %ne3A_2485 : i1
        %sub3A_2487 = arith.constant 1 : i32
        %sub3A_2488 = arith.subi %div3A_2467, %sub3A_2487 : i32
        %select_n3A_2489 = arith.select %and3A_2486, %sub3A_2488, %div3A_2467 : i32
        %jit3A_2490 = arith.constant 256 : i32
        %eq3A_2491 = arith.constant 0 : i32
        %eq3A_2492 = arith.cmpi eq, %jit3A_2490, %eq3A_2491 : i32
        %jit3A_2493 = arith.constant 1 : i32
        %select_n3A_2494 = arith.select %eq3A_2492, %jit3A_2493, %jit3A_2490 : i32
        %rem3A_2495 = arith.remsi %mul3A_2430, %select_n3A_2494 : i32
        %ne3A_2496 = arith.constant 0 : i32
        %ne3A_2497 = arith.cmpi ne, %rem3A_2495, %ne3A_2496 : i32
        %lt3A_2498 = arith.constant 0 : i32
        %lt3A_2499 = arith.cmpi slt, %rem3A_2495, %lt3A_2498 : i32
        %lt3A_2500 = arith.constant 0 : i32
        %lt3A_2501 = arith.cmpi slt, %select_n3A_2494, %lt3A_2500 : i32
        %ne3A_2502 = arith.xori %lt3A_2499, %lt3A_2501 : i1
        %and3A_2503 = arith.andi %ne3A_2502, %ne3A_2497 : i1
        %add3A_2504 = arith.addi %rem3A_2495, %select_n3A_2494 : i32
        %select_n3A_2505 = arith.select %and3A_2503, %add3A_2504, %rem3A_2495 : i32
        %swap3A_2506 = arith.constant 0 : i32
        %swap3A_2507 = arith.index_cast %rem3A_1479 : i32 to index
        %swap3A_2508 = arith.index_cast %swap3A_2506 : i32 to index
        %swap3A_2509 = arith.index_cast %select_n3A_2489 : i32 to index
        %swap3A_2510 = arith.index_cast %select_n3A_2505 : i32 to index
        %swap3A_2511 = tpu.vector_load %arg13[%swap3A_2507, %swap3A_2508, %swap3A_2509, %swap3A_2510] {strides = array<i32>} : memref<2x4x32x256xf32, #tpu.memory_space<vmem>>, vector<16xf32>,
        tpu.vector_store %arg13[%swap3A_2507, %swap3A_2508, %swap3A_2509, %swap3A_2510], %select_n3A_2465 {strides = array<i32>} : memref<2x4x32x256xf32, #tpu.memory_space<vmem>>, vector<16xf32>,
        %scan3A_2512 = arith.constant 0 : i32
        scf.yield %scan3A_2512 : i32
      }
      %scan3A_1582 = arith.constant 128 : i32
      %mul3A_1583 = arith.constant 8192 : i32
      %mul3A_1584 = arith.muli %scan3A_1476, %mul3A_1583 : i32
      %add3A_1585 = arith.addi %mul3A_32, %mul3A_1584 : i32
      %jit3A_1586 = arith.constant 131072 : i32
      %div3A_1587 = arith.divsi %add3A_1585, %jit3A_1586 : i32
      %sign3A_1588 = arith.constant 0 : i32
      %sign3A_1589 = arith.cmpi sgt, %add3A_1585, %sign3A_1588 : i32
      %sign3A_1590 = arith.extui %sign3A_1589 : i1 to i32
      %sign3A_1591 = arith.constant 0 : i32
      %sign3A_1592 = arith.cmpi slt, %add3A_1585, %sign3A_1591 : i32
      %sign3A_1593 = arith.extui %sign3A_1592 : i1 to i32
      %sign3A_1594 = arith.subi %sign3A_1590, %sign3A_1593 : i32
      %sign3A_1595 = arith.constant 0 : i32
      %sign3A_1596 = arith.cmpi sgt, %jit3A_1586, %sign3A_1595 : i32
      %sign3A_1597 = arith.extui %sign3A_1596 : i1 to i32
      %sign3A_1598 = arith.constant 0 : i32
      %sign3A_1599 = arith.cmpi slt, %jit3A_1586, %sign3A_1598 : i32
      %sign3A_1600 = arith.extui %sign3A_1599 : i1 to i32
      %sign3A_1601 = arith.subi %sign3A_1597, %sign3A_1600 : i32
      %ne3A_1602 = arith.cmpi ne, %sign3A_1594, %sign3A_1601 : i32
      %rem3A_1603 = arith.remsi %add3A_1585, %jit3A_1586 : i32
      %ne3A_1604 = arith.constant 0 : i32
      %ne3A_1605 = arith.cmpi ne, %rem3A_1603, %ne3A_1604 : i32
      %and3A_1606 = arith.andi %ne3A_1602, %ne3A_1605 : i1
      %sub3A_1607 = arith.constant 1 : i32
      %sub3A_1608 = arith.subi %div3A_1587, %sub3A_1607 : i32
      %select_n3A_1609 = arith.select %and3A_1606, %sub3A_1608, %div3A_1587 : i32
      %jit3A_1610 = arith.constant 131072 : i32
      %eq3A_1611 = arith.constant 0 : i32
      %eq3A_1612 = arith.cmpi eq, %jit3A_1610, %eq3A_1611 : i32
      %jit3A_1613 = arith.constant 1 : i32
      %select_n3A_1614 = arith.select %eq3A_1612, %jit3A_1613, %jit3A_1610 : i32
      %rem3A_1615 = arith.remsi %add3A_1585, %select_n3A_1614 : i32
      %ne3A_1616 = arith.constant 0 : i32
      %ne3A_1617 = arith.cmpi ne, %rem3A_1615, %ne3A_1616 : i32
      %lt3A_1618 = arith.constant 0 : i32
      %lt3A_1619 = arith.cmpi slt, %rem3A_1615, %lt3A_1618 : i32
      %lt3A_1620 = arith.constant 0 : i32
      %lt3A_1621 = arith.cmpi slt, %select_n3A_1614, %lt3A_1620 : i32
      %ne3A_1622 = arith.xori %lt3A_1619, %lt3A_1621 : i1
      %and3A_1623 = arith.andi %ne3A_1622, %ne3A_1617 : i1
      %add3A_1624 = arith.addi %rem3A_1615, %select_n3A_1614 : i32
      %select_n3A_1625 = arith.select %and3A_1623, %add3A_1624, %rem3A_1615 : i32
      %jit3A_1626 = arith.constant 256 : i32
      %div3A_1627 = arith.divsi %select_n3A_1625, %jit3A_1626 : i32
      %sign3A_1628 = arith.constant 0 : i32
      %sign3A_1629 = arith.cmpi sgt, %select_n3A_1625, %sign3A_1628 : i32
      %sign3A_1630 = arith.extui %sign3A_1629 : i1 to i32
      %sign3A_1631 = arith.constant 0 : i32
      %sign3A_1632 = arith.cmpi slt, %select_n3A_1625, %sign3A_1631 : i32
      %sign3A_1633 = arith.extui %sign3A_1632 : i1 to i32
      %sign3A_1634 = arith.subi %sign3A_1630, %sign3A_1633 : i32
      %sign3A_1635 = arith.constant 0 : i32
      %sign3A_1636 = arith.cmpi sgt, %jit3A_1626, %sign3A_1635 : i32
      %sign3A_1637 = arith.extui %sign3A_1636 : i1 to i32
      %sign3A_1638 = arith.constant 0 : i32
      %sign3A_1639 = arith.cmpi slt, %jit3A_1626, %sign3A_1638 : i32
      %sign3A_1640 = arith.extui %sign3A_1639 : i1 to i32
      %sign3A_1641 = arith.subi %sign3A_1637, %sign3A_1640 : i32
      %ne3A_1642 = arith.cmpi ne, %sign3A_1634, %sign3A_1641 : i32
      %rem3A_1643 = arith.remsi %select_n3A_1625, %jit3A_1626 : i32
      %ne3A_1644 = arith.constant 0 : i32
      %ne3A_1645 = arith.cmpi ne, %rem3A_1643, %ne3A_1644 : i32
      %and3A_1646 = arith.andi %ne3A_1642, %ne3A_1645 : i1
      %sub3A_1647 = arith.constant 1 : i32
      %sub3A_1648 = arith.subi %div3A_1627, %sub3A_1647 : i32
      %select_n3A_1649 = arith.select %and3A_1646, %sub3A_1648, %div3A_1627 : i32
      %multiple_of3A_1650 = tpu.assume_multiple %select_n3A_1649, 32 : i32
      %dma_start3A_1651 = arith.constant 0 : i32
      %dma_start3A_1652 = arith.constant 0 : i32
      %dma_start3A_1653 = arith.constant 0 : i32
      %dma_start3A_1654 = arith.constant 0 : i32
      %dma_start3A_1655 = tpu.memref_slice %arg13[%rem3A_1479, %dma_start3A_1651, %dma_start3A_1653, %dma_start3A_1654] : memref<2x4x32x256xf32, #tpu.memory_space<vmem>> -> memref<1x1x32x256xf32, #tpu.memory_space<vmem>>
      %dma_start3A_1656 = tpu.memref_squeeze %dma_start3A_1655 : memref<1x1x32x256xf32, #tpu.memory_space<vmem>> -> memref<32x256xf32, #tpu.memory_space<vmem>>
      %dma_start3A_1657 = arith.constant 0 : i32
      %dma_start3A_1658 = tpu.memref_slice %arg5[%select_n3A, %dma_start3A_1652, %select_n3A_1609, %multiple_of3A_1650, %dma_start3A_1657] : memref<2x4x3x512x256xf32, #tpu.memory_space<hbm>> -> memref<1x1x1x32x256xf32, #tpu.memory_space<hbm>>
      %dma_start3A_1659 = tpu.memref_squeeze %dma_start3A_1658 : memref<1x1x1x32x256xf32, #tpu.memory_space<hbm>> -> memref<32x256xf32, #tpu.memory_space<hbm>>
      %dma_start3A_1660 = tpu.memref_slice %arg15[%rem3A_1479] : memref<2x!tpu.dma_semaphore, #tpu.memory_space<semaphore_mem>> -> memref<1x!tpu.dma_semaphore, #tpu.memory_space<semaphore_mem>>
      %dma_start3A_1661 = tpu.memref_squeeze %dma_start3A_1660 : memref<1x!tpu.dma_semaphore, #tpu.memory_space<semaphore_mem>> -> memref<!tpu.dma_semaphore, #tpu.memory_space<semaphore_mem>>
      %dma_start3A_1662 = arith.constant 0 : i32
      %dma_start3A_1663 = tpu.memref_slice %arg5[%select_n3A, %dma_start3A_1652, %select_n3A_1609, %multiple_of3A_1650, %dma_start3A_1662] : memref<2x4x3x512x256xf32, #tpu.memory_space<hbm>> -> memref<1x1x1x32x256xf32, #tpu.memory_space<hbm>>
      %dma_start3A_1664 = tpu.memref_squeeze %dma_start3A_1663 : memref<1x1x1x32x256xf32, #tpu.memory_space<hbm>> -> memref<32x256xf32, #tpu.memory_space<hbm>>
      %dma_start3A_1665 = arith.constant 0 : i32
      %dma_start3A_1666 = arith.constant 0 : i32
      %dma_start3A_1667 = tpu.memref_slice %arg13[%rem3A_1479, %dma_start3A_1651, %dma_start3A_1665, %dma_start3A_1666] : memref<2x4x32x256xf32, #tpu.memory_space<vmem>> -> memref<1x1x32x256xf32, #tpu.memory_space<vmem>>
      %dma_start3A_1668 = tpu.memref_squeeze %dma_start3A_1667 : memref<1x1x32x256xf32, #tpu.memory_space<vmem>> -> memref<32x256xf32, #tpu.memory_space<vmem>>
      tpu.enqueue_dma source(%dma_start3A_1668 : memref<32x256xf32, #tpu.memory_space<vmem>>) target(%dma_start3A_1664 : memref<32x256xf32, #tpu.memory_space<hbm>>) target_semaphore(%dma_start3A_1661 : memref<!tpu.dma_semaphore, #tpu.memory_space<semaphore_mem>>)
      %broadcast_in_dim3A_1669 = arith.constant 2 : i32
      %broadcast_in_dim3A_1670 = vector.broadcast %broadcast_in_dim3A_1669 : i32 to vector<16xi32>
      %broadcast_in_dim3A_1671 = arith.constant 0 : i32
      %broadcast_in_dim3A_1672 = vector.broadcast %broadcast_in_dim3A_1671 : i32 to vector<16xi32>
      %gather3A_1673 = tpu.vector_load_idx %arg8[%broadcast_in_dim3A_1670, %broadcast_in_dim3A_1672] : memref<5x16xf32, #tpu.memory_space<vmem>>[vector<16xi32>, vector<16xi32>], vector<16xf32>,
      %broadcast_in_dim3A_1674 = arith.constant 1 : i32
      %broadcast_in_dim3A_1675 = vector.broadcast %broadcast_in_dim3A_1674 : i32 to vector<16xi32>
      %gather3A_1676 = tpu.vector_load_idx %arg8[%broadcast_in_dim3A_1670, %broadcast_in_dim3A_1675] : memref<5x16xf32, #tpu.memory_space<vmem>>[vector<16xi32>, vector<16xi32>], vector<16xf32>,
      %broadcast_in_dim3A_1677 = arith.constant 2 : i32
      %broadcast_in_dim3A_1678 = vector.broadcast %broadcast_in_dim3A_1677 : i32 to vector<16xi32>
      %gather3A_1679 = tpu.vector_load_idx %arg8[%broadcast_in_dim3A_1670, %broadcast_in_dim3A_1678] : memref<5x16xf32, #tpu.memory_space<vmem>>[vector<16xi32>, vector<16xi32>], vector<16xf32>,
      %broadcast_in_dim3A_1680 = arith.constant 3 : i32
      %broadcast_in_dim3A_1681 = vector.broadcast %broadcast_in_dim3A_1680 : i32 to vector<16xi32>
      %gather3A_1682 = tpu.vector_load_idx %arg8[%broadcast_in_dim3A_1670, %broadcast_in_dim3A_1681] : memref<5x16xf32, #tpu.memory_space<vmem>>[vector<16xi32>, vector<16xi32>], vector<16xf32>,
      %broadcast_in_dim3A_1683 = arith.constant 4 : i32
      %broadcast_in_dim3A_1684 = vector.broadcast %broadcast_in_dim3A_1683 : i32 to vector<16xi32>
      %gather3A_1685 = tpu.vector_load_idx %arg8[%broadcast_in_dim3A_1670, %broadcast_in_dim3A_1684] : memref<5x16xf32, #tpu.memory_space<vmem>>[vector<16xi32>, vector<16xi32>], vector<16xf32>,
      %broadcast_in_dim3A_1686 = arith.constant 5 : i32
      %broadcast_in_dim3A_1687 = vector.broadcast %broadcast_in_dim3A_1686 : i32 to vector<16xi32>
      %gather3A_1688 = tpu.vector_load_idx %arg8[%broadcast_in_dim3A_1670, %broadcast_in_dim3A_1687] : memref<5x16xf32, #tpu.memory_space<vmem>>[vector<16xi32>, vector<16xi32>], vector<16xf32>,
      %broadcast_in_dim3A_1689 = arith.constant 6 : i32
      %broadcast_in_dim3A_1690 = vector.broadcast %broadcast_in_dim3A_1689 : i32 to vector<16xi32>
      %gather3A_1691 = tpu.vector_load_idx %arg8[%broadcast_in_dim3A_1670, %broadcast_in_dim3A_1690] : memref<5x16xf32, #tpu.memory_space<vmem>>[vector<16xi32>, vector<16xi32>], vector<16xf32>,
      %broadcast_in_dim3A_1692 = arith.constant 7 : i32
      %broadcast_in_dim3A_1693 = vector.broadcast %broadcast_in_dim3A_1692 : i32 to vector<16xi32>
      %gather3A_1694 = tpu.vector_load_idx %arg8[%broadcast_in_dim3A_1670, %broadcast_in_dim3A_1693] : memref<5x16xf32, #tpu.memory_space<vmem>>[vector<16xi32>, vector<16xi32>], vector<16xf32>,
      %broadcast_in_dim3A_1695 = arith.constant 1 : i32
      %broadcast_in_dim3A_1696 = vector.broadcast %broadcast_in_dim3A_1695 : i32 to vector<16xi32>
      %gather3A_1697 = tpu.vector_load_idx %arg9[%broadcast_in_dim3A_1670, %broadcast_in_dim3A_1696] : memref<5x16xf32, #tpu.memory_space<vmem>>[vector<16xi32>, vector<16xi32>], vector<16xf32>,
      %broadcast_in_dim3A_1698 = arith.constant 2 : i32
      %broadcast_in_dim3A_1699 = vector.broadcast %broadcast_in_dim3A_1698 : i32 to vector<16xi32>
      %gather3A_1700 = tpu.vector_load_idx %arg9[%broadcast_in_dim3A_1670, %broadcast_in_dim3A_1699] : memref<5x16xf32, #tpu.memory_space<vmem>>[vector<16xi32>, vector<16xi32>], vector<16xf32>,
      %broadcast_in_dim3A_1701 = arith.constant 3 : i32
      %broadcast_in_dim3A_1702 = vector.broadcast %broadcast_in_dim3A_1701 : i32 to vector<16xi32>
      %gather3A_1703 = tpu.vector_load_idx %arg9[%broadcast_in_dim3A_1670, %broadcast_in_dim3A_1702] : memref<5x16xf32, #tpu.memory_space<vmem>>[vector<16xi32>, vector<16xi32>], vector<16xf32>,
      %broadcast_in_dim3A_1704 = arith.constant 4 : i32
      %broadcast_in_dim3A_1705 = vector.broadcast %broadcast_in_dim3A_1704 : i32 to vector<16xi32>
      %gather3A_1706 = tpu.vector_load_idx %arg9[%broadcast_in_dim3A_1670, %broadcast_in_dim3A_1705] : memref<5x16xf32, #tpu.memory_space<vmem>>[vector<16xi32>, vector<16xi32>], vector<16xf32>,
      %broadcast_in_dim3A_1707 = arith.constant 5 : i32
      %broadcast_in_dim3A_1708 = vector.broadcast %broadcast_in_dim3A_1707 : i32 to vector<16xi32>
      %gather3A_1709 = tpu.vector_load_idx %arg9[%broadcast_in_dim3A_1670, %broadcast_in_dim3A_1708] : memref<5x16xf32, #tpu.memory_space<vmem>>[vector<16xi32>, vector<16xi32>], vector<16xf32>,
      %broadcast_in_dim3A_1710 = arith.constant 6 : i32
      %broadcast_in_dim3A_1711 = vector.broadcast %broadcast_in_dim3A_1710 : i32 to vector<16xi32>
      %gather3A_1712 = tpu.vector_load_idx %arg9[%broadcast_in_dim3A_1670, %broadcast_in_dim3A_1711] : memref<5x16xf32, #tpu.memory_space<vmem>>[vector<16xi32>, vector<16xi32>], vector<16xf32>,
      %broadcast_in_dim3A_1713 = arith.constant 7 : i32
      %broadcast_in_dim3A_1714 = vector.broadcast %broadcast_in_dim3A_1713 : i32 to vector<16xi32>
      %gather3A_1715 = tpu.vector_load_idx %arg9[%broadcast_in_dim3A_1670, %broadcast_in_dim3A_1714] : memref<5x16xf32, #tpu.memory_space<vmem>>[vector<16xi32>, vector<16xi32>], vector<16xf32>,
      %broadcast_in_dim3A_1716 = arith.constant 1 : i32
      %broadcast_in_dim3A_1717 = vector.broadcast %broadcast_in_dim3A_1716 : i32 to vector<16xi32>
      %gather3A_1718 = tpu.vector_load_idx %arg10[%broadcast_in_dim3A_1670, %broadcast_in_dim3A_1717] : memref<5x16xf32, #tpu.memory_space<vmem>>[vector<16xi32>, vector<16xi32>], vector<16xf32>,
      %broadcast_in_dim3A_1719 = arith.constant 2 : i32
      %broadcast_in_dim3A_1720 = vector.broadcast %broadcast_in_dim3A_1719 : i32 to vector<16xi32>
      %gather3A_1721 = tpu.vector_load_idx %arg10[%broadcast_in_dim3A_1670, %broadcast_in_dim3A_1720] : memref<5x16xf32, #tpu.memory_space<vmem>>[vector<16xi32>, vector<16xi32>], vector<16xf32>,
      %broadcast_in_dim3A_1722 = arith.constant 3 : i32
      %broadcast_in_dim3A_1723 = vector.broadcast %broadcast_in_dim3A_1722 : i32 to vector<16xi32>
      %gather3A_1724 = tpu.vector_load_idx %arg10[%broadcast_in_dim3A_1670, %broadcast_in_dim3A_1723] : memref<5x16xf32, #tpu.memory_space<vmem>>[vector<16xi32>, vector<16xi32>], vector<16xf32>,
      %broadcast_in_dim3A_1725 = arith.constant 4 : i32
      %broadcast_in_dim3A_1726 = vector.broadcast %broadcast_in_dim3A_1725 : i32 to vector<16xi32>
      %gather3A_1727 = tpu.vector_load_idx %arg10[%broadcast_in_dim3A_1670, %broadcast_in_dim3A_1726] : memref<5x16xf32, #tpu.memory_space<vmem>>[vector<16xi32>, vector<16xi32>], vector<16xf32>,
      %broadcast_in_dim3A_1728 = arith.constant 5 : i32
      %broadcast_in_dim3A_1729 = vector.broadcast %broadcast_in_dim3A_1728 : i32 to vector<16xi32>
      %gather3A_1730 = tpu.vector_load_idx %arg10[%broadcast_in_dim3A_1670, %broadcast_in_dim3A_1729] : memref<5x16xf32, #tpu.memory_space<vmem>>[vector<16xi32>, vector<16xi32>], vector<16xf32>,
      %broadcast_in_dim3A_1731 = arith.constant 6 : i32
      %broadcast_in_dim3A_1732 = vector.broadcast %broadcast_in_dim3A_1731 : i32 to vector<16xi32>
      %gather3A_1733 = tpu.vector_load_idx %arg10[%broadcast_in_dim3A_1670, %broadcast_in_dim3A_1732] : memref<5x16xf32, #tpu.memory_space<vmem>>[vector<16xi32>, vector<16xi32>], vector<16xf32>,
      %broadcast_in_dim3A_1734 = arith.constant 7 : i32
      %broadcast_in_dim3A_1735 = vector.broadcast %broadcast_in_dim3A_1734 : i32 to vector<16xi32>
      %gather3A_1736 = tpu.vector_load_idx %arg10[%broadcast_in_dim3A_1670, %broadcast_in_dim3A_1735] : memref<5x16xf32, #tpu.memory_space<vmem>>[vector<16xi32>, vector<16xi32>], vector<16xf32>,
      %broadcast_in_dim3A_1737 = arith.constant 8 : i32
      %broadcast_in_dim3A_1738 = vector.broadcast %broadcast_in_dim3A_1737 : i32 to vector<16xi32>
      %gather3A_1739 = tpu.vector_load_idx %arg10[%broadcast_in_dim3A_1670, %broadcast_in_dim3A_1738] : memref<5x16xf32, #tpu.memory_space<vmem>>[vector<16xi32>, vector<16xi32>], vector<16xf32>,
      %scan3A_1740 = arith.constant 0 : i32
      %scan3A_1741 = arith.constant 0 : i32
      %scan3A_1742 = arith.constant 128 : i32
      %scan3A_1743 = arith.addi %scan3A_1741, %scan3A_1742 : i32
      %scan3A_1744 = arith.constant 1 : i32
      %scan3A_1745 = scf.for %scan3A_2162 = %scan3A_1741 to %scan3A_1743 step %scan3A_1744 iter_args(%scan3A_2163 = %scan3A_1740) -> (i32)  : i32 {
        %mul3A_2164 = arith.constant 4 : i32
        %mul3A_2165 = arith.muli %scan3A_2162, %mul3A_2164 : i32
        %add3A_2166 = arith.constant 0 : i32
        %add3A_2167 = arith.addi %mul3A_2165, %add3A_2166 : i32
        %mul3A_2168 = arith.constant 16 : i32
        %mul3A_2169 = arith.muli %add3A_2167, %mul3A_2168 : i32
        %get3A_2170 = arith.index_cast %rem3A_1479 : i32 to index
        %get3A_2171 = arith.index_cast %mul3A_2169 : i32 to index
        %get3A_2172 = tpu.vector_load %arg12[%get3A_2170, %get3A_2171] {strides = array<i32>} : memref<2x8192xf32, #tpu.memory_space<vmem>>, vector<16xf32>,
        %broadcast_in_dim3A_2173 = arith.constant 0.000000e+00 : f32
        %broadcast_in_dim3A_2174 = vector.broadcast %broadcast_in_dim3A_2173 : f32 to vector<16xf32>
        %ge3A_2175 = arith.cmpf oge, %get3A_2172, %gather3A_1673 : vector<16xf32>
        %mul3A_2176 = arith.mulf %gather3A_1697, %get3A_2172 : vector<16xf32>
        %add3A_2177 = arith.addf %mul3A_2176, %gather3A_1718 : vector<16xf32>
        %select_n3A_2178 = arith.select %ge3A_2175, %add3A_2177, %broadcast_in_dim3A_2174 : vector<16xi1>, vector<16xf32>
        %ge3A_2179 = arith.cmpf oge, %get3A_2172, %gather3A_1676 : vector<16xf32>
        %mul3A_2180 = arith.mulf %gather3A_1700, %get3A_2172 : vector<16xf32>
        %add3A_2181 = arith.addf %mul3A_2180, %gather3A_1721 : vector<16xf32>
        %select_n3A_2182 = arith.select %ge3A_2179, %add3A_2181, %select_n3A_2178 : vector<16xi1>, vector<16xf32>
        %ge3A_2183 = arith.cmpf oge, %get3A_2172, %gather3A_1679 : vector<16xf32>
        %mul3A_2184 = arith.mulf %gather3A_1703, %get3A_2172 : vector<16xf32>
        %add3A_2185 = arith.addf %mul3A_2184, %gather3A_1724 : vector<16xf32>
        %select_n3A_2186 = arith.select %ge3A_2183, %add3A_2185, %select_n3A_2182 : vector<16xi1>, vector<16xf32>
        %ge3A_2187 = arith.cmpf oge, %get3A_2172, %gather3A_1682 : vector<16xf32>
        %mul3A_2188 = arith.mulf %gather3A_1706, %get3A_2172 : vector<16xf32>
        %add3A_2189 = arith.addf %mul3A_2188, %gather3A_1727 : vector<16xf32>
        %select_n3A_2190 = arith.select %ge3A_2187, %add3A_2189, %select_n3A_2186 : vector<16xi1>, vector<16xf32>
        %ge3A_2191 = arith.cmpf oge, %get3A_2172, %gather3A_1685 : vector<16xf32>
        %mul3A_2192 = arith.mulf %gather3A_1709, %get3A_2172 : vector<16xf32>
        %add3A_2193 = arith.addf %mul3A_2192, %gather3A_1730 : vector<16xf32>
        %select_n3A_2194 = arith.select %ge3A_2191, %add3A_2193, %select_n3A_2190 : vector<16xi1>, vector<16xf32>
        %ge3A_2195 = arith.cmpf oge, %get3A_2172, %gather3A_1688 : vector<16xf32>
        %mul3A_2196 = arith.mulf %gather3A_1712, %get3A_2172 : vector<16xf32>
        %add3A_2197 = arith.addf %mul3A_2196, %gather3A_1733 : vector<16xf32>
        %select_n3A_2198 = arith.select %ge3A_2195, %add3A_2197, %select_n3A_2194 : vector<16xi1>, vector<16xf32>
        %ge3A_2199 = arith.cmpf oge, %get3A_2172, %gather3A_1691 : vector<16xf32>
        %mul3A_2200 = arith.mulf %gather3A_1715, %get3A_2172 : vector<16xf32>
        %add3A_2201 = arith.addf %mul3A_2200, %gather3A_1736 : vector<16xf32>
        %select_n3A_2202 = arith.select %ge3A_2199, %add3A_2201, %select_n3A_2198 : vector<16xi1>, vector<16xf32>
        %ge3A_2203 = arith.cmpf oge, %get3A_2172, %gather3A_1694 : vector<16xf32>
        %select_n3A_2204 = arith.select %ge3A_2203, %gather3A_1739, %select_n3A_2202 : vector<16xi1>, vector<16xf32>
        %jit3A_2205 = arith.constant 256 : i32
        %div3A_2206 = arith.divsi %mul3A_2169, %jit3A_2205 : i32
        %sign3A_2207 = arith.constant 0 : i32
        %sign3A_2208 = arith.cmpi sgt, %mul3A_2169, %sign3A_2207 : i32
        %sign3A_2209 = arith.extui %sign3A_2208 : i1 to i32
        %sign3A_2210 = arith.constant 0 : i32
        %sign3A_2211 = arith.cmpi slt, %mul3A_2169, %sign3A_2210 : i32
        %sign3A_2212 = arith.extui %sign3A_2211 : i1 to i32
        %sign3A_2213 = arith.subi %sign3A_2209, %sign3A_2212 : i32
        %sign3A_2214 = arith.constant 0 : i32
        %sign3A_2215 = arith.cmpi sgt, %jit3A_2205, %sign3A_2214 : i32
        %sign3A_2216 = arith.extui %sign3A_2215 : i1 to i32
        %sign3A_2217 = arith.constant 0 : i32
        %sign3A_2218 = arith.cmpi slt, %jit3A_2205, %sign3A_2217 : i32
        %sign3A_2219 = arith.extui %sign3A_2218 : i1 to i32
        %sign3A_2220 = arith.subi %sign3A_2216, %sign3A_2219 : i32
        %ne3A_2221 = arith.cmpi ne, %sign3A_2213, %sign3A_2220 : i32
        %rem3A_2222 = arith.remsi %mul3A_2169, %jit3A_2205 : i32
        %ne3A_2223 = arith.constant 0 : i32
        %ne3A_2224 = arith.cmpi ne, %rem3A_2222, %ne3A_2223 : i32
        %and3A_2225 = arith.andi %ne3A_2221, %ne3A_2224 : i1
        %sub3A_2226 = arith.constant 1 : i32
        %sub3A_2227 = arith.subi %div3A_2206, %sub3A_2226 : i32
        %select_n3A_2228 = arith.select %and3A_2225, %sub3A_2227, %div3A_2206 : i32
        %jit3A_2229 = arith.constant 256 : i32
        %eq3A_2230 = arith.constant 0 : i32
        %eq3A_2231 = arith.cmpi eq, %jit3A_2229, %eq3A_2230 : i32
        %jit3A_2232 = arith.constant 1 : i32
        %select_n3A_2233 = arith.select %eq3A_2231, %jit3A_2232, %jit3A_2229 : i32
        %rem3A_2234 = arith.remsi %mul3A_2169, %select_n3A_2233 : i32
        %ne3A_2235 = arith.constant 0 : i32
        %ne3A_2236 = arith.cmpi ne, %rem3A_2234, %ne3A_2235 : i32
        %lt3A_2237 = arith.constant 0 : i32
        %lt3A_2238 = arith.cmpi slt, %rem3A_2234, %lt3A_2237 : i32
        %lt3A_2239 = arith.constant 0 : i32
        %lt3A_2240 = arith.cmpi slt, %select_n3A_2233, %lt3A_2239 : i32
        %ne3A_2241 = arith.xori %lt3A_2238, %lt3A_2240 : i1
        %and3A_2242 = arith.andi %ne3A_2241, %ne3A_2236 : i1
        %add3A_2243 = arith.addi %rem3A_2234, %select_n3A_2233 : i32
        %select_n3A_2244 = arith.select %and3A_2242, %add3A_2243, %rem3A_2234 : i32
        %swap3A_2245 = arith.constant 1 : i32
        %swap3A_2246 = arith.index_cast %rem3A_1479 : i32 to index
        %swap3A_2247 = arith.index_cast %swap3A_2245 : i32 to index
        %swap3A_2248 = arith.index_cast %select_n3A_2228 : i32 to index
        %swap3A_2249 = arith.index_cast %select_n3A_2244 : i32 to index
        %swap3A_2250 = tpu.vector_load %arg13[%swap3A_2246, %swap3A_2247, %swap3A_2248, %swap3A_2249] {strides = array<i32>} : memref<2x4x32x256xf32, #tpu.memory_space<vmem>>, vector<16xf32>,
        tpu.vector_store %arg13[%swap3A_2246, %swap3A_2247, %swap3A_2248, %swap3A_2249], %select_n3A_2204 {strides = array<i32>} : memref<2x4x32x256xf32, #tpu.memory_space<vmem>>, vector<16xf32>,
        %mul3A_2251 = arith.constant 4 : i32
        %mul3A_2252 = arith.muli %scan3A_2162, %mul3A_2251 : i32
        %add3A_2253 = arith.constant 1 : i32
        %add3A_2254 = arith.addi %mul3A_2252, %add3A_2253 : i32
        %mul3A_2255 = arith.constant 16 : i32
        %mul3A_2256 = arith.muli %add3A_2254, %mul3A_2255 : i32
        %get3A_2257 = arith.index_cast %rem3A_1479 : i32 to index
        %get3A_2258 = arith.index_cast %mul3A_2256 : i32 to index
        %get3A_2259 = tpu.vector_load %arg12[%get3A_2257, %get3A_2258] {strides = array<i32>} : memref<2x8192xf32, #tpu.memory_space<vmem>>, vector<16xf32>,
        %broadcast_in_dim3A_2260 = arith.constant 0.000000e+00 : f32
        %broadcast_in_dim3A_2261 = vector.broadcast %broadcast_in_dim3A_2260 : f32 to vector<16xf32>
        %ge3A_2262 = arith.cmpf oge, %get3A_2259, %gather3A_1673 : vector<16xf32>
        %mul3A_2263 = arith.mulf %gather3A_1697, %get3A_2259 : vector<16xf32>
        %add3A_2264 = arith.addf %mul3A_2263, %gather3A_1718 : vector<16xf32>
        %select_n3A_2265 = arith.select %ge3A_2262, %add3A_2264, %broadcast_in_dim3A_2261 : vector<16xi1>, vector<16xf32>
        %ge3A_2266 = arith.cmpf oge, %get3A_2259, %gather3A_1676 : vector<16xf32>
        %mul3A_2267 = arith.mulf %gather3A_1700, %get3A_2259 : vector<16xf32>
        %add3A_2268 = arith.addf %mul3A_2267, %gather3A_1721 : vector<16xf32>
        %select_n3A_2269 = arith.select %ge3A_2266, %add3A_2268, %select_n3A_2265 : vector<16xi1>, vector<16xf32>
        %ge3A_2270 = arith.cmpf oge, %get3A_2259, %gather3A_1679 : vector<16xf32>
        %mul3A_2271 = arith.mulf %gather3A_1703, %get3A_2259 : vector<16xf32>
        %add3A_2272 = arith.addf %mul3A_2271, %gather3A_1724 : vector<16xf32>
        %select_n3A_2273 = arith.select %ge3A_2270, %add3A_2272, %select_n3A_2269 : vector<16xi1>, vector<16xf32>
        %ge3A_2274 = arith.cmpf oge, %get3A_2259, %gather3A_1682 : vector<16xf32>
        %mul3A_2275 = arith.mulf %gather3A_1706, %get3A_2259 : vector<16xf32>
        %add3A_2276 = arith.addf %mul3A_2275, %gather3A_1727 : vector<16xf32>
        %select_n3A_2277 = arith.select %ge3A_2274, %add3A_2276, %select_n3A_2273 : vector<16xi1>, vector<16xf32>
        %ge3A_2278 = arith.cmpf oge, %get3A_2259, %gather3A_1685 : vector<16xf32>
        %mul3A_2279 = arith.mulf %gather3A_1709, %get3A_2259 : vector<16xf32>
        %add3A_2280 = arith.addf %mul3A_2279, %gather3A_1730 : vector<16xf32>
        %select_n3A_2281 = arith.select %ge3A_2278, %add3A_2280, %select_n3A_2277 : vector<16xi1>, vector<16xf32>
        %ge3A_2282 = arith.cmpf oge, %get3A_2259, %gather3A_1688 : vector<16xf32>
        %mul3A_2283 = arith.mulf %gather3A_1712, %get3A_2259 : vector<16xf32>
        %add3A_2284 = arith.addf %mul3A_2283, %gather3A_1733 : vector<16xf32>
        %select_n3A_2285 = arith.select %ge3A_2282, %add3A_2284, %select_n3A_2281 : vector<16xi1>, vector<16xf32>
        %ge3A_2286 = arith.cmpf oge, %get3A_2259, %gather3A_1691 : vector<16xf32>
        %mul3A_2287 = arith.mulf %gather3A_1715, %get3A_2259 : vector<16xf32>
        %add3A_2288 = arith.addf %mul3A_2287, %gather3A_1736 : vector<16xf32>
        %select_n3A_2289 = arith.select %ge3A_2286, %add3A_2288, %select_n3A_2285 : vector<16xi1>, vector<16xf32>
        %ge3A_2290 = arith.cmpf oge, %get3A_2259, %gather3A_1694 : vector<16xf32>
        %select_n3A_2291 = arith.select %ge3A_2290, %gather3A_1739, %select_n3A_2289 : vector<16xi1>, vector<16xf32>
        %jit3A_2292 = arith.constant 256 : i32
        %div3A_2293 = arith.divsi %mul3A_2256, %jit3A_2292 : i32
        %sign3A_2294 = arith.constant 0 : i32
        %sign3A_2295 = arith.cmpi sgt, %mul3A_2256, %sign3A_2294 : i32
        %sign3A_2296 = arith.extui %sign3A_2295 : i1 to i32
        %sign3A_2297 = arith.constant 0 : i32
        %sign3A_2298 = arith.cmpi slt, %mul3A_2256, %sign3A_2297 : i32
        %sign3A_2299 = arith.extui %sign3A_2298 : i1 to i32
        %sign3A_2300 = arith.subi %sign3A_2296, %sign3A_2299 : i32
        %sign3A_2301 = arith.constant 0 : i32
        %sign3A_2302 = arith.cmpi sgt, %jit3A_2292, %sign3A_2301 : i32
        %sign3A_2303 = arith.extui %sign3A_2302 : i1 to i32
        %sign3A_2304 = arith.constant 0 : i32
        %sign3A_2305 = arith.cmpi slt, %jit3A_2292, %sign3A_2304 : i32
        %sign3A_2306 = arith.extui %sign3A_2305 : i1 to i32
        %sign3A_2307 = arith.subi %sign3A_2303, %sign3A_2306 : i32
        %ne3A_2308 = arith.cmpi ne, %sign3A_2300, %sign3A_2307 : i32
        %rem3A_2309 = arith.remsi %mul3A_2256, %jit3A_2292 : i32
        %ne3A_2310 = arith.constant 0 : i32
        %ne3A_2311 = arith.cmpi ne, %rem3A_2309, %ne3A_2310 : i32
        %and3A_2312 = arith.andi %ne3A_2308, %ne3A_2311 : i1
        %sub3A_2313 = arith.constant 1 : i32
        %sub3A_2314 = arith.subi %div3A_2293, %sub3A_2313 : i32
        %select_n3A_2315 = arith.select %and3A_2312, %sub3A_2314, %div3A_2293 : i32
        %jit3A_2316 = arith.constant 256 : i32
        %eq3A_2317 = arith.constant 0 : i32
        %eq3A_2318 = arith.cmpi eq, %jit3A_2316, %eq3A_2317 : i32
        %jit3A_2319 = arith.constant 1 : i32
        %select_n3A_2320 = arith.select %eq3A_2318, %jit3A_2319, %jit3A_2316 : i32
        %rem3A_2321 = arith.remsi %mul3A_2256, %select_n3A_2320 : i32
        %ne3A_2322 = arith.constant 0 : i32
        %ne3A_2323 = arith.cmpi ne, %rem3A_2321, %ne3A_2322 : i32
        %lt3A_2324 = arith.constant 0 : i32
        %lt3A_2325 = arith.cmpi slt, %rem3A_2321, %lt3A_2324 : i32
        %lt3A_2326 = arith.constant 0 : i32
        %lt3A_2327 = arith.cmpi slt, %select_n3A_2320, %lt3A_2326 : i32
        %ne3A_2328 = arith.xori %lt3A_2325, %lt3A_2327 : i1
        %and3A_2329 = arith.andi %ne3A_2328, %ne3A_2323 : i1
        %add3A_2330 = arith.addi %rem3A_2321, %select_n3A_2320 : i32
        %select_n3A_2331 = arith.select %and3A_2329, %add3A_2330, %rem3A_2321 : i32
        %swap3A_2332 = arith.constant 1 : i32
        %swap3A_2333 = arith.index_cast %rem3A_1479 : i32 to index
        %swap3A_2334 = arith.index_cast %swap3A_2332 : i32 to index
        %swap3A_2335 = arith.index_cast %select_n3A_2315 : i32 to index
        %swap3A_2336 = arith.index_cast %select_n3A_2331 : i32 to index
        %swap3A_2337 = tpu.vector_load %arg13[%swap3A_2333, %swap3A_2334, %swap3A_2335, %swap3A_2336] {strides = array<i32>} : memref<2x4x32x256xf32, #tpu.memory_space<vmem>>, vector<16xf32>,
        tpu.vector_store %arg13[%swap3A_2333, %swap3A_2334, %swap3A_2335, %swap3A_2336], %select_n3A_2291 {strides = array<i32>} : memref<2x4x32x256xf32, #tpu.memory_space<vmem>>, vector<16xf32>,
        %mul3A_2338 = arith.constant 4 : i32
        %mul3A_2339 = arith.muli %scan3A_2162, %mul3A_2338 : i32
        %add3A_2340 = arith.constant 2 : i32
        %add3A_2341 = arith.addi %mul3A_2339, %add3A_2340 : i32
        %mul3A_2342 = arith.constant 16 : i32
        %mul3A_2343 = arith.muli %add3A_2341, %mul3A_2342 : i32
        %get3A_2344 = arith.index_cast %rem3A_1479 : i32 to index
        %get3A_2345 = arith.index_cast %mul3A_2343 : i32 to index
        %get3A_2346 = tpu.vector_load %arg12[%get3A_2344, %get3A_2345] {strides = array<i32>} : memref<2x8192xf32, #tpu.memory_space<vmem>>, vector<16xf32>,
        %broadcast_in_dim3A_2347 = arith.constant 0.000000e+00 : f32
        %broadcast_in_dim3A_2348 = vector.broadcast %broadcast_in_dim3A_2347 : f32 to vector<16xf32>
        %ge3A_2349 = arith.cmpf oge, %get3A_2346, %gather3A_1673 : vector<16xf32>
        %mul3A_2350 = arith.mulf %gather3A_1697, %get3A_2346 : vector<16xf32>
        %add3A_2351 = arith.addf %mul3A_2350, %gather3A_1718 : vector<16xf32>
        %select_n3A_2352 = arith.select %ge3A_2349, %add3A_2351, %broadcast_in_dim3A_2348 : vector<16xi1>, vector<16xf32>
        %ge3A_2353 = arith.cmpf oge, %get3A_2346, %gather3A_1676 : vector<16xf32>
        %mul3A_2354 = arith.mulf %gather3A_1700, %get3A_2346 : vector<16xf32>
        %add3A_2355 = arith.addf %mul3A_2354, %gather3A_1721 : vector<16xf32>
        %select_n3A_2356 = arith.select %ge3A_2353, %add3A_2355, %select_n3A_2352 : vector<16xi1>, vector<16xf32>
        %ge3A_2357 = arith.cmpf oge, %get3A_2346, %gather3A_1679 : vector<16xf32>
        %mul3A_2358 = arith.mulf %gather3A_1703, %get3A_2346 : vector<16xf32>
        %add3A_2359 = arith.addf %mul3A_2358, %gather3A_1724 : vector<16xf32>
        %select_n3A_2360 = arith.select %ge3A_2357, %add3A_2359, %select_n3A_2356 : vector<16xi1>, vector<16xf32>
        %ge3A_2361 = arith.cmpf oge, %get3A_2346, %gather3A_1682 : vector<16xf32>
        %mul3A_2362 = arith.mulf %gather3A_1706, %get3A_2346 : vector<16xf32>
        %add3A_2363 = arith.addf %mul3A_2362, %gather3A_1727 : vector<16xf32>
        %select_n3A_2364 = arith.select %ge3A_2361, %add3A_2363, %select_n3A_2360 : vector<16xi1>, vector<16xf32>
        %ge3A_2365 = arith.cmpf oge, %get3A_2346, %gather3A_1685 : vector<16xf32>
        %mul3A_2366 = arith.mulf %gather3A_1709, %get3A_2346 : vector<16xf32>
        %add3A_2367 = arith.addf %mul3A_2366, %gather3A_1730 : vector<16xf32>
        %select_n3A_2368 = arith.select %ge3A_2365, %add3A_2367, %select_n3A_2364 : vector<16xi1>, vector<16xf32>
        %ge3A_2369 = arith.cmpf oge, %get3A_2346, %gather3A_1688 : vector<16xf32>
        %mul3A_2370 = arith.mulf %gather3A_1712, %get3A_2346 : vector<16xf32>
        %add3A_2371 = arith.addf %mul3A_2370, %gather3A_1733 : vector<16xf32>
        %select_n3A_2372 = arith.select %ge3A_2369, %add3A_2371, %select_n3A_2368 : vector<16xi1>, vector<16xf32>
        %ge3A_2373 = arith.cmpf oge, %get3A_2346, %gather3A_1691 : vector<16xf32>
        %mul3A_2374 = arith.mulf %gather3A_1715, %get3A_2346 : vector<16xf32>
        %add3A_2375 = arith.addf %mul3A_2374, %gather3A_1736 : vector<16xf32>
        %select_n3A_2376 = arith.select %ge3A_2373, %add3A_2375, %select_n3A_2372 : vector<16xi1>, vector<16xf32>
        %ge3A_2377 = arith.cmpf oge, %get3A_2346, %gather3A_1694 : vector<16xf32>
        %select_n3A_2378 = arith.select %ge3A_2377, %gather3A_1739, %select_n3A_2376 : vector<16xi1>, vector<16xf32>
        %jit3A_2379 = arith.constant 256 : i32
        %div3A_2380 = arith.divsi %mul3A_2343, %jit3A_2379 : i32
        %sign3A_2381 = arith.constant 0 : i32
        %sign3A_2382 = arith.cmpi sgt, %mul3A_2343, %sign3A_2381 : i32
        %sign3A_2383 = arith.extui %sign3A_2382 : i1 to i32
        %sign3A_2384 = arith.constant 0 : i32
        %sign3A_2385 = arith.cmpi slt, %mul3A_2343, %sign3A_2384 : i32
        %sign3A_2386 = arith.extui %sign3A_2385 : i1 to i32
        %sign3A_2387 = arith.subi %sign3A_2383, %sign3A_2386 : i32
        %sign3A_2388 = arith.constant 0 : i32
        %sign3A_2389 = arith.cmpi sgt, %jit3A_2379, %sign3A_2388 : i32
        %sign3A_2390 = arith.extui %sign3A_2389 : i1 to i32
        %sign3A_2391 = arith.constant 0 : i32
        %sign3A_2392 = arith.cmpi slt, %jit3A_2379, %sign3A_2391 : i32
        %sign3A_2393 = arith.extui %sign3A_2392 : i1 to i32
        %sign3A_2394 = arith.subi %sign3A_2390, %sign3A_2393 : i32
        %ne3A_2395 = arith.cmpi ne, %sign3A_2387, %sign3A_2394 : i32
        %rem3A_2396 = arith.remsi %mul3A_2343, %jit3A_2379 : i32
        %ne3A_2397 = arith.constant 0 : i32
        %ne3A_2398 = arith.cmpi ne, %rem3A_2396, %ne3A_2397 : i32
        %and3A_2399 = arith.andi %ne3A_2395, %ne3A_2398 : i1
        %sub3A_2400 = arith.constant 1 : i32
        %sub3A_2401 = arith.subi %div3A_2380, %sub3A_2400 : i32
        %select_n3A_2402 = arith.select %and3A_2399, %sub3A_2401, %div3A_2380 : i32
        %jit3A_2403 = arith.constant 256 : i32
        %eq3A_2404 = arith.constant 0 : i32
        %eq3A_2405 = arith.cmpi eq, %jit3A_2403, %eq3A_2404 : i32
        %jit3A_2406 = arith.constant 1 : i32
        %select_n3A_2407 = arith.select %eq3A_2405, %jit3A_2406, %jit3A_2403 : i32
        %rem3A_2408 = arith.remsi %mul3A_2343, %select_n3A_2407 : i32
        %ne3A_2409 = arith.constant 0 : i32
        %ne3A_2410 = arith.cmpi ne, %rem3A_2408, %ne3A_2409 : i32
        %lt3A_2411 = arith.constant 0 : i32
        %lt3A_2412 = arith.cmpi slt, %rem3A_2408, %lt3A_2411 : i32
        %lt3A_2413 = arith.constant 0 : i32
        %lt3A_2414 = arith.cmpi slt, %select_n3A_2407, %lt3A_2413 : i32
        %ne3A_2415 = arith.xori %lt3A_2412, %lt3A_2414 : i1
        %and3A_2416 = arith.andi %ne3A_2415, %ne3A_2410 : i1
        %add3A_2417 = arith.addi %rem3A_2408, %select_n3A_2407 : i32
        %select_n3A_2418 = arith.select %and3A_2416, %add3A_2417, %rem3A_2408 : i32
        %swap3A_2419 = arith.constant 1 : i32
        %swap3A_2420 = arith.index_cast %rem3A_1479 : i32 to index
        %swap3A_2421 = arith.index_cast %swap3A_2419 : i32 to index
        %swap3A_2422 = arith.index_cast %select_n3A_2402 : i32 to index
        %swap3A_2423 = arith.index_cast %select_n3A_2418 : i32 to index
        %swap3A_2424 = tpu.vector_load %arg13[%swap3A_2420, %swap3A_2421, %swap3A_2422, %swap3A_2423] {strides = array<i32>} : memref<2x4x32x256xf32, #tpu.memory_space<vmem>>, vector<16xf32>,
        tpu.vector_store %arg13[%swap3A_2420, %swap3A_2421, %swap3A_2422, %swap3A_2423], %select_n3A_2378 {strides = array<i32>} : memref<2x4x32x256xf32, #tpu.memory_space<vmem>>, vector<16xf32>,
        %mul3A_2425 = arith.constant 4 : i32
        %mul3A_2426 = arith.muli %scan3A_2162, %mul3A_2425 : i32
        %add3A_2427 = arith.constant 3 : i32
        %add3A_2428 = arith.addi %mul3A_2426, %add3A_2427 : i32
        %mul3A_2429 = arith.constant 16 : i32
        %mul3A_2430 = arith.muli %add3A_2428, %mul3A_2429 : i32
        %get3A_2431 = arith.index_cast %rem3A_1479 : i32 to index
        %get3A_2432 = arith.index_cast %mul3A_2430 : i32 to index
        %get3A_2433 = tpu.vector_load %arg12[%get3A_2431, %get3A_2432] {strides = array<i32>} : memref<2x8192xf32, #tpu.memory_space<vmem>>, vector<16xf32>,
        %broadcast_in_dim3A_2434 = arith.constant 0.000000e+00 : f32
        %broadcast_in_dim3A_2435 = vector.broadcast %broadcast_in_dim3A_2434 : f32 to vector<16xf32>
        %ge3A_2436 = arith.cmpf oge, %get3A_2433, %gather3A_1673 : vector<16xf32>
        %mul3A_2437 = arith.mulf %gather3A_1697, %get3A_2433 : vector<16xf32>
        %add3A_2438 = arith.addf %mul3A_2437, %gather3A_1718 : vector<16xf32>
        %select_n3A_2439 = arith.select %ge3A_2436, %add3A_2438, %broadcast_in_dim3A_2435 : vector<16xi1>, vector<16xf32>
        %ge3A_2440 = arith.cmpf oge, %get3A_2433, %gather3A_1676 : vector<16xf32>
        %mul3A_2441 = arith.mulf %gather3A_1700, %get3A_2433 : vector<16xf32>
        %add3A_2442 = arith.addf %mul3A_2441, %gather3A_1721 : vector<16xf32>
        %select_n3A_2443 = arith.select %ge3A_2440, %add3A_2442, %select_n3A_2439 : vector<16xi1>, vector<16xf32>
        %ge3A_2444 = arith.cmpf oge, %get3A_2433, %gather3A_1679 : vector<16xf32>
        %mul3A_2445 = arith.mulf %gather3A_1703, %get3A_2433 : vector<16xf32>
        %add3A_2446 = arith.addf %mul3A_2445, %gather3A_1724 : vector<16xf32>
        %select_n3A_2447 = arith.select %ge3A_2444, %add3A_2446, %select_n3A_2443 : vector<16xi1>, vector<16xf32>
        %ge3A_2448 = arith.cmpf oge, %get3A_2433, %gather3A_1682 : vector<16xf32>
        %mul3A_2449 = arith.mulf %gather3A_1706, %get3A_2433 : vector<16xf32>
        %add3A_2450 = arith.addf %mul3A_2449, %gather3A_1727 : vector<16xf32>
        %select_n3A_2451 = arith.select %ge3A_2448, %add3A_2450, %select_n3A_2447 : vector<16xi1>, vector<16xf32>
        %ge3A_2452 = arith.cmpf oge, %get3A_2433, %gather3A_1685 : vector<16xf32>
        %mul3A_2453 = arith.mulf %gather3A_1709, %get3A_2433 : vector<16xf32>
        %add3A_2454 = arith.addf %mul3A_2453, %gather3A_1730 : vector<16xf32>
        %select_n3A_2455 = arith.select %ge3A_2452, %add3A_2454, %select_n3A_2451 : vector<16xi1>, vector<16xf32>
        %ge3A_2456 = arith.cmpf oge, %get3A_2433, %gather3A_1688 : vector<16xf32>
        %mul3A_2457 = arith.mulf %gather3A_1712, %get3A_2433 : vector<16xf32>
        %add3A_2458 = arith.addf %mul3A_2457, %gather3A_1733 : vector<16xf32>
        %select_n3A_2459 = arith.select %ge3A_2456, %add3A_2458, %select_n3A_2455 : vector<16xi1>, vector<16xf32>
        %ge3A_2460 = arith.cmpf oge, %get3A_2433, %gather3A_1691 : vector<16xf32>
        %mul3A_2461 = arith.mulf %gather3A_1715, %get3A_2433 : vector<16xf32>
        %add3A_2462 = arith.addf %mul3A_2461, %gather3A_1736 : vector<16xf32>
        %select_n3A_2463 = arith.select %ge3A_2460, %add3A_2462, %select_n3A_2459 : vector<16xi1>, vector<16xf32>
        %ge3A_2464 = arith.cmpf oge, %get3A_2433, %gather3A_1694 : vector<16xf32>
        %select_n3A_2465 = arith.select %ge3A_2464, %gather3A_1739, %select_n3A_2463 : vector<16xi1>, vector<16xf32>
        %jit3A_2466 = arith.constant 256 : i32
        %div3A_2467 = arith.divsi %mul3A_2430, %jit3A_2466 : i32
        %sign3A_2468 = arith.constant 0 : i32
        %sign3A_2469 = arith.cmpi sgt, %mul3A_2430, %sign3A_2468 : i32
        %sign3A_2470 = arith.extui %sign3A_2469 : i1 to i32
        %sign3A_2471 = arith.constant 0 : i32
        %sign3A_2472 = arith.cmpi slt, %mul3A_2430, %sign3A_2471 : i32
        %sign3A_2473 = arith.extui %sign3A_2472 : i1 to i32
        %sign3A_2474 = arith.subi %sign3A_2470, %sign3A_2473 : i32
        %sign3A_2475 = arith.constant 0 : i32
        %sign3A_2476 = arith.cmpi sgt, %jit3A_2466, %sign3A_2475 : i32
        %sign3A_2477 = arith.extui %sign3A_2476 : i1 to i32
        %sign3A_2478 = arith.constant 0 : i32
        %sign3A_2479 = arith.cmpi slt, %jit3A_2466, %sign3A_2478 : i32
        %sign3A_2480 = arith.extui %sign3A_2479 : i1 to i32
        %sign3A_2481 = arith.subi %sign3A_2477, %sign3A_2480 : i32
        %ne3A_2482 = arith.cmpi ne, %sign3A_2474, %sign3A_2481 : i32
        %rem3A_2483 = arith.remsi %mul3A_2430, %jit3A_2466 : i32
        %ne3A_2484 = arith.constant 0 : i32
        %ne3A_2485 = arith.cmpi ne, %rem3A_2483, %ne3A_2484 : i32
        %and3A_2486 = arith.andi %ne3A_2482, %ne3A_2485 : i1
        %sub3A_2487 = arith.constant 1 : i32
        %sub3A_2488 = arith.subi %div3A_2467, %sub3A_2487 : i32
        %select_n3A_2489 = arith.select %and3A_2486, %sub3A_2488, %div3A_2467 : i32
        %jit3A_2490 = arith.constant 256 : i32
        %eq3A_2491 = arith.constant 0 : i32
        %eq3A_2492 = arith.cmpi eq, %jit3A_2490, %eq3A_2491 : i32
        %jit3A_2493 = arith.constant 1 : i32
        %select_n3A_2494 = arith.select %eq3A_2492, %jit3A_2493, %jit3A_2490 : i32
        %rem3A_2495 = arith.remsi %mul3A_2430, %select_n3A_2494 : i32
        %ne3A_2496 = arith.constant 0 : i32
        %ne3A_2497 = arith.cmpi ne, %rem3A_2495, %ne3A_2496 : i32
        %lt3A_2498 = arith.constant 0 : i32
        %lt3A_2499 = arith.cmpi slt, %rem3A_2495, %lt3A_2498 : i32
        %lt3A_2500 = arith.constant 0 : i32
        %lt3A_2501 = arith.cmpi slt, %select_n3A_2494, %lt3A_2500 : i32
        %ne3A_2502 = arith.xori %lt3A_2499, %lt3A_2501 : i1
        %and3A_2503 = arith.andi %ne3A_2502, %ne3A_2497 : i1
        %add3A_2504 = arith.addi %rem3A_2495, %select_n3A_2494 : i32
        %select_n3A_2505 = arith.select %and3A_2503, %add3A_2504, %rem3A_2495 : i32
        %swap3A_2506 = arith.constant 1 : i32
        %swap3A_2507 = arith.index_cast %rem3A_1479 : i32 to index
        %swap3A_2508 = arith.index_cast %swap3A_2506 : i32 to index
        %swap3A_2509 = arith.index_cast %select_n3A_2489 : i32 to index
        %swap3A_2510 = arith.index_cast %select_n3A_2505 : i32 to index
        %swap3A_2511 = tpu.vector_load %arg13[%swap3A_2507, %swap3A_2508, %swap3A_2509, %swap3A_2510] {strides = array<i32>} : memref<2x4x32x256xf32, #tpu.memory_space<vmem>>, vector<16xf32>,
        tpu.vector_store %arg13[%swap3A_2507, %swap3A_2508, %swap3A_2509, %swap3A_2510], %select_n3A_2465 {strides = array<i32>} : memref<2x4x32x256xf32, #tpu.memory_space<vmem>>, vector<16xf32>,
        %scan3A_2512 = arith.constant 0 : i32
        scf.yield %scan3A_2512 : i32
      }
      %scan3A_1746 = arith.constant 128 : i32
      %mul3A_1747 = arith.constant 8192 : i32
      %mul3A_1748 = arith.muli %scan3A_1476, %mul3A_1747 : i32
      %add3A_1749 = arith.addi %mul3A_32, %mul3A_1748 : i32
      %jit3A_1750 = arith.constant 131072 : i32
      %div3A_1751 = arith.divsi %add3A_1749, %jit3A_1750 : i32
      %sign3A_1752 = arith.constant 0 : i32
      %sign3A_1753 = arith.cmpi sgt, %add3A_1749, %sign3A_1752 : i32
      %sign3A_1754 = arith.extui %sign3A_1753 : i1 to i32
      %sign3A_1755 = arith.constant 0 : i32
      %sign3A_1756 = arith.cmpi slt, %add3A_1749, %sign3A_1755 : i32
      %sign3A_1757 = arith.extui %sign3A_1756 : i1 to i32
      %sign3A_1758 = arith.subi %sign3A_1754, %sign3A_1757 : i32
      %sign3A_1759 = arith.constant 0 : i32
      %sign3A_1760 = arith.cmpi sgt, %jit3A_1750, %sign3A_1759 : i32
      %sign3A_1761 = arith.extui %sign3A_1760 : i1 to i32
      %sign3A_1762 = arith.constant 0 : i32
      %sign3A_1763 = arith.cmpi slt, %jit3A_1750, %sign3A_1762 : i32
      %sign3A_1764 = arith.extui %sign3A_1763 : i1 to i32
      %sign3A_1765 = arith.subi %sign3A_1761, %sign3A_1764 : i32
      %ne3A_1766 = arith.cmpi ne, %sign3A_1758, %sign3A_1765 : i32
      %rem3A_1767 = arith.remsi %add3A_1749, %jit3A_1750 : i32
      %ne3A_1768 = arith.constant 0 : i32
      %ne3A_1769 = arith.cmpi ne, %rem3A_1767, %ne3A_1768 : i32
      %and3A_1770 = arith.andi %ne3A_1766, %ne3A_1769 : i1
      %sub3A_1771 = arith.constant 1 : i32
      %sub3A_1772 = arith.subi %div3A_1751, %sub3A_1771 : i32
      %select_n3A_1773 = arith.select %and3A_1770, %sub3A_1772, %div3A_1751 : i32
      %jit3A_1774 = arith.constant 131072 : i32
      %eq3A_1775 = arith.constant 0 : i32
      %eq3A_1776 = arith.cmpi eq, %jit3A_1774, %eq3A_1775 : i32
      %jit3A_1777 = arith.constant 1 : i32
      %select_n3A_1778 = arith.select %eq3A_1776, %jit3A_1777, %jit3A_1774 : i32
      %rem3A_1779 = arith.remsi %add3A_1749, %select_n3A_1778 : i32
      %ne3A_1780 = arith.constant 0 : i32
      %ne3A_1781 = arith.cmpi ne, %rem3A_1779, %ne3A_1780 : i32
      %lt3A_1782 = arith.constant 0 : i32
      %lt3A_1783 = arith.cmpi slt, %rem3A_1779, %lt3A_1782 : i32
      %lt3A_1784 = arith.constant 0 : i32
      %lt3A_1785 = arith.cmpi slt, %select_n3A_1778, %lt3A_1784 : i32
      %ne3A_1786 = arith.xori %lt3A_1783, %lt3A_1785 : i1
      %and3A_1787 = arith.andi %ne3A_1786, %ne3A_1781 : i1
      %add3A_1788 = arith.addi %rem3A_1779, %select_n3A_1778 : i32
      %select_n3A_1789 = arith.select %and3A_1787, %add3A_1788, %rem3A_1779 : i32
      %jit3A_1790 = arith.constant 256 : i32
      %div3A_1791 = arith.divsi %select_n3A_1789, %jit3A_1790 : i32
      %sign3A_1792 = arith.constant 0 : i32
      %sign3A_1793 = arith.cmpi sgt, %select_n3A_1789, %sign3A_1792 : i32
      %sign3A_1794 = arith.extui %sign3A_1793 : i1 to i32
      %sign3A_1795 = arith.constant 0 : i32
      %sign3A_1796 = arith.cmpi slt, %select_n3A_1789, %sign3A_1795 : i32
      %sign3A_1797 = arith.extui %sign3A_1796 : i1 to i32
      %sign3A_1798 = arith.subi %sign3A_1794, %sign3A_1797 : i32
      %sign3A_1799 = arith.constant 0 : i32
      %sign3A_1800 = arith.cmpi sgt, %jit3A_1790, %sign3A_1799 : i32
      %sign3A_1801 = arith.extui %sign3A_1800 : i1 to i32
      %sign3A_1802 = arith.constant 0 : i32
      %sign3A_1803 = arith.cmpi slt, %jit3A_1790, %sign3A_1802 : i32
      %sign3A_1804 = arith.extui %sign3A_1803 : i1 to i32
      %sign3A_1805 = arith.subi %sign3A_1801, %sign3A_1804 : i32
      %ne3A_1806 = arith.cmpi ne, %sign3A_1798, %sign3A_1805 : i32
      %rem3A_1807 = arith.remsi %select_n3A_1789, %jit3A_1790 : i32
      %ne3A_1808 = arith.constant 0 : i32
      %ne3A_1809 = arith.cmpi ne, %rem3A_1807, %ne3A_1808 : i32
      %and3A_1810 = arith.andi %ne3A_1806, %ne3A_1809 : i1
      %sub3A_1811 = arith.constant 1 : i32
      %sub3A_1812 = arith.subi %div3A_1791, %sub3A_1811 : i32
      %select_n3A_1813 = arith.select %and3A_1810, %sub3A_1812, %div3A_1791 : i32
      %multiple_of3A_1814 = tpu.assume_multiple %select_n3A_1813, 32 : i32
      %dma_start3A_1815 = arith.constant 1 : i32
      %dma_start3A_1816 = arith.constant 1 : i32
      %dma_start3A_1817 = arith.constant 0 : i32
      %dma_start3A_1818 = arith.constant 0 : i32
      %dma_start3A_1819 = tpu.memref_slice %arg13[%rem3A_1479, %dma_start3A_1815, %dma_start3A_1817, %dma_start3A_1818] : memref<2x4x32x256xf32, #tpu.memory_space<vmem>> -> memref<1x1x32x256xf32, #tpu.memory_space<vmem>>
      %dma_start3A_1820 = tpu.memref_squeeze %dma_start3A_1819 : memref<1x1x32x256xf32, #tpu.memory_space<vmem>> -> memref<32x256xf32, #tpu.memory_space<vmem>>
      %dma_start3A_1821 = arith.constant 0 : i32
      %dma_start3A_1822 = tpu.memref_slice %arg5[%select_n3A, %dma_start3A_1816, %select_n3A_1773, %multiple_of3A_1814, %dma_start3A_1821] : memref<2x4x3x512x256xf32, #tpu.memory_space<hbm>> -> memref<1x1x1x32x256xf32, #tpu.memory_space<hbm>>
      %dma_start3A_1823 = tpu.memref_squeeze %dma_start3A_1822 : memref<1x1x1x32x256xf32, #tpu.memory_space<hbm>> -> memref<32x256xf32, #tpu.memory_space<hbm>>
      %dma_start3A_1824 = tpu.memref_slice %arg15[%rem3A_1479] : memref<2x!tpu.dma_semaphore, #tpu.memory_space<semaphore_mem>> -> memref<1x!tpu.dma_semaphore, #tpu.memory_space<semaphore_mem>>
      %dma_start3A_1825 = tpu.memref_squeeze %dma_start3A_1824 : memref<1x!tpu.dma_semaphore, #tpu.memory_space<semaphore_mem>> -> memref<!tpu.dma_semaphore, #tpu.memory_space<semaphore_mem>>
      %dma_start3A_1826 = arith.constant 0 : i32
      %dma_start3A_1827 = tpu.memref_slice %arg5[%select_n3A, %dma_start3A_1816, %select_n3A_1773, %multiple_of3A_1814, %dma_start3A_1826] : memref<2x4x3x512x256xf32, #tpu.memory_space<hbm>> -> memref<1x1x1x32x256xf32, #tpu.memory_space<hbm>>
      %dma_start3A_1828 = tpu.memref_squeeze %dma_start3A_1827 : memref<1x1x1x32x256xf32, #tpu.memory_space<hbm>> -> memref<32x256xf32, #tpu.memory_space<hbm>>
      %dma_start3A_1829 = arith.constant 0 : i32
      %dma_start3A_1830 = arith.constant 0 : i32
      %dma_start3A_1831 = tpu.memref_slice %arg13[%rem3A_1479, %dma_start3A_1815, %dma_start3A_1829, %dma_start3A_1830] : memref<2x4x32x256xf32, #tpu.memory_space<vmem>> -> memref<1x1x32x256xf32, #tpu.memory_space<vmem>>
      %dma_start3A_1832 = tpu.memref_squeeze %dma_start3A_1831 : memref<1x1x32x256xf32, #tpu.memory_space<vmem>> -> memref<32x256xf32, #tpu.memory_space<vmem>>
      tpu.enqueue_dma source(%dma_start3A_1832 : memref<32x256xf32, #tpu.memory_space<vmem>>) target(%dma_start3A_1828 : memref<32x256xf32, #tpu.memory_space<hbm>>) target_semaphore(%dma_start3A_1825 : memref<!tpu.dma_semaphore, #tpu.memory_space<semaphore_mem>>)
      %broadcast_in_dim3A_1833 = arith.constant 3 : i32
      %broadcast_in_dim3A_1834 = vector.broadcast %broadcast_in_dim3A_1833 : i32 to vector<16xi32>
      %broadcast_in_dim3A_1835 = arith.constant 0 : i32
      %broadcast_in_dim3A_1836 = vector.broadcast %broadcast_in_dim3A_1835 : i32 to vector<16xi32>
      %gather3A_1837 = tpu.vector_load_idx %arg8[%broadcast_in_dim3A_1834, %broadcast_in_dim3A_1836] : memref<5x16xf32, #tpu.memory_space<vmem>>[vector<16xi32>, vector<16xi32>], vector<16xf32>,
      %broadcast_in_dim3A_1838 = arith.constant 1 : i32
      %broadcast_in_dim3A_1839 = vector.broadcast %broadcast_in_dim3A_1838 : i32 to vector<16xi32>
      %gather3A_1840 = tpu.vector_load_idx %arg8[%broadcast_in_dim3A_1834, %broadcast_in_dim3A_1839] : memref<5x16xf32, #tpu.memory_space<vmem>>[vector<16xi32>, vector<16xi32>], vector<16xf32>,
      %broadcast_in_dim3A_1841 = arith.constant 2 : i32
      %broadcast_in_dim3A_1842 = vector.broadcast %broadcast_in_dim3A_1841 : i32 to vector<16xi32>
      %gather3A_1843 = tpu.vector_load_idx %arg8[%broadcast_in_dim3A_1834, %broadcast_in_dim3A_1842] : memref<5x16xf32, #tpu.memory_space<vmem>>[vector<16xi32>, vector<16xi32>], vector<16xf32>,
      %broadcast_in_dim3A_1844 = arith.constant 3 : i32
      %broadcast_in_dim3A_1845 = vector.broadcast %broadcast_in_dim3A_1844 : i32 to vector<16xi32>
      %gather3A_1846 = tpu.vector_load_idx %arg8[%broadcast_in_dim3A_1834, %broadcast_in_dim3A_1845] : memref<5x16xf32, #tpu.memory_space<vmem>>[vector<16xi32>, vector<16xi32>], vector<16xf32>,
      %broadcast_in_dim3A_1847 = arith.constant 4 : i32
      %broadcast_in_dim3A_1848 = vector.broadcast %broadcast_in_dim3A_1847 : i32 to vector<16xi32>
      %gather3A_1849 = tpu.vector_load_idx %arg8[%broadcast_in_dim3A_1834, %broadcast_in_dim3A_1848] : memref<5x16xf32, #tpu.memory_space<vmem>>[vector<16xi32>, vector<16xi32>], vector<16xf32>,
      %broadcast_in_dim3A_1850 = arith.constant 5 : i32
      %broadcast_in_dim3A_1851 = vector.broadcast %broadcast_in_dim3A_1850 : i32 to vector<16xi32>
      %gather3A_1852 = tpu.vector_load_idx %arg8[%broadcast_in_dim3A_1834, %broadcast_in_dim3A_1851] : memref<5x16xf32, #tpu.memory_space<vmem>>[vector<16xi32>, vector<16xi32>], vector<16xf32>,
      %broadcast_in_dim3A_1853 = arith.constant 6 : i32
      %broadcast_in_dim3A_1854 = vector.broadcast %broadcast_in_dim3A_1853 : i32 to vector<16xi32>
      %gather3A_1855 = tpu.vector_load_idx %arg8[%broadcast_in_dim3A_1834, %broadcast_in_dim3A_1854] : memref<5x16xf32, #tpu.memory_space<vmem>>[vector<16xi32>, vector<16xi32>], vector<16xf32>,
      %broadcast_in_dim3A_1856 = arith.constant 7 : i32
      %broadcast_in_dim3A_1857 = vector.broadcast %broadcast_in_dim3A_1856 : i32 to vector<16xi32>
      %gather3A_1858 = tpu.vector_load_idx %arg8[%broadcast_in_dim3A_1834, %broadcast_in_dim3A_1857] : memref<5x16xf32, #tpu.memory_space<vmem>>[vector<16xi32>, vector<16xi32>], vector<16xf32>,
      %broadcast_in_dim3A_1859 = arith.constant 1 : i32
      %broadcast_in_dim3A_1860 = vector.broadcast %broadcast_in_dim3A_1859 : i32 to vector<16xi32>
      %gather3A_1861 = tpu.vector_load_idx %arg9[%broadcast_in_dim3A_1834, %broadcast_in_dim3A_1860] : memref<5x16xf32, #tpu.memory_space<vmem>>[vector<16xi32>, vector<16xi32>], vector<16xf32>,
      %broadcast_in_dim3A_1862 = arith.constant 2 : i32
      %broadcast_in_dim3A_1863 = vector.broadcast %broadcast_in_dim3A_1862 : i32 to vector<16xi32>
      %gather3A_1864 = tpu.vector_load_idx %arg9[%broadcast_in_dim3A_1834, %broadcast_in_dim3A_1863] : memref<5x16xf32, #tpu.memory_space<vmem>>[vector<16xi32>, vector<16xi32>], vector<16xf32>,
      %broadcast_in_dim3A_1865 = arith.constant 3 : i32
      %broadcast_in_dim3A_1866 = vector.broadcast %broadcast_in_dim3A_1865 : i32 to vector<16xi32>
      %gather3A_1867 = tpu.vector_load_idx %arg9[%broadcast_in_dim3A_1834, %broadcast_in_dim3A_1866] : memref<5x16xf32, #tpu.memory_space<vmem>>[vector<16xi32>, vector<16xi32>], vector<16xf32>,
      %broadcast_in_dim3A_1868 = arith.constant 4 : i32
      %broadcast_in_dim3A_1869 = vector.broadcast %broadcast_in_dim3A_1868 : i32 to vector<16xi32>
      %gather3A_1870 = tpu.vector_load_idx %arg9[%broadcast_in_dim3A_1834, %broadcast_in_dim3A_1869] : memref<5x16xf32, #tpu.memory_space<vmem>>[vector<16xi32>, vector<16xi32>], vector<16xf32>,
      %broadcast_in_dim3A_1871 = arith.constant 5 : i32
      %broadcast_in_dim3A_1872 = vector.broadcast %broadcast_in_dim3A_1871 : i32 to vector<16xi32>
      %gather3A_1873 = tpu.vector_load_idx %arg9[%broadcast_in_dim3A_1834, %broadcast_in_dim3A_1872] : memref<5x16xf32, #tpu.memory_space<vmem>>[vector<16xi32>, vector<16xi32>], vector<16xf32>,
      %broadcast_in_dim3A_1874 = arith.constant 6 : i32
      %broadcast_in_dim3A_1875 = vector.broadcast %broadcast_in_dim3A_1874 : i32 to vector<16xi32>
      %gather3A_1876 = tpu.vector_load_idx %arg9[%broadcast_in_dim3A_1834, %broadcast_in_dim3A_1875] : memref<5x16xf32, #tpu.memory_space<vmem>>[vector<16xi32>, vector<16xi32>], vector<16xf32>,
      %broadcast_in_dim3A_1877 = arith.constant 7 : i32
      %broadcast_in_dim3A_1878 = vector.broadcast %broadcast_in_dim3A_1877 : i32 to vector<16xi32>
      %gather3A_1879 = tpu.vector_load_idx %arg9[%broadcast_in_dim3A_1834, %broadcast_in_dim3A_1878] : memref<5x16xf32, #tpu.memory_space<vmem>>[vector<16xi32>, vector<16xi32>], vector<16xf32>,
      %broadcast_in_dim3A_1880 = arith.constant 1 : i32
      %broadcast_in_dim3A_1881 = vector.broadcast %broadcast_in_dim3A_1880 : i32 to vector<16xi32>
      %gather3A_1882 = tpu.vector_load_idx %arg10[%broadcast_in_dim3A_1834, %broadcast_in_dim3A_1881] : memref<5x16xf32, #tpu.memory_space<vmem>>[vector<16xi32>, vector<16xi32>], vector<16xf32>,
      %broadcast_in_dim3A_1883 = arith.constant 2 : i32
      %broadcast_in_dim3A_1884 = vector.broadcast %broadcast_in_dim3A_1883 : i32 to vector<16xi32>
      %gather3A_1885 = tpu.vector_load_idx %arg10[%broadcast_in_dim3A_1834, %broadcast_in_dim3A_1884] : memref<5x16xf32, #tpu.memory_space<vmem>>[vector<16xi32>, vector<16xi32>], vector<16xf32>,
      %broadcast_in_dim3A_1886 = arith.constant 3 : i32
      %broadcast_in_dim3A_1887 = vector.broadcast %broadcast_in_dim3A_1886 : i32 to vector<16xi32>
      %gather3A_1888 = tpu.vector_load_idx %arg10[%broadcast_in_dim3A_1834, %broadcast_in_dim3A_1887] : memref<5x16xf32, #tpu.memory_space<vmem>>[vector<16xi32>, vector<16xi32>], vector<16xf32>,
      %broadcast_in_dim3A_1889 = arith.constant 4 : i32
      %broadcast_in_dim3A_1890 = vector.broadcast %broadcast_in_dim3A_1889 : i32 to vector<16xi32>
      %gather3A_1891 = tpu.vector_load_idx %arg10[%broadcast_in_dim3A_1834, %broadcast_in_dim3A_1890] : memref<5x16xf32, #tpu.memory_space<vmem>>[vector<16xi32>, vector<16xi32>], vector<16xf32>,
      %broadcast_in_dim3A_1892 = arith.constant 5 : i32
      %broadcast_in_dim3A_1893 = vector.broadcast %broadcast_in_dim3A_1892 : i32 to vector<16xi32>
      %gather3A_1894 = tpu.vector_load_idx %arg10[%broadcast_in_dim3A_1834, %broadcast_in_dim3A_1893] : memref<5x16xf32, #tpu.memory_space<vmem>>[vector<16xi32>, vector<16xi32>], vector<16xf32>,
      %broadcast_in_dim3A_1895 = arith.constant 6 : i32
      %broadcast_in_dim3A_1896 = vector.broadcast %broadcast_in_dim3A_1895 : i32 to vector<16xi32>
      %gather3A_1897 = tpu.vector_load_idx %arg10[%broadcast_in_dim3A_1834, %broadcast_in_dim3A_1896] : memref<5x16xf32, #tpu.memory_space<vmem>>[vector<16xi32>, vector<16xi32>], vector<16xf32>,
      %broadcast_in_dim3A_1898 = arith.constant 7 : i32
      %broadcast_in_dim3A_1899 = vector.broadcast %broadcast_in_dim3A_1898 : i32 to vector<16xi32>
      %gather3A_1900 = tpu.vector_load_idx %arg10[%broadcast_in_dim3A_1834, %broadcast_in_dim3A_1899] : memref<5x16xf32, #tpu.memory_space<vmem>>[vector<16xi32>, vector<16xi32>], vector<16xf32>,
      %broadcast_in_dim3A_1901 = arith.constant 8 : i32
      %broadcast_in_dim3A_1902 = vector.broadcast %broadcast_in_dim3A_1901 : i32 to vector<16xi32>
      %gather3A_1903 = tpu.vector_load_idx %arg10[%broadcast_in_dim3A_1834, %broadcast_in_dim3A_1902] : memref<5x16xf32, #tpu.memory_space<vmem>>[vector<16xi32>, vector<16xi32>], vector<16xf32>,
      %scan3A_1904 = arith.constant 0 : i32
      %scan3A_1905 = arith.constant 0 : i32
      %scan3A_1906 = arith.constant 128 : i32
      %scan3A_1907 = arith.addi %scan3A_1905, %scan3A_1906 : i32
      %scan3A_1908 = arith.constant 1 : i32
      %scan3A_1909 = scf.for %scan3A_2162 = %scan3A_1905 to %scan3A_1907 step %scan3A_1908 iter_args(%scan3A_2163 = %scan3A_1904) -> (i32)  : i32 {
        %mul3A_2164 = arith.constant 4 : i32
        %mul3A_2165 = arith.muli %scan3A_2162, %mul3A_2164 : i32
        %add3A_2166 = arith.constant 0 : i32
        %add3A_2167 = arith.addi %mul3A_2165, %add3A_2166 : i32
        %mul3A_2168 = arith.constant 16 : i32
        %mul3A_2169 = arith.muli %add3A_2167, %mul3A_2168 : i32
        %get3A_2170 = arith.index_cast %rem3A_1479 : i32 to index
        %get3A_2171 = arith.index_cast %mul3A_2169 : i32 to index
        %get3A_2172 = tpu.vector_load %arg12[%get3A_2170, %get3A_2171] {strides = array<i32>} : memref<2x8192xf32, #tpu.memory_space<vmem>>, vector<16xf32>,
        %broadcast_in_dim3A_2173 = arith.constant 0.000000e+00 : f32
        %broadcast_in_dim3A_2174 = vector.broadcast %broadcast_in_dim3A_2173 : f32 to vector<16xf32>
        %ge3A_2175 = arith.cmpf oge, %get3A_2172, %gather3A_1837 : vector<16xf32>
        %mul3A_2176 = arith.mulf %gather3A_1861, %get3A_2172 : vector<16xf32>
        %add3A_2177 = arith.addf %mul3A_2176, %gather3A_1882 : vector<16xf32>
        %select_n3A_2178 = arith.select %ge3A_2175, %add3A_2177, %broadcast_in_dim3A_2174 : vector<16xi1>, vector<16xf32>
        %ge3A_2179 = arith.cmpf oge, %get3A_2172, %gather3A_1840 : vector<16xf32>
        %mul3A_2180 = arith.mulf %gather3A_1864, %get3A_2172 : vector<16xf32>
        %add3A_2181 = arith.addf %mul3A_2180, %gather3A_1885 : vector<16xf32>
        %select_n3A_2182 = arith.select %ge3A_2179, %add3A_2181, %select_n3A_2178 : vector<16xi1>, vector<16xf32>
        %ge3A_2183 = arith.cmpf oge, %get3A_2172, %gather3A_1843 : vector<16xf32>
        %mul3A_2184 = arith.mulf %gather3A_1867, %get3A_2172 : vector<16xf32>
        %add3A_2185 = arith.addf %mul3A_2184, %gather3A_1888 : vector<16xf32>
        %select_n3A_2186 = arith.select %ge3A_2183, %add3A_2185, %select_n3A_2182 : vector<16xi1>, vector<16xf32>
        %ge3A_2187 = arith.cmpf oge, %get3A_2172, %gather3A_1846 : vector<16xf32>
        %mul3A_2188 = arith.mulf %gather3A_1870, %get3A_2172 : vector<16xf32>
        %add3A_2189 = arith.addf %mul3A_2188, %gather3A_1891 : vector<16xf32>
        %select_n3A_2190 = arith.select %ge3A_2187, %add3A_2189, %select_n3A_2186 : vector<16xi1>, vector<16xf32>
        %ge3A_2191 = arith.cmpf oge, %get3A_2172, %gather3A_1849 : vector<16xf32>
        %mul3A_2192 = arith.mulf %gather3A_1873, %get3A_2172 : vector<16xf32>
        %add3A_2193 = arith.addf %mul3A_2192, %gather3A_1894 : vector<16xf32>
        %select_n3A_2194 = arith.select %ge3A_2191, %add3A_2193, %select_n3A_2190 : vector<16xi1>, vector<16xf32>
        %ge3A_2195 = arith.cmpf oge, %get3A_2172, %gather3A_1852 : vector<16xf32>
        %mul3A_2196 = arith.mulf %gather3A_1876, %get3A_2172 : vector<16xf32>
        %add3A_2197 = arith.addf %mul3A_2196, %gather3A_1897 : vector<16xf32>
        %select_n3A_2198 = arith.select %ge3A_2195, %add3A_2197, %select_n3A_2194 : vector<16xi1>, vector<16xf32>
        %ge3A_2199 = arith.cmpf oge, %get3A_2172, %gather3A_1855 : vector<16xf32>
        %mul3A_2200 = arith.mulf %gather3A_1879, %get3A_2172 : vector<16xf32>
        %add3A_2201 = arith.addf %mul3A_2200, %gather3A_1900 : vector<16xf32>
        %select_n3A_2202 = arith.select %ge3A_2199, %add3A_2201, %select_n3A_2198 : vector<16xi1>, vector<16xf32>
        %ge3A_2203 = arith.cmpf oge, %get3A_2172, %gather3A_1858 : vector<16xf32>
        %select_n3A_2204 = arith.select %ge3A_2203, %gather3A_1903, %select_n3A_2202 : vector<16xi1>, vector<16xf32>
        %jit3A_2205 = arith.constant 256 : i32
        %div3A_2206 = arith.divsi %mul3A_2169, %jit3A_2205 : i32
        %sign3A_2207 = arith.constant 0 : i32
        %sign3A_2208 = arith.cmpi sgt, %mul3A_2169, %sign3A_2207 : i32
        %sign3A_2209 = arith.extui %sign3A_2208 : i1 to i32
        %sign3A_2210 = arith.constant 0 : i32
        %sign3A_2211 = arith.cmpi slt, %mul3A_2169, %sign3A_2210 : i32
        %sign3A_2212 = arith.extui %sign3A_2211 : i1 to i32
        %sign3A_2213 = arith.subi %sign3A_2209, %sign3A_2212 : i32
        %sign3A_2214 = arith.constant 0 : i32
        %sign3A_2215 = arith.cmpi sgt, %jit3A_2205, %sign3A_2214 : i32
        %sign3A_2216 = arith.extui %sign3A_2215 : i1 to i32
        %sign3A_2217 = arith.constant 0 : i32
        %sign3A_2218 = arith.cmpi slt, %jit3A_2205, %sign3A_2217 : i32
        %sign3A_2219 = arith.extui %sign3A_2218 : i1 to i32
        %sign3A_2220 = arith.subi %sign3A_2216, %sign3A_2219 : i32
        %ne3A_2221 = arith.cmpi ne, %sign3A_2213, %sign3A_2220 : i32
        %rem3A_2222 = arith.remsi %mul3A_2169, %jit3A_2205 : i32
        %ne3A_2223 = arith.constant 0 : i32
        %ne3A_2224 = arith.cmpi ne, %rem3A_2222, %ne3A_2223 : i32
        %and3A_2225 = arith.andi %ne3A_2221, %ne3A_2224 : i1
        %sub3A_2226 = arith.constant 1 : i32
        %sub3A_2227 = arith.subi %div3A_2206, %sub3A_2226 : i32
        %select_n3A_2228 = arith.select %and3A_2225, %sub3A_2227, %div3A_2206 : i32
        %jit3A_2229 = arith.constant 256 : i32
        %eq3A_2230 = arith.constant 0 : i32
        %eq3A_2231 = arith.cmpi eq, %jit3A_2229, %eq3A_2230 : i32
        %jit3A_2232 = arith.constant 1 : i32
        %select_n3A_2233 = arith.select %eq3A_2231, %jit3A_2232, %jit3A_2229 : i32
        %rem3A_2234 = arith.remsi %mul3A_2169, %select_n3A_2233 : i32
        %ne3A_2235 = arith.constant 0 : i32
        %ne3A_2236 = arith.cmpi ne, %rem3A_2234, %ne3A_2235 : i32
        %lt3A_2237 = arith.constant 0 : i32
        %lt3A_2238 = arith.cmpi slt, %rem3A_2234, %lt3A_2237 : i32
        %lt3A_2239 = arith.constant 0 : i32
        %lt3A_2240 = arith.cmpi slt, %select_n3A_2233, %lt3A_2239 : i32
        %ne3A_2241 = arith.xori %lt3A_2238, %lt3A_2240 : i1
        %and3A_2242 = arith.andi %ne3A_2241, %ne3A_2236 : i1
        %add3A_2243 = arith.addi %rem3A_2234, %select_n3A_2233 : i32
        %select_n3A_2244 = arith.select %and3A_2242, %add3A_2243, %rem3A_2234 : i32
        %swap3A_2245 = arith.constant 2 : i32
        %swap3A_2246 = arith.index_cast %rem3A_1479 : i32 to index
        %swap3A_2247 = arith.index_cast %swap3A_2245 : i32 to index
        %swap3A_2248 = arith.index_cast %select_n3A_2228 : i32 to index
        %swap3A_2249 = arith.index_cast %select_n3A_2244 : i32 to index
        %swap3A_2250 = tpu.vector_load %arg13[%swap3A_2246, %swap3A_2247, %swap3A_2248, %swap3A_2249] {strides = array<i32>} : memref<2x4x32x256xf32, #tpu.memory_space<vmem>>, vector<16xf32>,
        tpu.vector_store %arg13[%swap3A_2246, %swap3A_2247, %swap3A_2248, %swap3A_2249], %select_n3A_2204 {strides = array<i32>} : memref<2x4x32x256xf32, #tpu.memory_space<vmem>>, vector<16xf32>,
        %mul3A_2251 = arith.constant 4 : i32
        %mul3A_2252 = arith.muli %scan3A_2162, %mul3A_2251 : i32
        %add3A_2253 = arith.constant 1 : i32
        %add3A_2254 = arith.addi %mul3A_2252, %add3A_2253 : i32
        %mul3A_2255 = arith.constant 16 : i32
        %mul3A_2256 = arith.muli %add3A_2254, %mul3A_2255 : i32
        %get3A_2257 = arith.index_cast %rem3A_1479 : i32 to index
        %get3A_2258 = arith.index_cast %mul3A_2256 : i32 to index
        %get3A_2259 = tpu.vector_load %arg12[%get3A_2257, %get3A_2258] {strides = array<i32>} : memref<2x8192xf32, #tpu.memory_space<vmem>>, vector<16xf32>,
        %broadcast_in_dim3A_2260 = arith.constant 0.000000e+00 : f32
        %broadcast_in_dim3A_2261 = vector.broadcast %broadcast_in_dim3A_2260 : f32 to vector<16xf32>
        %ge3A_2262 = arith.cmpf oge, %get3A_2259, %gather3A_1837 : vector<16xf32>
        %mul3A_2263 = arith.mulf %gather3A_1861, %get3A_2259 : vector<16xf32>
        %add3A_2264 = arith.addf %mul3A_2263, %gather3A_1882 : vector<16xf32>
        %select_n3A_2265 = arith.select %ge3A_2262, %add3A_2264, %broadcast_in_dim3A_2261 : vector<16xi1>, vector<16xf32>
        %ge3A_2266 = arith.cmpf oge, %get3A_2259, %gather3A_1840 : vector<16xf32>
        %mul3A_2267 = arith.mulf %gather3A_1864, %get3A_2259 : vector<16xf32>
        %add3A_2268 = arith.addf %mul3A_2267, %gather3A_1885 : vector<16xf32>
        %select_n3A_2269 = arith.select %ge3A_2266, %add3A_2268, %select_n3A_2265 : vector<16xi1>, vector<16xf32>
        %ge3A_2270 = arith.cmpf oge, %get3A_2259, %gather3A_1843 : vector<16xf32>
        %mul3A_2271 = arith.mulf %gather3A_1867, %get3A_2259 : vector<16xf32>
        %add3A_2272 = arith.addf %mul3A_2271, %gather3A_1888 : vector<16xf32>
        %select_n3A_2273 = arith.select %ge3A_2270, %add3A_2272, %select_n3A_2269 : vector<16xi1>, vector<16xf32>
        %ge3A_2274 = arith.cmpf oge, %get3A_2259, %gather3A_1846 : vector<16xf32>
        %mul3A_2275 = arith.mulf %gather3A_1870, %get3A_2259 : vector<16xf32>
        %add3A_2276 = arith.addf %mul3A_2275, %gather3A_1891 : vector<16xf32>
        %select_n3A_2277 = arith.select %ge3A_2274, %add3A_2276, %select_n3A_2273 : vector<16xi1>, vector<16xf32>
        %ge3A_2278 = arith.cmpf oge, %get3A_2259, %gather3A_1849 : vector<16xf32>
        %mul3A_2279 = arith.mulf %gather3A_1873, %get3A_2259 : vector<16xf32>
        %add3A_2280 = arith.addf %mul3A_2279, %gather3A_1894 : vector<16xf32>
        %select_n3A_2281 = arith.select %ge3A_2278, %add3A_2280, %select_n3A_2277 : vector<16xi1>, vector<16xf32>
        %ge3A_2282 = arith.cmpf oge, %get3A_2259, %gather3A_1852 : vector<16xf32>
        %mul3A_2283 = arith.mulf %gather3A_1876, %get3A_2259 : vector<16xf32>
        %add3A_2284 = arith.addf %mul3A_2283, %gather3A_1897 : vector<16xf32>
        %select_n3A_2285 = arith.select %ge3A_2282, %add3A_2284, %select_n3A_2281 : vector<16xi1>, vector<16xf32>
        %ge3A_2286 = arith.cmpf oge, %get3A_2259, %gather3A_1855 : vector<16xf32>
        %mul3A_2287 = arith.mulf %gather3A_1879, %get3A_2259 : vector<16xf32>
        %add3A_2288 = arith.addf %mul3A_2287, %gather3A_1900 : vector<16xf32>
        %select_n3A_2289 = arith.select %ge3A_2286, %add3A_2288, %select_n3A_2285 : vector<16xi1>, vector<16xf32>
        %ge3A_2290 = arith.cmpf oge, %get3A_2259, %gather3A_1858 : vector<16xf32>
        %select_n3A_2291 = arith.select %ge3A_2290, %gather3A_1903, %select_n3A_2289 : vector<16xi1>, vector<16xf32>
        %jit3A_2292 = arith.constant 256 : i32
        %div3A_2293 = arith.divsi %mul3A_2256, %jit3A_2292 : i32
        %sign3A_2294 = arith.constant 0 : i32
        %sign3A_2295 = arith.cmpi sgt, %mul3A_2256, %sign3A_2294 : i32
        %sign3A_2296 = arith.extui %sign3A_2295 : i1 to i32
        %sign3A_2297 = arith.constant 0 : i32
        %sign3A_2298 = arith.cmpi slt, %mul3A_2256, %sign3A_2297 : i32
        %sign3A_2299 = arith.extui %sign3A_2298 : i1 to i32
        %sign3A_2300 = arith.subi %sign3A_2296, %sign3A_2299 : i32
        %sign3A_2301 = arith.constant 0 : i32
        %sign3A_2302 = arith.cmpi sgt, %jit3A_2292, %sign3A_2301 : i32
        %sign3A_2303 = arith.extui %sign3A_2302 : i1 to i32
        %sign3A_2304 = arith.constant 0 : i32
        %sign3A_2305 = arith.cmpi slt, %jit3A_2292, %sign3A_2304 : i32
        %sign3A_2306 = arith.extui %sign3A_2305 : i1 to i32
        %sign3A_2307 = arith.subi %sign3A_2303, %sign3A_2306 : i32
        %ne3A_2308 = arith.cmpi ne, %sign3A_2300, %sign3A_2307 : i32
        %rem3A_2309 = arith.remsi %mul3A_2256, %jit3A_2292 : i32
        %ne3A_2310 = arith.constant 0 : i32
        %ne3A_2311 = arith.cmpi ne, %rem3A_2309, %ne3A_2310 : i32
        %and3A_2312 = arith.andi %ne3A_2308, %ne3A_2311 : i1
        %sub3A_2313 = arith.constant 1 : i32
        %sub3A_2314 = arith.subi %div3A_2293, %sub3A_2313 : i32
        %select_n3A_2315 = arith.select %and3A_2312, %sub3A_2314, %div3A_2293 : i32
        %jit3A_2316 = arith.constant 256 : i32
        %eq3A_2317 = arith.constant 0 : i32
        %eq3A_2318 = arith.cmpi eq, %jit3A_2316, %eq3A_2317 : i32
        %jit3A_2319 = arith.constant 1 : i32
        %select_n3A_2320 = arith.select %eq3A_2318, %jit3A_2319, %jit3A_2316 : i32
        %rem3A_2321 = arith.remsi %mul3A_2256, %select_n3A_2320 : i32
        %ne3A_2322 = arith.constant 0 : i32
        %ne3A_2323 = arith.cmpi ne, %rem3A_2321, %ne3A_2322 : i32
        %lt3A_2324 = arith.constant 0 : i32
        %lt3A_2325 = arith.cmpi slt, %rem3A_2321, %lt3A_2324 : i32
        %lt3A_2326 = arith.constant 0 : i32
        %lt3A_2327 = arith.cmpi slt, %select_n3A_2320, %lt3A_2326 : i32
        %ne3A_2328 = arith.xori %lt3A_2325, %lt3A_2327 : i1
        %and3A_2329 = arith.andi %ne3A_2328, %ne3A_2323 : i1
        %add3A_2330 = arith.addi %rem3A_2321, %select_n3A_2320 : i32
        %select_n3A_2331 = arith.select %and3A_2329, %add3A_2330, %rem3A_2321 : i32
        %swap3A_2332 = arith.constant 2 : i32
        %swap3A_2333 = arith.index_cast %rem3A_1479 : i32 to index
        %swap3A_2334 = arith.index_cast %swap3A_2332 : i32 to index
        %swap3A_2335 = arith.index_cast %select_n3A_2315 : i32 to index
        %swap3A_2336 = arith.index_cast %select_n3A_2331 : i32 to index
        %swap3A_2337 = tpu.vector_load %arg13[%swap3A_2333, %swap3A_2334, %swap3A_2335, %swap3A_2336] {strides = array<i32>} : memref<2x4x32x256xf32, #tpu.memory_space<vmem>>, vector<16xf32>,
        tpu.vector_store %arg13[%swap3A_2333, %swap3A_2334, %swap3A_2335, %swap3A_2336], %select_n3A_2291 {strides = array<i32>} : memref<2x4x32x256xf32, #tpu.memory_space<vmem>>, vector<16xf32>,
        %mul3A_2338 = arith.constant 4 : i32
        %mul3A_2339 = arith.muli %scan3A_2162, %mul3A_2338 : i32
        %add3A_2340 = arith.constant 2 : i32
        %add3A_2341 = arith.addi %mul3A_2339, %add3A_2340 : i32
        %mul3A_2342 = arith.constant 16 : i32
        %mul3A_2343 = arith.muli %add3A_2341, %mul3A_2342 : i32
        %get3A_2344 = arith.index_cast %rem3A_1479 : i32 to index
        %get3A_2345 = arith.index_cast %mul3A_2343 : i32 to index
        %get3A_2346 = tpu.vector_load %arg12[%get3A_2344, %get3A_2345] {strides = array<i32>} : memref<2x8192xf32, #tpu.memory_space<vmem>>, vector<16xf32>,
        %broadcast_in_dim3A_2347 = arith.constant 0.000000e+00 : f32
        %broadcast_in_dim3A_2348 = vector.broadcast %broadcast_in_dim3A_2347 : f32 to vector<16xf32>
        %ge3A_2349 = arith.cmpf oge, %get3A_2346, %gather3A_1837 : vector<16xf32>
        %mul3A_2350 = arith.mulf %gather3A_1861, %get3A_2346 : vector<16xf32>
        %add3A_2351 = arith.addf %mul3A_2350, %gather3A_1882 : vector<16xf32>
        %select_n3A_2352 = arith.select %ge3A_2349, %add3A_2351, %broadcast_in_dim3A_2348 : vector<16xi1>, vector<16xf32>
        %ge3A_2353 = arith.cmpf oge, %get3A_2346, %gather3A_1840 : vector<16xf32>
        %mul3A_2354 = arith.mulf %gather3A_1864, %get3A_2346 : vector<16xf32>
        %add3A_2355 = arith.addf %mul3A_2354, %gather3A_1885 : vector<16xf32>
        %select_n3A_2356 = arith.select %ge3A_2353, %add3A_2355, %select_n3A_2352 : vector<16xi1>, vector<16xf32>
        %ge3A_2357 = arith.cmpf oge, %get3A_2346, %gather3A_1843 : vector<16xf32>
        %mul3A_2358 = arith.mulf %gather3A_1867, %get3A_2346 : vector<16xf32>
        %add3A_2359 = arith.addf %mul3A_2358, %gather3A_1888 : vector<16xf32>
        %select_n3A_2360 = arith.select %ge3A_2357, %add3A_2359, %select_n3A_2356 : vector<16xi1>, vector<16xf32>
        %ge3A_2361 = arith.cmpf oge, %get3A_2346, %gather3A_1846 : vector<16xf32>
        %mul3A_2362 = arith.mulf %gather3A_1870, %get3A_2346 : vector<16xf32>
        %add3A_2363 = arith.addf %mul3A_2362, %gather3A_1891 : vector<16xf32>
        %select_n3A_2364 = arith.select %ge3A_2361, %add3A_2363, %select_n3A_2360 : vector<16xi1>, vector<16xf32>
        %ge3A_2365 = arith.cmpf oge, %get3A_2346, %gather3A_1849 : vector<16xf32>
        %mul3A_2366 = arith.mulf %gather3A_1873, %get3A_2346 : vector<16xf32>
        %add3A_2367 = arith.addf %mul3A_2366, %gather3A_1894 : vector<16xf32>
        %select_n3A_2368 = arith.select %ge3A_2365, %add3A_2367, %select_n3A_2364 : vector<16xi1>, vector<16xf32>
        %ge3A_2369 = arith.cmpf oge, %get3A_2346, %gather3A_1852 : vector<16xf32>
        %mul3A_2370 = arith.mulf %gather3A_1876, %get3A_2346 : vector<16xf32>
        %add3A_2371 = arith.addf %mul3A_2370, %gather3A_1897 : vector<16xf32>
        %select_n3A_2372 = arith.select %ge3A_2369, %add3A_2371, %select_n3A_2368 : vector<16xi1>, vector<16xf32>
        %ge3A_2373 = arith.cmpf oge, %get3A_2346, %gather3A_1855 : vector<16xf32>
        %mul3A_2374 = arith.mulf %gather3A_1879, %get3A_2346 : vector<16xf32>
        %add3A_2375 = arith.addf %mul3A_2374, %gather3A_1900 : vector<16xf32>
        %select_n3A_2376 = arith.select %ge3A_2373, %add3A_2375, %select_n3A_2372 : vector<16xi1>, vector<16xf32>
        %ge3A_2377 = arith.cmpf oge, %get3A_2346, %gather3A_1858 : vector<16xf32>
        %select_n3A_2378 = arith.select %ge3A_2377, %gather3A_1903, %select_n3A_2376 : vector<16xi1>, vector<16xf32>
        %jit3A_2379 = arith.constant 256 : i32
        %div3A_2380 = arith.divsi %mul3A_2343, %jit3A_2379 : i32
        %sign3A_2381 = arith.constant 0 : i32
        %sign3A_2382 = arith.cmpi sgt, %mul3A_2343, %sign3A_2381 : i32
        %sign3A_2383 = arith.extui %sign3A_2382 : i1 to i32
        %sign3A_2384 = arith.constant 0 : i32
        %sign3A_2385 = arith.cmpi slt, %mul3A_2343, %sign3A_2384 : i32
        %sign3A_2386 = arith.extui %sign3A_2385 : i1 to i32
        %sign3A_2387 = arith.subi %sign3A_2383, %sign3A_2386 : i32
        %sign3A_2388 = arith.constant 0 : i32
        %sign3A_2389 = arith.cmpi sgt, %jit3A_2379, %sign3A_2388 : i32
        %sign3A_2390 = arith.extui %sign3A_2389 : i1 to i32
        %sign3A_2391 = arith.constant 0 : i32
        %sign3A_2392 = arith.cmpi slt, %jit3A_2379, %sign3A_2391 : i32
        %sign3A_2393 = arith.extui %sign3A_2392 : i1 to i32
        %sign3A_2394 = arith.subi %sign3A_2390, %sign3A_2393 : i32
        %ne3A_2395 = arith.cmpi ne, %sign3A_2387, %sign3A_2394 : i32
        %rem3A_2396 = arith.remsi %mul3A_2343, %jit3A_2379 : i32
        %ne3A_2397 = arith.constant 0 : i32
        %ne3A_2398 = arith.cmpi ne, %rem3A_2396, %ne3A_2397 : i32
        %and3A_2399 = arith.andi %ne3A_2395, %ne3A_2398 : i1
        %sub3A_2400 = arith.constant 1 : i32
        %sub3A_2401 = arith.subi %div3A_2380, %sub3A_2400 : i32
        %select_n3A_2402 = arith.select %and3A_2399, %sub3A_2401, %div3A_2380 : i32
        %jit3A_2403 = arith.constant 256 : i32
        %eq3A_2404 = arith.constant 0 : i32
        %eq3A_2405 = arith.cmpi eq, %jit3A_2403, %eq3A_2404 : i32
        %jit3A_2406 = arith.constant 1 : i32
        %select_n3A_2407 = arith.select %eq3A_2405, %jit3A_2406, %jit3A_2403 : i32
        %rem3A_2408 = arith.remsi %mul3A_2343, %select_n3A_2407 : i32
        %ne3A_2409 = arith.constant 0 : i32
        %ne3A_2410 = arith.cmpi ne, %rem3A_2408, %ne3A_2409 : i32
        %lt3A_2411 = arith.constant 0 : i32
        %lt3A_2412 = arith.cmpi slt, %rem3A_2408, %lt3A_2411 : i32
        %lt3A_2413 = arith.constant 0 : i32
        %lt3A_2414 = arith.cmpi slt, %select_n3A_2407, %lt3A_2413 : i32
        %ne3A_2415 = arith.xori %lt3A_2412, %lt3A_2414 : i1
        %and3A_2416 = arith.andi %ne3A_2415, %ne3A_2410 : i1
        %add3A_2417 = arith.addi %rem3A_2408, %select_n3A_2407 : i32
        %select_n3A_2418 = arith.select %and3A_2416, %add3A_2417, %rem3A_2408 : i32
        %swap3A_2419 = arith.constant 2 : i32
        %swap3A_2420 = arith.index_cast %rem3A_1479 : i32 to index
        %swap3A_2421 = arith.index_cast %swap3A_2419 : i32 to index
        %swap3A_2422 = arith.index_cast %select_n3A_2402 : i32 to index
        %swap3A_2423 = arith.index_cast %select_n3A_2418 : i32 to index
        %swap3A_2424 = tpu.vector_load %arg13[%swap3A_2420, %swap3A_2421, %swap3A_2422, %swap3A_2423] {strides = array<i32>} : memref<2x4x32x256xf32, #tpu.memory_space<vmem>>, vector<16xf32>,
        tpu.vector_store %arg13[%swap3A_2420, %swap3A_2421, %swap3A_2422, %swap3A_2423], %select_n3A_2378 {strides = array<i32>} : memref<2x4x32x256xf32, #tpu.memory_space<vmem>>, vector<16xf32>,
        %mul3A_2425 = arith.constant 4 : i32
        %mul3A_2426 = arith.muli %scan3A_2162, %mul3A_2425 : i32
        %add3A_2427 = arith.constant 3 : i32
        %add3A_2428 = arith.addi %mul3A_2426, %add3A_2427 : i32
        %mul3A_2429 = arith.constant 16 : i32
        %mul3A_2430 = arith.muli %add3A_2428, %mul3A_2429 : i32
        %get3A_2431 = arith.index_cast %rem3A_1479 : i32 to index
        %get3A_2432 = arith.index_cast %mul3A_2430 : i32 to index
        %get3A_2433 = tpu.vector_load %arg12[%get3A_2431, %get3A_2432] {strides = array<i32>} : memref<2x8192xf32, #tpu.memory_space<vmem>>, vector<16xf32>,
        %broadcast_in_dim3A_2434 = arith.constant 0.000000e+00 : f32
        %broadcast_in_dim3A_2435 = vector.broadcast %broadcast_in_dim3A_2434 : f32 to vector<16xf32>
        %ge3A_2436 = arith.cmpf oge, %get3A_2433, %gather3A_1837 : vector<16xf32>
        %mul3A_2437 = arith.mulf %gather3A_1861, %get3A_2433 : vector<16xf32>
        %add3A_2438 = arith.addf %mul3A_2437, %gather3A_1882 : vector<16xf32>
        %select_n3A_2439 = arith.select %ge3A_2436, %add3A_2438, %broadcast_in_dim3A_2435 : vector<16xi1>, vector<16xf32>
        %ge3A_2440 = arith.cmpf oge, %get3A_2433, %gather3A_1840 : vector<16xf32>
        %mul3A_2441 = arith.mulf %gather3A_1864, %get3A_2433 : vector<16xf32>
        %add3A_2442 = arith.addf %mul3A_2441, %gather3A_1885 : vector<16xf32>
        %select_n3A_2443 = arith.select %ge3A_2440, %add3A_2442, %select_n3A_2439 : vector<16xi1>, vector<16xf32>
        %ge3A_2444 = arith.cmpf oge, %get3A_2433, %gather3A_1843 : vector<16xf32>
        %mul3A_2445 = arith.mulf %gather3A_1867, %get3A_2433 : vector<16xf32>
        %add3A_2446 = arith.addf %mul3A_2445, %gather3A_1888 : vector<16xf32>
        %select_n3A_2447 = arith.select %ge3A_2444, %add3A_2446, %select_n3A_2443 : vector<16xi1>, vector<16xf32>
        %ge3A_2448 = arith.cmpf oge, %get3A_2433, %gather3A_1846 : vector<16xf32>
        %mul3A_2449 = arith.mulf %gather3A_1870, %get3A_2433 : vector<16xf32>
        %add3A_2450 = arith.addf %mul3A_2449, %gather3A_1891 : vector<16xf32>
        %select_n3A_2451 = arith.select %ge3A_2448, %add3A_2450, %select_n3A_2447 : vector<16xi1>, vector<16xf32>
        %ge3A_2452 = arith.cmpf oge, %get3A_2433, %gather3A_1849 : vector<16xf32>
        %mul3A_2453 = arith.mulf %gather3A_1873, %get3A_2433 : vector<16xf32>
        %add3A_2454 = arith.addf %mul3A_2453, %gather3A_1894 : vector<16xf32>
        %select_n3A_2455 = arith.select %ge3A_2452, %add3A_2454, %select_n3A_2451 : vector<16xi1>, vector<16xf32>
        %ge3A_2456 = arith.cmpf oge, %get3A_2433, %gather3A_1852 : vector<16xf32>
        %mul3A_2457 = arith.mulf %gather3A_1876, %get3A_2433 : vector<16xf32>
        %add3A_2458 = arith.addf %mul3A_2457, %gather3A_1897 : vector<16xf32>
        %select_n3A_2459 = arith.select %ge3A_2456, %add3A_2458, %select_n3A_2455 : vector<16xi1>, vector<16xf32>
        %ge3A_2460 = arith.cmpf oge, %get3A_2433, %gather3A_1855 : vector<16xf32>
        %mul3A_2461 = arith.mulf %gather3A_1879, %get3A_2433 : vector<16xf32>
        %add3A_2462 = arith.addf %mul3A_2461, %gather3A_1900 : vector<16xf32>
        %select_n3A_2463 = arith.select %ge3A_2460, %add3A_2462, %select_n3A_2459 : vector<16xi1>, vector<16xf32>
        %ge3A_2464 = arith.cmpf oge, %get3A_2433, %gather3A_1858 : vector<16xf32>
        %select_n3A_2465 = arith.select %ge3A_2464, %gather3A_1903, %select_n3A_2463 : vector<16xi1>, vector<16xf32>
        %jit3A_2466 = arith.constant 256 : i32
        %div3A_2467 = arith.divsi %mul3A_2430, %jit3A_2466 : i32
        %sign3A_2468 = arith.constant 0 : i32
        %sign3A_2469 = arith.cmpi sgt, %mul3A_2430, %sign3A_2468 : i32
        %sign3A_2470 = arith.extui %sign3A_2469 : i1 to i32
        %sign3A_2471 = arith.constant 0 : i32
        %sign3A_2472 = arith.cmpi slt, %mul3A_2430, %sign3A_2471 : i32
        %sign3A_2473 = arith.extui %sign3A_2472 : i1 to i32
        %sign3A_2474 = arith.subi %sign3A_2470, %sign3A_2473 : i32
        %sign3A_2475 = arith.constant 0 : i32
        %sign3A_2476 = arith.cmpi sgt, %jit3A_2466, %sign3A_2475 : i32
        %sign3A_2477 = arith.extui %sign3A_2476 : i1 to i32
        %sign3A_2478 = arith.constant 0 : i32
        %sign3A_2479 = arith.cmpi slt, %jit3A_2466, %sign3A_2478 : i32
        %sign3A_2480 = arith.extui %sign3A_2479 : i1 to i32
        %sign3A_2481 = arith.subi %sign3A_2477, %sign3A_2480 : i32
        %ne3A_2482 = arith.cmpi ne, %sign3A_2474, %sign3A_2481 : i32
        %rem3A_2483 = arith.remsi %mul3A_2430, %jit3A_2466 : i32
        %ne3A_2484 = arith.constant 0 : i32
        %ne3A_2485 = arith.cmpi ne, %rem3A_2483, %ne3A_2484 : i32
        %and3A_2486 = arith.andi %ne3A_2482, %ne3A_2485 : i1
        %sub3A_2487 = arith.constant 1 : i32
        %sub3A_2488 = arith.subi %div3A_2467, %sub3A_2487 : i32
        %select_n3A_2489 = arith.select %and3A_2486, %sub3A_2488, %div3A_2467 : i32
        %jit3A_2490 = arith.constant 256 : i32
        %eq3A_2491 = arith.constant 0 : i32
        %eq3A_2492 = arith.cmpi eq, %jit3A_2490, %eq3A_2491 : i32
        %jit3A_2493 = arith.constant 1 : i32
        %select_n3A_2494 = arith.select %eq3A_2492, %jit3A_2493, %jit3A_2490 : i32
        %rem3A_2495 = arith.remsi %mul3A_2430, %select_n3A_2494 : i32
        %ne3A_2496 = arith.constant 0 : i32
        %ne3A_2497 = arith.cmpi ne, %rem3A_2495, %ne3A_2496 : i32
        %lt3A_2498 = arith.constant 0 : i32
        %lt3A_2499 = arith.cmpi slt, %rem3A_2495, %lt3A_2498 : i32
        %lt3A_2500 = arith.constant 0 : i32
        %lt3A_2501 = arith.cmpi slt, %select_n3A_2494, %lt3A_2500 : i32
        %ne3A_2502 = arith.xori %lt3A_2499, %lt3A_2501 : i1
        %and3A_2503 = arith.andi %ne3A_2502, %ne3A_2497 : i1
        %add3A_2504 = arith.addi %rem3A_2495, %select_n3A_2494 : i32
        %select_n3A_2505 = arith.select %and3A_2503, %add3A_2504, %rem3A_2495 : i32
        %swap3A_2506 = arith.constant 2 : i32
        %swap3A_2507 = arith.index_cast %rem3A_1479 : i32 to index
        %swap3A_2508 = arith.index_cast %swap3A_2506 : i32 to index
        %swap3A_2509 = arith.index_cast %select_n3A_2489 : i32 to index
        %swap3A_2510 = arith.index_cast %select_n3A_2505 : i32 to index
        %swap3A_2511 = tpu.vector_load %arg13[%swap3A_2507, %swap3A_2508, %swap3A_2509, %swap3A_2510] {strides = array<i32>} : memref<2x4x32x256xf32, #tpu.memory_space<vmem>>, vector<16xf32>,
        tpu.vector_store %arg13[%swap3A_2507, %swap3A_2508, %swap3A_2509, %swap3A_2510], %select_n3A_2465 {strides = array<i32>} : memref<2x4x32x256xf32, #tpu.memory_space<vmem>>, vector<16xf32>,
        %scan3A_2512 = arith.constant 0 : i32
        scf.yield %scan3A_2512 : i32
      }
      %scan3A_1910 = arith.constant 128 : i32
      %mul3A_1911 = arith.constant 8192 : i32
      %mul3A_1912 = arith.muli %scan3A_1476, %mul3A_1911 : i32
      %add3A_1913 = arith.addi %mul3A_32, %mul3A_1912 : i32
      %jit3A_1914 = arith.constant 131072 : i32
      %div3A_1915 = arith.divsi %add3A_1913, %jit3A_1914 : i32
      %sign3A_1916 = arith.constant 0 : i32
      %sign3A_1917 = arith.cmpi sgt, %add3A_1913, %sign3A_1916 : i32
      %sign3A_1918 = arith.extui %sign3A_1917 : i1 to i32
      %sign3A_1919 = arith.constant 0 : i32
      %sign3A_1920 = arith.cmpi slt, %add3A_1913, %sign3A_1919 : i32
      %sign3A_1921 = arith.extui %sign3A_1920 : i1 to i32
      %sign3A_1922 = arith.subi %sign3A_1918, %sign3A_1921 : i32
      %sign3A_1923 = arith.constant 0 : i32
      %sign3A_1924 = arith.cmpi sgt, %jit3A_1914, %sign3A_1923 : i32
      %sign3A_1925 = arith.extui %sign3A_1924 : i1 to i32
      %sign3A_1926 = arith.constant 0 : i32
      %sign3A_1927 = arith.cmpi slt, %jit3A_1914, %sign3A_1926 : i32
      %sign3A_1928 = arith.extui %sign3A_1927 : i1 to i32
      %sign3A_1929 = arith.subi %sign3A_1925, %sign3A_1928 : i32
      %ne3A_1930 = arith.cmpi ne, %sign3A_1922, %sign3A_1929 : i32
      %rem3A_1931 = arith.remsi %add3A_1913, %jit3A_1914 : i32
      %ne3A_1932 = arith.constant 0 : i32
      %ne3A_1933 = arith.cmpi ne, %rem3A_1931, %ne3A_1932 : i32
      %and3A_1934 = arith.andi %ne3A_1930, %ne3A_1933 : i1
      %sub3A_1935 = arith.constant 1 : i32
      %sub3A_1936 = arith.subi %div3A_1915, %sub3A_1935 : i32
      %select_n3A_1937 = arith.select %and3A_1934, %sub3A_1936, %div3A_1915 : i32
      %jit3A_1938 = arith.constant 131072 : i32
      %eq3A_1939 = arith.constant 0 : i32
      %eq3A_1940 = arith.cmpi eq, %jit3A_1938, %eq3A_1939 : i32
      %jit3A_1941 = arith.constant 1 : i32
      %select_n3A_1942 = arith.select %eq3A_1940, %jit3A_1941, %jit3A_1938 : i32
      %rem3A_1943 = arith.remsi %add3A_1913, %select_n3A_1942 : i32
      %ne3A_1944 = arith.constant 0 : i32
      %ne3A_1945 = arith.cmpi ne, %rem3A_1943, %ne3A_1944 : i32
      %lt3A_1946 = arith.constant 0 : i32
      %lt3A_1947 = arith.cmpi slt, %rem3A_1943, %lt3A_1946 : i32
      %lt3A_1948 = arith.constant 0 : i32
      %lt3A_1949 = arith.cmpi slt, %select_n3A_1942, %lt3A_1948 : i32
      %ne3A_1950 = arith.xori %lt3A_1947, %lt3A_1949 : i1
      %and3A_1951 = arith.andi %ne3A_1950, %ne3A_1945 : i1
      %add3A_1952 = arith.addi %rem3A_1943, %select_n3A_1942 : i32
      %select_n3A_1953 = arith.select %and3A_1951, %add3A_1952, %rem3A_1943 : i32
      %jit3A_1954 = arith.constant 256 : i32
      %div3A_1955 = arith.divsi %select_n3A_1953, %jit3A_1954 : i32
      %sign3A_1956 = arith.constant 0 : i32
      %sign3A_1957 = arith.cmpi sgt, %select_n3A_1953, %sign3A_1956 : i32
      %sign3A_1958 = arith.extui %sign3A_1957 : i1 to i32
      %sign3A_1959 = arith.constant 0 : i32
      %sign3A_1960 = arith.cmpi slt, %select_n3A_1953, %sign3A_1959 : i32
      %sign3A_1961 = arith.extui %sign3A_1960 : i1 to i32
      %sign3A_1962 = arith.subi %sign3A_1958, %sign3A_1961 : i32
      %sign3A_1963 = arith.constant 0 : i32
      %sign3A_1964 = arith.cmpi sgt, %jit3A_1954, %sign3A_1963 : i32
      %sign3A_1965 = arith.extui %sign3A_1964 : i1 to i32
      %sign3A_1966 = arith.constant 0 : i32
      %sign3A_1967 = arith.cmpi slt, %jit3A_1954, %sign3A_1966 : i32
      %sign3A_1968 = arith.extui %sign3A_1967 : i1 to i32
      %sign3A_1969 = arith.subi %sign3A_1965, %sign3A_1968 : i32
      %ne3A_1970 = arith.cmpi ne, %sign3A_1962, %sign3A_1969 : i32
      %rem3A_1971 = arith.remsi %select_n3A_1953, %jit3A_1954 : i32
      %ne3A_1972 = arith.constant 0 : i32
      %ne3A_1973 = arith.cmpi ne, %rem3A_1971, %ne3A_1972 : i32
      %and3A_1974 = arith.andi %ne3A_1970, %ne3A_1973 : i1
      %sub3A_1975 = arith.constant 1 : i32
      %sub3A_1976 = arith.subi %div3A_1955, %sub3A_1975 : i32
      %select_n3A_1977 = arith.select %and3A_1974, %sub3A_1976, %div3A_1955 : i32
      %multiple_of3A_1978 = tpu.assume_multiple %select_n3A_1977, 32 : i32
      %dma_start3A_1979 = arith.constant 2 : i32
      %dma_start3A_1980 = arith.constant 2 : i32
      %dma_start3A_1981 = arith.constant 0 : i32
      %dma_start3A_1982 = arith.constant 0 : i32
      %dma_start3A_1983 = tpu.memref_slice %arg13[%rem3A_1479, %dma_start3A_1979, %dma_start3A_1981, %dma_start3A_1982] : memref<2x4x32x256xf32, #tpu.memory_space<vmem>> -> memref<1x1x32x256xf32, #tpu.memory_space<vmem>>
      %dma_start3A_1984 = tpu.memref_squeeze %dma_start3A_1983 : memref<1x1x32x256xf32, #tpu.memory_space<vmem>> -> memref<32x256xf32, #tpu.memory_space<vmem>>
      %dma_start3A_1985 = arith.constant 0 : i32
      %dma_start3A_1986 = tpu.memref_slice %arg5[%select_n3A, %dma_start3A_1980, %select_n3A_1937, %multiple_of3A_1978, %dma_start3A_1985] : memref<2x4x3x512x256xf32, #tpu.memory_space<hbm>> -> memref<1x1x1x32x256xf32, #tpu.memory_space<hbm>>
      %dma_start3A_1987 = tpu.memref_squeeze %dma_start3A_1986 : memref<1x1x1x32x256xf32, #tpu.memory_space<hbm>> -> memref<32x256xf32, #tpu.memory_space<hbm>>
      %dma_start3A_1988 = tpu.memref_slice %arg15[%rem3A_1479] : memref<2x!tpu.dma_semaphore, #tpu.memory_space<semaphore_mem>> -> memref<1x!tpu.dma_semaphore, #tpu.memory_space<semaphore_mem>>
      %dma_start3A_1989 = tpu.memref_squeeze %dma_start3A_1988 : memref<1x!tpu.dma_semaphore, #tpu.memory_space<semaphore_mem>> -> memref<!tpu.dma_semaphore, #tpu.memory_space<semaphore_mem>>
      %dma_start3A_1990 = arith.constant 0 : i32
      %dma_start3A_1991 = tpu.memref_slice %arg5[%select_n3A, %dma_start3A_1980, %select_n3A_1937, %multiple_of3A_1978, %dma_start3A_1990] : memref<2x4x3x512x256xf32, #tpu.memory_space<hbm>> -> memref<1x1x1x32x256xf32, #tpu.memory_space<hbm>>
      %dma_start3A_1992 = tpu.memref_squeeze %dma_start3A_1991 : memref<1x1x1x32x256xf32, #tpu.memory_space<hbm>> -> memref<32x256xf32, #tpu.memory_space<hbm>>
      %dma_start3A_1993 = arith.constant 0 : i32
      %dma_start3A_1994 = arith.constant 0 : i32
      %dma_start3A_1995 = tpu.memref_slice %arg13[%rem3A_1479, %dma_start3A_1979, %dma_start3A_1993, %dma_start3A_1994] : memref<2x4x32x256xf32, #tpu.memory_space<vmem>> -> memref<1x1x32x256xf32, #tpu.memory_space<vmem>>
      %dma_start3A_1996 = tpu.memref_squeeze %dma_start3A_1995 : memref<1x1x32x256xf32, #tpu.memory_space<vmem>> -> memref<32x256xf32, #tpu.memory_space<vmem>>
      tpu.enqueue_dma source(%dma_start3A_1996 : memref<32x256xf32, #tpu.memory_space<vmem>>) target(%dma_start3A_1992 : memref<32x256xf32, #tpu.memory_space<hbm>>) target_semaphore(%dma_start3A_1989 : memref<!tpu.dma_semaphore, #tpu.memory_space<semaphore_mem>>)
      %broadcast_in_dim3A_1997 = arith.constant 4 : i32
      %broadcast_in_dim3A_1998 = vector.broadcast %broadcast_in_dim3A_1997 : i32 to vector<16xi32>
      %broadcast_in_dim3A_1999 = arith.constant 0 : i32
      %broadcast_in_dim3A_2000 = vector.broadcast %broadcast_in_dim3A_1999 : i32 to vector<16xi32>
      %gather3A_2001 = tpu.vector_load_idx %arg8[%broadcast_in_dim3A_1998, %broadcast_in_dim3A_2000] : memref<5x16xf32, #tpu.memory_space<vmem>>[vector<16xi32>, vector<16xi32>], vector<16xf32>,
      %broadcast_in_dim3A_2002 = arith.constant 1 : i32
      %broadcast_in_dim3A_2003 = vector.broadcast %broadcast_in_dim3A_2002 : i32 to vector<16xi32>
      %gather3A_2004 = tpu.vector_load_idx %arg8[%broadcast_in_dim3A_1998, %broadcast_in_dim3A_2003] : memref<5x16xf32, #tpu.memory_space<vmem>>[vector<16xi32>, vector<16xi32>], vector<16xf32>,
      %broadcast_in_dim3A_2005 = arith.constant 2 : i32
      %broadcast_in_dim3A_2006 = vector.broadcast %broadcast_in_dim3A_2005 : i32 to vector<16xi32>
      %gather3A_2007 = tpu.vector_load_idx %arg8[%broadcast_in_dim3A_1998, %broadcast_in_dim3A_2006] : memref<5x16xf32, #tpu.memory_space<vmem>>[vector<16xi32>, vector<16xi32>], vector<16xf32>,
      %broadcast_in_dim3A_2008 = arith.constant 3 : i32
      %broadcast_in_dim3A_2009 = vector.broadcast %broadcast_in_dim3A_2008 : i32 to vector<16xi32>
      %gather3A_2010 = tpu.vector_load_idx %arg8[%broadcast_in_dim3A_1998, %broadcast_in_dim3A_2009] : memref<5x16xf32, #tpu.memory_space<vmem>>[vector<16xi32>, vector<16xi32>], vector<16xf32>,
      %broadcast_in_dim3A_2011 = arith.constant 4 : i32
      %broadcast_in_dim3A_2012 = vector.broadcast %broadcast_in_dim3A_2011 : i32 to vector<16xi32>
      %gather3A_2013 = tpu.vector_load_idx %arg8[%broadcast_in_dim3A_1998, %broadcast_in_dim3A_2012] : memref<5x16xf32, #tpu.memory_space<vmem>>[vector<16xi32>, vector<16xi32>], vector<16xf32>,
      %broadcast_in_dim3A_2014 = arith.constant 5 : i32
      %broadcast_in_dim3A_2015 = vector.broadcast %broadcast_in_dim3A_2014 : i32 to vector<16xi32>
      %gather3A_2016 = tpu.vector_load_idx %arg8[%broadcast_in_dim3A_1998, %broadcast_in_dim3A_2015] : memref<5x16xf32, #tpu.memory_space<vmem>>[vector<16xi32>, vector<16xi32>], vector<16xf32>,
      %broadcast_in_dim3A_2017 = arith.constant 6 : i32
      %broadcast_in_dim3A_2018 = vector.broadcast %broadcast_in_dim3A_2017 : i32 to vector<16xi32>
      %gather3A_2019 = tpu.vector_load_idx %arg8[%broadcast_in_dim3A_1998, %broadcast_in_dim3A_2018] : memref<5x16xf32, #tpu.memory_space<vmem>>[vector<16xi32>, vector<16xi32>], vector<16xf32>,
      %broadcast_in_dim3A_2020 = arith.constant 7 : i32
      %broadcast_in_dim3A_2021 = vector.broadcast %broadcast_in_dim3A_2020 : i32 to vector<16xi32>
      %gather3A_2022 = tpu.vector_load_idx %arg8[%broadcast_in_dim3A_1998, %broadcast_in_dim3A_2021] : memref<5x16xf32, #tpu.memory_space<vmem>>[vector<16xi32>, vector<16xi32>], vector<16xf32>,
      %broadcast_in_dim3A_2023 = arith.constant 1 : i32
      %broadcast_in_dim3A_2024 = vector.broadcast %broadcast_in_dim3A_2023 : i32 to vector<16xi32>
      %gather3A_2025 = tpu.vector_load_idx %arg9[%broadcast_in_dim3A_1998, %broadcast_in_dim3A_2024] : memref<5x16xf32, #tpu.memory_space<vmem>>[vector<16xi32>, vector<16xi32>], vector<16xf32>,
      %broadcast_in_dim3A_2026 = arith.constant 2 : i32
      %broadcast_in_dim3A_2027 = vector.broadcast %broadcast_in_dim3A_2026 : i32 to vector<16xi32>
      %gather3A_2028 = tpu.vector_load_idx %arg9[%broadcast_in_dim3A_1998, %broadcast_in_dim3A_2027] : memref<5x16xf32, #tpu.memory_space<vmem>>[vector<16xi32>, vector<16xi32>], vector<16xf32>,
      %broadcast_in_dim3A_2029 = arith.constant 3 : i32
      %broadcast_in_dim3A_2030 = vector.broadcast %broadcast_in_dim3A_2029 : i32 to vector<16xi32>
      %gather3A_2031 = tpu.vector_load_idx %arg9[%broadcast_in_dim3A_1998, %broadcast_in_dim3A_2030] : memref<5x16xf32, #tpu.memory_space<vmem>>[vector<16xi32>, vector<16xi32>], vector<16xf32>,
      %broadcast_in_dim3A_2032 = arith.constant 4 : i32
      %broadcast_in_dim3A_2033 = vector.broadcast %broadcast_in_dim3A_2032 : i32 to vector<16xi32>
      %gather3A_2034 = tpu.vector_load_idx %arg9[%broadcast_in_dim3A_1998, %broadcast_in_dim3A_2033] : memref<5x16xf32, #tpu.memory_space<vmem>>[vector<16xi32>, vector<16xi32>], vector<16xf32>,
      %broadcast_in_dim3A_2035 = arith.constant 5 : i32
      %broadcast_in_dim3A_2036 = vector.broadcast %broadcast_in_dim3A_2035 : i32 to vector<16xi32>
      %gather3A_2037 = tpu.vector_load_idx %arg9[%broadcast_in_dim3A_1998, %broadcast_in_dim3A_2036] : memref<5x16xf32, #tpu.memory_space<vmem>>[vector<16xi32>, vector<16xi32>], vector<16xf32>,
      %broadcast_in_dim3A_2038 = arith.constant 6 : i32
      %broadcast_in_dim3A_2039 = vector.broadcast %broadcast_in_dim3A_2038 : i32 to vector<16xi32>
      %gather3A_2040 = tpu.vector_load_idx %arg9[%broadcast_in_dim3A_1998, %broadcast_in_dim3A_2039] : memref<5x16xf32, #tpu.memory_space<vmem>>[vector<16xi32>, vector<16xi32>], vector<16xf32>,
      %broadcast_in_dim3A_2041 = arith.constant 7 : i32
      %broadcast_in_dim3A_2042 = vector.broadcast %broadcast_in_dim3A_2041 : i32 to vector<16xi32>
      %gather3A_2043 = tpu.vector_load_idx %arg9[%broadcast_in_dim3A_1998, %broadcast_in_dim3A_2042] : memref<5x16xf32, #tpu.memory_space<vmem>>[vector<16xi32>, vector<16xi32>], vector<16xf32>,
      %broadcast_in_dim3A_2044 = arith.constant 1 : i32
      %broadcast_in_dim3A_2045 = vector.broadcast %broadcast_in_dim3A_2044 : i32 to vector<16xi32>
      %gather3A_2046 = tpu.vector_load_idx %arg10[%broadcast_in_dim3A_1998, %broadcast_in_dim3A_2045] : memref<5x16xf32, #tpu.memory_space<vmem>>[vector<16xi32>, vector<16xi32>], vector<16xf32>,
      %broadcast_in_dim3A_2047 = arith.constant 2 : i32
      %broadcast_in_dim3A_2048 = vector.broadcast %broadcast_in_dim3A_2047 : i32 to vector<16xi32>
      %gather3A_2049 = tpu.vector_load_idx %arg10[%broadcast_in_dim3A_1998, %broadcast_in_dim3A_2048] : memref<5x16xf32, #tpu.memory_space<vmem>>[vector<16xi32>, vector<16xi32>], vector<16xf32>,
      %broadcast_in_dim3A_2050 = arith.constant 3 : i32
      %broadcast_in_dim3A_2051 = vector.broadcast %broadcast_in_dim3A_2050 : i32 to vector<16xi32>
      %gather3A_2052 = tpu.vector_load_idx %arg10[%broadcast_in_dim3A_1998, %broadcast_in_dim3A_2051] : memref<5x16xf32, #tpu.memory_space<vmem>>[vector<16xi32>, vector<16xi32>], vector<16xf32>,
      %broadcast_in_dim3A_2053 = arith.constant 4 : i32
      %broadcast_in_dim3A_2054 = vector.broadcast %broadcast_in_dim3A_2053 : i32 to vector<16xi32>
      %gather3A_2055 = tpu.vector_load_idx %arg10[%broadcast_in_dim3A_1998, %broadcast_in_dim3A_2054] : memref<5x16xf32, #tpu.memory_space<vmem>>[vector<16xi32>, vector<16xi32>], vector<16xf32>,
      %broadcast_in_dim3A_2056 = arith.constant 5 : i32
      %broadcast_in_dim3A_2057 = vector.broadcast %broadcast_in_dim3A_2056 : i32 to vector<16xi32>
      %gather3A_2058 = tpu.vector_load_idx %arg10[%broadcast_in_dim3A_1998, %broadcast_in_dim3A_2057] : memref<5x16xf32, #tpu.memory_space<vmem>>[vector<16xi32>, vector<16xi32>], vector<16xf32>,
      %broadcast_in_dim3A_2059 = arith.constant 6 : i32
      %broadcast_in_dim3A_2060 = vector.broadcast %broadcast_in_dim3A_2059 : i32 to vector<16xi32>
      %gather3A_2061 = tpu.vector_load_idx %arg10[%broadcast_in_dim3A_1998, %broadcast_in_dim3A_2060] : memref<5x16xf32, #tpu.memory_space<vmem>>[vector<16xi32>, vector<16xi32>], vector<16xf32>,
      %broadcast_in_dim3A_2062 = arith.constant 7 : i32
      %broadcast_in_dim3A_2063 = vector.broadcast %broadcast_in_dim3A_2062 : i32 to vector<16xi32>
      %gather3A_2064 = tpu.vector_load_idx %arg10[%broadcast_in_dim3A_1998, %broadcast_in_dim3A_2063] : memref<5x16xf32, #tpu.memory_space<vmem>>[vector<16xi32>, vector<16xi32>], vector<16xf32>,
      %broadcast_in_dim3A_2065 = arith.constant 8 : i32
      %broadcast_in_dim3A_2066 = vector.broadcast %broadcast_in_dim3A_2065 : i32 to vector<16xi32>
      %gather3A_2067 = tpu.vector_load_idx %arg10[%broadcast_in_dim3A_1998, %broadcast_in_dim3A_2066] : memref<5x16xf32, #tpu.memory_space<vmem>>[vector<16xi32>, vector<16xi32>], vector<16xf32>,
      %scan3A_2068 = arith.constant 0 : i32
      %scan3A_2069 = arith.constant 0 : i32
      %scan3A_2070 = arith.constant 128 : i32
      %scan3A_2071 = arith.addi %scan3A_2069, %scan3A_2070 : i32
      %scan3A_2072 = arith.constant 1 : i32
      %scan3A_2073 = scf.for %scan3A_2162 = %scan3A_2069 to %scan3A_2071 step %scan3A_2072 iter_args(%scan3A_2163 = %scan3A_2068) -> (i32)  : i32 {
        %mul3A_2164 = arith.constant 4 : i32
        %mul3A_2165 = arith.muli %scan3A_2162, %mul3A_2164 : i32
        %add3A_2166 = arith.constant 0 : i32
        %add3A_2167 = arith.addi %mul3A_2165, %add3A_2166 : i32
        %mul3A_2168 = arith.constant 16 : i32
        %mul3A_2169 = arith.muli %add3A_2167, %mul3A_2168 : i32
        %get3A_2170 = arith.index_cast %rem3A_1479 : i32 to index
        %get3A_2171 = arith.index_cast %mul3A_2169 : i32 to index
        %get3A_2172 = tpu.vector_load %arg12[%get3A_2170, %get3A_2171] {strides = array<i32>} : memref<2x8192xf32, #tpu.memory_space<vmem>>, vector<16xf32>,
        %broadcast_in_dim3A_2173 = arith.constant 0.000000e+00 : f32
        %broadcast_in_dim3A_2174 = vector.broadcast %broadcast_in_dim3A_2173 : f32 to vector<16xf32>
        %ge3A_2175 = arith.cmpf oge, %get3A_2172, %gather3A_2001 : vector<16xf32>
        %mul3A_2176 = arith.mulf %gather3A_2025, %get3A_2172 : vector<16xf32>
        %add3A_2177 = arith.addf %mul3A_2176, %gather3A_2046 : vector<16xf32>
        %select_n3A_2178 = arith.select %ge3A_2175, %add3A_2177, %broadcast_in_dim3A_2174 : vector<16xi1>, vector<16xf32>
        %ge3A_2179 = arith.cmpf oge, %get3A_2172, %gather3A_2004 : vector<16xf32>
        %mul3A_2180 = arith.mulf %gather3A_2028, %get3A_2172 : vector<16xf32>
        %add3A_2181 = arith.addf %mul3A_2180, %gather3A_2049 : vector<16xf32>
        %select_n3A_2182 = arith.select %ge3A_2179, %add3A_2181, %select_n3A_2178 : vector<16xi1>, vector<16xf32>
        %ge3A_2183 = arith.cmpf oge, %get3A_2172, %gather3A_2007 : vector<16xf32>
        %mul3A_2184 = arith.mulf %gather3A_2031, %get3A_2172 : vector<16xf32>
        %add3A_2185 = arith.addf %mul3A_2184, %gather3A_2052 : vector<16xf32>
        %select_n3A_2186 = arith.select %ge3A_2183, %add3A_2185, %select_n3A_2182 : vector<16xi1>, vector<16xf32>
        %ge3A_2187 = arith.cmpf oge, %get3A_2172, %gather3A_2010 : vector<16xf32>
        %mul3A_2188 = arith.mulf %gather3A_2034, %get3A_2172 : vector<16xf32>
        %add3A_2189 = arith.addf %mul3A_2188, %gather3A_2055 : vector<16xf32>
        %select_n3A_2190 = arith.select %ge3A_2187, %add3A_2189, %select_n3A_2186 : vector<16xi1>, vector<16xf32>
        %ge3A_2191 = arith.cmpf oge, %get3A_2172, %gather3A_2013 : vector<16xf32>
        %mul3A_2192 = arith.mulf %gather3A_2037, %get3A_2172 : vector<16xf32>
        %add3A_2193 = arith.addf %mul3A_2192, %gather3A_2058 : vector<16xf32>
        %select_n3A_2194 = arith.select %ge3A_2191, %add3A_2193, %select_n3A_2190 : vector<16xi1>, vector<16xf32>
        %ge3A_2195 = arith.cmpf oge, %get3A_2172, %gather3A_2016 : vector<16xf32>
        %mul3A_2196 = arith.mulf %gather3A_2040, %get3A_2172 : vector<16xf32>
        %add3A_2197 = arith.addf %mul3A_2196, %gather3A_2061 : vector<16xf32>
        %select_n3A_2198 = arith.select %ge3A_2195, %add3A_2197, %select_n3A_2194 : vector<16xi1>, vector<16xf32>
        %ge3A_2199 = arith.cmpf oge, %get3A_2172, %gather3A_2019 : vector<16xf32>
        %mul3A_2200 = arith.mulf %gather3A_2043, %get3A_2172 : vector<16xf32>
        %add3A_2201 = arith.addf %mul3A_2200, %gather3A_2064 : vector<16xf32>
        %select_n3A_2202 = arith.select %ge3A_2199, %add3A_2201, %select_n3A_2198 : vector<16xi1>, vector<16xf32>
        %ge3A_2203 = arith.cmpf oge, %get3A_2172, %gather3A_2022 : vector<16xf32>
        %select_n3A_2204 = arith.select %ge3A_2203, %gather3A_2067, %select_n3A_2202 : vector<16xi1>, vector<16xf32>
        %jit3A_2205 = arith.constant 256 : i32
        %div3A_2206 = arith.divsi %mul3A_2169, %jit3A_2205 : i32
        %sign3A_2207 = arith.constant 0 : i32
        %sign3A_2208 = arith.cmpi sgt, %mul3A_2169, %sign3A_2207 : i32
        %sign3A_2209 = arith.extui %sign3A_2208 : i1 to i32
        %sign3A_2210 = arith.constant 0 : i32
        %sign3A_2211 = arith.cmpi slt, %mul3A_2169, %sign3A_2210 : i32
        %sign3A_2212 = arith.extui %sign3A_2211 : i1 to i32
        %sign3A_2213 = arith.subi %sign3A_2209, %sign3A_2212 : i32
        %sign3A_2214 = arith.constant 0 : i32
        %sign3A_2215 = arith.cmpi sgt, %jit3A_2205, %sign3A_2214 : i32
        %sign3A_2216 = arith.extui %sign3A_2215 : i1 to i32
        %sign3A_2217 = arith.constant 0 : i32
        %sign3A_2218 = arith.cmpi slt, %jit3A_2205, %sign3A_2217 : i32
        %sign3A_2219 = arith.extui %sign3A_2218 : i1 to i32
        %sign3A_2220 = arith.subi %sign3A_2216, %sign3A_2219 : i32
        %ne3A_2221 = arith.cmpi ne, %sign3A_2213, %sign3A_2220 : i32
        %rem3A_2222 = arith.remsi %mul3A_2169, %jit3A_2205 : i32
        %ne3A_2223 = arith.constant 0 : i32
        %ne3A_2224 = arith.cmpi ne, %rem3A_2222, %ne3A_2223 : i32
        %and3A_2225 = arith.andi %ne3A_2221, %ne3A_2224 : i1
        %sub3A_2226 = arith.constant 1 : i32
        %sub3A_2227 = arith.subi %div3A_2206, %sub3A_2226 : i32
        %select_n3A_2228 = arith.select %and3A_2225, %sub3A_2227, %div3A_2206 : i32
        %jit3A_2229 = arith.constant 256 : i32
        %eq3A_2230 = arith.constant 0 : i32
        %eq3A_2231 = arith.cmpi eq, %jit3A_2229, %eq3A_2230 : i32
        %jit3A_2232 = arith.constant 1 : i32
        %select_n3A_2233 = arith.select %eq3A_2231, %jit3A_2232, %jit3A_2229 : i32
        %rem3A_2234 = arith.remsi %mul3A_2169, %select_n3A_2233 : i32
        %ne3A_2235 = arith.constant 0 : i32
        %ne3A_2236 = arith.cmpi ne, %rem3A_2234, %ne3A_2235 : i32
        %lt3A_2237 = arith.constant 0 : i32
        %lt3A_2238 = arith.cmpi slt, %rem3A_2234, %lt3A_2237 : i32
        %lt3A_2239 = arith.constant 0 : i32
        %lt3A_2240 = arith.cmpi slt, %select_n3A_2233, %lt3A_2239 : i32
        %ne3A_2241 = arith.xori %lt3A_2238, %lt3A_2240 : i1
        %and3A_2242 = arith.andi %ne3A_2241, %ne3A_2236 : i1
        %add3A_2243 = arith.addi %rem3A_2234, %select_n3A_2233 : i32
        %select_n3A_2244 = arith.select %and3A_2242, %add3A_2243, %rem3A_2234 : i32
        %swap3A_2245 = arith.constant 3 : i32
        %swap3A_2246 = arith.index_cast %rem3A_1479 : i32 to index
        %swap3A_2247 = arith.index_cast %swap3A_2245 : i32 to index
        %swap3A_2248 = arith.index_cast %select_n3A_2228 : i32 to index
        %swap3A_2249 = arith.index_cast %select_n3A_2244 : i32 to index
        %swap3A_2250 = tpu.vector_load %arg13[%swap3A_2246, %swap3A_2247, %swap3A_2248, %swap3A_2249] {strides = array<i32>} : memref<2x4x32x256xf32, #tpu.memory_space<vmem>>, vector<16xf32>,
        tpu.vector_store %arg13[%swap3A_2246, %swap3A_2247, %swap3A_2248, %swap3A_2249], %select_n3A_2204 {strides = array<i32>} : memref<2x4x32x256xf32, #tpu.memory_space<vmem>>, vector<16xf32>,
        %mul3A_2251 = arith.constant 4 : i32
        %mul3A_2252 = arith.muli %scan3A_2162, %mul3A_2251 : i32
        %add3A_2253 = arith.constant 1 : i32
        %add3A_2254 = arith.addi %mul3A_2252, %add3A_2253 : i32
        %mul3A_2255 = arith.constant 16 : i32
        %mul3A_2256 = arith.muli %add3A_2254, %mul3A_2255 : i32
        %get3A_2257 = arith.index_cast %rem3A_1479 : i32 to index
        %get3A_2258 = arith.index_cast %mul3A_2256 : i32 to index
        %get3A_2259 = tpu.vector_load %arg12[%get3A_2257, %get3A_2258] {strides = array<i32>} : memref<2x8192xf32, #tpu.memory_space<vmem>>, vector<16xf32>,
        %broadcast_in_dim3A_2260 = arith.constant 0.000000e+00 : f32
        %broadcast_in_dim3A_2261 = vector.broadcast %broadcast_in_dim3A_2260 : f32 to vector<16xf32>
        %ge3A_2262 = arith.cmpf oge, %get3A_2259, %gather3A_2001 : vector<16xf32>
        %mul3A_2263 = arith.mulf %gather3A_2025, %get3A_2259 : vector<16xf32>
        %add3A_2264 = arith.addf %mul3A_2263, %gather3A_2046 : vector<16xf32>
        %select_n3A_2265 = arith.select %ge3A_2262, %add3A_2264, %broadcast_in_dim3A_2261 : vector<16xi1>, vector<16xf32>
        %ge3A_2266 = arith.cmpf oge, %get3A_2259, %gather3A_2004 : vector<16xf32>
        %mul3A_2267 = arith.mulf %gather3A_2028, %get3A_2259 : vector<16xf32>
        %add3A_2268 = arith.addf %mul3A_2267, %gather3A_2049 : vector<16xf32>
        %select_n3A_2269 = arith.select %ge3A_2266, %add3A_2268, %select_n3A_2265 : vector<16xi1>, vector<16xf32>
        %ge3A_2270 = arith.cmpf oge, %get3A_2259, %gather3A_2007 : vector<16xf32>
        %mul3A_2271 = arith.mulf %gather3A_2031, %get3A_2259 : vector<16xf32>
        %add3A_2272 = arith.addf %mul3A_2271, %gather3A_2052 : vector<16xf32>
        %select_n3A_2273 = arith.select %ge3A_2270, %add3A_2272, %select_n3A_2269 : vector<16xi1>, vector<16xf32>
        %ge3A_2274 = arith.cmpf oge, %get3A_2259, %gather3A_2010 : vector<16xf32>
        %mul3A_2275 = arith.mulf %gather3A_2034, %get3A_2259 : vector<16xf32>
        %add3A_2276 = arith.addf %mul3A_2275, %gather3A_2055 : vector<16xf32>
        %select_n3A_2277 = arith.select %ge3A_2274, %add3A_2276, %select_n3A_2273 : vector<16xi1>, vector<16xf32>
        %ge3A_2278 = arith.cmpf oge, %get3A_2259, %gather3A_2013 : vector<16xf32>
        %mul3A_2279 = arith.mulf %gather3A_2037, %get3A_2259 : vector<16xf32>
        %add3A_2280 = arith.addf %mul3A_2279, %gather3A_2058 : vector<16xf32>
        %select_n3A_2281 = arith.select %ge3A_2278, %add3A_2280, %select_n3A_2277 : vector<16xi1>, vector<16xf32>
        %ge3A_2282 = arith.cmpf oge, %get3A_2259, %gather3A_2016 : vector<16xf32>
        %mul3A_2283 = arith.mulf %gather3A_2040, %get3A_2259 : vector<16xf32>
        %add3A_2284 = arith.addf %mul3A_2283, %gather3A_2061 : vector<16xf32>
        %select_n3A_2285 = arith.select %ge3A_2282, %add3A_2284, %select_n3A_2281 : vector<16xi1>, vector<16xf32>
        %ge3A_2286 = arith.cmpf oge, %get3A_2259, %gather3A_2019 : vector<16xf32>
        %mul3A_2287 = arith.mulf %gather3A_2043, %get3A_2259 : vector<16xf32>
        %add3A_2288 = arith.addf %mul3A_2287, %gather3A_2064 : vector<16xf32>
        %select_n3A_2289 = arith.select %ge3A_2286, %add3A_2288, %select_n3A_2285 : vector<16xi1>, vector<16xf32>
        %ge3A_2290 = arith.cmpf oge, %get3A_2259, %gather3A_2022 : vector<16xf32>
        %select_n3A_2291 = arith.select %ge3A_2290, %gather3A_2067, %select_n3A_2289 : vector<16xi1>, vector<16xf32>
        %jit3A_2292 = arith.constant 256 : i32
        %div3A_2293 = arith.divsi %mul3A_2256, %jit3A_2292 : i32
        %sign3A_2294 = arith.constant 0 : i32
        %sign3A_2295 = arith.cmpi sgt, %mul3A_2256, %sign3A_2294 : i32
        %sign3A_2296 = arith.extui %sign3A_2295 : i1 to i32
        %sign3A_2297 = arith.constant 0 : i32
        %sign3A_2298 = arith.cmpi slt, %mul3A_2256, %sign3A_2297 : i32
        %sign3A_2299 = arith.extui %sign3A_2298 : i1 to i32
        %sign3A_2300 = arith.subi %sign3A_2296, %sign3A_2299 : i32
        %sign3A_2301 = arith.constant 0 : i32
        %sign3A_2302 = arith.cmpi sgt, %jit3A_2292, %sign3A_2301 : i32
        %sign3A_2303 = arith.extui %sign3A_2302 : i1 to i32
        %sign3A_2304 = arith.constant 0 : i32
        %sign3A_2305 = arith.cmpi slt, %jit3A_2292, %sign3A_2304 : i32
        %sign3A_2306 = arith.extui %sign3A_2305 : i1 to i32
        %sign3A_2307 = arith.subi %sign3A_2303, %sign3A_2306 : i32
        %ne3A_2308 = arith.cmpi ne, %sign3A_2300, %sign3A_2307 : i32
        %rem3A_2309 = arith.remsi %mul3A_2256, %jit3A_2292 : i32
        %ne3A_2310 = arith.constant 0 : i32
        %ne3A_2311 = arith.cmpi ne, %rem3A_2309, %ne3A_2310 : i32
        %and3A_2312 = arith.andi %ne3A_2308, %ne3A_2311 : i1
        %sub3A_2313 = arith.constant 1 : i32
        %sub3A_2314 = arith.subi %div3A_2293, %sub3A_2313 : i32
        %select_n3A_2315 = arith.select %and3A_2312, %sub3A_2314, %div3A_2293 : i32
        %jit3A_2316 = arith.constant 256 : i32
        %eq3A_2317 = arith.constant 0 : i32
        %eq3A_2318 = arith.cmpi eq, %jit3A_2316, %eq3A_2317 : i32
        %jit3A_2319 = arith.constant 1 : i32
        %select_n3A_2320 = arith.select %eq3A_2318, %jit3A_2319, %jit3A_2316 : i32
        %rem3A_2321 = arith.remsi %mul3A_2256, %select_n3A_2320 : i32
        %ne3A_2322 = arith.constant 0 : i32
        %ne3A_2323 = arith.cmpi ne, %rem3A_2321, %ne3A_2322 : i32
        %lt3A_2324 = arith.constant 0 : i32
        %lt3A_2325 = arith.cmpi slt, %rem3A_2321, %lt3A_2324 : i32
        %lt3A_2326 = arith.constant 0 : i32
        %lt3A_2327 = arith.cmpi slt, %select_n3A_2320, %lt3A_2326 : i32
        %ne3A_2328 = arith.xori %lt3A_2325, %lt3A_2327 : i1
        %and3A_2329 = arith.andi %ne3A_2328, %ne3A_2323 : i1
        %add3A_2330 = arith.addi %rem3A_2321, %select_n3A_2320 : i32
        %select_n3A_2331 = arith.select %and3A_2329, %add3A_2330, %rem3A_2321 : i32
        %swap3A_2332 = arith.constant 3 : i32
        %swap3A_2333 = arith.index_cast %rem3A_1479 : i32 to index
        %swap3A_2334 = arith.index_cast %swap3A_2332 : i32 to index
        %swap3A_2335 = arith.index_cast %select_n3A_2315 : i32 to index
        %swap3A_2336 = arith.index_cast %select_n3A_2331 : i32 to index
        %swap3A_2337 = tpu.vector_load %arg13[%swap3A_2333, %swap3A_2334, %swap3A_2335, %swap3A_2336] {strides = array<i32>} : memref<2x4x32x256xf32, #tpu.memory_space<vmem>>, vector<16xf32>,
        tpu.vector_store %arg13[%swap3A_2333, %swap3A_2334, %swap3A_2335, %swap3A_2336], %select_n3A_2291 {strides = array<i32>} : memref<2x4x32x256xf32, #tpu.memory_space<vmem>>, vector<16xf32>,
        %mul3A_2338 = arith.constant 4 : i32
        %mul3A_2339 = arith.muli %scan3A_2162, %mul3A_2338 : i32
        %add3A_2340 = arith.constant 2 : i32
        %add3A_2341 = arith.addi %mul3A_2339, %add3A_2340 : i32
        %mul3A_2342 = arith.constant 16 : i32
        %mul3A_2343 = arith.muli %add3A_2341, %mul3A_2342 : i32
        %get3A_2344 = arith.index_cast %rem3A_1479 : i32 to index
        %get3A_2345 = arith.index_cast %mul3A_2343 : i32 to index
        %get3A_2346 = tpu.vector_load %arg12[%get3A_2344, %get3A_2345] {strides = array<i32>} : memref<2x8192xf32, #tpu.memory_space<vmem>>, vector<16xf32>,
        %broadcast_in_dim3A_2347 = arith.constant 0.000000e+00 : f32
        %broadcast_in_dim3A_2348 = vector.broadcast %broadcast_in_dim3A_2347 : f32 to vector<16xf32>
        %ge3A_2349 = arith.cmpf oge, %get3A_2346, %gather3A_2001 : vector<16xf32>
        %mul3A_2350 = arith.mulf %gather3A_2025, %get3A_2346 : vector<16xf32>
        %add3A_2351 = arith.addf %mul3A_2350, %gather3A_2046 : vector<16xf32>
        %select_n3A_2352 = arith.select %ge3A_2349, %add3A_2351, %broadcast_in_dim3A_2348 : vector<16xi1>, vector<16xf32>
        %ge3A_2353 = arith.cmpf oge, %get3A_2346, %gather3A_2004 : vector<16xf32>
        %mul3A_2354 = arith.mulf %gather3A_2028, %get3A_2346 : vector<16xf32>
        %add3A_2355 = arith.addf %mul3A_2354, %gather3A_2049 : vector<16xf32>
        %select_n3A_2356 = arith.select %ge3A_2353, %add3A_2355, %select_n3A_2352 : vector<16xi1>, vector<16xf32>
        %ge3A_2357 = arith.cmpf oge, %get3A_2346, %gather3A_2007 : vector<16xf32>
        %mul3A_2358 = arith.mulf %gather3A_2031, %get3A_2346 : vector<16xf32>
        %add3A_2359 = arith.addf %mul3A_2358, %gather3A_2052 : vector<16xf32>
        %select_n3A_2360 = arith.select %ge3A_2357, %add3A_2359, %select_n3A_2356 : vector<16xi1>, vector<16xf32>
        %ge3A_2361 = arith.cmpf oge, %get3A_2346, %gather3A_2010 : vector<16xf32>
        %mul3A_2362 = arith.mulf %gather3A_2034, %get3A_2346 : vector<16xf32>
        %add3A_2363 = arith.addf %mul3A_2362, %gather3A_2055 : vector<16xf32>
        %select_n3A_2364 = arith.select %ge3A_2361, %add3A_2363, %select_n3A_2360 : vector<16xi1>, vector<16xf32>
        %ge3A_2365 = arith.cmpf oge, %get3A_2346, %gather3A_2013 : vector<16xf32>
        %mul3A_2366 = arith.mulf %gather3A_2037, %get3A_2346 : vector<16xf32>
        %add3A_2367 = arith.addf %mul3A_2366, %gather3A_2058 : vector<16xf32>
        %select_n3A_2368 = arith.select %ge3A_2365, %add3A_2367, %select_n3A_2364 : vector<16xi1>, vector<16xf32>
        %ge3A_2369 = arith.cmpf oge, %get3A_2346, %gather3A_2016 : vector<16xf32>
        %mul3A_2370 = arith.mulf %gather3A_2040, %get3A_2346 : vector<16xf32>
        %add3A_2371 = arith.addf %mul3A_2370, %gather3A_2061 : vector<16xf32>
        %select_n3A_2372 = arith.select %ge3A_2369, %add3A_2371, %select_n3A_2368 : vector<16xi1>, vector<16xf32>
        %ge3A_2373 = arith.cmpf oge, %get3A_2346, %gather3A_2019 : vector<16xf32>
        %mul3A_2374 = arith.mulf %gather3A_2043, %get3A_2346 : vector<16xf32>
        %add3A_2375 = arith.addf %mul3A_2374, %gather3A_2064 : vector<16xf32>
        %select_n3A_2376 = arith.select %ge3A_2373, %add3A_2375, %select_n3A_2372 : vector<16xi1>, vector<16xf32>
        %ge3A_2377 = arith.cmpf oge, %get3A_2346, %gather3A_2022 : vector<16xf32>
        %select_n3A_2378 = arith.select %ge3A_2377, %gather3A_2067, %select_n3A_2376 : vector<16xi1>, vector<16xf32>
        %jit3A_2379 = arith.constant 256 : i32
        %div3A_2380 = arith.divsi %mul3A_2343, %jit3A_2379 : i32
        %sign3A_2381 = arith.constant 0 : i32
        %sign3A_2382 = arith.cmpi sgt, %mul3A_2343, %sign3A_2381 : i32
        %sign3A_2383 = arith.extui %sign3A_2382 : i1 to i32
        %sign3A_2384 = arith.constant 0 : i32
        %sign3A_2385 = arith.cmpi slt, %mul3A_2343, %sign3A_2384 : i32
        %sign3A_2386 = arith.extui %sign3A_2385 : i1 to i32
        %sign3A_2387 = arith.subi %sign3A_2383, %sign3A_2386 : i32
        %sign3A_2388 = arith.constant 0 : i32
        %sign3A_2389 = arith.cmpi sgt, %jit3A_2379, %sign3A_2388 : i32
        %sign3A_2390 = arith.extui %sign3A_2389 : i1 to i32
        %sign3A_2391 = arith.constant 0 : i32
        %sign3A_2392 = arith.cmpi slt, %jit3A_2379, %sign3A_2391 : i32
        %sign3A_2393 = arith.extui %sign3A_2392 : i1 to i32
        %sign3A_2394 = arith.subi %sign3A_2390, %sign3A_2393 : i32
        %ne3A_2395 = arith.cmpi ne, %sign3A_2387, %sign3A_2394 : i32
        %rem3A_2396 = arith.remsi %mul3A_2343, %jit3A_2379 : i32
        %ne3A_2397 = arith.constant 0 : i32
        %ne3A_2398 = arith.cmpi ne, %rem3A_2396, %ne3A_2397 : i32
        %and3A_2399 = arith.andi %ne3A_2395, %ne3A_2398 : i1
        %sub3A_2400 = arith.constant 1 : i32
        %sub3A_2401 = arith.subi %div3A_2380, %sub3A_2400 : i32
        %select_n3A_2402 = arith.select %and3A_2399, %sub3A_2401, %div3A_2380 : i32
        %jit3A_2403 = arith.constant 256 : i32
        %eq3A_2404 = arith.constant 0 : i32
        %eq3A_2405 = arith.cmpi eq, %jit3A_2403, %eq3A_2404 : i32
        %jit3A_2406 = arith.constant 1 : i32
        %select_n3A_2407 = arith.select %eq3A_2405, %jit3A_2406, %jit3A_2403 : i32
        %rem3A_2408 = arith.remsi %mul3A_2343, %select_n3A_2407 : i32
        %ne3A_2409 = arith.constant 0 : i32
        %ne3A_2410 = arith.cmpi ne, %rem3A_2408, %ne3A_2409 : i32
        %lt3A_2411 = arith.constant 0 : i32
        %lt3A_2412 = arith.cmpi slt, %rem3A_2408, %lt3A_2411 : i32
        %lt3A_2413 = arith.constant 0 : i32
        %lt3A_2414 = arith.cmpi slt, %select_n3A_2407, %lt3A_2413 : i32
        %ne3A_2415 = arith.xori %lt3A_2412, %lt3A_2414 : i1
        %and3A_2416 = arith.andi %ne3A_2415, %ne3A_2410 : i1
        %add3A_2417 = arith.addi %rem3A_2408, %select_n3A_2407 : i32
        %select_n3A_2418 = arith.select %and3A_2416, %add3A_2417, %rem3A_2408 : i32
        %swap3A_2419 = arith.constant 3 : i32
        %swap3A_2420 = arith.index_cast %rem3A_1479 : i32 to index
        %swap3A_2421 = arith.index_cast %swap3A_2419 : i32 to index
        %swap3A_2422 = arith.index_cast %select_n3A_2402 : i32 to index
        %swap3A_2423 = arith.index_cast %select_n3A_2418 : i32 to index
        %swap3A_2424 = tpu.vector_load %arg13[%swap3A_2420, %swap3A_2421, %swap3A_2422, %swap3A_2423] {strides = array<i32>} : memref<2x4x32x256xf32, #tpu.memory_space<vmem>>, vector<16xf32>,
        tpu.vector_store %arg13[%swap3A_2420, %swap3A_2421, %swap3A_2422, %swap3A_2423], %select_n3A_2378 {strides = array<i32>} : memref<2x4x32x256xf32, #tpu.memory_space<vmem>>, vector<16xf32>,
        %mul3A_2425 = arith.constant 4 : i32
        %mul3A_2426 = arith.muli %scan3A_2162, %mul3A_2425 : i32
        %add3A_2427 = arith.constant 3 : i32
        %add3A_2428 = arith.addi %mul3A_2426, %add3A_2427 : i32
        %mul3A_2429 = arith.constant 16 : i32
        %mul3A_2430 = arith.muli %add3A_2428, %mul3A_2429 : i32
        %get3A_2431 = arith.index_cast %rem3A_1479 : i32 to index
        %get3A_2432 = arith.index_cast %mul3A_2430 : i32 to index
        %get3A_2433 = tpu.vector_load %arg12[%get3A_2431, %get3A_2432] {strides = array<i32>} : memref<2x8192xf32, #tpu.memory_space<vmem>>, vector<16xf32>,
        %broadcast_in_dim3A_2434 = arith.constant 0.000000e+00 : f32
        %broadcast_in_dim3A_2435 = vector.broadcast %broadcast_in_dim3A_2434 : f32 to vector<16xf32>
        %ge3A_2436 = arith.cmpf oge, %get3A_2433, %gather3A_2001 : vector<16xf32>
        %mul3A_2437 = arith.mulf %gather3A_2025, %get3A_2433 : vector<16xf32>
        %add3A_2438 = arith.addf %mul3A_2437, %gather3A_2046 : vector<16xf32>
        %select_n3A_2439 = arith.select %ge3A_2436, %add3A_2438, %broadcast_in_dim3A_2435 : vector<16xi1>, vector<16xf32>
        %ge3A_2440 = arith.cmpf oge, %get3A_2433, %gather3A_2004 : vector<16xf32>
        %mul3A_2441 = arith.mulf %gather3A_2028, %get3A_2433 : vector<16xf32>
        %add3A_2442 = arith.addf %mul3A_2441, %gather3A_2049 : vector<16xf32>
        %select_n3A_2443 = arith.select %ge3A_2440, %add3A_2442, %select_n3A_2439 : vector<16xi1>, vector<16xf32>
        %ge3A_2444 = arith.cmpf oge, %get3A_2433, %gather3A_2007 : vector<16xf32>
        %mul3A_2445 = arith.mulf %gather3A_2031, %get3A_2433 : vector<16xf32>
        %add3A_2446 = arith.addf %mul3A_2445, %gather3A_2052 : vector<16xf32>
        %select_n3A_2447 = arith.select %ge3A_2444, %add3A_2446, %select_n3A_2443 : vector<16xi1>, vector<16xf32>
        %ge3A_2448 = arith.cmpf oge, %get3A_2433, %gather3A_2010 : vector<16xf32>
        %mul3A_2449 = arith.mulf %gather3A_2034, %get3A_2433 : vector<16xf32>
        %add3A_2450 = arith.addf %mul3A_2449, %gather3A_2055 : vector<16xf32>
        %select_n3A_2451 = arith.select %ge3A_2448, %add3A_2450, %select_n3A_2447 : vector<16xi1>, vector<16xf32>
        %ge3A_2452 = arith.cmpf oge, %get3A_2433, %gather3A_2013 : vector<16xf32>
        %mul3A_2453 = arith.mulf %gather3A_2037, %get3A_2433 : vector<16xf32>
        %add3A_2454 = arith.addf %mul3A_2453, %gather3A_2058 : vector<16xf32>
        %select_n3A_2455 = arith.select %ge3A_2452, %add3A_2454, %select_n3A_2451 : vector<16xi1>, vector<16xf32>
        %ge3A_2456 = arith.cmpf oge, %get3A_2433, %gather3A_2016 : vector<16xf32>
        %mul3A_2457 = arith.mulf %gather3A_2040, %get3A_2433 : vector<16xf32>
        %add3A_2458 = arith.addf %mul3A_2457, %gather3A_2061 : vector<16xf32>
        %select_n3A_2459 = arith.select %ge3A_2456, %add3A_2458, %select_n3A_2455 : vector<16xi1>, vector<16xf32>
        %ge3A_2460 = arith.cmpf oge, %get3A_2433, %gather3A_2019 : vector<16xf32>
        %mul3A_2461 = arith.mulf %gather3A_2043, %get3A_2433 : vector<16xf32>
        %add3A_2462 = arith.addf %mul3A_2461, %gather3A_2064 : vector<16xf32>
        %select_n3A_2463 = arith.select %ge3A_2460, %add3A_2462, %select_n3A_2459 : vector<16xi1>, vector<16xf32>
        %ge3A_2464 = arith.cmpf oge, %get3A_2433, %gather3A_2022 : vector<16xf32>
        %select_n3A_2465 = arith.select %ge3A_2464, %gather3A_2067, %select_n3A_2463 : vector<16xi1>, vector<16xf32>
        %jit3A_2466 = arith.constant 256 : i32
        %div3A_2467 = arith.divsi %mul3A_2430, %jit3A_2466 : i32
        %sign3A_2468 = arith.constant 0 : i32
        %sign3A_2469 = arith.cmpi sgt, %mul3A_2430, %sign3A_2468 : i32
        %sign3A_2470 = arith.extui %sign3A_2469 : i1 to i32
        %sign3A_2471 = arith.constant 0 : i32
        %sign3A_2472 = arith.cmpi slt, %mul3A_2430, %sign3A_2471 : i32
        %sign3A_2473 = arith.extui %sign3A_2472 : i1 to i32
        %sign3A_2474 = arith.subi %sign3A_2470, %sign3A_2473 : i32
        %sign3A_2475 = arith.constant 0 : i32
        %sign3A_2476 = arith.cmpi sgt, %jit3A_2466, %sign3A_2475 : i32
        %sign3A_2477 = arith.extui %sign3A_2476 : i1 to i32
        %sign3A_2478 = arith.constant 0 : i32
        %sign3A_2479 = arith.cmpi slt, %jit3A_2466, %sign3A_2478 : i32
        %sign3A_2480 = arith.extui %sign3A_2479 : i1 to i32
        %sign3A_2481 = arith.subi %sign3A_2477, %sign3A_2480 : i32
        %ne3A_2482 = arith.cmpi ne, %sign3A_2474, %sign3A_2481 : i32
        %rem3A_2483 = arith.remsi %mul3A_2430, %jit3A_2466 : i32
        %ne3A_2484 = arith.constant 0 : i32
        %ne3A_2485 = arith.cmpi ne, %rem3A_2483, %ne3A_2484 : i32
        %and3A_2486 = arith.andi %ne3A_2482, %ne3A_2485 : i1
        %sub3A_2487 = arith.constant 1 : i32
        %sub3A_2488 = arith.subi %div3A_2467, %sub3A_2487 : i32
        %select_n3A_2489 = arith.select %and3A_2486, %sub3A_2488, %div3A_2467 : i32
        %jit3A_2490 = arith.constant 256 : i32
        %eq3A_2491 = arith.constant 0 : i32
        %eq3A_2492 = arith.cmpi eq, %jit3A_2490, %eq3A_2491 : i32
        %jit3A_2493 = arith.constant 1 : i32
        %select_n3A_2494 = arith.select %eq3A_2492, %jit3A_2493, %jit3A_2490 : i32
        %rem3A_2495 = arith.remsi %mul3A_2430, %select_n3A_2494 : i32
        %ne3A_2496 = arith.constant 0 : i32
        %ne3A_2497 = arith.cmpi ne, %rem3A_2495, %ne3A_2496 : i32
        %lt3A_2498 = arith.constant 0 : i32
        %lt3A_2499 = arith.cmpi slt, %rem3A_2495, %lt3A_2498 : i32
        %lt3A_2500 = arith.constant 0 : i32
        %lt3A_2501 = arith.cmpi slt, %select_n3A_2494, %lt3A_2500 : i32
        %ne3A_2502 = arith.xori %lt3A_2499, %lt3A_2501 : i1
        %and3A_2503 = arith.andi %ne3A_2502, %ne3A_2497 : i1
        %add3A_2504 = arith.addi %rem3A_2495, %select_n3A_2494 : i32
        %select_n3A_2505 = arith.select %and3A_2503, %add3A_2504, %rem3A_2495 : i32
        %swap3A_2506 = arith.constant 3 : i32
        %swap3A_2507 = arith.index_cast %rem3A_1479 : i32 to index
        %swap3A_2508 = arith.index_cast %swap3A_2506 : i32 to index
        %swap3A_2509 = arith.index_cast %select_n3A_2489 : i32 to index
        %swap3A_2510 = arith.index_cast %select_n3A_2505 : i32 to index
        %swap3A_2511 = tpu.vector_load %arg13[%swap3A_2507, %swap3A_2508, %swap3A_2509, %swap3A_2510] {strides = array<i32>} : memref<2x4x32x256xf32, #tpu.memory_space<vmem>>, vector<16xf32>,
        tpu.vector_store %arg13[%swap3A_2507, %swap3A_2508, %swap3A_2509, %swap3A_2510], %select_n3A_2465 {strides = array<i32>} : memref<2x4x32x256xf32, #tpu.memory_space<vmem>>, vector<16xf32>,
        %scan3A_2512 = arith.constant 0 : i32
        scf.yield %scan3A_2512 : i32
      }
      %scan3A_2074 = arith.constant 128 : i32
      %mul3A_2075 = arith.constant 8192 : i32
      %mul3A_2076 = arith.muli %scan3A_1476, %mul3A_2075 : i32
      %add3A_2077 = arith.addi %mul3A_32, %mul3A_2076 : i32
      %jit3A_2078 = arith.constant 131072 : i32
      %div3A_2079 = arith.divsi %add3A_2077, %jit3A_2078 : i32
      %sign3A_2080 = arith.constant 0 : i32
      %sign3A_2081 = arith.cmpi sgt, %add3A_2077, %sign3A_2080 : i32
      %sign3A_2082 = arith.extui %sign3A_2081 : i1 to i32
      %sign3A_2083 = arith.constant 0 : i32
      %sign3A_2084 = arith.cmpi slt, %add3A_2077, %sign3A_2083 : i32
      %sign3A_2085 = arith.extui %sign3A_2084 : i1 to i32
      %sign3A_2086 = arith.subi %sign3A_2082, %sign3A_2085 : i32
      %sign3A_2087 = arith.constant 0 : i32
      %sign3A_2088 = arith.cmpi sgt, %jit3A_2078, %sign3A_2087 : i32
      %sign3A_2089 = arith.extui %sign3A_2088 : i1 to i32
      %sign3A_2090 = arith.constant 0 : i32
      %sign3A_2091 = arith.cmpi slt, %jit3A_2078, %sign3A_2090 : i32
      %sign3A_2092 = arith.extui %sign3A_2091 : i1 to i32
      %sign3A_2093 = arith.subi %sign3A_2089, %sign3A_2092 : i32
      %ne3A_2094 = arith.cmpi ne, %sign3A_2086, %sign3A_2093 : i32
      %rem3A_2095 = arith.remsi %add3A_2077, %jit3A_2078 : i32
      %ne3A_2096 = arith.constant 0 : i32
      %ne3A_2097 = arith.cmpi ne, %rem3A_2095, %ne3A_2096 : i32
      %and3A_2098 = arith.andi %ne3A_2094, %ne3A_2097 : i1
      %sub3A_2099 = arith.constant 1 : i32
      %sub3A_2100 = arith.subi %div3A_2079, %sub3A_2099 : i32
      %select_n3A_2101 = arith.select %and3A_2098, %sub3A_2100, %div3A_2079 : i32
      %jit3A_2102 = arith.constant 131072 : i32
      %eq3A_2103 = arith.constant 0 : i32
      %eq3A_2104 = arith.cmpi eq, %jit3A_2102, %eq3A_2103 : i32
      %jit3A_2105 = arith.constant 1 : i32
      %select_n3A_2106 = arith.select %eq3A_2104, %jit3A_2105, %jit3A_2102 : i32
      %rem3A_2107 = arith.remsi %add3A_2077, %select_n3A_2106 : i32
      %ne3A_2108 = arith.constant 0 : i32
      %ne3A_2109 = arith.cmpi ne, %rem3A_2107, %ne3A_2108 : i32
      %lt3A_2110 = arith.constant 0 : i32
      %lt3A_2111 = arith.cmpi slt, %rem3A_2107, %lt3A_2110 : i32
      %lt3A_2112 = arith.constant 0 : i32
      %lt3A_2113 = arith.cmpi slt, %select_n3A_2106, %lt3A_2112 : i32
      %ne3A_2114 = arith.xori %lt3A_2111, %lt3A_2113 : i1
      %and3A_2115 = arith.andi %ne3A_2114, %ne3A_2109 : i1
      %add3A_2116 = arith.addi %rem3A_2107, %select_n3A_2106 : i32
      %select_n3A_2117 = arith.select %and3A_2115, %add3A_2116, %rem3A_2107 : i32
      %jit3A_2118 = arith.constant 256 : i32
      %div3A_2119 = arith.divsi %select_n3A_2117, %jit3A_2118 : i32
      %sign3A_2120 = arith.constant 0 : i32
      %sign3A_2121 = arith.cmpi sgt, %select_n3A_2117, %sign3A_2120 : i32
      %sign3A_2122 = arith.extui %sign3A_2121 : i1 to i32
      %sign3A_2123 = arith.constant 0 : i32
      %sign3A_2124 = arith.cmpi slt, %select_n3A_2117, %sign3A_2123 : i32
      %sign3A_2125 = arith.extui %sign3A_2124 : i1 to i32
      %sign3A_2126 = arith.subi %sign3A_2122, %sign3A_2125 : i32
      %sign3A_2127 = arith.constant 0 : i32
      %sign3A_2128 = arith.cmpi sgt, %jit3A_2118, %sign3A_2127 : i32
      %sign3A_2129 = arith.extui %sign3A_2128 : i1 to i32
      %sign3A_2130 = arith.constant 0 : i32
      %sign3A_2131 = arith.cmpi slt, %jit3A_2118, %sign3A_2130 : i32
      %sign3A_2132 = arith.extui %sign3A_2131 : i1 to i32
      %sign3A_2133 = arith.subi %sign3A_2129, %sign3A_2132 : i32
      %ne3A_2134 = arith.cmpi ne, %sign3A_2126, %sign3A_2133 : i32
      %rem3A_2135 = arith.remsi %select_n3A_2117, %jit3A_2118 : i32
      %ne3A_2136 = arith.constant 0 : i32
      %ne3A_2137 = arith.cmpi ne, %rem3A_2135, %ne3A_2136 : i32
      %and3A_2138 = arith.andi %ne3A_2134, %ne3A_2137 : i1
      %sub3A_2139 = arith.constant 1 : i32
      %sub3A_2140 = arith.subi %div3A_2119, %sub3A_2139 : i32
      %select_n3A_2141 = arith.select %and3A_2138, %sub3A_2140, %div3A_2119 : i32
      %multiple_of3A_2142 = tpu.assume_multiple %select_n3A_2141, 32 : i32
      %dma_start3A_2143 = arith.constant 3 : i32
      %dma_start3A_2144 = arith.constant 3 : i32
      %dma_start3A_2145 = arith.constant 0 : i32
      %dma_start3A_2146 = arith.constant 0 : i32
      %dma_start3A_2147 = tpu.memref_slice %arg13[%rem3A_1479, %dma_start3A_2143, %dma_start3A_2145, %dma_start3A_2146] : memref<2x4x32x256xf32, #tpu.memory_space<vmem>> -> memref<1x1x32x256xf32, #tpu.memory_space<vmem>>
      %dma_start3A_2148 = tpu.memref_squeeze %dma_start3A_2147 : memref<1x1x32x256xf32, #tpu.memory_space<vmem>> -> memref<32x256xf32, #tpu.memory_space<vmem>>
      %dma_start3A_2149 = arith.constant 0 : i32
      %dma_start3A_2150 = tpu.memref_slice %arg5[%select_n3A, %dma_start3A_2144, %select_n3A_2101, %multiple_of3A_2142, %dma_start3A_2149] : memref<2x4x3x512x256xf32, #tpu.memory_space<hbm>> -> memref<1x1x1x32x256xf32, #tpu.memory_space<hbm>>
      %dma_start3A_2151 = tpu.memref_squeeze %dma_start3A_2150 : memref<1x1x1x32x256xf32, #tpu.memory_space<hbm>> -> memref<32x256xf32, #tpu.memory_space<hbm>>
      %dma_start3A_2152 = tpu.memref_slice %arg15[%rem3A_1479] : memref<2x!tpu.dma_semaphore, #tpu.memory_space<semaphore_mem>> -> memref<1x!tpu.dma_semaphore, #tpu.memory_space<semaphore_mem>>
      %dma_start3A_2153 = tpu.memref_squeeze %dma_start3A_2152 : memref<1x!tpu.dma_semaphore, #tpu.memory_space<semaphore_mem>> -> memref<!tpu.dma_semaphore, #tpu.memory_space<semaphore_mem>>
      %dma_start3A_2154 = arith.constant 0 : i32
      %dma_start3A_2155 = tpu.memref_slice %arg5[%select_n3A, %dma_start3A_2144, %select_n3A_2101, %multiple_of3A_2142, %dma_start3A_2154] : memref<2x4x3x512x256xf32, #tpu.memory_space<hbm>> -> memref<1x1x1x32x256xf32, #tpu.memory_space<hbm>>
      %dma_start3A_2156 = tpu.memref_squeeze %dma_start3A_2155 : memref<1x1x1x32x256xf32, #tpu.memory_space<hbm>> -> memref<32x256xf32, #tpu.memory_space<hbm>>
      %dma_start3A_2157 = arith.constant 0 : i32
      %dma_start3A_2158 = arith.constant 0 : i32
      %dma_start3A_2159 = tpu.memref_slice %arg13[%rem3A_1479, %dma_start3A_2143, %dma_start3A_2157, %dma_start3A_2158] : memref<2x4x32x256xf32, #tpu.memory_space<vmem>> -> memref<1x1x32x256xf32, #tpu.memory_space<vmem>>
      %dma_start3A_2160 = tpu.memref_squeeze %dma_start3A_2159 : memref<1x1x32x256xf32, #tpu.memory_space<vmem>> -> memref<32x256xf32, #tpu.memory_space<vmem>>
      tpu.enqueue_dma source(%dma_start3A_2160 : memref<32x256xf32, #tpu.memory_space<vmem>>) target(%dma_start3A_2156 : memref<32x256xf32, #tpu.memory_space<hbm>>) target_semaphore(%dma_start3A_2153 : memref<!tpu.dma_semaphore, #tpu.memory_space<semaphore_mem>>)
      %scan3A_2161 = arith.constant 0 : i32
      scf.yield %scan3A_2161 : i32
    }
    %scan3A_781 = arith.constant 3 : i32
    %add3A_782 = arith.constant 8192 : i32
    %add3A_783 = arith.addi %mul3A_32, %add3A_782 : i32
    %jit3A_784 = arith.constant 131072 : i32
    %div3A_785 = arith.divsi %add3A_783, %jit3A_784 : i32
    %sign3A_786 = arith.constant 0 : i32
    %sign3A_787 = arith.cmpi sgt, %add3A_783, %sign3A_786 : i32
    %sign3A_788 = arith.extui %sign3A_787 : i1 to i32
    %sign3A_789 = arith.constant 0 : i32
    %sign3A_790 = arith.cmpi slt, %add3A_783, %sign3A_789 : i32
    %sign3A_791 = arith.extui %sign3A_790 : i1 to i32
    %sign3A_792 = arith.subi %sign3A_788, %sign3A_791 : i32
    %sign3A_793 = arith.constant 0 : i32
    %sign3A_794 = arith.cmpi sgt, %jit3A_784, %sign3A_793 : i32
    %sign3A_795 = arith.extui %sign3A_794 : i1 to i32
    %sign3A_796 = arith.constant 0 : i32
    %sign3A_797 = arith.cmpi slt, %jit3A_784, %sign3A_796 : i32
    %sign3A_798 = arith.extui %sign3A_797 : i1 to i32
    %sign3A_799 = arith.subi %sign3A_795, %sign3A_798 : i32
    %ne3A_800 = arith.cmpi ne, %sign3A_792, %sign3A_799 : i32
    %rem3A_801 = arith.remsi %add3A_783, %jit3A_784 : i32
    %ne3A_802 = arith.constant 0 : i32
    %ne3A_803 = arith.cmpi ne, %rem3A_801, %ne3A_802 : i32
    %and3A_804 = arith.andi %ne3A_800, %ne3A_803 : i1
    %sub3A_805 = arith.constant 1 : i32
    %sub3A_806 = arith.subi %div3A_785, %sub3A_805 : i32
    %select_n3A_807 = arith.select %and3A_804, %sub3A_806, %div3A_785 : i32
    %jit3A_808 = arith.constant 131072 : i32
    %eq3A_809 = arith.constant 0 : i32
    %eq3A_810 = arith.cmpi eq, %jit3A_808, %eq3A_809 : i32
    %jit3A_811 = arith.constant 1 : i32
    %select_n3A_812 = arith.select %eq3A_810, %jit3A_811, %jit3A_808 : i32
    %rem3A_813 = arith.remsi %add3A_783, %select_n3A_812 : i32
    %ne3A_814 = arith.constant 0 : i32
    %ne3A_815 = arith.cmpi ne, %rem3A_813, %ne3A_814 : i32
    %lt3A_816 = arith.constant 0 : i32
    %lt3A_817 = arith.cmpi slt, %rem3A_813, %lt3A_816 : i32
    %lt3A_818 = arith.constant 0 : i32
    %lt3A_819 = arith.cmpi slt, %select_n3A_812, %lt3A_818 : i32
    %ne3A_820 = arith.xori %lt3A_817, %lt3A_819 : i1
    %and3A_821 = arith.andi %ne3A_820, %ne3A_815 : i1
    %add3A_822 = arith.addi %rem3A_813, %select_n3A_812 : i32
    %select_n3A_823 = arith.select %and3A_821, %add3A_822, %rem3A_813 : i32
    %jit3A_824 = arith.constant 256 : i32
    %div3A_825 = arith.divsi %select_n3A_823, %jit3A_824 : i32
    %sign3A_826 = arith.constant 0 : i32
    %sign3A_827 = arith.cmpi sgt, %select_n3A_823, %sign3A_826 : i32
    %sign3A_828 = arith.extui %sign3A_827 : i1 to i32
    %sign3A_829 = arith.constant 0 : i32
    %sign3A_830 = arith.cmpi slt, %select_n3A_823, %sign3A_829 : i32
    %sign3A_831 = arith.extui %sign3A_830 : i1 to i32
    %sign3A_832 = arith.subi %sign3A_828, %sign3A_831 : i32
    %sign3A_833 = arith.constant 0 : i32
    %sign3A_834 = arith.cmpi sgt, %jit3A_824, %sign3A_833 : i32
    %sign3A_835 = arith.extui %sign3A_834 : i1 to i32
    %sign3A_836 = arith.constant 0 : i32
    %sign3A_837 = arith.cmpi slt, %jit3A_824, %sign3A_836 : i32
    %sign3A_838 = arith.extui %sign3A_837 : i1 to i32
    %sign3A_839 = arith.subi %sign3A_835, %sign3A_838 : i32
    %ne3A_840 = arith.cmpi ne, %sign3A_832, %sign3A_839 : i32
    %rem3A_841 = arith.remsi %select_n3A_823, %jit3A_824 : i32
    %ne3A_842 = arith.constant 0 : i32
    %ne3A_843 = arith.cmpi ne, %rem3A_841, %ne3A_842 : i32
    %and3A_844 = arith.andi %ne3A_840, %ne3A_843 : i1
    %sub3A_845 = arith.constant 1 : i32
    %sub3A_846 = arith.subi %div3A_825, %sub3A_845 : i32
    %select_n3A_847 = arith.select %and3A_844, %sub3A_846, %div3A_825 : i32
    %multiple_of3A = tpu.assume_multiple %select_n3A_847, 32 : i32
    %dma_wait3A = arith.constant 1 : i32
    %dma_wait3A_848 = arith.constant 0 : i32
    %dma_wait3A_849 = arith.constant 0 : i32
    %dma_wait3A_850 = arith.constant 1 : i32
    %dma_wait3A_851 = arith.constant 0 : i32
    %dma_wait3A_852 = arith.constant 0 : i32
    %dma_wait3A_853 = tpu.memref_slice %arg13[%dma_wait3A, %dma_wait3A_848, %dma_wait3A_851, %dma_wait3A_852] : memref<2x4x32x256xf32, #tpu.memory_space<vmem>> -> memref<1x1x32x256xf32, #tpu.memory_space<vmem>>
    %dma_wait3A_854 = tpu.memref_squeeze %dma_wait3A_853 : memref<1x1x32x256xf32, #tpu.memory_space<vmem>> -> memref<32x256xf32, #tpu.memory_space<vmem>>
    %dma_wait3A_855 = arith.constant 0 : i32
    %dma_wait3A_856 = tpu.memref_slice %arg5[%select_n3A, %dma_wait3A_849, %select_n3A_807, %multiple_of3A, %dma_wait3A_855] : memref<2x4x3x512x256xf32, #tpu.memory_space<hbm>> -> memref<1x1x1x32x256xf32, #tpu.memory_space<hbm>>
    %dma_wait3A_857 = tpu.memref_squeeze %dma_wait3A_856 : memref<1x1x1x32x256xf32, #tpu.memory_space<hbm>> -> memref<32x256xf32, #tpu.memory_space<hbm>>
    %dma_wait3A_858 = tpu.memref_slice %arg15[%dma_wait3A_850] : memref<2x!tpu.dma_semaphore, #tpu.memory_space<semaphore_mem>> -> memref<1x!tpu.dma_semaphore, #tpu.memory_space<semaphore_mem>>
    %dma_wait3A_859 = tpu.memref_squeeze %dma_wait3A_858 : memref<1x!tpu.dma_semaphore, #tpu.memory_space<semaphore_mem>> -> memref<!tpu.dma_semaphore, #tpu.memory_space<semaphore_mem>>
    %dma_wait3A_860 = arith.constant 0 : i32
    %dma_wait3A_861 = tpu.memref_slice %arg5[%select_n3A, %dma_wait3A_849, %select_n3A_807, %multiple_of3A, %dma_wait3A_860] : memref<2x4x3x512x256xf32, #tpu.memory_space<hbm>> -> memref<1x1x1x32x256xf32, #tpu.memory_space<hbm>>
    %dma_wait3A_862 = tpu.memref_squeeze %dma_wait3A_861 : memref<1x1x1x32x256xf32, #tpu.memory_space<hbm>> -> memref<32x256xf32, #tpu.memory_space<hbm>>
    %dma_wait3A_863 = arith.constant 0 : i32
    %dma_wait3A_864 = arith.constant 0 : i32
    %dma_wait3A_865 = tpu.memref_slice %arg13[%dma_wait3A, %dma_wait3A_848, %dma_wait3A_863, %dma_wait3A_864] : memref<2x4x32x256xf32, #tpu.memory_space<vmem>> -> memref<1x1x32x256xf32, #tpu.memory_space<vmem>>
    %dma_wait3A_866 = tpu.memref_squeeze %dma_wait3A_865 : memref<1x1x32x256xf32, #tpu.memory_space<vmem>> -> memref<32x256xf32, #tpu.memory_space<vmem>>
    tpu.wait_dma2 semaphore(%dma_wait3A_859 : memref<!tpu.dma_semaphore, #tpu.memory_space<semaphore_mem>>) src(%dma_wait3A_866 : memref<32x256xf32, #tpu.memory_space<vmem>>) dst(%dma_wait3A_862 : memref<32x256xf32, #tpu.memory_space<hbm>>)
    %add3A_867 = arith.constant 8192 : i32
    %add3A_868 = arith.addi %mul3A_32, %add3A_867 : i32
    %jit3A_869 = arith.constant 131072 : i32
    %div3A_870 = arith.divsi %add3A_868, %jit3A_869 : i32
    %sign3A_871 = arith.constant 0 : i32
    %sign3A_872 = arith.cmpi sgt, %add3A_868, %sign3A_871 : i32
    %sign3A_873 = arith.extui %sign3A_872 : i1 to i32
    %sign3A_874 = arith.constant 0 : i32
    %sign3A_875 = arith.cmpi slt, %add3A_868, %sign3A_874 : i32
    %sign3A_876 = arith.extui %sign3A_875 : i1 to i32
    %sign3A_877 = arith.subi %sign3A_873, %sign3A_876 : i32
    %sign3A_878 = arith.constant 0 : i32
    %sign3A_879 = arith.cmpi sgt, %jit3A_869, %sign3A_878 : i32
    %sign3A_880 = arith.extui %sign3A_879 : i1 to i32
    %sign3A_881 = arith.constant 0 : i32
    %sign3A_882 = arith.cmpi slt, %jit3A_869, %sign3A_881 : i32
    %sign3A_883 = arith.extui %sign3A_882 : i1 to i32
    %sign3A_884 = arith.subi %sign3A_880, %sign3A_883 : i32
    %ne3A_885 = arith.cmpi ne, %sign3A_877, %sign3A_884 : i32
    %rem3A_886 = arith.remsi %add3A_868, %jit3A_869 : i32
    %ne3A_887 = arith.constant 0 : i32
    %ne3A_888 = arith.cmpi ne, %rem3A_886, %ne3A_887 : i32
    %and3A_889 = arith.andi %ne3A_885, %ne3A_888 : i1
    %sub3A_890 = arith.constant 1 : i32
    %sub3A_891 = arith.subi %div3A_870, %sub3A_890 : i32
    %select_n3A_892 = arith.select %and3A_889, %sub3A_891, %div3A_870 : i32
    %jit3A_893 = arith.constant 131072 : i32
    %eq3A_894 = arith.constant 0 : i32
    %eq3A_895 = arith.cmpi eq, %jit3A_893, %eq3A_894 : i32
    %jit3A_896 = arith.constant 1 : i32
    %select_n3A_897 = arith.select %eq3A_895, %jit3A_896, %jit3A_893 : i32
    %rem3A_898 = arith.remsi %add3A_868, %select_n3A_897 : i32
    %ne3A_899 = arith.constant 0 : i32
    %ne3A_900 = arith.cmpi ne, %rem3A_898, %ne3A_899 : i32
    %lt3A_901 = arith.constant 0 : i32
    %lt3A_902 = arith.cmpi slt, %rem3A_898, %lt3A_901 : i32
    %lt3A_903 = arith.constant 0 : i32
    %lt3A_904 = arith.cmpi slt, %select_n3A_897, %lt3A_903 : i32
    %ne3A_905 = arith.xori %lt3A_902, %lt3A_904 : i1
    %and3A_906 = arith.andi %ne3A_905, %ne3A_900 : i1
    %add3A_907 = arith.addi %rem3A_898, %select_n3A_897 : i32
    %select_n3A_908 = arith.select %and3A_906, %add3A_907, %rem3A_898 : i32
    %jit3A_909 = arith.constant 256 : i32
    %div3A_910 = arith.divsi %select_n3A_908, %jit3A_909 : i32
    %sign3A_911 = arith.constant 0 : i32
    %sign3A_912 = arith.cmpi sgt, %select_n3A_908, %sign3A_911 : i32
    %sign3A_913 = arith.extui %sign3A_912 : i1 to i32
    %sign3A_914 = arith.constant 0 : i32
    %sign3A_915 = arith.cmpi slt, %select_n3A_908, %sign3A_914 : i32
    %sign3A_916 = arith.extui %sign3A_915 : i1 to i32
    %sign3A_917 = arith.subi %sign3A_913, %sign3A_916 : i32
    %sign3A_918 = arith.constant 0 : i32
    %sign3A_919 = arith.cmpi sgt, %jit3A_909, %sign3A_918 : i32
    %sign3A_920 = arith.extui %sign3A_919 : i1 to i32
    %sign3A_921 = arith.constant 0 : i32
    %sign3A_922 = arith.cmpi slt, %jit3A_909, %sign3A_921 : i32
    %sign3A_923 = arith.extui %sign3A_922 : i1 to i32
    %sign3A_924 = arith.subi %sign3A_920, %sign3A_923 : i32
    %ne3A_925 = arith.cmpi ne, %sign3A_917, %sign3A_924 : i32
    %rem3A_926 = arith.remsi %select_n3A_908, %jit3A_909 : i32
    %ne3A_927 = arith.constant 0 : i32
    %ne3A_928 = arith.cmpi ne, %rem3A_926, %ne3A_927 : i32
    %and3A_929 = arith.andi %ne3A_925, %ne3A_928 : i1
    %sub3A_930 = arith.constant 1 : i32
    %sub3A_931 = arith.subi %div3A_910, %sub3A_930 : i32
    %select_n3A_932 = arith.select %and3A_929, %sub3A_931, %div3A_910 : i32
    %multiple_of3A_933 = tpu.assume_multiple %select_n3A_932, 32 : i32
    %dma_wait3A_934 = arith.constant 1 : i32
    %dma_wait3A_935 = arith.constant 1 : i32
    %dma_wait3A_936 = arith.constant 1 : i32
    %dma_wait3A_937 = arith.constant 1 : i32
    %dma_wait3A_938 = arith.constant 0 : i32
    %dma_wait3A_939 = arith.constant 0 : i32
    %dma_wait3A_940 = tpu.memref_slice %arg13[%dma_wait3A_934, %dma_wait3A_935, %dma_wait3A_938, %dma_wait3A_939] : memref<2x4x32x256xf32, #tpu.memory_space<vmem>> -> memref<1x1x32x256xf32, #tpu.memory_space<vmem>>
    %dma_wait3A_941 = tpu.memref_squeeze %dma_wait3A_940 : memref<1x1x32x256xf32, #tpu.memory_space<vmem>> -> memref<32x256xf32, #tpu.memory_space<vmem>>
    %dma_wait3A_942 = arith.constant 0 : i32
    %dma_wait3A_943 = tpu.memref_slice %arg5[%select_n3A, %dma_wait3A_936, %select_n3A_892, %multiple_of3A_933, %dma_wait3A_942] : memref<2x4x3x512x256xf32, #tpu.memory_space<hbm>> -> memref<1x1x1x32x256xf32, #tpu.memory_space<hbm>>
    %dma_wait3A_944 = tpu.memref_squeeze %dma_wait3A_943 : memref<1x1x1x32x256xf32, #tpu.memory_space<hbm>> -> memref<32x256xf32, #tpu.memory_space<hbm>>
    %dma_wait3A_945 = tpu.memref_slice %arg15[%dma_wait3A_937] : memref<2x!tpu.dma_semaphore, #tpu.memory_space<semaphore_mem>> -> memref<1x!tpu.dma_semaphore, #tpu.memory_space<semaphore_mem>>
    %dma_wait3A_946 = tpu.memref_squeeze %dma_wait3A_945 : memref<1x!tpu.dma_semaphore, #tpu.memory_space<semaphore_mem>> -> memref<!tpu.dma_semaphore, #tpu.memory_space<semaphore_mem>>
    %dma_wait3A_947 = arith.constant 0 : i32
    %dma_wait3A_948 = tpu.memref_slice %arg5[%select_n3A, %dma_wait3A_936, %select_n3A_892, %multiple_of3A_933, %dma_wait3A_947] : memref<2x4x3x512x256xf32, #tpu.memory_space<hbm>> -> memref<1x1x1x32x256xf32, #tpu.memory_space<hbm>>
    %dma_wait3A_949 = tpu.memref_squeeze %dma_wait3A_948 : memref<1x1x1x32x256xf32, #tpu.memory_space<hbm>> -> memref<32x256xf32, #tpu.memory_space<hbm>>
    %dma_wait3A_950 = arith.constant 0 : i32
    %dma_wait3A_951 = arith.constant 0 : i32
    %dma_wait3A_952 = tpu.memref_slice %arg13[%dma_wait3A_934, %dma_wait3A_935, %dma_wait3A_950, %dma_wait3A_951] : memref<2x4x32x256xf32, #tpu.memory_space<vmem>> -> memref<1x1x32x256xf32, #tpu.memory_space<vmem>>
    %dma_wait3A_953 = tpu.memref_squeeze %dma_wait3A_952 : memref<1x1x32x256xf32, #tpu.memory_space<vmem>> -> memref<32x256xf32, #tpu.memory_space<vmem>>
    tpu.wait_dma2 semaphore(%dma_wait3A_946 : memref<!tpu.dma_semaphore, #tpu.memory_space<semaphore_mem>>) src(%dma_wait3A_953 : memref<32x256xf32, #tpu.memory_space<vmem>>) dst(%dma_wait3A_949 : memref<32x256xf32, #tpu.memory_space<hbm>>)
    %add3A_954 = arith.constant 8192 : i32
    %add3A_955 = arith.addi %mul3A_32, %add3A_954 : i32
    %jit3A_956 = arith.constant 131072 : i32
    %div3A_957 = arith.divsi %add3A_955, %jit3A_956 : i32
    %sign3A_958 = arith.constant 0 : i32
    %sign3A_959 = arith.cmpi sgt, %add3A_955, %sign3A_958 : i32
    %sign3A_960 = arith.extui %sign3A_959 : i1 to i32
    %sign3A_961 = arith.constant 0 : i32
    %sign3A_962 = arith.cmpi slt, %add3A_955, %sign3A_961 : i32
    %sign3A_963 = arith.extui %sign3A_962 : i1 to i32
    %sign3A_964 = arith.subi %sign3A_960, %sign3A_963 : i32
    %sign3A_965 = arith.constant 0 : i32
    %sign3A_966 = arith.cmpi sgt, %jit3A_956, %sign3A_965 : i32
    %sign3A_967 = arith.extui %sign3A_966 : i1 to i32
    %sign3A_968 = arith.constant 0 : i32
    %sign3A_969 = arith.cmpi slt, %jit3A_956, %sign3A_968 : i32
    %sign3A_970 = arith.extui %sign3A_969 : i1 to i32
    %sign3A_971 = arith.subi %sign3A_967, %sign3A_970 : i32
    %ne3A_972 = arith.cmpi ne, %sign3A_964, %sign3A_971 : i32
    %rem3A_973 = arith.remsi %add3A_955, %jit3A_956 : i32
    %ne3A_974 = arith.constant 0 : i32
    %ne3A_975 = arith.cmpi ne, %rem3A_973, %ne3A_974 : i32
    %and3A_976 = arith.andi %ne3A_972, %ne3A_975 : i1
    %sub3A_977 = arith.constant 1 : i32
    %sub3A_978 = arith.subi %div3A_957, %sub3A_977 : i32
    %select_n3A_979 = arith.select %and3A_976, %sub3A_978, %div3A_957 : i32
    %jit3A_980 = arith.constant 131072 : i32
    %eq3A_981 = arith.constant 0 : i32
    %eq3A_982 = arith.cmpi eq, %jit3A_980, %eq3A_981 : i32
    %jit3A_983 = arith.constant 1 : i32
    %select_n3A_984 = arith.select %eq3A_982, %jit3A_983, %jit3A_980 : i32
    %rem3A_985 = arith.remsi %add3A_955, %select_n3A_984 : i32
    %ne3A_986 = arith.constant 0 : i32
    %ne3A_987 = arith.cmpi ne, %rem3A_985, %ne3A_986 : i32
    %lt3A_988 = arith.constant 0 : i32
    %lt3A_989 = arith.cmpi slt, %rem3A_985, %lt3A_988 : i32
    %lt3A_990 = arith.constant 0 : i32
    %lt3A_991 = arith.cmpi slt, %select_n3A_984, %lt3A_990 : i32
    %ne3A_992 = arith.xori %lt3A_989, %lt3A_991 : i1
    %and3A_993 = arith.andi %ne3A_992, %ne3A_987 : i1
    %add3A_994 = arith.addi %rem3A_985, %select_n3A_984 : i32
    %select_n3A_995 = arith.select %and3A_993, %add3A_994, %rem3A_985 : i32
    %jit3A_996 = arith.constant 256 : i32
    %div3A_997 = arith.divsi %select_n3A_995, %jit3A_996 : i32
    %sign3A_998 = arith.constant 0 : i32
    %sign3A_999 = arith.cmpi sgt, %select_n3A_995, %sign3A_998 : i32
    %sign3A_1000 = arith.extui %sign3A_999 : i1 to i32
    %sign3A_1001 = arith.constant 0 : i32
    %sign3A_1002 = arith.cmpi slt, %select_n3A_995, %sign3A_1001 : i32
    %sign3A_1003 = arith.extui %sign3A_1002 : i1 to i32
    %sign3A_1004 = arith.subi %sign3A_1000, %sign3A_1003 : i32
    %sign3A_1005 = arith.constant 0 : i32
    %sign3A_1006 = arith.cmpi sgt, %jit3A_996, %sign3A_1005 : i32
    %sign3A_1007 = arith.extui %sign3A_1006 : i1 to i32
    %sign3A_1008 = arith.constant 0 : i32
    %sign3A_1009 = arith.cmpi slt, %jit3A_996, %sign3A_1008 : i32
    %sign3A_1010 = arith.extui %sign3A_1009 : i1 to i32
    %sign3A_1011 = arith.subi %sign3A_1007, %sign3A_1010 : i32
    %ne3A_1012 = arith.cmpi ne, %sign3A_1004, %sign3A_1011 : i32
    %rem3A_1013 = arith.remsi %select_n3A_995, %jit3A_996 : i32
    %ne3A_1014 = arith.constant 0 : i32
    %ne3A_1015 = arith.cmpi ne, %rem3A_1013, %ne3A_1014 : i32
    %and3A_1016 = arith.andi %ne3A_1012, %ne3A_1015 : i1
    %sub3A_1017 = arith.constant 1 : i32
    %sub3A_1018 = arith.subi %div3A_997, %sub3A_1017 : i32
    %select_n3A_1019 = arith.select %and3A_1016, %sub3A_1018, %div3A_997 : i32
    %multiple_of3A_1020 = tpu.assume_multiple %select_n3A_1019, 32 : i32
    %dma_wait3A_1021 = arith.constant 1 : i32
    %dma_wait3A_1022 = arith.constant 2 : i32
    %dma_wait3A_1023 = arith.constant 2 : i32
    %dma_wait3A_1024 = arith.constant 1 : i32
    %dma_wait3A_1025 = arith.constant 0 : i32
    %dma_wait3A_1026 = arith.constant 0 : i32
    %dma_wait3A_1027 = tpu.memref_slice %arg13[%dma_wait3A_1021, %dma_wait3A_1022, %dma_wait3A_1025, %dma_wait3A_1026] : memref<2x4x32x256xf32, #tpu.memory_space<vmem>> -> memref<1x1x32x256xf32, #tpu.memory_space<vmem>>
    %dma_wait3A_1028 = tpu.memref_squeeze %dma_wait3A_1027 : memref<1x1x32x256xf32, #tpu.memory_space<vmem>> -> memref<32x256xf32, #tpu.memory_space<vmem>>
    %dma_wait3A_1029 = arith.constant 0 : i32
    %dma_wait3A_1030 = tpu.memref_slice %arg5[%select_n3A, %dma_wait3A_1023, %select_n3A_979, %multiple_of3A_1020, %dma_wait3A_1029] : memref<2x4x3x512x256xf32, #tpu.memory_space<hbm>> -> memref<1x1x1x32x256xf32, #tpu.memory_space<hbm>>
    %dma_wait3A_1031 = tpu.memref_squeeze %dma_wait3A_1030 : memref<1x1x1x32x256xf32, #tpu.memory_space<hbm>> -> memref<32x256xf32, #tpu.memory_space<hbm>>
    %dma_wait3A_1032 = tpu.memref_slice %arg15[%dma_wait3A_1024] : memref<2x!tpu.dma_semaphore, #tpu.memory_space<semaphore_mem>> -> memref<1x!tpu.dma_semaphore, #tpu.memory_space<semaphore_mem>>
    %dma_wait3A_1033 = tpu.memref_squeeze %dma_wait3A_1032 : memref<1x!tpu.dma_semaphore, #tpu.memory_space<semaphore_mem>> -> memref<!tpu.dma_semaphore, #tpu.memory_space<semaphore_mem>>
    %dma_wait3A_1034 = arith.constant 0 : i32
    %dma_wait3A_1035 = tpu.memref_slice %arg5[%select_n3A, %dma_wait3A_1023, %select_n3A_979, %multiple_of3A_1020, %dma_wait3A_1034] : memref<2x4x3x512x256xf32, #tpu.memory_space<hbm>> -> memref<1x1x1x32x256xf32, #tpu.memory_space<hbm>>
    %dma_wait3A_1036 = tpu.memref_squeeze %dma_wait3A_1035 : memref<1x1x1x32x256xf32, #tpu.memory_space<hbm>> -> memref<32x256xf32, #tpu.memory_space<hbm>>
    %dma_wait3A_1037 = arith.constant 0 : i32
    %dma_wait3A_1038 = arith.constant 0 : i32
    %dma_wait3A_1039 = tpu.memref_slice %arg13[%dma_wait3A_1021, %dma_wait3A_1022, %dma_wait3A_1037, %dma_wait3A_1038] : memref<2x4x32x256xf32, #tpu.memory_space<vmem>> -> memref<1x1x32x256xf32, #tpu.memory_space<vmem>>
    %dma_wait3A_1040 = tpu.memref_squeeze %dma_wait3A_1039 : memref<1x1x32x256xf32, #tpu.memory_space<vmem>> -> memref<32x256xf32, #tpu.memory_space<vmem>>
    tpu.wait_dma2 semaphore(%dma_wait3A_1033 : memref<!tpu.dma_semaphore, #tpu.memory_space<semaphore_mem>>) src(%dma_wait3A_1040 : memref<32x256xf32, #tpu.memory_space<vmem>>) dst(%dma_wait3A_1036 : memref<32x256xf32, #tpu.memory_space<hbm>>)
    %add3A_1041 = arith.constant 8192 : i32
    %add3A_1042 = arith.addi %mul3A_32, %add3A_1041 : i32
    %jit3A_1043 = arith.constant 131072 : i32
    %div3A_1044 = arith.divsi %add3A_1042, %jit3A_1043 : i32
    %sign3A_1045 = arith.constant 0 : i32
    %sign3A_1046 = arith.cmpi sgt, %add3A_1042, %sign3A_1045 : i32
    %sign3A_1047 = arith.extui %sign3A_1046 : i1 to i32
    %sign3A_1048 = arith.constant 0 : i32
    %sign3A_1049 = arith.cmpi slt, %add3A_1042, %sign3A_1048 : i32
    %sign3A_1050 = arith.extui %sign3A_1049 : i1 to i32
    %sign3A_1051 = arith.subi %sign3A_1047, %sign3A_1050 : i32
    %sign3A_1052 = arith.constant 0 : i32
    %sign3A_1053 = arith.cmpi sgt, %jit3A_1043, %sign3A_1052 : i32
    %sign3A_1054 = arith.extui %sign3A_1053 : i1 to i32
    %sign3A_1055 = arith.constant 0 : i32
    %sign3A_1056 = arith.cmpi slt, %jit3A_1043, %sign3A_1055 : i32
    %sign3A_1057 = arith.extui %sign3A_1056 : i1 to i32
    %sign3A_1058 = arith.subi %sign3A_1054, %sign3A_1057 : i32
    %ne3A_1059 = arith.cmpi ne, %sign3A_1051, %sign3A_1058 : i32
    %rem3A_1060 = arith.remsi %add3A_1042, %jit3A_1043 : i32
    %ne3A_1061 = arith.constant 0 : i32
    %ne3A_1062 = arith.cmpi ne, %rem3A_1060, %ne3A_1061 : i32
    %and3A_1063 = arith.andi %ne3A_1059, %ne3A_1062 : i1
    %sub3A_1064 = arith.constant 1 : i32
    %sub3A_1065 = arith.subi %div3A_1044, %sub3A_1064 : i32
    %select_n3A_1066 = arith.select %and3A_1063, %sub3A_1065, %div3A_1044 : i32
    %jit3A_1067 = arith.constant 131072 : i32
    %eq3A_1068 = arith.constant 0 : i32
    %eq3A_1069 = arith.cmpi eq, %jit3A_1067, %eq3A_1068 : i32
    %jit3A_1070 = arith.constant 1 : i32
    %select_n3A_1071 = arith.select %eq3A_1069, %jit3A_1070, %jit3A_1067 : i32
    %rem3A_1072 = arith.remsi %add3A_1042, %select_n3A_1071 : i32
    %ne3A_1073 = arith.constant 0 : i32
    %ne3A_1074 = arith.cmpi ne, %rem3A_1072, %ne3A_1073 : i32
    %lt3A_1075 = arith.constant 0 : i32
    %lt3A_1076 = arith.cmpi slt, %rem3A_1072, %lt3A_1075 : i32
    %lt3A_1077 = arith.constant 0 : i32
    %lt3A_1078 = arith.cmpi slt, %select_n3A_1071, %lt3A_1077 : i32
    %ne3A_1079 = arith.xori %lt3A_1076, %lt3A_1078 : i1
    %and3A_1080 = arith.andi %ne3A_1079, %ne3A_1074 : i1
    %add3A_1081 = arith.addi %rem3A_1072, %select_n3A_1071 : i32
    %select_n3A_1082 = arith.select %and3A_1080, %add3A_1081, %rem3A_1072 : i32
    %jit3A_1083 = arith.constant 256 : i32
    %div3A_1084 = arith.divsi %select_n3A_1082, %jit3A_1083 : i32
    %sign3A_1085 = arith.constant 0 : i32
    %sign3A_1086 = arith.cmpi sgt, %select_n3A_1082, %sign3A_1085 : i32
    %sign3A_1087 = arith.extui %sign3A_1086 : i1 to i32
    %sign3A_1088 = arith.constant 0 : i32
    %sign3A_1089 = arith.cmpi slt, %select_n3A_1082, %sign3A_1088 : i32
    %sign3A_1090 = arith.extui %sign3A_1089 : i1 to i32
    %sign3A_1091 = arith.subi %sign3A_1087, %sign3A_1090 : i32
    %sign3A_1092 = arith.constant 0 : i32
    %sign3A_1093 = arith.cmpi sgt, %jit3A_1083, %sign3A_1092 : i32
    %sign3A_1094 = arith.extui %sign3A_1093 : i1 to i32
    %sign3A_1095 = arith.constant 0 : i32
    %sign3A_1096 = arith.cmpi slt, %jit3A_1083, %sign3A_1095 : i32
    %sign3A_1097 = arith.extui %sign3A_1096 : i1 to i32
    %sign3A_1098 = arith.subi %sign3A_1094, %sign3A_1097 : i32
    %ne3A_1099 = arith.cmpi ne, %sign3A_1091, %sign3A_1098 : i32
    %rem3A_1100 = arith.remsi %select_n3A_1082, %jit3A_1083 : i32
    %ne3A_1101 = arith.constant 0 : i32
    %ne3A_1102 = arith.cmpi ne, %rem3A_1100, %ne3A_1101 : i32
    %and3A_1103 = arith.andi %ne3A_1099, %ne3A_1102 : i1
    %sub3A_1104 = arith.constant 1 : i32
    %sub3A_1105 = arith.subi %div3A_1084, %sub3A_1104 : i32
    %select_n3A_1106 = arith.select %and3A_1103, %sub3A_1105, %div3A_1084 : i32
    %multiple_of3A_1107 = tpu.assume_multiple %select_n3A_1106, 32 : i32
    %dma_wait3A_1108 = arith.constant 1 : i32
    %dma_wait3A_1109 = arith.constant 3 : i32
    %dma_wait3A_1110 = arith.constant 3 : i32
    %dma_wait3A_1111 = arith.constant 1 : i32
    %dma_wait3A_1112 = arith.constant 0 : i32
    %dma_wait3A_1113 = arith.constant 0 : i32
    %dma_wait3A_1114 = tpu.memref_slice %arg13[%dma_wait3A_1108, %dma_wait3A_1109, %dma_wait3A_1112, %dma_wait3A_1113] : memref<2x4x32x256xf32, #tpu.memory_space<vmem>> -> memref<1x1x32x256xf32, #tpu.memory_space<vmem>>
    %dma_wait3A_1115 = tpu.memref_squeeze %dma_wait3A_1114 : memref<1x1x32x256xf32, #tpu.memory_space<vmem>> -> memref<32x256xf32, #tpu.memory_space<vmem>>
    %dma_wait3A_1116 = arith.constant 0 : i32
    %dma_wait3A_1117 = tpu.memref_slice %arg5[%select_n3A, %dma_wait3A_1110, %select_n3A_1066, %multiple_of3A_1107, %dma_wait3A_1116] : memref<2x4x3x512x256xf32, #tpu.memory_space<hbm>> -> memref<1x1x1x32x256xf32, #tpu.memory_space<hbm>>
    %dma_wait3A_1118 = tpu.memref_squeeze %dma_wait3A_1117 : memref<1x1x1x32x256xf32, #tpu.memory_space<hbm>> -> memref<32x256xf32, #tpu.memory_space<hbm>>
    %dma_wait3A_1119 = tpu.memref_slice %arg15[%dma_wait3A_1111] : memref<2x!tpu.dma_semaphore, #tpu.memory_space<semaphore_mem>> -> memref<1x!tpu.dma_semaphore, #tpu.memory_space<semaphore_mem>>
    %dma_wait3A_1120 = tpu.memref_squeeze %dma_wait3A_1119 : memref<1x!tpu.dma_semaphore, #tpu.memory_space<semaphore_mem>> -> memref<!tpu.dma_semaphore, #tpu.memory_space<semaphore_mem>>
    %dma_wait3A_1121 = arith.constant 0 : i32
    %dma_wait3A_1122 = tpu.memref_slice %arg5[%select_n3A, %dma_wait3A_1110, %select_n3A_1066, %multiple_of3A_1107, %dma_wait3A_1121] : memref<2x4x3x512x256xf32, #tpu.memory_space<hbm>> -> memref<1x1x1x32x256xf32, #tpu.memory_space<hbm>>
    %dma_wait3A_1123 = tpu.memref_squeeze %dma_wait3A_1122 : memref<1x1x1x32x256xf32, #tpu.memory_space<hbm>> -> memref<32x256xf32, #tpu.memory_space<hbm>>
    %dma_wait3A_1124 = arith.constant 0 : i32
    %dma_wait3A_1125 = arith.constant 0 : i32
    %dma_wait3A_1126 = tpu.memref_slice %arg13[%dma_wait3A_1108, %dma_wait3A_1109, %dma_wait3A_1124, %dma_wait3A_1125] : memref<2x4x32x256xf32, #tpu.memory_space<vmem>> -> memref<1x1x32x256xf32, #tpu.memory_space<vmem>>
    %dma_wait3A_1127 = tpu.memref_squeeze %dma_wait3A_1126 : memref<1x1x32x256xf32, #tpu.memory_space<vmem>> -> memref<32x256xf32, #tpu.memory_space<vmem>>
    tpu.wait_dma2 semaphore(%dma_wait3A_1120 : memref<!tpu.dma_semaphore, #tpu.memory_space<semaphore_mem>>) src(%dma_wait3A_1127 : memref<32x256xf32, #tpu.memory_space<vmem>>) dst(%dma_wait3A_1123 : memref<32x256xf32, #tpu.memory_space<hbm>>)
    %add3A_1128 = arith.constant 16384 : i32
    %add3A_1129 = arith.addi %mul3A_32, %add3A_1128 : i32
    %jit3A_1130 = arith.constant 131072 : i32
    %div3A_1131 = arith.divsi %add3A_1129, %jit3A_1130 : i32
    %sign3A_1132 = arith.constant 0 : i32
    %sign3A_1133 = arith.cmpi sgt, %add3A_1129, %sign3A_1132 : i32
    %sign3A_1134 = arith.extui %sign3A_1133 : i1 to i32
    %sign3A_1135 = arith.constant 0 : i32
    %sign3A_1136 = arith.cmpi slt, %add3A_1129, %sign3A_1135 : i32
    %sign3A_1137 = arith.extui %sign3A_1136 : i1 to i32
    %sign3A_1138 = arith.subi %sign3A_1134, %sign3A_1137 : i32
    %sign3A_1139 = arith.constant 0 : i32
    %sign3A_1140 = arith.cmpi sgt, %jit3A_1130, %sign3A_1139 : i32
    %sign3A_1141 = arith.extui %sign3A_1140 : i1 to i32
    %sign3A_1142 = arith.constant 0 : i32
    %sign3A_1143 = arith.cmpi slt, %jit3A_1130, %sign3A_1142 : i32
    %sign3A_1144 = arith.extui %sign3A_1143 : i1 to i32
    %sign3A_1145 = arith.subi %sign3A_1141, %sign3A_1144 : i32
    %ne3A_1146 = arith.cmpi ne, %sign3A_1138, %sign3A_1145 : i32
    %rem3A_1147 = arith.remsi %add3A_1129, %jit3A_1130 : i32
    %ne3A_1148 = arith.constant 0 : i32
    %ne3A_1149 = arith.cmpi ne, %rem3A_1147, %ne3A_1148 : i32
    %and3A_1150 = arith.andi %ne3A_1146, %ne3A_1149 : i1
    %sub3A_1151 = arith.constant 1 : i32
    %sub3A_1152 = arith.subi %div3A_1131, %sub3A_1151 : i32
    %select_n3A_1153 = arith.select %and3A_1150, %sub3A_1152, %div3A_1131 : i32
    %jit3A_1154 = arith.constant 131072 : i32
    %eq3A_1155 = arith.constant 0 : i32
    %eq3A_1156 = arith.cmpi eq, %jit3A_1154, %eq3A_1155 : i32
    %jit3A_1157 = arith.constant 1 : i32
    %select_n3A_1158 = arith.select %eq3A_1156, %jit3A_1157, %jit3A_1154 : i32
    %rem3A_1159 = arith.remsi %add3A_1129, %select_n3A_1158 : i32
    %ne3A_1160 = arith.constant 0 : i32
    %ne3A_1161 = arith.cmpi ne, %rem3A_1159, %ne3A_1160 : i32
    %lt3A_1162 = arith.constant 0 : i32
    %lt3A_1163 = arith.cmpi slt, %rem3A_1159, %lt3A_1162 : i32
    %lt3A_1164 = arith.constant 0 : i32
    %lt3A_1165 = arith.cmpi slt, %select_n3A_1158, %lt3A_1164 : i32
    %ne3A_1166 = arith.xori %lt3A_1163, %lt3A_1165 : i1
    %and3A_1167 = arith.andi %ne3A_1166, %ne3A_1161 : i1
    %add3A_1168 = arith.addi %rem3A_1159, %select_n3A_1158 : i32
    %select_n3A_1169 = arith.select %and3A_1167, %add3A_1168, %rem3A_1159 : i32
    %jit3A_1170 = arith.constant 256 : i32
    %div3A_1171 = arith.divsi %select_n3A_1169, %jit3A_1170 : i32
    %sign3A_1172 = arith.constant 0 : i32
    %sign3A_1173 = arith.cmpi sgt, %select_n3A_1169, %sign3A_1172 : i32
    %sign3A_1174 = arith.extui %sign3A_1173 : i1 to i32
    %sign3A_1175 = arith.constant 0 : i32
    %sign3A_1176 = arith.cmpi slt, %select_n3A_1169, %sign3A_1175 : i32
    %sign3A_1177 = arith.extui %sign3A_1176 : i1 to i32
    %sign3A_1178 = arith.subi %sign3A_1174, %sign3A_1177 : i32
    %sign3A_1179 = arith.constant 0 : i32
    %sign3A_1180 = arith.cmpi sgt, %jit3A_1170, %sign3A_1179 : i32
    %sign3A_1181 = arith.extui %sign3A_1180 : i1 to i32
    %sign3A_1182 = arith.constant 0 : i32
    %sign3A_1183 = arith.cmpi slt, %jit3A_1170, %sign3A_1182 : i32
    %sign3A_1184 = arith.extui %sign3A_1183 : i1 to i32
    %sign3A_1185 = arith.subi %sign3A_1181, %sign3A_1184 : i32
    %ne3A_1186 = arith.cmpi ne, %sign3A_1178, %sign3A_1185 : i32
    %rem3A_1187 = arith.remsi %select_n3A_1169, %jit3A_1170 : i32
    %ne3A_1188 = arith.constant 0 : i32
    %ne3A_1189 = arith.cmpi ne, %rem3A_1187, %ne3A_1188 : i32
    %and3A_1190 = arith.andi %ne3A_1186, %ne3A_1189 : i1
    %sub3A_1191 = arith.constant 1 : i32
    %sub3A_1192 = arith.subi %div3A_1171, %sub3A_1191 : i32
    %select_n3A_1193 = arith.select %and3A_1190, %sub3A_1192, %div3A_1171 : i32
    %multiple_of3A_1194 = tpu.assume_multiple %select_n3A_1193, 32 : i32
    %dma_wait3A_1195 = arith.constant 0 : i32
    %dma_wait3A_1196 = arith.constant 0 : i32
    %dma_wait3A_1197 = arith.constant 0 : i32
    %dma_wait3A_1198 = arith.constant 0 : i32
    %dma_wait3A_1199 = arith.constant 0 : i32
    %dma_wait3A_1200 = arith.constant 0 : i32
    %dma_wait3A_1201 = tpu.memref_slice %arg13[%dma_wait3A_1195, %dma_wait3A_1196, %dma_wait3A_1199, %dma_wait3A_1200] : memref<2x4x32x256xf32, #tpu.memory_space<vmem>> -> memref<1x1x32x256xf32, #tpu.memory_space<vmem>>
    %dma_wait3A_1202 = tpu.memref_squeeze %dma_wait3A_1201 : memref<1x1x32x256xf32, #tpu.memory_space<vmem>> -> memref<32x256xf32, #tpu.memory_space<vmem>>
    %dma_wait3A_1203 = arith.constant 0 : i32
    %dma_wait3A_1204 = tpu.memref_slice %arg5[%select_n3A, %dma_wait3A_1197, %select_n3A_1153, %multiple_of3A_1194, %dma_wait3A_1203] : memref<2x4x3x512x256xf32, #tpu.memory_space<hbm>> -> memref<1x1x1x32x256xf32, #tpu.memory_space<hbm>>
    %dma_wait3A_1205 = tpu.memref_squeeze %dma_wait3A_1204 : memref<1x1x1x32x256xf32, #tpu.memory_space<hbm>> -> memref<32x256xf32, #tpu.memory_space<hbm>>
    %dma_wait3A_1206 = tpu.memref_slice %arg15[%dma_wait3A_1198] : memref<2x!tpu.dma_semaphore, #tpu.memory_space<semaphore_mem>> -> memref<1x!tpu.dma_semaphore, #tpu.memory_space<semaphore_mem>>
    %dma_wait3A_1207 = tpu.memref_squeeze %dma_wait3A_1206 : memref<1x!tpu.dma_semaphore, #tpu.memory_space<semaphore_mem>> -> memref<!tpu.dma_semaphore, #tpu.memory_space<semaphore_mem>>
    %dma_wait3A_1208 = arith.constant 0 : i32
    %dma_wait3A_1209 = tpu.memref_slice %arg5[%select_n3A, %dma_wait3A_1197, %select_n3A_1153, %multiple_of3A_1194, %dma_wait3A_1208] : memref<2x4x3x512x256xf32, #tpu.memory_space<hbm>> -> memref<1x1x1x32x256xf32, #tpu.memory_space<hbm>>
    %dma_wait3A_1210 = tpu.memref_squeeze %dma_wait3A_1209 : memref<1x1x1x32x256xf32, #tpu.memory_space<hbm>> -> memref<32x256xf32, #tpu.memory_space<hbm>>
    %dma_wait3A_1211 = arith.constant 0 : i32
    %dma_wait3A_1212 = arith.constant 0 : i32
    %dma_wait3A_1213 = tpu.memref_slice %arg13[%dma_wait3A_1195, %dma_wait3A_1196, %dma_wait3A_1211, %dma_wait3A_1212] : memref<2x4x32x256xf32, #tpu.memory_space<vmem>> -> memref<1x1x32x256xf32, #tpu.memory_space<vmem>>
    %dma_wait3A_1214 = tpu.memref_squeeze %dma_wait3A_1213 : memref<1x1x32x256xf32, #tpu.memory_space<vmem>> -> memref<32x256xf32, #tpu.memory_space<vmem>>
    tpu.wait_dma2 semaphore(%dma_wait3A_1207 : memref<!tpu.dma_semaphore, #tpu.memory_space<semaphore_mem>>) src(%dma_wait3A_1214 : memref<32x256xf32, #tpu.memory_space<vmem>>) dst(%dma_wait3A_1210 : memref<32x256xf32, #tpu.memory_space<hbm>>)
    %add3A_1215 = arith.constant 16384 : i32
    %add3A_1216 = arith.addi %mul3A_32, %add3A_1215 : i32
    %jit3A_1217 = arith.constant 131072 : i32
    %div3A_1218 = arith.divsi %add3A_1216, %jit3A_1217 : i32
    %sign3A_1219 = arith.constant 0 : i32
    %sign3A_1220 = arith.cmpi sgt, %add3A_1216, %sign3A_1219 : i32
    %sign3A_1221 = arith.extui %sign3A_1220 : i1 to i32
    %sign3A_1222 = arith.constant 0 : i32
    %sign3A_1223 = arith.cmpi slt, %add3A_1216, %sign3A_1222 : i32
    %sign3A_1224 = arith.extui %sign3A_1223 : i1 to i32
    %sign3A_1225 = arith.subi %sign3A_1221, %sign3A_1224 : i32
    %sign3A_1226 = arith.constant 0 : i32
    %sign3A_1227 = arith.cmpi sgt, %jit3A_1217, %sign3A_1226 : i32
    %sign3A_1228 = arith.extui %sign3A_1227 : i1 to i32
    %sign3A_1229 = arith.constant 0 : i32
    %sign3A_1230 = arith.cmpi slt, %jit3A_1217, %sign3A_1229 : i32
    %sign3A_1231 = arith.extui %sign3A_1230 : i1 to i32
    %sign3A_1232 = arith.subi %sign3A_1228, %sign3A_1231 : i32
    %ne3A_1233 = arith.cmpi ne, %sign3A_1225, %sign3A_1232 : i32
    %rem3A_1234 = arith.remsi %add3A_1216, %jit3A_1217 : i32
    %ne3A_1235 = arith.constant 0 : i32
    %ne3A_1236 = arith.cmpi ne, %rem3A_1234, %ne3A_1235 : i32
    %and3A_1237 = arith.andi %ne3A_1233, %ne3A_1236 : i1
    %sub3A_1238 = arith.constant 1 : i32
    %sub3A_1239 = arith.subi %div3A_1218, %sub3A_1238 : i32
    %select_n3A_1240 = arith.select %and3A_1237, %sub3A_1239, %div3A_1218 : i32
    %jit3A_1241 = arith.constant 131072 : i32
    %eq3A_1242 = arith.constant 0 : i32
    %eq3A_1243 = arith.cmpi eq, %jit3A_1241, %eq3A_1242 : i32
    %jit3A_1244 = arith.constant 1 : i32
    %select_n3A_1245 = arith.select %eq3A_1243, %jit3A_1244, %jit3A_1241 : i32
    %rem3A_1246 = arith.remsi %add3A_1216, %select_n3A_1245 : i32
    %ne3A_1247 = arith.constant 0 : i32
    %ne3A_1248 = arith.cmpi ne, %rem3A_1246, %ne3A_1247 : i32
    %lt3A_1249 = arith.constant 0 : i32
    %lt3A_1250 = arith.cmpi slt, %rem3A_1246, %lt3A_1249 : i32
    %lt3A_1251 = arith.constant 0 : i32
    %lt3A_1252 = arith.cmpi slt, %select_n3A_1245, %lt3A_1251 : i32
    %ne3A_1253 = arith.xori %lt3A_1250, %lt3A_1252 : i1
    %and3A_1254 = arith.andi %ne3A_1253, %ne3A_1248 : i1
    %add3A_1255 = arith.addi %rem3A_1246, %select_n3A_1245 : i32
    %select_n3A_1256 = arith.select %and3A_1254, %add3A_1255, %rem3A_1246 : i32
    %jit3A_1257 = arith.constant 256 : i32
    %div3A_1258 = arith.divsi %select_n3A_1256, %jit3A_1257 : i32
    %sign3A_1259 = arith.constant 0 : i32
    %sign3A_1260 = arith.cmpi sgt, %select_n3A_1256, %sign3A_1259 : i32
    %sign3A_1261 = arith.extui %sign3A_1260 : i1 to i32
    %sign3A_1262 = arith.constant 0 : i32
    %sign3A_1263 = arith.cmpi slt, %select_n3A_1256, %sign3A_1262 : i32
    %sign3A_1264 = arith.extui %sign3A_1263 : i1 to i32
    %sign3A_1265 = arith.subi %sign3A_1261, %sign3A_1264 : i32
    %sign3A_1266 = arith.constant 0 : i32
    %sign3A_1267 = arith.cmpi sgt, %jit3A_1257, %sign3A_1266 : i32
    %sign3A_1268 = arith.extui %sign3A_1267 : i1 to i32
    %sign3A_1269 = arith.constant 0 : i32
    %sign3A_1270 = arith.cmpi slt, %jit3A_1257, %sign3A_1269 : i32
    %sign3A_1271 = arith.extui %sign3A_1270 : i1 to i32
    %sign3A_1272 = arith.subi %sign3A_1268, %sign3A_1271 : i32
    %ne3A_1273 = arith.cmpi ne, %sign3A_1265, %sign3A_1272 : i32
    %rem3A_1274 = arith.remsi %select_n3A_1256, %jit3A_1257 : i32
    %ne3A_1275 = arith.constant 0 : i32
    %ne3A_1276 = arith.cmpi ne, %rem3A_1274, %ne3A_1275 : i32
    %and3A_1277 = arith.andi %ne3A_1273, %ne3A_1276 : i1
    %sub3A_1278 = arith.constant 1 : i32
    %sub3A_1279 = arith.subi %div3A_1258, %sub3A_1278 : i32
    %select_n3A_1280 = arith.select %and3A_1277, %sub3A_1279, %div3A_1258 : i32
    %multiple_of3A_1281 = tpu.assume_multiple %select_n3A_1280, 32 : i32
    %dma_wait3A_1282 = arith.constant 0 : i32
    %dma_wait3A_1283 = arith.constant 1 : i32
    %dma_wait3A_1284 = arith.constant 1 : i32
    %dma_wait3A_1285 = arith.constant 0 : i32
    %dma_wait3A_1286 = arith.constant 0 : i32
    %dma_wait3A_1287 = arith.constant 0 : i32
    %dma_wait3A_1288 = tpu.memref_slice %arg13[%dma_wait3A_1282, %dma_wait3A_1283, %dma_wait3A_1286, %dma_wait3A_1287] : memref<2x4x32x256xf32, #tpu.memory_space<vmem>> -> memref<1x1x32x256xf32, #tpu.memory_space<vmem>>
    %dma_wait3A_1289 = tpu.memref_squeeze %dma_wait3A_1288 : memref<1x1x32x256xf32, #tpu.memory_space<vmem>> -> memref<32x256xf32, #tpu.memory_space<vmem>>
    %dma_wait3A_1290 = arith.constant 0 : i32
    %dma_wait3A_1291 = tpu.memref_slice %arg5[%select_n3A, %dma_wait3A_1284, %select_n3A_1240, %multiple_of3A_1281, %dma_wait3A_1290] : memref<2x4x3x512x256xf32, #tpu.memory_space<hbm>> -> memref<1x1x1x32x256xf32, #tpu.memory_space<hbm>>
    %dma_wait3A_1292 = tpu.memref_squeeze %dma_wait3A_1291 : memref<1x1x1x32x256xf32, #tpu.memory_space<hbm>> -> memref<32x256xf32, #tpu.memory_space<hbm>>
    %dma_wait3A_1293 = tpu.memref_slice %arg15[%dma_wait3A_1285] : memref<2x!tpu.dma_semaphore, #tpu.memory_space<semaphore_mem>> -> memref<1x!tpu.dma_semaphore, #tpu.memory_space<semaphore_mem>>
    %dma_wait3A_1294 = tpu.memref_squeeze %dma_wait3A_1293 : memref<1x!tpu.dma_semaphore, #tpu.memory_space<semaphore_mem>> -> memref<!tpu.dma_semaphore, #tpu.memory_space<semaphore_mem>>
    %dma_wait3A_1295 = arith.constant 0 : i32
    %dma_wait3A_1296 = tpu.memref_slice %arg5[%select_n3A, %dma_wait3A_1284, %select_n3A_1240, %multiple_of3A_1281, %dma_wait3A_1295] : memref<2x4x3x512x256xf32, #tpu.memory_space<hbm>> -> memref<1x1x1x32x256xf32, #tpu.memory_space<hbm>>
    %dma_wait3A_1297 = tpu.memref_squeeze %dma_wait3A_1296 : memref<1x1x1x32x256xf32, #tpu.memory_space<hbm>> -> memref<32x256xf32, #tpu.memory_space<hbm>>
    %dma_wait3A_1298 = arith.constant 0 : i32
    %dma_wait3A_1299 = arith.constant 0 : i32
    %dma_wait3A_1300 = tpu.memref_slice %arg13[%dma_wait3A_1282, %dma_wait3A_1283, %dma_wait3A_1298, %dma_wait3A_1299] : memref<2x4x32x256xf32, #tpu.memory_space<vmem>> -> memref<1x1x32x256xf32, #tpu.memory_space<vmem>>
    %dma_wait3A_1301 = tpu.memref_squeeze %dma_wait3A_1300 : memref<1x1x32x256xf32, #tpu.memory_space<vmem>> -> memref<32x256xf32, #tpu.memory_space<vmem>>
    tpu.wait_dma2 semaphore(%dma_wait3A_1294 : memref<!tpu.dma_semaphore, #tpu.memory_space<semaphore_mem>>) src(%dma_wait3A_1301 : memref<32x256xf32, #tpu.memory_space<vmem>>) dst(%dma_wait3A_1297 : memref<32x256xf32, #tpu.memory_space<hbm>>)
    %add3A_1302 = arith.constant 16384 : i32
    %add3A_1303 = arith.addi %mul3A_32, %add3A_1302 : i32
    %jit3A_1304 = arith.constant 131072 : i32
    %div3A_1305 = arith.divsi %add3A_1303, %jit3A_1304 : i32
    %sign3A_1306 = arith.constant 0 : i32
    %sign3A_1307 = arith.cmpi sgt, %add3A_1303, %sign3A_1306 : i32
    %sign3A_1308 = arith.extui %sign3A_1307 : i1 to i32
    %sign3A_1309 = arith.constant 0 : i32
    %sign3A_1310 = arith.cmpi slt, %add3A_1303, %sign3A_1309 : i32
    %sign3A_1311 = arith.extui %sign3A_1310 : i1 to i32
    %sign3A_1312 = arith.subi %sign3A_1308, %sign3A_1311 : i32
    %sign3A_1313 = arith.constant 0 : i32
    %sign3A_1314 = arith.cmpi sgt, %jit3A_1304, %sign3A_1313 : i32
    %sign3A_1315 = arith.extui %sign3A_1314 : i1 to i32
    %sign3A_1316 = arith.constant 0 : i32
    %sign3A_1317 = arith.cmpi slt, %jit3A_1304, %sign3A_1316 : i32
    %sign3A_1318 = arith.extui %sign3A_1317 : i1 to i32
    %sign3A_1319 = arith.subi %sign3A_1315, %sign3A_1318 : i32
    %ne3A_1320 = arith.cmpi ne, %sign3A_1312, %sign3A_1319 : i32
    %rem3A_1321 = arith.remsi %add3A_1303, %jit3A_1304 : i32
    %ne3A_1322 = arith.constant 0 : i32
    %ne3A_1323 = arith.cmpi ne, %rem3A_1321, %ne3A_1322 : i32
    %and3A_1324 = arith.andi %ne3A_1320, %ne3A_1323 : i1
    %sub3A_1325 = arith.constant 1 : i32
    %sub3A_1326 = arith.subi %div3A_1305, %sub3A_1325 : i32
    %select_n3A_1327 = arith.select %and3A_1324, %sub3A_1326, %div3A_1305 : i32
    %jit3A_1328 = arith.constant 131072 : i32
    %eq3A_1329 = arith.constant 0 : i32
    %eq3A_1330 = arith.cmpi eq, %jit3A_1328, %eq3A_1329 : i32
    %jit3A_1331 = arith.constant 1 : i32
    %select_n3A_1332 = arith.select %eq3A_1330, %jit3A_1331, %jit3A_1328 : i32
    %rem3A_1333 = arith.remsi %add3A_1303, %select_n3A_1332 : i32
    %ne3A_1334 = arith.constant 0 : i32
    %ne3A_1335 = arith.cmpi ne, %rem3A_1333, %ne3A_1334 : i32
    %lt3A_1336 = arith.constant 0 : i32
    %lt3A_1337 = arith.cmpi slt, %rem3A_1333, %lt3A_1336 : i32
    %lt3A_1338 = arith.constant 0 : i32
    %lt3A_1339 = arith.cmpi slt, %select_n3A_1332, %lt3A_1338 : i32
    %ne3A_1340 = arith.xori %lt3A_1337, %lt3A_1339 : i1
    %and3A_1341 = arith.andi %ne3A_1340, %ne3A_1335 : i1
    %add3A_1342 = arith.addi %rem3A_1333, %select_n3A_1332 : i32
    %select_n3A_1343 = arith.select %and3A_1341, %add3A_1342, %rem3A_1333 : i32
    %jit3A_1344 = arith.constant 256 : i32
    %div3A_1345 = arith.divsi %select_n3A_1343, %jit3A_1344 : i32
    %sign3A_1346 = arith.constant 0 : i32
    %sign3A_1347 = arith.cmpi sgt, %select_n3A_1343, %sign3A_1346 : i32
    %sign3A_1348 = arith.extui %sign3A_1347 : i1 to i32
    %sign3A_1349 = arith.constant 0 : i32
    %sign3A_1350 = arith.cmpi slt, %select_n3A_1343, %sign3A_1349 : i32
    %sign3A_1351 = arith.extui %sign3A_1350 : i1 to i32
    %sign3A_1352 = arith.subi %sign3A_1348, %sign3A_1351 : i32
    %sign3A_1353 = arith.constant 0 : i32
    %sign3A_1354 = arith.cmpi sgt, %jit3A_1344, %sign3A_1353 : i32
    %sign3A_1355 = arith.extui %sign3A_1354 : i1 to i32
    %sign3A_1356 = arith.constant 0 : i32
    %sign3A_1357 = arith.cmpi slt, %jit3A_1344, %sign3A_1356 : i32
    %sign3A_1358 = arith.extui %sign3A_1357 : i1 to i32
    %sign3A_1359 = arith.subi %sign3A_1355, %sign3A_1358 : i32
    %ne3A_1360 = arith.cmpi ne, %sign3A_1352, %sign3A_1359 : i32
    %rem3A_1361 = arith.remsi %select_n3A_1343, %jit3A_1344 : i32
    %ne3A_1362 = arith.constant 0 : i32
    %ne3A_1363 = arith.cmpi ne, %rem3A_1361, %ne3A_1362 : i32
    %and3A_1364 = arith.andi %ne3A_1360, %ne3A_1363 : i1
    %sub3A_1365 = arith.constant 1 : i32
    %sub3A_1366 = arith.subi %div3A_1345, %sub3A_1365 : i32
    %select_n3A_1367 = arith.select %and3A_1364, %sub3A_1366, %div3A_1345 : i32
    %multiple_of3A_1368 = tpu.assume_multiple %select_n3A_1367, 32 : i32
    %dma_wait3A_1369 = arith.constant 0 : i32
    %dma_wait3A_1370 = arith.constant 2 : i32
    %dma_wait3A_1371 = arith.constant 2 : i32
    %dma_wait3A_1372 = arith.constant 0 : i32
    %dma_wait3A_1373 = arith.constant 0 : i32
    %dma_wait3A_1374 = arith.constant 0 : i32
    %dma_wait3A_1375 = tpu.memref_slice %arg13[%dma_wait3A_1369, %dma_wait3A_1370, %dma_wait3A_1373, %dma_wait3A_1374] : memref<2x4x32x256xf32, #tpu.memory_space<vmem>> -> memref<1x1x32x256xf32, #tpu.memory_space<vmem>>
    %dma_wait3A_1376 = tpu.memref_squeeze %dma_wait3A_1375 : memref<1x1x32x256xf32, #tpu.memory_space<vmem>> -> memref<32x256xf32, #tpu.memory_space<vmem>>
    %dma_wait3A_1377 = arith.constant 0 : i32
    %dma_wait3A_1378 = tpu.memref_slice %arg5[%select_n3A, %dma_wait3A_1371, %select_n3A_1327, %multiple_of3A_1368, %dma_wait3A_1377] : memref<2x4x3x512x256xf32, #tpu.memory_space<hbm>> -> memref<1x1x1x32x256xf32, #tpu.memory_space<hbm>>
    %dma_wait3A_1379 = tpu.memref_squeeze %dma_wait3A_1378 : memref<1x1x1x32x256xf32, #tpu.memory_space<hbm>> -> memref<32x256xf32, #tpu.memory_space<hbm>>
    %dma_wait3A_1380 = tpu.memref_slice %arg15[%dma_wait3A_1372] : memref<2x!tpu.dma_semaphore, #tpu.memory_space<semaphore_mem>> -> memref<1x!tpu.dma_semaphore, #tpu.memory_space<semaphore_mem>>
    %dma_wait3A_1381 = tpu.memref_squeeze %dma_wait3A_1380 : memref<1x!tpu.dma_semaphore, #tpu.memory_space<semaphore_mem>> -> memref<!tpu.dma_semaphore, #tpu.memory_space<semaphore_mem>>
    %dma_wait3A_1382 = arith.constant 0 : i32
    %dma_wait3A_1383 = tpu.memref_slice %arg5[%select_n3A, %dma_wait3A_1371, %select_n3A_1327, %multiple_of3A_1368, %dma_wait3A_1382] : memref<2x4x3x512x256xf32, #tpu.memory_space<hbm>> -> memref<1x1x1x32x256xf32, #tpu.memory_space<hbm>>
    %dma_wait3A_1384 = tpu.memref_squeeze %dma_wait3A_1383 : memref<1x1x1x32x256xf32, #tpu.memory_space<hbm>> -> memref<32x256xf32, #tpu.memory_space<hbm>>
    %dma_wait3A_1385 = arith.constant 0 : i32
    %dma_wait3A_1386 = arith.constant 0 : i32
    %dma_wait3A_1387 = tpu.memref_slice %arg13[%dma_wait3A_1369, %dma_wait3A_1370, %dma_wait3A_1385, %dma_wait3A_1386] : memref<2x4x32x256xf32, #tpu.memory_space<vmem>> -> memref<1x1x32x256xf32, #tpu.memory_space<vmem>>
    %dma_wait3A_1388 = tpu.memref_squeeze %dma_wait3A_1387 : memref<1x1x32x256xf32, #tpu.memory_space<vmem>> -> memref<32x256xf32, #tpu.memory_space<vmem>>
    tpu.wait_dma2 semaphore(%dma_wait3A_1381 : memref<!tpu.dma_semaphore, #tpu.memory_space<semaphore_mem>>) src(%dma_wait3A_1388 : memref<32x256xf32, #tpu.memory_space<vmem>>) dst(%dma_wait3A_1384 : memref<32x256xf32, #tpu.memory_space<hbm>>)
    %add3A_1389 = arith.constant 16384 : i32
    %add3A_1390 = arith.addi %mul3A_32, %add3A_1389 : i32
    %jit3A_1391 = arith.constant 131072 : i32
    %div3A_1392 = arith.divsi %add3A_1390, %jit3A_1391 : i32
    %sign3A_1393 = arith.constant 0 : i32
    %sign3A_1394 = arith.cmpi sgt, %add3A_1390, %sign3A_1393 : i32
    %sign3A_1395 = arith.extui %sign3A_1394 : i1 to i32
    %sign3A_1396 = arith.constant 0 : i32
    %sign3A_1397 = arith.cmpi slt, %add3A_1390, %sign3A_1396 : i32
    %sign3A_1398 = arith.extui %sign3A_1397 : i1 to i32
    %sign3A_1399 = arith.subi %sign3A_1395, %sign3A_1398 : i32
    %sign3A_1400 = arith.constant 0 : i32
    %sign3A_1401 = arith.cmpi sgt, %jit3A_1391, %sign3A_1400 : i32
    %sign3A_1402 = arith.extui %sign3A_1401 : i1 to i32
    %sign3A_1403 = arith.constant 0 : i32
    %sign3A_1404 = arith.cmpi slt, %jit3A_1391, %sign3A_1403 : i32
    %sign3A_1405 = arith.extui %sign3A_1404 : i1 to i32
    %sign3A_1406 = arith.subi %sign3A_1402, %sign3A_1405 : i32
    %ne3A_1407 = arith.cmpi ne, %sign3A_1399, %sign3A_1406 : i32
    %rem3A_1408 = arith.remsi %add3A_1390, %jit3A_1391 : i32
    %ne3A_1409 = arith.constant 0 : i32
    %ne3A_1410 = arith.cmpi ne, %rem3A_1408, %ne3A_1409 : i32
    %and3A_1411 = arith.andi %ne3A_1407, %ne3A_1410 : i1
    %sub3A_1412 = arith.constant 1 : i32
    %sub3A_1413 = arith.subi %div3A_1392, %sub3A_1412 : i32
    %select_n3A_1414 = arith.select %and3A_1411, %sub3A_1413, %div3A_1392 : i32
    %jit3A_1415 = arith.constant 131072 : i32
    %eq3A_1416 = arith.constant 0 : i32
    %eq3A_1417 = arith.cmpi eq, %jit3A_1415, %eq3A_1416 : i32
    %jit3A_1418 = arith.constant 1 : i32
    %select_n3A_1419 = arith.select %eq3A_1417, %jit3A_1418, %jit3A_1415 : i32
    %rem3A_1420 = arith.remsi %add3A_1390, %select_n3A_1419 : i32
    %ne3A_1421 = arith.constant 0 : i32
    %ne3A_1422 = arith.cmpi ne, %rem3A_1420, %ne3A_1421 : i32
    %lt3A_1423 = arith.constant 0 : i32
    %lt3A_1424 = arith.cmpi slt, %rem3A_1420, %lt3A_1423 : i32
    %lt3A_1425 = arith.constant 0 : i32
    %lt3A_1426 = arith.cmpi slt, %select_n3A_1419, %lt3A_1425 : i32
    %ne3A_1427 = arith.xori %lt3A_1424, %lt3A_1426 : i1
    %and3A_1428 = arith.andi %ne3A_1427, %ne3A_1422 : i1
    %add3A_1429 = arith.addi %rem3A_1420, %select_n3A_1419 : i32
    %select_n3A_1430 = arith.select %and3A_1428, %add3A_1429, %rem3A_1420 : i32
    %jit3A_1431 = arith.constant 256 : i32
    %div3A_1432 = arith.divsi %select_n3A_1430, %jit3A_1431 : i32
    %sign3A_1433 = arith.constant 0 : i32
    %sign3A_1434 = arith.cmpi sgt, %select_n3A_1430, %sign3A_1433 : i32
    %sign3A_1435 = arith.extui %sign3A_1434 : i1 to i32
    %sign3A_1436 = arith.constant 0 : i32
    %sign3A_1437 = arith.cmpi slt, %select_n3A_1430, %sign3A_1436 : i32
    %sign3A_1438 = arith.extui %sign3A_1437 : i1 to i32
    %sign3A_1439 = arith.subi %sign3A_1435, %sign3A_1438 : i32
    %sign3A_1440 = arith.constant 0 : i32
    %sign3A_1441 = arith.cmpi sgt, %jit3A_1431, %sign3A_1440 : i32
    %sign3A_1442 = arith.extui %sign3A_1441 : i1 to i32
    %sign3A_1443 = arith.constant 0 : i32
    %sign3A_1444 = arith.cmpi slt, %jit3A_1431, %sign3A_1443 : i32
    %sign3A_1445 = arith.extui %sign3A_1444 : i1 to i32
    %sign3A_1446 = arith.subi %sign3A_1442, %sign3A_1445 : i32
    %ne3A_1447 = arith.cmpi ne, %sign3A_1439, %sign3A_1446 : i32
    %rem3A_1448 = arith.remsi %select_n3A_1430, %jit3A_1431 : i32
    %ne3A_1449 = arith.constant 0 : i32
    %ne3A_1450 = arith.cmpi ne, %rem3A_1448, %ne3A_1449 : i32
    %and3A_1451 = arith.andi %ne3A_1447, %ne3A_1450 : i1
    %sub3A_1452 = arith.constant 1 : i32
    %sub3A_1453 = arith.subi %div3A_1432, %sub3A_1452 : i32
    %select_n3A_1454 = arith.select %and3A_1451, %sub3A_1453, %div3A_1432 : i32
    %multiple_of3A_1455 = tpu.assume_multiple %select_n3A_1454, 32 : i32
    %dma_wait3A_1456 = arith.constant 0 : i32
    %dma_wait3A_1457 = arith.constant 3 : i32
    %dma_wait3A_1458 = arith.constant 3 : i32
    %dma_wait3A_1459 = arith.constant 0 : i32
    %dma_wait3A_1460 = arith.constant 0 : i32
    %dma_wait3A_1461 = arith.constant 0 : i32
    %dma_wait3A_1462 = tpu.memref_slice %arg13[%dma_wait3A_1456, %dma_wait3A_1457, %dma_wait3A_1460, %dma_wait3A_1461] : memref<2x4x32x256xf32, #tpu.memory_space<vmem>> -> memref<1x1x32x256xf32, #tpu.memory_space<vmem>>
    %dma_wait3A_1463 = tpu.memref_squeeze %dma_wait3A_1462 : memref<1x1x32x256xf32, #tpu.memory_space<vmem>> -> memref<32x256xf32, #tpu.memory_space<vmem>>
    %dma_wait3A_1464 = arith.constant 0 : i32
    %dma_wait3A_1465 = tpu.memref_slice %arg5[%select_n3A, %dma_wait3A_1458, %select_n3A_1414, %multiple_of3A_1455, %dma_wait3A_1464] : memref<2x4x3x512x256xf32, #tpu.memory_space<hbm>> -> memref<1x1x1x32x256xf32, #tpu.memory_space<hbm>>
    %dma_wait3A_1466 = tpu.memref_squeeze %dma_wait3A_1465 : memref<1x1x1x32x256xf32, #tpu.memory_space<hbm>> -> memref<32x256xf32, #tpu.memory_space<hbm>>
    %dma_wait3A_1467 = tpu.memref_slice %arg15[%dma_wait3A_1459] : memref<2x!tpu.dma_semaphore, #tpu.memory_space<semaphore_mem>> -> memref<1x!tpu.dma_semaphore, #tpu.memory_space<semaphore_mem>>
    %dma_wait3A_1468 = tpu.memref_squeeze %dma_wait3A_1467 : memref<1x!tpu.dma_semaphore, #tpu.memory_space<semaphore_mem>> -> memref<!tpu.dma_semaphore, #tpu.memory_space<semaphore_mem>>
    %dma_wait3A_1469 = arith.constant 0 : i32
    %dma_wait3A_1470 = tpu.memref_slice %arg5[%select_n3A, %dma_wait3A_1458, %select_n3A_1414, %multiple_of3A_1455, %dma_wait3A_1469] : memref<2x4x3x512x256xf32, #tpu.memory_space<hbm>> -> memref<1x1x1x32x256xf32, #tpu.memory_space<hbm>>
    %dma_wait3A_1471 = tpu.memref_squeeze %dma_wait3A_1470 : memref<1x1x1x32x256xf32, #tpu.memory_space<hbm>> -> memref<32x256xf32, #tpu.memory_space<hbm>>
    %dma_wait3A_1472 = arith.constant 0 : i32
    %dma_wait3A_1473 = arith.constant 0 : i32
    %dma_wait3A_1474 = tpu.memref_slice %arg13[%dma_wait3A_1456, %dma_wait3A_1457, %dma_wait3A_1472, %dma_wait3A_1473] : memref<2x4x32x256xf32, #tpu.memory_space<vmem>> -> memref<1x1x32x256xf32, #tpu.memory_space<vmem>>
    %dma_wait3A_1475 = tpu.memref_squeeze %dma_wait3A_1474 : memref<1x1x32x256xf32, #tpu.memory_space<vmem>> -> memref<32x256xf32, #tpu.memory_space<vmem>>
    tpu.wait_dma2 semaphore(%dma_wait3A_1468 : memref<!tpu.dma_semaphore, #tpu.memory_space<semaphore_mem>>) src(%dma_wait3A_1475 : memref<32x256xf32, #tpu.memory_space<vmem>>) dst(%dma_wait3A_1471 : memref<32x256xf32, #tpu.memory_space<hbm>>)
    return
  }
}

module attributes {stable_mosaic.version = 14 : i64} {
  func.func @_merge_body(%arg0: i32, %arg1: i32, %arg2: memref<1x4x1x512x256xf32, #tpu.memory_space<vmem>>, %arg3: memref<2x4x16x512x256xf32, #tpu.memory_space<any>>, %arg4: memref<1x4x1x512x256xf32, #tpu.memory_space<vmem>>) attributes {dimension_semantics = [#tpu.dimension_semantics<arbitrary>, #tpu.dimension_semantics<arbitrary>], iteration_bounds = array<i64: 2, 3>, scalar_prefetch = 0 : i64, scratch_operands = 0 : i64, tpu.core_type = #tpu.core_type<tc>, window_params = [{transform_indices = @transform_0, window_bounds = array<i64: 1, 4, 1, 512, 256>}, {}, {transform_indices = @transform_2, window_bounds = array<i64: 1, 4, 1, 512, 256>}]} {
    %get3A = arith.constant 0 : index
    %get3A_0 = arith.constant 0 : index
    %get3A_1 = arith.constant 0 : index
    %get3A_2 = arith.constant 0 : index
    %get3A_3 = arith.constant 0 : index
    %get3A_4 = vector.load %arg2[%get3A, %get3A_0, %get3A_1, %get3A_2, %get3A_3] : memref<1x4x1x512x256xf32, #tpu.memory_space<vmem>>, vector<1x4x1x512x256xf32>
    %swap3A = arith.constant 0 : index
    %swap3A_5 = arith.constant 0 : index
    %swap3A_6 = arith.constant 0 : index
    %swap3A_7 = arith.constant 0 : index
    %swap3A_8 = arith.constant 0 : index
    %swap3A_9 = vector.load %arg4[%swap3A, %swap3A_5, %swap3A_6, %swap3A_7, %swap3A_8] : memref<1x4x1x512x256xf32, #tpu.memory_space<vmem>>, vector<1x4x1x512x256xf32>
    tpu.vector_store %arg4[%swap3A, %swap3A_5, %swap3A_6, %swap3A_7, %swap3A_8], %get3A_4 {strides = array<i32>} : memref<1x4x1x512x256xf32, #tpu.memory_space<vmem>>, vector<1x4x1x512x256xf32>,
    return
  }
  func.func @transform_0(%arg0: i32, %arg1: i32) -> (i32, i32, i32, i32, i32) {
    %c0_i32 = arith.constant 0 : i32
    %c0_i32_0 = arith.constant 0 : i32
    %c0_i32_1 = arith.constant 0 : i32
    %c0_i32_2 = arith.constant 0 : i32
    return %arg0, %c0_i32, %arg1, %c0_i32_0, %c0_i32_1 : i32, i32, i32, i32, i32
  }
  func.func @transform_2(%arg0: i32, %arg1: i32) -> (i32, i32, i32, i32, i32) {
    %c0_i32 = arith.constant 0 : i32
    %c0_i32_0 = arith.constant 0 : i32
    %c0_i32_1 = arith.constant 0 : i32
    %c0_i32_2 = arith.constant 0 : i32
    return %arg0, %c0_i32, %arg1, %c0_i32_0, %c0_i32_1 : i32, i32, i32, i32, i32
  }
}

module attributes {stable_mosaic.version = 14 : i64} {
  func.func @_tc_body(%arg0: i32, %arg1: i32, %arg2: memref<4x8xf32, #tpu.memory_space<smem>>, %arg3: memref<4x8xf32, #tpu.memory_space<smem>>, %arg4: memref<1x1x512x256xf32, #tpu.memory_space<vmem>>, %arg5: memref<1x4x1x512x256xf32, #tpu.memory_space<vmem>>) attributes {dimension_semantics = [#tpu.dimension_semantics<arbitrary>, #tpu.dimension_semantics<arbitrary>], iteration_bounds = array<i64: 2, 13>, scalar_prefetch = 0 : i64, scratch_operands = 0 : i64, tpu.core_type = #tpu.core_type<tc>, window_params = [{transform_indices = @transform_0, window_bounds = array<i64: 4, 8>}, {transform_indices = @transform_1, window_bounds = array<i64: 4, 8>}, {transform_indices = @transform_2, window_bounds = array<i64: 1, 1, 512, 256>}, {transform_indices = @transform_3, window_bounds = array<i64: 1, 4, 1, 512, 256>}]} {
    %get3A = arith.constant 0 : index
    %get3A_0 = arith.constant 0 : index
    %get3A_1 = arith.constant 0 : index
    %get3A_2 = arith.constant 0 : index
    %get3A_3 = vector.load %arg4[%get3A, %get3A_0, %get3A_1, %get3A_2] : memref<1x1x512x256xf32, #tpu.memory_space<vmem>>, vector<1x1x512x256xf32>
    %get3A_4 = vector.shape_cast %get3A_3 : vector<1x1x512x256xf32> to vector<512x256xf32>
    %get3A_5 = arith.constant 0 : index
    %get3A_6 = arith.constant 0 : index
    %get3A_7 = memref.load %arg2[%get3A_5, %get3A_6] : memref<4x8xf32, #tpu.memory_space<smem>>
    %abs3A = math.absf %get3A_7 : f32
    %get3A_8 = arith.constant 0 : index
    %get3A_9 = arith.constant 0 : index
    %get3A_10 = memref.load %arg3[%get3A_8, %get3A_9] : memref<4x8xf32, #tpu.memory_space<smem>>
    %abs3A_11 = math.absf %get3A_10 : f32
    %broadcast_in_dim3A = arith.constant 0.000000e+00 : f32
    %broadcast_in_dim3A_12 = vector.broadcast %broadcast_in_dim3A : f32 to vector<512x256xf32>
    %get3A_13 = arith.constant 0 : index
    %get3A_14 = arith.constant 1 : index
    %get3A_15 = memref.load %arg2[%get3A_13, %get3A_14] : memref<4x8xf32, #tpu.memory_space<smem>>
    %abs3A_16 = math.absf %get3A_15 : f32
    %add3A = arith.addf %abs3A, %abs3A_16 : f32
    %get3A_17 = arith.constant 0 : index
    %get3A_18 = arith.constant 1 : index
    %get3A_19 = memref.load %arg3[%get3A_17, %get3A_18] : memref<4x8xf32, #tpu.memory_space<smem>>
    %abs3A_20 = math.absf %get3A_19 : f32
    %add3A_21 = arith.addf %abs3A_11, %abs3A_20 : f32
    %sub3A = arith.subf %add3A_21, %abs3A_11 : f32
    %sub3A_22 = arith.subf %add3A, %abs3A : f32
    %div3A = arith.divf %sub3A, %sub3A_22 : f32
    %mul3A = arith.mulf %div3A, %abs3A : f32
    %sub3A_23 = arith.subf %abs3A_11, %mul3A : f32
    %add3A_24 = arith.constant -2.000000e+00 : f32
    %add3A_25 = arith.addf %add3A_24, %abs3A : f32
    %ge3A = vector.broadcast %add3A_25 : f32 to vector<512x256xf32>
    %ge3A_26 = arith.cmpf oge, %get3A_4, %ge3A : vector<512x256xf32>
    %mul3A_27 = vector.broadcast %div3A : f32 to vector<512x256xf32>
    %mul3A_28 = arith.mulf %mul3A_27, %get3A_4 : vector<512x256xf32>
    %add3A_29 = vector.broadcast %sub3A_23 : f32 to vector<512x256xf32>
    %add3A_30 = arith.addf %mul3A_28, %add3A_29 : vector<512x256xf32>
    %select_n3A = arith.select %ge3A_26, %add3A_30, %broadcast_in_dim3A_12 : vector<512x256xi1>, vector<512x256xf32>
    %get3A_31 = arith.constant 0 : index
    %get3A_32 = arith.constant 2 : index
    %get3A_33 = memref.load %arg2[%get3A_31, %get3A_32] : memref<4x8xf32, #tpu.memory_space<smem>>
    %abs3A_34 = math.absf %get3A_33 : f32
    %add3A_35 = arith.addf %add3A, %abs3A_34 : f32
    %get3A_36 = arith.constant 0 : index
    %get3A_37 = arith.constant 2 : index
    %get3A_38 = memref.load %arg3[%get3A_36, %get3A_37] : memref<4x8xf32, #tpu.memory_space<smem>>
    %abs3A_39 = math.absf %get3A_38 : f32
    %add3A_40 = arith.addf %add3A_21, %abs3A_39 : f32
    %sub3A_41 = arith.subf %add3A_40, %add3A_21 : f32
    %sub3A_42 = arith.subf %add3A_35, %add3A : f32
    %div3A_43 = arith.divf %sub3A_41, %sub3A_42 : f32
    %mul3A_44 = arith.mulf %div3A_43, %add3A : f32
    %sub3A_45 = arith.subf %add3A_21, %mul3A_44 : f32
    %add3A_46 = arith.constant -2.000000e+00 : f32
    %add3A_47 = arith.addf %add3A_46, %add3A : f32
    %ge3A_48 = vector.broadcast %add3A_47 : f32 to vector<512x256xf32>
    %ge3A_49 = arith.cmpf oge, %get3A_4, %ge3A_48 : vector<512x256xf32>
    %mul3A_50 = vector.broadcast %div3A_43 : f32 to vector<512x256xf32>
    %mul3A_51 = arith.mulf %mul3A_50, %get3A_4 : vector<512x256xf32>
    %add3A_52 = vector.broadcast %sub3A_45 : f32 to vector<512x256xf32>
    %add3A_53 = arith.addf %mul3A_51, %add3A_52 : vector<512x256xf32>
    %select_n3A_54 = arith.select %ge3A_49, %add3A_53, %select_n3A : vector<512x256xi1>, vector<512x256xf32>
    %get3A_55 = arith.constant 0 : index
    %get3A_56 = arith.constant 3 : index
    %get3A_57 = memref.load %arg2[%get3A_55, %get3A_56] : memref<4x8xf32, #tpu.memory_space<smem>>
    %abs3A_58 = math.absf %get3A_57 : f32
    %add3A_59 = arith.addf %add3A_35, %abs3A_58 : f32
    %get3A_60 = arith.constant 0 : index
    %get3A_61 = arith.constant 3 : index
    %get3A_62 = memref.load %arg3[%get3A_60, %get3A_61] : memref<4x8xf32, #tpu.memory_space<smem>>
    %abs3A_63 = math.absf %get3A_62 : f32
    %add3A_64 = arith.addf %add3A_40, %abs3A_63 : f32
    %sub3A_65 = arith.subf %add3A_64, %add3A_40 : f32
    %sub3A_66 = arith.subf %add3A_59, %add3A_35 : f32
    %div3A_67 = arith.divf %sub3A_65, %sub3A_66 : f32
    %mul3A_68 = arith.mulf %div3A_67, %add3A_35 : f32
    %sub3A_69 = arith.subf %add3A_40, %mul3A_68 : f32
    %add3A_70 = arith.constant -2.000000e+00 : f32
    %add3A_71 = arith.addf %add3A_70, %add3A_35 : f32
    %ge3A_72 = vector.broadcast %add3A_71 : f32 to vector<512x256xf32>
    %ge3A_73 = arith.cmpf oge, %get3A_4, %ge3A_72 : vector<512x256xf32>
    %mul3A_74 = vector.broadcast %div3A_67 : f32 to vector<512x256xf32>
    %mul3A_75 = arith.mulf %mul3A_74, %get3A_4 : vector<512x256xf32>
    %add3A_76 = vector.broadcast %sub3A_69 : f32 to vector<512x256xf32>
    %add3A_77 = arith.addf %mul3A_75, %add3A_76 : vector<512x256xf32>
    %select_n3A_78 = arith.select %ge3A_73, %add3A_77, %select_n3A_54 : vector<512x256xi1>, vector<512x256xf32>
    %get3A_79 = arith.constant 0 : index
    %get3A_80 = arith.constant 4 : index
    %get3A_81 = memref.load %arg2[%get3A_79, %get3A_80] : memref<4x8xf32, #tpu.memory_space<smem>>
    %abs3A_82 = math.absf %get3A_81 : f32
    %add3A_83 = arith.addf %add3A_59, %abs3A_82 : f32
    %get3A_84 = arith.constant 0 : index
    %get3A_85 = arith.constant 4 : index
    %get3A_86 = memref.load %arg3[%get3A_84, %get3A_85] : memref<4x8xf32, #tpu.memory_space<smem>>
    %abs3A_87 = math.absf %get3A_86 : f32
    %add3A_88 = arith.addf %add3A_64, %abs3A_87 : f32
    %sub3A_89 = arith.subf %add3A_88, %add3A_64 : f32
    %sub3A_90 = arith.subf %add3A_83, %add3A_59 : f32
    %div3A_91 = arith.divf %sub3A_89, %sub3A_90 : f32
    %mul3A_92 = arith.mulf %div3A_91, %add3A_59 : f32
    %sub3A_93 = arith.subf %add3A_64, %mul3A_92 : f32
    %add3A_94 = arith.constant -2.000000e+00 : f32
    %add3A_95 = arith.addf %add3A_94, %add3A_59 : f32
    %ge3A_96 = vector.broadcast %add3A_95 : f32 to vector<512x256xf32>
    %ge3A_97 = arith.cmpf oge, %get3A_4, %ge3A_96 : vector<512x256xf32>
    %mul3A_98 = vector.broadcast %div3A_91 : f32 to vector<512x256xf32>
    %mul3A_99 = arith.mulf %mul3A_98, %get3A_4 : vector<512x256xf32>
    %add3A_100 = vector.broadcast %sub3A_93 : f32 to vector<512x256xf32>
    %add3A_101 = arith.addf %mul3A_99, %add3A_100 : vector<512x256xf32>
    %select_n3A_102 = arith.select %ge3A_97, %add3A_101, %select_n3A_78 : vector<512x256xi1>, vector<512x256xf32>
    %get3A_103 = arith.constant 0 : index
    %get3A_104 = arith.constant 5 : index
    %get3A_105 = memref.load %arg2[%get3A_103, %get3A_104] : memref<4x8xf32, #tpu.memory_space<smem>>
    %abs3A_106 = math.absf %get3A_105 : f32
    %add3A_107 = arith.addf %add3A_83, %abs3A_106 : f32
    %get3A_108 = arith.constant 0 : index
    %get3A_109 = arith.constant 5 : index
    %get3A_110 = memref.load %arg3[%get3A_108, %get3A_109] : memref<4x8xf32, #tpu.memory_space<smem>>
    %abs3A_111 = math.absf %get3A_110 : f32
    %add3A_112 = arith.addf %add3A_88, %abs3A_111 : f32
    %sub3A_113 = arith.subf %add3A_112, %add3A_88 : f32
    %sub3A_114 = arith.subf %add3A_107, %add3A_83 : f32
    %div3A_115 = arith.divf %sub3A_113, %sub3A_114 : f32
    %mul3A_116 = arith.mulf %div3A_115, %add3A_83 : f32
    %sub3A_117 = arith.subf %add3A_88, %mul3A_116 : f32
    %add3A_118 = arith.constant -2.000000e+00 : f32
    %add3A_119 = arith.addf %add3A_118, %add3A_83 : f32
    %ge3A_120 = vector.broadcast %add3A_119 : f32 to vector<512x256xf32>
    %ge3A_121 = arith.cmpf oge, %get3A_4, %ge3A_120 : vector<512x256xf32>
    %mul3A_122 = vector.broadcast %div3A_115 : f32 to vector<512x256xf32>
    %mul3A_123 = arith.mulf %mul3A_122, %get3A_4 : vector<512x256xf32>
    %add3A_124 = vector.broadcast %sub3A_117 : f32 to vector<512x256xf32>
    %add3A_125 = arith.addf %mul3A_123, %add3A_124 : vector<512x256xf32>
    %select_n3A_126 = arith.select %ge3A_121, %add3A_125, %select_n3A_102 : vector<512x256xi1>, vector<512x256xf32>
    %get3A_127 = arith.constant 0 : index
    %get3A_128 = arith.constant 6 : index
    %get3A_129 = memref.load %arg2[%get3A_127, %get3A_128] : memref<4x8xf32, #tpu.memory_space<smem>>
    %abs3A_130 = math.absf %get3A_129 : f32
    %add3A_131 = arith.addf %add3A_107, %abs3A_130 : f32
    %get3A_132 = arith.constant 0 : index
    %get3A_133 = arith.constant 6 : index
    %get3A_134 = memref.load %arg3[%get3A_132, %get3A_133] : memref<4x8xf32, #tpu.memory_space<smem>>
    %abs3A_135 = math.absf %get3A_134 : f32
    %add3A_136 = arith.addf %add3A_112, %abs3A_135 : f32
    %sub3A_137 = arith.subf %add3A_136, %add3A_112 : f32
    %sub3A_138 = arith.subf %add3A_131, %add3A_107 : f32
    %div3A_139 = arith.divf %sub3A_137, %sub3A_138 : f32
    %mul3A_140 = arith.mulf %div3A_139, %add3A_107 : f32
    %sub3A_141 = arith.subf %add3A_112, %mul3A_140 : f32
    %add3A_142 = arith.constant -2.000000e+00 : f32
    %add3A_143 = arith.addf %add3A_142, %add3A_107 : f32
    %ge3A_144 = vector.broadcast %add3A_143 : f32 to vector<512x256xf32>
    %ge3A_145 = arith.cmpf oge, %get3A_4, %ge3A_144 : vector<512x256xf32>
    %mul3A_146 = vector.broadcast %div3A_139 : f32 to vector<512x256xf32>
    %mul3A_147 = arith.mulf %mul3A_146, %get3A_4 : vector<512x256xf32>
    %add3A_148 = vector.broadcast %sub3A_141 : f32 to vector<512x256xf32>
    %add3A_149 = arith.addf %mul3A_147, %add3A_148 : vector<512x256xf32>
    %select_n3A_150 = arith.select %ge3A_145, %add3A_149, %select_n3A_126 : vector<512x256xi1>, vector<512x256xf32>
    %get3A_151 = arith.constant 0 : index
    %get3A_152 = arith.constant 7 : index
    %get3A_153 = memref.load %arg2[%get3A_151, %get3A_152] : memref<4x8xf32, #tpu.memory_space<smem>>
    %abs3A_154 = math.absf %get3A_153 : f32
    %add3A_155 = arith.addf %add3A_131, %abs3A_154 : f32
    %get3A_156 = arith.constant 0 : index
    %get3A_157 = arith.constant 7 : index
    %get3A_158 = memref.load %arg3[%get3A_156, %get3A_157] : memref<4x8xf32, #tpu.memory_space<smem>>
    %abs3A_159 = math.absf %get3A_158 : f32
    %add3A_160 = arith.addf %add3A_136, %abs3A_159 : f32
    %sub3A_161 = arith.subf %add3A_160, %add3A_136 : f32
    %sub3A_162 = arith.subf %add3A_155, %add3A_131 : f32
    %div3A_163 = arith.divf %sub3A_161, %sub3A_162 : f32
    %mul3A_164 = arith.mulf %div3A_163, %add3A_131 : f32
    %sub3A_165 = arith.subf %add3A_136, %mul3A_164 : f32
    %add3A_166 = arith.constant -2.000000e+00 : f32
    %add3A_167 = arith.addf %add3A_166, %add3A_131 : f32
    %ge3A_168 = vector.broadcast %add3A_167 : f32 to vector<512x256xf32>
    %ge3A_169 = arith.cmpf oge, %get3A_4, %ge3A_168 : vector<512x256xf32>
    %mul3A_170 = vector.broadcast %div3A_163 : f32 to vector<512x256xf32>
    %mul3A_171 = arith.mulf %mul3A_170, %get3A_4 : vector<512x256xf32>
    %add3A_172 = vector.broadcast %sub3A_165 : f32 to vector<512x256xf32>
    %add3A_173 = arith.addf %mul3A_171, %add3A_172 : vector<512x256xf32>
    %select_n3A_174 = arith.select %ge3A_169, %add3A_173, %select_n3A_150 : vector<512x256xi1>, vector<512x256xf32>
    %add3A_175 = arith.constant -2.000000e+00 : f32
    %add3A_176 = arith.addf %add3A_175, %add3A_155 : f32
    %ge3A_177 = vector.broadcast %add3A_176 : f32 to vector<512x256xf32>
    %ge3A_178 = arith.cmpf oge, %get3A_4, %ge3A_177 : vector<512x256xf32>
    %add3A_179 = arith.constant 0.000000e+00 : f32
    %add3A_180 = arith.addf %add3A_160, %add3A_179 : f32
    %broadcast_in_dim3A_181 = vector.broadcast %add3A_180 : f32 to vector<512x256xf32>
    %select_n3A_182 = arith.select %ge3A_178, %broadcast_in_dim3A_181, %select_n3A_174 : vector<512x256xi1>, vector<512x256xf32>
    %swap3A = arith.constant 0 : index
    %swap3A_183 = arith.constant 0 : index
    %swap3A_184 = arith.constant 0 : index
    %swap3A_185 = arith.constant 0 : index
    %swap3A_186 = arith.constant 0 : index
    %swap3A_187 = vector.load %arg5[%swap3A, %swap3A_183, %swap3A_184, %swap3A_185, %swap3A_186] : memref<1x4x1x512x256xf32, #tpu.memory_space<vmem>>, vector<1x1x1x512x256xf32>
    %swap3A_188 = vector.shape_cast %swap3A_187 : vector<1x1x1x512x256xf32> to vector<512x256xf32>
    %swap3A_189 = vector.shape_cast %select_n3A_182 : vector<512x256xf32> to vector<1x1x1x512x256xf32>
    tpu.vector_store %arg5[%swap3A, %swap3A_183, %swap3A_184, %swap3A_185, %swap3A_186], %swap3A_189 {strides = array<i32>} : memref<1x4x1x512x256xf32, #tpu.memory_space<vmem>>, vector<1x1x1x512x256xf32>,
    %get3A_190 = arith.constant 1 : index
    %get3A_191 = arith.constant 0 : index
    %get3A_192 = memref.load %arg2[%get3A_190, %get3A_191] : memref<4x8xf32, #tpu.memory_space<smem>>
    %abs3A_193 = math.absf %get3A_192 : f32
    %get3A_194 = arith.constant 1 : index
    %get3A_195 = arith.constant 0 : index
    %get3A_196 = memref.load %arg3[%get3A_194, %get3A_195] : memref<4x8xf32, #tpu.memory_space<smem>>
    %abs3A_197 = math.absf %get3A_196 : f32
    %broadcast_in_dim3A_198 = arith.constant 0.000000e+00 : f32
    %broadcast_in_dim3A_199 = vector.broadcast %broadcast_in_dim3A_198 : f32 to vector<512x256xf32>
    %get3A_200 = arith.constant 1 : index
    %get3A_201 = arith.constant 1 : index
    %get3A_202 = memref.load %arg2[%get3A_200, %get3A_201] : memref<4x8xf32, #tpu.memory_space<smem>>
    %abs3A_203 = math.absf %get3A_202 : f32
    %add3A_204 = arith.addf %abs3A_193, %abs3A_203 : f32
    %get3A_205 = arith.constant 1 : index
    %get3A_206 = arith.constant 1 : index
    %get3A_207 = memref.load %arg3[%get3A_205, %get3A_206] : memref<4x8xf32, #tpu.memory_space<smem>>
    %abs3A_208 = math.absf %get3A_207 : f32
    %add3A_209 = arith.addf %abs3A_197, %abs3A_208 : f32
    %sub3A_210 = arith.subf %add3A_209, %abs3A_197 : f32
    %sub3A_211 = arith.subf %add3A_204, %abs3A_193 : f32
    %div3A_212 = arith.divf %sub3A_210, %sub3A_211 : f32
    %mul3A_213 = arith.mulf %div3A_212, %abs3A_193 : f32
    %sub3A_214 = arith.subf %abs3A_197, %mul3A_213 : f32
    %add3A_215 = arith.constant -2.000000e+00 : f32
    %add3A_216 = arith.addf %add3A_215, %abs3A_193 : f32
    %ge3A_217 = vector.broadcast %add3A_216 : f32 to vector<512x256xf32>
    %ge3A_218 = arith.cmpf oge, %get3A_4, %ge3A_217 : vector<512x256xf32>
    %mul3A_219 = vector.broadcast %div3A_212 : f32 to vector<512x256xf32>
    %mul3A_220 = arith.mulf %mul3A_219, %get3A_4 : vector<512x256xf32>
    %add3A_221 = vector.broadcast %sub3A_214 : f32 to vector<512x256xf32>
    %add3A_222 = arith.addf %mul3A_220, %add3A_221 : vector<512x256xf32>
    %select_n3A_223 = arith.select %ge3A_218, %add3A_222, %broadcast_in_dim3A_199 : vector<512x256xi1>, vector<512x256xf32>
    %get3A_224 = arith.constant 1 : index
    %get3A_225 = arith.constant 2 : index
    %get3A_226 = memref.load %arg2[%get3A_224, %get3A_225] : memref<4x8xf32, #tpu.memory_space<smem>>
    %abs3A_227 = math.absf %get3A_226 : f32
    %add3A_228 = arith.addf %add3A_204, %abs3A_227 : f32
    %get3A_229 = arith.constant 1 : index
    %get3A_230 = arith.constant 2 : index
    %get3A_231 = memref.load %arg3[%get3A_229, %get3A_230] : memref<4x8xf32, #tpu.memory_space<smem>>
    %abs3A_232 = math.absf %get3A_231 : f32
    %add3A_233 = arith.addf %add3A_209, %abs3A_232 : f32
    %sub3A_234 = arith.subf %add3A_233, %add3A_209 : f32
    %sub3A_235 = arith.subf %add3A_228, %add3A_204 : f32
    %div3A_236 = arith.divf %sub3A_234, %sub3A_235 : f32
    %mul3A_237 = arith.mulf %div3A_236, %add3A_204 : f32
    %sub3A_238 = arith.subf %add3A_209, %mul3A_237 : f32
    %add3A_239 = arith.constant -2.000000e+00 : f32
    %add3A_240 = arith.addf %add3A_239, %add3A_204 : f32
    %ge3A_241 = vector.broadcast %add3A_240 : f32 to vector<512x256xf32>
    %ge3A_242 = arith.cmpf oge, %get3A_4, %ge3A_241 : vector<512x256xf32>
    %mul3A_243 = vector.broadcast %div3A_236 : f32 to vector<512x256xf32>
    %mul3A_244 = arith.mulf %mul3A_243, %get3A_4 : vector<512x256xf32>
    %add3A_245 = vector.broadcast %sub3A_238 : f32 to vector<512x256xf32>
    %add3A_246 = arith.addf %mul3A_244, %add3A_245 : vector<512x256xf32>
    %select_n3A_247 = arith.select %ge3A_242, %add3A_246, %select_n3A_223 : vector<512x256xi1>, vector<512x256xf32>
    %get3A_248 = arith.constant 1 : index
    %get3A_249 = arith.constant 3 : index
    %get3A_250 = memref.load %arg2[%get3A_248, %get3A_249] : memref<4x8xf32, #tpu.memory_space<smem>>
    %abs3A_251 = math.absf %get3A_250 : f32
    %add3A_252 = arith.addf %add3A_228, %abs3A_251 : f32
    %get3A_253 = arith.constant 1 : index
    %get3A_254 = arith.constant 3 : index
    %get3A_255 = memref.load %arg3[%get3A_253, %get3A_254] : memref<4x8xf32, #tpu.memory_space<smem>>
    %abs3A_256 = math.absf %get3A_255 : f32
    %add3A_257 = arith.addf %add3A_233, %abs3A_256 : f32
    %sub3A_258 = arith.subf %add3A_257, %add3A_233 : f32
    %sub3A_259 = arith.subf %add3A_252, %add3A_228 : f32
    %div3A_260 = arith.divf %sub3A_258, %sub3A_259 : f32
    %mul3A_261 = arith.mulf %div3A_260, %add3A_228 : f32
    %sub3A_262 = arith.subf %add3A_233, %mul3A_261 : f32
    %add3A_263 = arith.constant -2.000000e+00 : f32
    %add3A_264 = arith.addf %add3A_263, %add3A_228 : f32
    %ge3A_265 = vector.broadcast %add3A_264 : f32 to vector<512x256xf32>
    %ge3A_266 = arith.cmpf oge, %get3A_4, %ge3A_265 : vector<512x256xf32>
    %mul3A_267 = vector.broadcast %div3A_260 : f32 to vector<512x256xf32>
    %mul3A_268 = arith.mulf %mul3A_267, %get3A_4 : vector<512x256xf32>
    %add3A_269 = vector.broadcast %sub3A_262 : f32 to vector<512x256xf32>
    %add3A_270 = arith.addf %mul3A_268, %add3A_269 : vector<512x256xf32>
    %select_n3A_271 = arith.select %ge3A_266, %add3A_270, %select_n3A_247 : vector<512x256xi1>, vector<512x256xf32>
    %get3A_272 = arith.constant 1 : index
    %get3A_273 = arith.constant 4 : index
    %get3A_274 = memref.load %arg2[%get3A_272, %get3A_273] : memref<4x8xf32, #tpu.memory_space<smem>>
    %abs3A_275 = math.absf %get3A_274 : f32
    %add3A_276 = arith.addf %add3A_252, %abs3A_275 : f32
    %get3A_277 = arith.constant 1 : index
    %get3A_278 = arith.constant 4 : index
    %get3A_279 = memref.load %arg3[%get3A_277, %get3A_278] : memref<4x8xf32, #tpu.memory_space<smem>>
    %abs3A_280 = math.absf %get3A_279 : f32
    %add3A_281 = arith.addf %add3A_257, %abs3A_280 : f32
    %sub3A_282 = arith.subf %add3A_281, %add3A_257 : f32
    %sub3A_283 = arith.subf %add3A_276, %add3A_252 : f32
    %div3A_284 = arith.divf %sub3A_282, %sub3A_283 : f32
    %mul3A_285 = arith.mulf %div3A_284, %add3A_252 : f32
    %sub3A_286 = arith.subf %add3A_257, %mul3A_285 : f32
    %add3A_287 = arith.constant -2.000000e+00 : f32
    %add3A_288 = arith.addf %add3A_287, %add3A_252 : f32
    %ge3A_289 = vector.broadcast %add3A_288 : f32 to vector<512x256xf32>
    %ge3A_290 = arith.cmpf oge, %get3A_4, %ge3A_289 : vector<512x256xf32>
    %mul3A_291 = vector.broadcast %div3A_284 : f32 to vector<512x256xf32>
    %mul3A_292 = arith.mulf %mul3A_291, %get3A_4 : vector<512x256xf32>
    %add3A_293 = vector.broadcast %sub3A_286 : f32 to vector<512x256xf32>
    %add3A_294 = arith.addf %mul3A_292, %add3A_293 : vector<512x256xf32>
    %select_n3A_295 = arith.select %ge3A_290, %add3A_294, %select_n3A_271 : vector<512x256xi1>, vector<512x256xf32>
    %get3A_296 = arith.constant 1 : index
    %get3A_297 = arith.constant 5 : index
    %get3A_298 = memref.load %arg2[%get3A_296, %get3A_297] : memref<4x8xf32, #tpu.memory_space<smem>>
    %abs3A_299 = math.absf %get3A_298 : f32
    %add3A_300 = arith.addf %add3A_276, %abs3A_299 : f32
    %get3A_301 = arith.constant 1 : index
    %get3A_302 = arith.constant 5 : index
    %get3A_303 = memref.load %arg3[%get3A_301, %get3A_302] : memref<4x8xf32, #tpu.memory_space<smem>>
    %abs3A_304 = math.absf %get3A_303 : f32
    %add3A_305 = arith.addf %add3A_281, %abs3A_304 : f32
    %sub3A_306 = arith.subf %add3A_305, %add3A_281 : f32
    %sub3A_307 = arith.subf %add3A_300, %add3A_276 : f32
    %div3A_308 = arith.divf %sub3A_306, %sub3A_307 : f32
    %mul3A_309 = arith.mulf %div3A_308, %add3A_276 : f32
    %sub3A_310 = arith.subf %add3A_281, %mul3A_309 : f32
    %add3A_311 = arith.constant -2.000000e+00 : f32
    %add3A_312 = arith.addf %add3A_311, %add3A_276 : f32
    %ge3A_313 = vector.broadcast %add3A_312 : f32 to vector<512x256xf32>
    %ge3A_314 = arith.cmpf oge, %get3A_4, %ge3A_313 : vector<512x256xf32>
    %mul3A_315 = vector.broadcast %div3A_308 : f32 to vector<512x256xf32>
    %mul3A_316 = arith.mulf %mul3A_315, %get3A_4 : vector<512x256xf32>
    %add3A_317 = vector.broadcast %sub3A_310 : f32 to vector<512x256xf32>
    %add3A_318 = arith.addf %mul3A_316, %add3A_317 : vector<512x256xf32>
    %select_n3A_319 = arith.select %ge3A_314, %add3A_318, %select_n3A_295 : vector<512x256xi1>, vector<512x256xf32>
    %get3A_320 = arith.constant 1 : index
    %get3A_321 = arith.constant 6 : index
    %get3A_322 = memref.load %arg2[%get3A_320, %get3A_321] : memref<4x8xf32, #tpu.memory_space<smem>>
    %abs3A_323 = math.absf %get3A_322 : f32
    %add3A_324 = arith.addf %add3A_300, %abs3A_323 : f32
    %get3A_325 = arith.constant 1 : index
    %get3A_326 = arith.constant 6 : index
    %get3A_327 = memref.load %arg3[%get3A_325, %get3A_326] : memref<4x8xf32, #tpu.memory_space<smem>>
    %abs3A_328 = math.absf %get3A_327 : f32
    %add3A_329 = arith.addf %add3A_305, %abs3A_328 : f32
    %sub3A_330 = arith.subf %add3A_329, %add3A_305 : f32
    %sub3A_331 = arith.subf %add3A_324, %add3A_300 : f32
    %div3A_332 = arith.divf %sub3A_330, %sub3A_331 : f32
    %mul3A_333 = arith.mulf %div3A_332, %add3A_300 : f32
    %sub3A_334 = arith.subf %add3A_305, %mul3A_333 : f32
    %add3A_335 = arith.constant -2.000000e+00 : f32
    %add3A_336 = arith.addf %add3A_335, %add3A_300 : f32
    %ge3A_337 = vector.broadcast %add3A_336 : f32 to vector<512x256xf32>
    %ge3A_338 = arith.cmpf oge, %get3A_4, %ge3A_337 : vector<512x256xf32>
    %mul3A_339 = vector.broadcast %div3A_332 : f32 to vector<512x256xf32>
    %mul3A_340 = arith.mulf %mul3A_339, %get3A_4 : vector<512x256xf32>
    %add3A_341 = vector.broadcast %sub3A_334 : f32 to vector<512x256xf32>
    %add3A_342 = arith.addf %mul3A_340, %add3A_341 : vector<512x256xf32>
    %select_n3A_343 = arith.select %ge3A_338, %add3A_342, %select_n3A_319 : vector<512x256xi1>, vector<512x256xf32>
    %get3A_344 = arith.constant 1 : index
    %get3A_345 = arith.constant 7 : index
    %get3A_346 = memref.load %arg2[%get3A_344, %get3A_345] : memref<4x8xf32, #tpu.memory_space<smem>>
    %abs3A_347 = math.absf %get3A_346 : f32
    %add3A_348 = arith.addf %add3A_324, %abs3A_347 : f32
    %get3A_349 = arith.constant 1 : index
    %get3A_350 = arith.constant 7 : index
    %get3A_351 = memref.load %arg3[%get3A_349, %get3A_350] : memref<4x8xf32, #tpu.memory_space<smem>>
    %abs3A_352 = math.absf %get3A_351 : f32
    %add3A_353 = arith.addf %add3A_329, %abs3A_352 : f32
    %sub3A_354 = arith.subf %add3A_353, %add3A_329 : f32
    %sub3A_355 = arith.subf %add3A_348, %add3A_324 : f32
    %div3A_356 = arith.divf %sub3A_354, %sub3A_355 : f32
    %mul3A_357 = arith.mulf %div3A_356, %add3A_324 : f32
    %sub3A_358 = arith.subf %add3A_329, %mul3A_357 : f32
    %add3A_359 = arith.constant -2.000000e+00 : f32
    %add3A_360 = arith.addf %add3A_359, %add3A_324 : f32
    %ge3A_361 = vector.broadcast %add3A_360 : f32 to vector<512x256xf32>
    %ge3A_362 = arith.cmpf oge, %get3A_4, %ge3A_361 : vector<512x256xf32>
    %mul3A_363 = vector.broadcast %div3A_356 : f32 to vector<512x256xf32>
    %mul3A_364 = arith.mulf %mul3A_363, %get3A_4 : vector<512x256xf32>
    %add3A_365 = vector.broadcast %sub3A_358 : f32 to vector<512x256xf32>
    %add3A_366 = arith.addf %mul3A_364, %add3A_365 : vector<512x256xf32>
    %select_n3A_367 = arith.select %ge3A_362, %add3A_366, %select_n3A_343 : vector<512x256xi1>, vector<512x256xf32>
    %add3A_368 = arith.constant -2.000000e+00 : f32
    %add3A_369 = arith.addf %add3A_368, %add3A_348 : f32
    %ge3A_370 = vector.broadcast %add3A_369 : f32 to vector<512x256xf32>
    %ge3A_371 = arith.cmpf oge, %get3A_4, %ge3A_370 : vector<512x256xf32>
    %add3A_372 = arith.constant 0.000000e+00 : f32
    %add3A_373 = arith.addf %add3A_353, %add3A_372 : f32
    %broadcast_in_dim3A_374 = vector.broadcast %add3A_373 : f32 to vector<512x256xf32>
    %select_n3A_375 = arith.select %ge3A_371, %broadcast_in_dim3A_374, %select_n3A_367 : vector<512x256xi1>, vector<512x256xf32>
    %swap3A_376 = arith.constant 0 : index
    %swap3A_377 = arith.constant 1 : index
    %swap3A_378 = arith.constant 0 : index
    %swap3A_379 = arith.constant 0 : index
    %swap3A_380 = arith.constant 0 : index
    %swap3A_381 = vector.load %arg5[%swap3A_376, %swap3A_377, %swap3A_378, %swap3A_379, %swap3A_380] : memref<1x4x1x512x256xf32, #tpu.memory_space<vmem>>, vector<1x1x1x512x256xf32>
    %swap3A_382 = vector.shape_cast %swap3A_381 : vector<1x1x1x512x256xf32> to vector<512x256xf32>
    %swap3A_383 = vector.shape_cast %select_n3A_375 : vector<512x256xf32> to vector<1x1x1x512x256xf32>
    tpu.vector_store %arg5[%swap3A_376, %swap3A_377, %swap3A_378, %swap3A_379, %swap3A_380], %swap3A_383 {strides = array<i32>} : memref<1x4x1x512x256xf32, #tpu.memory_space<vmem>>, vector<1x1x1x512x256xf32>,
    %get3A_384 = arith.constant 2 : index
    %get3A_385 = arith.constant 0 : index
    %get3A_386 = memref.load %arg2[%get3A_384, %get3A_385] : memref<4x8xf32, #tpu.memory_space<smem>>
    %abs3A_387 = math.absf %get3A_386 : f32
    %get3A_388 = arith.constant 2 : index
    %get3A_389 = arith.constant 0 : index
    %get3A_390 = memref.load %arg3[%get3A_388, %get3A_389] : memref<4x8xf32, #tpu.memory_space<smem>>
    %abs3A_391 = math.absf %get3A_390 : f32
    %broadcast_in_dim3A_392 = arith.constant 0.000000e+00 : f32
    %broadcast_in_dim3A_393 = vector.broadcast %broadcast_in_dim3A_392 : f32 to vector<512x256xf32>
    %get3A_394 = arith.constant 2 : index
    %get3A_395 = arith.constant 1 : index
    %get3A_396 = memref.load %arg2[%get3A_394, %get3A_395] : memref<4x8xf32, #tpu.memory_space<smem>>
    %abs3A_397 = math.absf %get3A_396 : f32
    %add3A_398 = arith.addf %abs3A_387, %abs3A_397 : f32
    %get3A_399 = arith.constant 2 : index
    %get3A_400 = arith.constant 1 : index
    %get3A_401 = memref.load %arg3[%get3A_399, %get3A_400] : memref<4x8xf32, #tpu.memory_space<smem>>
    %abs3A_402 = math.absf %get3A_401 : f32
    %add3A_403 = arith.addf %abs3A_391, %abs3A_402 : f32
    %sub3A_404 = arith.subf %add3A_403, %abs3A_391 : f32
    %sub3A_405 = arith.subf %add3A_398, %abs3A_387 : f32
    %div3A_406 = arith.divf %sub3A_404, %sub3A_405 : f32
    %mul3A_407 = arith.mulf %div3A_406, %abs3A_387 : f32
    %sub3A_408 = arith.subf %abs3A_391, %mul3A_407 : f32
    %add3A_409 = arith.constant -2.000000e+00 : f32
    %add3A_410 = arith.addf %add3A_409, %abs3A_387 : f32
    %ge3A_411 = vector.broadcast %add3A_410 : f32 to vector<512x256xf32>
    %ge3A_412 = arith.cmpf oge, %get3A_4, %ge3A_411 : vector<512x256xf32>
    %mul3A_413 = vector.broadcast %div3A_406 : f32 to vector<512x256xf32>
    %mul3A_414 = arith.mulf %mul3A_413, %get3A_4 : vector<512x256xf32>
    %add3A_415 = vector.broadcast %sub3A_408 : f32 to vector<512x256xf32>
    %add3A_416 = arith.addf %mul3A_414, %add3A_415 : vector<512x256xf32>
    %select_n3A_417 = arith.select %ge3A_412, %add3A_416, %broadcast_in_dim3A_393 : vector<512x256xi1>, vector<512x256xf32>
    %get3A_418 = arith.constant 2 : index
    %get3A_419 = arith.constant 2 : index
    %get3A_420 = memref.load %arg2[%get3A_418, %get3A_419] : memref<4x8xf32, #tpu.memory_space<smem>>
    %abs3A_421 = math.absf %get3A_420 : f32
    %add3A_422 = arith.addf %add3A_398, %abs3A_421 : f32
    %get3A_423 = arith.constant 2 : index
    %get3A_424 = arith.constant 2 : index
    %get3A_425 = memref.load %arg3[%get3A_423, %get3A_424] : memref<4x8xf32, #tpu.memory_space<smem>>
    %abs3A_426 = math.absf %get3A_425 : f32
    %add3A_427 = arith.addf %add3A_403, %abs3A_426 : f32
    %sub3A_428 = arith.subf %add3A_427, %add3A_403 : f32
    %sub3A_429 = arith.subf %add3A_422, %add3A_398 : f32
    %div3A_430 = arith.divf %sub3A_428, %sub3A_429 : f32
    %mul3A_431 = arith.mulf %div3A_430, %add3A_398 : f32
    %sub3A_432 = arith.subf %add3A_403, %mul3A_431 : f32
    %add3A_433 = arith.constant -2.000000e+00 : f32
    %add3A_434 = arith.addf %add3A_433, %add3A_398 : f32
    %ge3A_435 = vector.broadcast %add3A_434 : f32 to vector<512x256xf32>
    %ge3A_436 = arith.cmpf oge, %get3A_4, %ge3A_435 : vector<512x256xf32>
    %mul3A_437 = vector.broadcast %div3A_430 : f32 to vector<512x256xf32>
    %mul3A_438 = arith.mulf %mul3A_437, %get3A_4 : vector<512x256xf32>
    %add3A_439 = vector.broadcast %sub3A_432 : f32 to vector<512x256xf32>
    %add3A_440 = arith.addf %mul3A_438, %add3A_439 : vector<512x256xf32>
    %select_n3A_441 = arith.select %ge3A_436, %add3A_440, %select_n3A_417 : vector<512x256xi1>, vector<512x256xf32>
    %get3A_442 = arith.constant 2 : index
    %get3A_443 = arith.constant 3 : index
    %get3A_444 = memref.load %arg2[%get3A_442, %get3A_443] : memref<4x8xf32, #tpu.memory_space<smem>>
    %abs3A_445 = math.absf %get3A_444 : f32
    %add3A_446 = arith.addf %add3A_422, %abs3A_445 : f32
    %get3A_447 = arith.constant 2 : index
    %get3A_448 = arith.constant 3 : index
    %get3A_449 = memref.load %arg3[%get3A_447, %get3A_448] : memref<4x8xf32, #tpu.memory_space<smem>>
    %abs3A_450 = math.absf %get3A_449 : f32
    %add3A_451 = arith.addf %add3A_427, %abs3A_450 : f32
    %sub3A_452 = arith.subf %add3A_451, %add3A_427 : f32
    %sub3A_453 = arith.subf %add3A_446, %add3A_422 : f32
    %div3A_454 = arith.divf %sub3A_452, %sub3A_453 : f32
    %mul3A_455 = arith.mulf %div3A_454, %add3A_422 : f32
    %sub3A_456 = arith.subf %add3A_427, %mul3A_455 : f32
    %add3A_457 = arith.constant -2.000000e+00 : f32
    %add3A_458 = arith.addf %add3A_457, %add3A_422 : f32
    %ge3A_459 = vector.broadcast %add3A_458 : f32 to vector<512x256xf32>
    %ge3A_460 = arith.cmpf oge, %get3A_4, %ge3A_459 : vector<512x256xf32>
    %mul3A_461 = vector.broadcast %div3A_454 : f32 to vector<512x256xf32>
    %mul3A_462 = arith.mulf %mul3A_461, %get3A_4 : vector<512x256xf32>
    %add3A_463 = vector.broadcast %sub3A_456 : f32 to vector<512x256xf32>
    %add3A_464 = arith.addf %mul3A_462, %add3A_463 : vector<512x256xf32>
    %select_n3A_465 = arith.select %ge3A_460, %add3A_464, %select_n3A_441 : vector<512x256xi1>, vector<512x256xf32>
    %get3A_466 = arith.constant 2 : index
    %get3A_467 = arith.constant 4 : index
    %get3A_468 = memref.load %arg2[%get3A_466, %get3A_467] : memref<4x8xf32, #tpu.memory_space<smem>>
    %abs3A_469 = math.absf %get3A_468 : f32
    %add3A_470 = arith.addf %add3A_446, %abs3A_469 : f32
    %get3A_471 = arith.constant 2 : index
    %get3A_472 = arith.constant 4 : index
    %get3A_473 = memref.load %arg3[%get3A_471, %get3A_472] : memref<4x8xf32, #tpu.memory_space<smem>>
    %abs3A_474 = math.absf %get3A_473 : f32
    %add3A_475 = arith.addf %add3A_451, %abs3A_474 : f32
    %sub3A_476 = arith.subf %add3A_475, %add3A_451 : f32
    %sub3A_477 = arith.subf %add3A_470, %add3A_446 : f32
    %div3A_478 = arith.divf %sub3A_476, %sub3A_477 : f32
    %mul3A_479 = arith.mulf %div3A_478, %add3A_446 : f32
    %sub3A_480 = arith.subf %add3A_451, %mul3A_479 : f32
    %add3A_481 = arith.constant -2.000000e+00 : f32
    %add3A_482 = arith.addf %add3A_481, %add3A_446 : f32
    %ge3A_483 = vector.broadcast %add3A_482 : f32 to vector<512x256xf32>
    %ge3A_484 = arith.cmpf oge, %get3A_4, %ge3A_483 : vector<512x256xf32>
    %mul3A_485 = vector.broadcast %div3A_478 : f32 to vector<512x256xf32>
    %mul3A_486 = arith.mulf %mul3A_485, %get3A_4 : vector<512x256xf32>
    %add3A_487 = vector.broadcast %sub3A_480 : f32 to vector<512x256xf32>
    %add3A_488 = arith.addf %mul3A_486, %add3A_487 : vector<512x256xf32>
    %select_n3A_489 = arith.select %ge3A_484, %add3A_488, %select_n3A_465 : vector<512x256xi1>, vector<512x256xf32>
    %get3A_490 = arith.constant 2 : index
    %get3A_491 = arith.constant 5 : index
    %get3A_492 = memref.load %arg2[%get3A_490, %get3A_491] : memref<4x8xf32, #tpu.memory_space<smem>>
    %abs3A_493 = math.absf %get3A_492 : f32
    %add3A_494 = arith.addf %add3A_470, %abs3A_493 : f32
    %get3A_495 = arith.constant 2 : index
    %get3A_496 = arith.constant 5 : index
    %get3A_497 = memref.load %arg3[%get3A_495, %get3A_496] : memref<4x8xf32, #tpu.memory_space<smem>>
    %abs3A_498 = math.absf %get3A_497 : f32
    %add3A_499 = arith.addf %add3A_475, %abs3A_498 : f32
    %sub3A_500 = arith.subf %add3A_499, %add3A_475 : f32
    %sub3A_501 = arith.subf %add3A_494, %add3A_470 : f32
    %div3A_502 = arith.divf %sub3A_500, %sub3A_501 : f32
    %mul3A_503 = arith.mulf %div3A_502, %add3A_470 : f32
    %sub3A_504 = arith.subf %add3A_475, %mul3A_503 : f32
    %add3A_505 = arith.constant -2.000000e+00 : f32
    %add3A_506 = arith.addf %add3A_505, %add3A_470 : f32
    %ge3A_507 = vector.broadcast %add3A_506 : f32 to vector<512x256xf32>
    %ge3A_508 = arith.cmpf oge, %get3A_4, %ge3A_507 : vector<512x256xf32>
    %mul3A_509 = vector.broadcast %div3A_502 : f32 to vector<512x256xf32>
    %mul3A_510 = arith.mulf %mul3A_509, %get3A_4 : vector<512x256xf32>
    %add3A_511 = vector.broadcast %sub3A_504 : f32 to vector<512x256xf32>
    %add3A_512 = arith.addf %mul3A_510, %add3A_511 : vector<512x256xf32>
    %select_n3A_513 = arith.select %ge3A_508, %add3A_512, %select_n3A_489 : vector<512x256xi1>, vector<512x256xf32>
    %get3A_514 = arith.constant 2 : index
    %get3A_515 = arith.constant 6 : index
    %get3A_516 = memref.load %arg2[%get3A_514, %get3A_515] : memref<4x8xf32, #tpu.memory_space<smem>>
    %abs3A_517 = math.absf %get3A_516 : f32
    %add3A_518 = arith.addf %add3A_494, %abs3A_517 : f32
    %get3A_519 = arith.constant 2 : index
    %get3A_520 = arith.constant 6 : index
    %get3A_521 = memref.load %arg3[%get3A_519, %get3A_520] : memref<4x8xf32, #tpu.memory_space<smem>>
    %abs3A_522 = math.absf %get3A_521 : f32
    %add3A_523 = arith.addf %add3A_499, %abs3A_522 : f32
    %sub3A_524 = arith.subf %add3A_523, %add3A_499 : f32
    %sub3A_525 = arith.subf %add3A_518, %add3A_494 : f32
    %div3A_526 = arith.divf %sub3A_524, %sub3A_525 : f32
    %mul3A_527 = arith.mulf %div3A_526, %add3A_494 : f32
    %sub3A_528 = arith.subf %add3A_499, %mul3A_527 : f32
    %add3A_529 = arith.constant -2.000000e+00 : f32
    %add3A_530 = arith.addf %add3A_529, %add3A_494 : f32
    %ge3A_531 = vector.broadcast %add3A_530 : f32 to vector<512x256xf32>
    %ge3A_532 = arith.cmpf oge, %get3A_4, %ge3A_531 : vector<512x256xf32>
    %mul3A_533 = vector.broadcast %div3A_526 : f32 to vector<512x256xf32>
    %mul3A_534 = arith.mulf %mul3A_533, %get3A_4 : vector<512x256xf32>
    %add3A_535 = vector.broadcast %sub3A_528 : f32 to vector<512x256xf32>
    %add3A_536 = arith.addf %mul3A_534, %add3A_535 : vector<512x256xf32>
    %select_n3A_537 = arith.select %ge3A_532, %add3A_536, %select_n3A_513 : vector<512x256xi1>, vector<512x256xf32>
    %get3A_538 = arith.constant 2 : index
    %get3A_539 = arith.constant 7 : index
    %get3A_540 = memref.load %arg2[%get3A_538, %get3A_539] : memref<4x8xf32, #tpu.memory_space<smem>>
    %abs3A_541 = math.absf %get3A_540 : f32
    %add3A_542 = arith.addf %add3A_518, %abs3A_541 : f32
    %get3A_543 = arith.constant 2 : index
    %get3A_544 = arith.constant 7 : index
    %get3A_545 = memref.load %arg3[%get3A_543, %get3A_544] : memref<4x8xf32, #tpu.memory_space<smem>>
    %abs3A_546 = math.absf %get3A_545 : f32
    %add3A_547 = arith.addf %add3A_523, %abs3A_546 : f32
    %sub3A_548 = arith.subf %add3A_547, %add3A_523 : f32
    %sub3A_549 = arith.subf %add3A_542, %add3A_518 : f32
    %div3A_550 = arith.divf %sub3A_548, %sub3A_549 : f32
    %mul3A_551 = arith.mulf %div3A_550, %add3A_518 : f32
    %sub3A_552 = arith.subf %add3A_523, %mul3A_551 : f32
    %add3A_553 = arith.constant -2.000000e+00 : f32
    %add3A_554 = arith.addf %add3A_553, %add3A_518 : f32
    %ge3A_555 = vector.broadcast %add3A_554 : f32 to vector<512x256xf32>
    %ge3A_556 = arith.cmpf oge, %get3A_4, %ge3A_555 : vector<512x256xf32>
    %mul3A_557 = vector.broadcast %div3A_550 : f32 to vector<512x256xf32>
    %mul3A_558 = arith.mulf %mul3A_557, %get3A_4 : vector<512x256xf32>
    %add3A_559 = vector.broadcast %sub3A_552 : f32 to vector<512x256xf32>
    %add3A_560 = arith.addf %mul3A_558, %add3A_559 : vector<512x256xf32>
    %select_n3A_561 = arith.select %ge3A_556, %add3A_560, %select_n3A_537 : vector<512x256xi1>, vector<512x256xf32>
    %add3A_562 = arith.constant -2.000000e+00 : f32
    %add3A_563 = arith.addf %add3A_562, %add3A_542 : f32
    %ge3A_564 = vector.broadcast %add3A_563 : f32 to vector<512x256xf32>
    %ge3A_565 = arith.cmpf oge, %get3A_4, %ge3A_564 : vector<512x256xf32>
    %add3A_566 = arith.constant 0.000000e+00 : f32
    %add3A_567 = arith.addf %add3A_547, %add3A_566 : f32
    %broadcast_in_dim3A_568 = vector.broadcast %add3A_567 : f32 to vector<512x256xf32>
    %select_n3A_569 = arith.select %ge3A_565, %broadcast_in_dim3A_568, %select_n3A_561 : vector<512x256xi1>, vector<512x256xf32>
    %swap3A_570 = arith.constant 0 : index
    %swap3A_571 = arith.constant 2 : index
    %swap3A_572 = arith.constant 0 : index
    %swap3A_573 = arith.constant 0 : index
    %swap3A_574 = arith.constant 0 : index
    %swap3A_575 = vector.load %arg5[%swap3A_570, %swap3A_571, %swap3A_572, %swap3A_573, %swap3A_574] : memref<1x4x1x512x256xf32, #tpu.memory_space<vmem>>, vector<1x1x1x512x256xf32>
    %swap3A_576 = vector.shape_cast %swap3A_575 : vector<1x1x1x512x256xf32> to vector<512x256xf32>
    %swap3A_577 = vector.shape_cast %select_n3A_569 : vector<512x256xf32> to vector<1x1x1x512x256xf32>
    tpu.vector_store %arg5[%swap3A_570, %swap3A_571, %swap3A_572, %swap3A_573, %swap3A_574], %swap3A_577 {strides = array<i32>} : memref<1x4x1x512x256xf32, #tpu.memory_space<vmem>>, vector<1x1x1x512x256xf32>,
    %get3A_578 = arith.constant 3 : index
    %get3A_579 = arith.constant 0 : index
    %get3A_580 = memref.load %arg2[%get3A_578, %get3A_579] : memref<4x8xf32, #tpu.memory_space<smem>>
    %abs3A_581 = math.absf %get3A_580 : f32
    %get3A_582 = arith.constant 3 : index
    %get3A_583 = arith.constant 0 : index
    %get3A_584 = memref.load %arg3[%get3A_582, %get3A_583] : memref<4x8xf32, #tpu.memory_space<smem>>
    %abs3A_585 = math.absf %get3A_584 : f32
    %broadcast_in_dim3A_586 = arith.constant 0.000000e+00 : f32
    %broadcast_in_dim3A_587 = vector.broadcast %broadcast_in_dim3A_586 : f32 to vector<512x256xf32>
    %get3A_588 = arith.constant 3 : index
    %get3A_589 = arith.constant 1 : index
    %get3A_590 = memref.load %arg2[%get3A_588, %get3A_589] : memref<4x8xf32, #tpu.memory_space<smem>>
    %abs3A_591 = math.absf %get3A_590 : f32
    %add3A_592 = arith.addf %abs3A_581, %abs3A_591 : f32
    %get3A_593 = arith.constant 3 : index
    %get3A_594 = arith.constant 1 : index
    %get3A_595 = memref.load %arg3[%get3A_593, %get3A_594] : memref<4x8xf32, #tpu.memory_space<smem>>
    %abs3A_596 = math.absf %get3A_595 : f32
    %add3A_597 = arith.addf %abs3A_585, %abs3A_596 : f32
    %sub3A_598 = arith.subf %add3A_597, %abs3A_585 : f32
    %sub3A_599 = arith.subf %add3A_592, %abs3A_581 : f32
    %div3A_600 = arith.divf %sub3A_598, %sub3A_599 : f32
    %mul3A_601 = arith.mulf %div3A_600, %abs3A_581 : f32
    %sub3A_602 = arith.subf %abs3A_585, %mul3A_601 : f32
    %add3A_603 = arith.constant -2.000000e+00 : f32
    %add3A_604 = arith.addf %add3A_603, %abs3A_581 : f32
    %ge3A_605 = vector.broadcast %add3A_604 : f32 to vector<512x256xf32>
    %ge3A_606 = arith.cmpf oge, %get3A_4, %ge3A_605 : vector<512x256xf32>
    %mul3A_607 = vector.broadcast %div3A_600 : f32 to vector<512x256xf32>
    %mul3A_608 = arith.mulf %mul3A_607, %get3A_4 : vector<512x256xf32>
    %add3A_609 = vector.broadcast %sub3A_602 : f32 to vector<512x256xf32>
    %add3A_610 = arith.addf %mul3A_608, %add3A_609 : vector<512x256xf32>
    %select_n3A_611 = arith.select %ge3A_606, %add3A_610, %broadcast_in_dim3A_587 : vector<512x256xi1>, vector<512x256xf32>
    %get3A_612 = arith.constant 3 : index
    %get3A_613 = arith.constant 2 : index
    %get3A_614 = memref.load %arg2[%get3A_612, %get3A_613] : memref<4x8xf32, #tpu.memory_space<smem>>
    %abs3A_615 = math.absf %get3A_614 : f32
    %add3A_616 = arith.addf %add3A_592, %abs3A_615 : f32
    %get3A_617 = arith.constant 3 : index
    %get3A_618 = arith.constant 2 : index
    %get3A_619 = memref.load %arg3[%get3A_617, %get3A_618] : memref<4x8xf32, #tpu.memory_space<smem>>
    %abs3A_620 = math.absf %get3A_619 : f32
    %add3A_621 = arith.addf %add3A_597, %abs3A_620 : f32
    %sub3A_622 = arith.subf %add3A_621, %add3A_597 : f32
    %sub3A_623 = arith.subf %add3A_616, %add3A_592 : f32
    %div3A_624 = arith.divf %sub3A_622, %sub3A_623 : f32
    %mul3A_625 = arith.mulf %div3A_624, %add3A_592 : f32
    %sub3A_626 = arith.subf %add3A_597, %mul3A_625 : f32
    %add3A_627 = arith.constant -2.000000e+00 : f32
    %add3A_628 = arith.addf %add3A_627, %add3A_592 : f32
    %ge3A_629 = vector.broadcast %add3A_628 : f32 to vector<512x256xf32>
    %ge3A_630 = arith.cmpf oge, %get3A_4, %ge3A_629 : vector<512x256xf32>
    %mul3A_631 = vector.broadcast %div3A_624 : f32 to vector<512x256xf32>
    %mul3A_632 = arith.mulf %mul3A_631, %get3A_4 : vector<512x256xf32>
    %add3A_633 = vector.broadcast %sub3A_626 : f32 to vector<512x256xf32>
    %add3A_634 = arith.addf %mul3A_632, %add3A_633 : vector<512x256xf32>
    %select_n3A_635 = arith.select %ge3A_630, %add3A_634, %select_n3A_611 : vector<512x256xi1>, vector<512x256xf32>
    %get3A_636 = arith.constant 3 : index
    %get3A_637 = arith.constant 3 : index
    %get3A_638 = memref.load %arg2[%get3A_636, %get3A_637] : memref<4x8xf32, #tpu.memory_space<smem>>
    %abs3A_639 = math.absf %get3A_638 : f32
    %add3A_640 = arith.addf %add3A_616, %abs3A_639 : f32
    %get3A_641 = arith.constant 3 : index
    %get3A_642 = arith.constant 3 : index
    %get3A_643 = memref.load %arg3[%get3A_641, %get3A_642] : memref<4x8xf32, #tpu.memory_space<smem>>
    %abs3A_644 = math.absf %get3A_643 : f32
    %add3A_645 = arith.addf %add3A_621, %abs3A_644 : f32
    %sub3A_646 = arith.subf %add3A_645, %add3A_621 : f32
    %sub3A_647 = arith.subf %add3A_640, %add3A_616 : f32
    %div3A_648 = arith.divf %sub3A_646, %sub3A_647 : f32
    %mul3A_649 = arith.mulf %div3A_648, %add3A_616 : f32
    %sub3A_650 = arith.subf %add3A_621, %mul3A_649 : f32
    %add3A_651 = arith.constant -2.000000e+00 : f32
    %add3A_652 = arith.addf %add3A_651, %add3A_616 : f32
    %ge3A_653 = vector.broadcast %add3A_652 : f32 to vector<512x256xf32>
    %ge3A_654 = arith.cmpf oge, %get3A_4, %ge3A_653 : vector<512x256xf32>
    %mul3A_655 = vector.broadcast %div3A_648 : f32 to vector<512x256xf32>
    %mul3A_656 = arith.mulf %mul3A_655, %get3A_4 : vector<512x256xf32>
    %add3A_657 = vector.broadcast %sub3A_650 : f32 to vector<512x256xf32>
    %add3A_658 = arith.addf %mul3A_656, %add3A_657 : vector<512x256xf32>
    %select_n3A_659 = arith.select %ge3A_654, %add3A_658, %select_n3A_635 : vector<512x256xi1>, vector<512x256xf32>
    %get3A_660 = arith.constant 3 : index
    %get3A_661 = arith.constant 4 : index
    %get3A_662 = memref.load %arg2[%get3A_660, %get3A_661] : memref<4x8xf32, #tpu.memory_space<smem>>
    %abs3A_663 = math.absf %get3A_662 : f32
    %add3A_664 = arith.addf %add3A_640, %abs3A_663 : f32
    %get3A_665 = arith.constant 3 : index
    %get3A_666 = arith.constant 4 : index
    %get3A_667 = memref.load %arg3[%get3A_665, %get3A_666] : memref<4x8xf32, #tpu.memory_space<smem>>
    %abs3A_668 = math.absf %get3A_667 : f32
    %add3A_669 = arith.addf %add3A_645, %abs3A_668 : f32
    %sub3A_670 = arith.subf %add3A_669, %add3A_645 : f32
    %sub3A_671 = arith.subf %add3A_664, %add3A_640 : f32
    %div3A_672 = arith.divf %sub3A_670, %sub3A_671 : f32
    %mul3A_673 = arith.mulf %div3A_672, %add3A_640 : f32
    %sub3A_674 = arith.subf %add3A_645, %mul3A_673 : f32
    %add3A_675 = arith.constant -2.000000e+00 : f32
    %add3A_676 = arith.addf %add3A_675, %add3A_640 : f32
    %ge3A_677 = vector.broadcast %add3A_676 : f32 to vector<512x256xf32>
    %ge3A_678 = arith.cmpf oge, %get3A_4, %ge3A_677 : vector<512x256xf32>
    %mul3A_679 = vector.broadcast %div3A_672 : f32 to vector<512x256xf32>
    %mul3A_680 = arith.mulf %mul3A_679, %get3A_4 : vector<512x256xf32>
    %add3A_681 = vector.broadcast %sub3A_674 : f32 to vector<512x256xf32>
    %add3A_682 = arith.addf %mul3A_680, %add3A_681 : vector<512x256xf32>
    %select_n3A_683 = arith.select %ge3A_678, %add3A_682, %select_n3A_659 : vector<512x256xi1>, vector<512x256xf32>
    %get3A_684 = arith.constant 3 : index
    %get3A_685 = arith.constant 5 : index
    %get3A_686 = memref.load %arg2[%get3A_684, %get3A_685] : memref<4x8xf32, #tpu.memory_space<smem>>
    %abs3A_687 = math.absf %get3A_686 : f32
    %add3A_688 = arith.addf %add3A_664, %abs3A_687 : f32
    %get3A_689 = arith.constant 3 : index
    %get3A_690 = arith.constant 5 : index
    %get3A_691 = memref.load %arg3[%get3A_689, %get3A_690] : memref<4x8xf32, #tpu.memory_space<smem>>
    %abs3A_692 = math.absf %get3A_691 : f32
    %add3A_693 = arith.addf %add3A_669, %abs3A_692 : f32
    %sub3A_694 = arith.subf %add3A_693, %add3A_669 : f32
    %sub3A_695 = arith.subf %add3A_688, %add3A_664 : f32
    %div3A_696 = arith.divf %sub3A_694, %sub3A_695 : f32
    %mul3A_697 = arith.mulf %div3A_696, %add3A_664 : f32
    %sub3A_698 = arith.subf %add3A_669, %mul3A_697 : f32
    %add3A_699 = arith.constant -2.000000e+00 : f32
    %add3A_700 = arith.addf %add3A_699, %add3A_664 : f32
    %ge3A_701 = vector.broadcast %add3A_700 : f32 to vector<512x256xf32>
    %ge3A_702 = arith.cmpf oge, %get3A_4, %ge3A_701 : vector<512x256xf32>
    %mul3A_703 = vector.broadcast %div3A_696 : f32 to vector<512x256xf32>
    %mul3A_704 = arith.mulf %mul3A_703, %get3A_4 : vector<512x256xf32>
    %add3A_705 = vector.broadcast %sub3A_698 : f32 to vector<512x256xf32>
    %add3A_706 = arith.addf %mul3A_704, %add3A_705 : vector<512x256xf32>
    %select_n3A_707 = arith.select %ge3A_702, %add3A_706, %select_n3A_683 : vector<512x256xi1>, vector<512x256xf32>
    %get3A_708 = arith.constant 3 : index
    %get3A_709 = arith.constant 6 : index
    %get3A_710 = memref.load %arg2[%get3A_708, %get3A_709] : memref<4x8xf32, #tpu.memory_space<smem>>
    %abs3A_711 = math.absf %get3A_710 : f32
    %add3A_712 = arith.addf %add3A_688, %abs3A_711 : f32
    %get3A_713 = arith.constant 3 : index
    %get3A_714 = arith.constant 6 : index
    %get3A_715 = memref.load %arg3[%get3A_713, %get3A_714] : memref<4x8xf32, #tpu.memory_space<smem>>
    %abs3A_716 = math.absf %get3A_715 : f32
    %add3A_717 = arith.addf %add3A_693, %abs3A_716 : f32
    %sub3A_718 = arith.subf %add3A_717, %add3A_693 : f32
    %sub3A_719 = arith.subf %add3A_712, %add3A_688 : f32
    %div3A_720 = arith.divf %sub3A_718, %sub3A_719 : f32
    %mul3A_721 = arith.mulf %div3A_720, %add3A_688 : f32
    %sub3A_722 = arith.subf %add3A_693, %mul3A_721 : f32
    %add3A_723 = arith.constant -2.000000e+00 : f32
    %add3A_724 = arith.addf %add3A_723, %add3A_688 : f32
    %ge3A_725 = vector.broadcast %add3A_724 : f32 to vector<512x256xf32>
    %ge3A_726 = arith.cmpf oge, %get3A_4, %ge3A_725 : vector<512x256xf32>
    %mul3A_727 = vector.broadcast %div3A_720 : f32 to vector<512x256xf32>
    %mul3A_728 = arith.mulf %mul3A_727, %get3A_4 : vector<512x256xf32>
    %add3A_729 = vector.broadcast %sub3A_722 : f32 to vector<512x256xf32>
    %add3A_730 = arith.addf %mul3A_728, %add3A_729 : vector<512x256xf32>
    %select_n3A_731 = arith.select %ge3A_726, %add3A_730, %select_n3A_707 : vector<512x256xi1>, vector<512x256xf32>
    %get3A_732 = arith.constant 3 : index
    %get3A_733 = arith.constant 7 : index
    %get3A_734 = memref.load %arg2[%get3A_732, %get3A_733] : memref<4x8xf32, #tpu.memory_space<smem>>
    %abs3A_735 = math.absf %get3A_734 : f32
    %add3A_736 = arith.addf %add3A_712, %abs3A_735 : f32
    %get3A_737 = arith.constant 3 : index
    %get3A_738 = arith.constant 7 : index
    %get3A_739 = memref.load %arg3[%get3A_737, %get3A_738] : memref<4x8xf32, #tpu.memory_space<smem>>
    %abs3A_740 = math.absf %get3A_739 : f32
    %add3A_741 = arith.addf %add3A_717, %abs3A_740 : f32
    %sub3A_742 = arith.subf %add3A_741, %add3A_717 : f32
    %sub3A_743 = arith.subf %add3A_736, %add3A_712 : f32
    %div3A_744 = arith.divf %sub3A_742, %sub3A_743 : f32
    %mul3A_745 = arith.mulf %div3A_744, %add3A_712 : f32
    %sub3A_746 = arith.subf %add3A_717, %mul3A_745 : f32
    %add3A_747 = arith.constant -2.000000e+00 : f32
    %add3A_748 = arith.addf %add3A_747, %add3A_712 : f32
    %ge3A_749 = vector.broadcast %add3A_748 : f32 to vector<512x256xf32>
    %ge3A_750 = arith.cmpf oge, %get3A_4, %ge3A_749 : vector<512x256xf32>
    %mul3A_751 = vector.broadcast %div3A_744 : f32 to vector<512x256xf32>
    %mul3A_752 = arith.mulf %mul3A_751, %get3A_4 : vector<512x256xf32>
    %add3A_753 = vector.broadcast %sub3A_746 : f32 to vector<512x256xf32>
    %add3A_754 = arith.addf %mul3A_752, %add3A_753 : vector<512x256xf32>
    %select_n3A_755 = arith.select %ge3A_750, %add3A_754, %select_n3A_731 : vector<512x256xi1>, vector<512x256xf32>
    %add3A_756 = arith.constant -2.000000e+00 : f32
    %add3A_757 = arith.addf %add3A_756, %add3A_736 : f32
    %ge3A_758 = vector.broadcast %add3A_757 : f32 to vector<512x256xf32>
    %ge3A_759 = arith.cmpf oge, %get3A_4, %ge3A_758 : vector<512x256xf32>
    %add3A_760 = arith.constant 0.000000e+00 : f32
    %add3A_761 = arith.addf %add3A_741, %add3A_760 : f32
    %broadcast_in_dim3A_762 = vector.broadcast %add3A_761 : f32 to vector<512x256xf32>
    %select_n3A_763 = arith.select %ge3A_759, %broadcast_in_dim3A_762, %select_n3A_755 : vector<512x256xi1>, vector<512x256xf32>
    %swap3A_764 = arith.constant 0 : index
    %swap3A_765 = arith.constant 3 : index
    %swap3A_766 = arith.constant 0 : index
    %swap3A_767 = arith.constant 0 : index
    %swap3A_768 = arith.constant 0 : index
    %swap3A_769 = vector.load %arg5[%swap3A_764, %swap3A_765, %swap3A_766, %swap3A_767, %swap3A_768] : memref<1x4x1x512x256xf32, #tpu.memory_space<vmem>>, vector<1x1x1x512x256xf32>
    %swap3A_770 = vector.shape_cast %swap3A_769 : vector<1x1x1x512x256xf32> to vector<512x256xf32>
    %swap3A_771 = vector.shape_cast %select_n3A_763 : vector<512x256xf32> to vector<1x1x1x512x256xf32>
    tpu.vector_store %arg5[%swap3A_764, %swap3A_765, %swap3A_766, %swap3A_767, %swap3A_768], %swap3A_771 {strides = array<i32>} : memref<1x4x1x512x256xf32, #tpu.memory_space<vmem>>, vector<1x1x1x512x256xf32>,
    return
  }
  func.func @transform_0(%arg0: i32, %arg1: i32) -> (i32, i32) {
    %c0_i32 = arith.constant 0 : i32
    %c0_i32_0 = arith.constant 0 : i32
    %c0_i32_1 = arith.constant 0 : i32
    return %c0_i32, %c0_i32_0 : i32, i32
  }
  func.func @transform_1(%arg0: i32, %arg1: i32) -> (i32, i32) {
    %c0_i32 = arith.constant 0 : i32
    %c0_i32_0 = arith.constant 0 : i32
    %c0_i32_1 = arith.constant 0 : i32
    return %c0_i32, %c0_i32_0 : i32, i32
  }
  func.func @transform_2(%arg0: i32, %arg1: i32) -> (i32, i32, i32, i32) {
    %add3A = arith.constant 3 : i32
    %add3A_0 = arith.addi %arg1, %add3A : i32
    %c0_i32 = arith.constant 0 : i32
    %c0_i32_1 = arith.constant 0 : i32
    %c0_i32_2 = arith.constant 0 : i32
    return %arg0, %add3A_0, %c0_i32, %c0_i32_1 : i32, i32, i32, i32
  }
  func.func @transform_3(%arg0: i32, %arg1: i32) -> (i32, i32, i32, i32, i32) {
    %add3A = arith.constant 3 : i32
    %add3A_0 = arith.addi %arg1, %add3A : i32
    %c0_i32 = arith.constant 0 : i32
    %c0_i32_1 = arith.constant 0 : i32
    %c0_i32_2 = arith.constant 0 : i32
    %c0_i32_3 = arith.constant 0 : i32
    return %arg0, %c0_i32, %add3A_0, %c0_i32_1, %c0_i32_2 : i32, i32, i32, i32, i32
  }
}

</mosaic_0001>

<sc_bundles>
// kernel: kernel.5.cloned.1.call-start
scs
__scs_entry_jumppad:
0x0: {  	(pc) =	sbr.rel $0x88, $3  }
0x1: {  	(tag) =	ssettag $0x0;
	lr =	simm.s32 $0x1  }
0x2: {  	[smem:$0x3F9E] =	sst lr;
	_ =	strace $0xD0000000  }
0x3: {  	_ = 	snop  }
0x4: {  	_ = 	snop  }
0x5: {  	_ = 	snop  }
0x6: {  	_ = 	snop  }
0x7: {  	_ = 	snop  }
__scs_overlays_trampoline_lowered:
0x8: {  	[smem:$0x3FAD] =	sst s0  }
0x9: {  	[smem:$0x3FAE] =	sst s1  }
0xa: {  	[smem:$0x3FAF] =	sst s2  }
0xb: {  	[smem:$0x3FB0] =	sst s3  }
0xc: {  	[smem:$0x3FB1] =	sst s4  }
0xd: {  	[smem:$0x3FB2] =	sst s5  }
0xe: {  	[smem:$0x3FB3] =	sst s6  }
0xf: {  	[smem:$0x3FB4] =	sst s7  }
0x10: {  	[smem:$0x3FB5] =	sst s8  }
0x11: {  	[smem:$0x3FB6] =	sst s9;
	s0 =	simm.s32 @!p0 $0x0  }
0x12: {  	s1 =	sld [smem:$0x3F9C];
	s0 =	simm.s32 @p0 $0x1  }
0x13: {  	[smem:$0x3FB7] =	sst s0;
	s0 =	simm.s32 @!p1 $0x0  }
0x14: {  	s2 =	sld [smem:$0x3F9B];
	s0 =	simm.s32 @p1 $0x1  }
0x15: {  	[smem:$0x3FB8] =	sst s0;
	s0 =	simm.s32 @!p2 $0x0  }
0x16: {  	s3 =	sld [smem:$0x3FDB];
	s0 =	simm.s32 @p2 $0x1  }
0x17: {  	s4 =	simm.s32 $0x1BF5;
	[smem:$0x3FBA] =	sst s0  }
0x18: {  	s0 =	sld [smem:$0x3F9D];
	_ =	swait.ge [sflag:s4], $0x0  }
0x19: {  	s7 =	sld [smem:$0x3F9E]  }
0x1a: {  	s8 =	sadd.s32 $0xFFFFE003, lr  }
0x1b: {  	s9 =	sadd.s32 $0xFFFFFEF7, lr;
	s5 =	simm.s32 $0xFFFFFFFF;
	p2 =	slt.u32 s8, $0xFFFFF086  }
0x1c: {  	p1 =	slt.u32 s9, $0xF7A;
	s5 =	simm.s32 @!p2 $0x0  }
0x1d: {  	s5 =	simm.s32 @p1 $0x1;
	p0 =	seq.s32 s7, s2  }
0x1e: {  	s7 =	smul.u32 @!p0 $0xF7A, s2;
	p2 =	seq.s32 @!p0 s5, $0x0  }
0x1f: {  	s9 =	smul.u32 $0xF7A, s1;
	s8 =	simm.s32 @!p0 $0x1BF5;
	p2 =	por !p2, p0  }
0x20: {  	[sflag:s8] =	ssyncset.s32 @!p0 $0xFFFFF086;
	s6 =	sadd.s32 @!p0 s3, s7;
	s7 =	simm.s32 @!p0 $0x108  }
0x21: {  	s3 =	sadd.s32 s3, s9;
	s6 =	sadd.s32 @!p0 $0x88, s6;
	s7 =	simm.s32 @p2 $0x1082  }
0x22: {  	[simem:s7], [sflag:s8] =	dma.local @!p0 [hbm:s6], $0xF7A  }
0x23: {  	s9 =	sor.u32 $0xD0000000, s2;
	s6 =	simm.s32 $0x108;
	_ =	swait.ge @!p0 [sflag:s8], $0x0  }
0x24: {  	s3 =	sadd.s32 $0x88, s3;
	s6 =	simm.s32 @!p1 $0x1082;
	[sflag:s4] =	ssyncset.s32 $0xFFFFF086  }
0x25: {  	[simem:s6], [sflag:s4] =	dma.local [hbm:s3], $0xF7A  }
0x26: {  	[smem:$0x3F9E] =	sst s1;
	(tag) =	ssettag s2;
	_ =	strace s9  }
0x27: {  	s1 =	sld [smem:$0x3FAE]  }
0x28: {  	s2 =	sld [smem:$0x3FAF]  }
0x29: {  	s4 =	sld [smem:$0x3FB1]  }
0x2a: {  	p0 =	seq.s32 s5, $0x0;
	s5 =	sld [smem:$0x3FB2]  }
0x2b: {  	s6 =	sld [smem:$0x3FB3]  }
0x2c: {  	s7 =	sld [smem:$0x3FB4]  }
0x2d: {  	s3 =	simm.s32 $0x108;
	s8 =	sld [smem:$0x3FB5]  }
0x2e: {  	s3 =	simm.s32 @!p0 $0x1082;
	s9 =	sld [smem:$0x3FB6]  }
0x2f: {  	lr =	sadd.s32 s0, s3;
	s0 =	sld [smem:$0x3FAD]  }
0x30: {  	s3 =	sld [smem:$0x3FB0]  }
0x31: {  	[smem:$0x3FB9] =	sst s10  }
0x32: {  	s10 =	sld [smem:$0x3FB7];
	_ =	sdelay $0x3  }
0x33: {  	p0 =	seq.s32 s10, $0x1;
	s10 =	sld [smem:$0x3FB9];
	_ =	sdelay $0x3  }
0x34: {  	[smem:$0x3FB9] =	sst s10  }
0x35: {  	s10 =	sld [smem:$0x3FB8];
	_ =	sdelay $0x3  }
0x36: {  	p1 =	seq.s32 s10, $0x1;
	s10 =	sld [smem:$0x3FB9];
	_ =	sdelay $0x3  }
0x37: {  	[smem:$0x3FB9] =	sst s10  }
0x38: {  	s10 =	sld [smem:$0x3FBA]  }
0x39: {  	_ = 	snop;
	(pc) =	sbr.ind lr, $3  }
0x3a: {  	_ = 	snop  }
0x3b: {  	_ = 	snop  }
0x3c: {  	p2 =	seq.s32 s10, $0x1;
	s10 =	sld [smem:$0x3FB9]  }
0x3d: {  	_ =	shalt  }
0x3e: {  	_ =	shalt  }
0x3f: {  	_ =	shalt  }
0x40: {  	_ =	shalt  }
0x41: {  	_ =	shalt  }
0x42: {  	_ =	shalt  }
0x43: {  	_ =	shalt  }
0x44: {  	_ =	shalt  }
0x45: {  	_ =	shalt  }
0x46: {  	_ =	shalt  }
0x47: {  	_ =	shalt  }
0x48: {  	_ =	shalt  }
0x49: {  	_ =	shalt  }
0x4a: {  	_ =	shalt  }
0x4b: {  	_ =	shalt  }
0x4c: {  	_ =	shalt  }
0x4d: {  	_ =	shalt  }
0x4e: {  	_ =	shalt  }
0x4f: {  	_ =	shalt  }
0x50: {  	_ =	shalt  }
0x51: {  	_ =	shalt  }
0x52: {  	_ =	shalt  }
0x53: {  	_ =	shalt  }
0x54: {  	_ =	shalt  }
0x55: {  	_ =	shalt  }
0x56: {  	_ =	shalt  }
0x57: {  	_ =	shalt  }
0x58: {  	_ =	shalt  }
0x59: {  	_ =	shalt  }
0x5a: {  	_ =	shalt  }
0x5b: {  	_ =	shalt  }
0x5c: {  	_ =	shalt  }
0x5d: {  	_ =	shalt  }
0x5e: {  	_ =	shalt  }
0x5f: {  	_ =	shalt  }
0x60: {  	_ =	shalt  }
0x61: {  	_ =	shalt  }
0x62: {  	_ =	shalt  }
0x63: {  	_ =	shalt  }
0x64: {  	_ =	shalt  }
0x65: {  	_ =	shalt  }
0x66: {  	_ =	shalt  }
0x67: {  	_ =	shalt  }
0x68: {  	_ =	shalt  }
0x69: {  	_ =	shalt  }
0x6a: {  	_ =	shalt  }
0x6b: {  	_ =	shalt  }
0x6c: {  	_ =	shalt  }
0x6d: {  	_ =	shalt  }
0x6e: {  	_ =	shalt  }
0x6f: {  	_ =	shalt  }
0x70: {  	_ =	shalt  }
0x71: {  	_ =	shalt  }
0x72: {  	_ =	shalt  }
0x73: {  	_ =	shalt  }
0x74: {  	_ =	shalt  }
0x75: {  	_ =	shalt  }
0x76: {  	_ =	shalt  }
0x77: {  	_ =	shalt  }
0x78: {  	_ =	shalt  }
0x79: {  	_ =	shalt  }
0x7a: {  	_ =	shalt  }
0x7b: {  	_ =	shalt  }
0x7c: {  	_ =	shalt  }
0x7d: {  	_ =	shalt  }
0x7e: {  	_ =	shalt  }
0x7f: {  	_ =	shalt  }
0x80: {  	_ =	shalt  }
0x81: {  	_ =	shalt  }
0x82: {  	_ =	shalt  }
0x83: {  	_ =	shalt  }
0x84: {  	_ =	shalt  }
0x85: {  	_ =	shalt  }
0x86: {  	_ =	shalt  }
0x87: {  	_ =	shalt  }
.Lfunc_end0:
.L_simem_size_0:
called_computation_lowered:
.L_overlay_start_0:
0x88: {  	s2 =	sld [smem:$0x3FD9]  }
0x89: {  	s3 =	sld [smem:$0x3FFE];
	_ =	sdelay $0x1  }
0x8a: {  	s1 =	srdreg.scid  }
0x8b: {  	s0 =	sand.u32 $0x1, s1  }
0x8c: {  	s16 =	sshll.u32 s0, $0xA;
	s2 =	sadd.s32 s3, s2  }
0x8d: {  	s2 =	sadd.s32 s2, s16  }
0x8e: {  	[smem:$0x3FC5] =	sst s2  }
0x8f: {  	_ = 	snop  }
0x90: {  	(tm) =	ssettm $0x1  }
0x91: {  	s17 =	sld [smem:$0x3FFB];
	_ =	sdelay $0x3  }
0x92: {  	_ =	strace s17  }
0x93: {  	s2 =	sld [smem:$0x3FFC];
	_ =	sdelay $0x3  }
0x94: {  	_ =	strace s2  }
0x95: {  	s2 =	sld [smem:$0x3FFD];
	_ =	sdelay $0x3  }
0x96: {  	_ =	strace s2  }
0x97: {  	_ =	strace $0x8FFFFFFF  }
0x98: {  	s18 =	sld [smem:$0x3FDB];
	_ =	sdelay $0x1  }
0x99: {  	s19 =	simm.s32 $_scs_section_size  }
0x9a: {  	s4 =	simm.s32 $_size__tile_overlayer_lowered;
	s5 =	simm.s32 $_tile_overlayer_lowered  }
0x9b: {  	s22 =	simm.s32 $0x1BFF;
	s21 =	sshll.u32 s5, $0x1;
	s2 =	sadd.s32 s19, s18  }
0x9c: {  	s6 =	simm.s32 $0x0;
	s20 =	sshll.u32 s4, $0x1;
	s4 =	sadd.s32 s21, s2  }
0x9d: {  	[timem:s6], [sflag:s22] =	dma.local [hbm:s4], s20  }
0x9e: {  	_ =	swait.ge [sflag:s22], s20  }
0x9f: {  	s3 =	ssub.s32 $0x0, s20;
	[sflag:s22] =	ssyncset.done $0x0  }
0xa0: {  	[sflag:s22] =	ssyncadd.s32 s3;
	_ =	sdelay $0x1  }
0xa1: {  	s23 =	simm.s32 $0x1B8B  }
0xa2: {  	_ =	swait.ge [sflag:s23], $0x1  }
0xa3: {  	[sflag:s23] =	ssyncset.done $0x0  }
0xa4: {  	s25 =	simm.s32 $0x1B8E;
	s24 =	sld [smem:$0x3FFE];
	[sflag:s23] =	ssyncadd.s32 $0xFFFFFFFF  }
0xa5: {  	s26 =	simm.s32 $execute0_lowered;
	[smem:$0x3FD2] =	sst s25  }
0xa6: {  	s4 =	sshll.u32 s26, $0x1;
	_ =	strace $0x80000046;
	[dreg:$0x1] =	wrdreg $0xFFFFFFFF  }
0xa7: {  	s28 =	simm.s32 $_size_execute0_lowered;
	s2 =	sadd.s32 s2, s4;
	[dreg:$0x0] =	wrdreg $0x0  }
0xa8: {  	s4 =	sshll.u32 s28, $0x1;
	[dreg:$0x2] =	wrdreg s2  }
0xa9: {  	[dreg:$0x3] =	wrdreg s4  }
0xaa: {  	[dreg:$0x4] =	wrdreg $0xC0  }
0xab: {  	_ =	task [dreg:s6], $0x5FFFF  }
0xac: {  	[dreg:$0x1] =	wrdreg $0xFFFFFFFF  }
0xad: {  	[dreg:$0x0] =	wrdreg $0x60  }
0xae: {  	[dreg:$0x2] =	wrdreg s24  }
0xaf: {  	[dreg:$0x3] =	wrdreg $0x9  }
0xb0: {  	_ =	task.clear_ibuf [dreg:s6], $0x4FFFF;
	_ =	strace $0x90000046  }
0xb1: {  	s29 =	simm.s32 $0x9;
	_ =	strace $0x80000048  }
0xb2: {  	_ =	swait.ge [sflag:s29], $0x1  }
0xb3: {  	[sflag:s29] =	ssyncadd.s32 $0xFFFFFFFF  }
0xb4: {  	_ =	strace $0x90000048  }
0xb5: {  	_ =	sfence  }
0xb6: {  	s30 =	sld [smem:$0x0];
	_ =	sdelay $0x2  }
0xb7: {  	s31 =	sshll.u32 s1, $0xD;
	s1 =	sshrl.u32 s1, $0x2  }
0xb8: {  	s3 =	sand.u32 $0x4000, s31;
	s1 =	sadd.s32 s1, s30  }
0xb9: {  	s0 =	sor.u32 s3, s0;
	s1 =	sshll.u32 s1, $0x11  }
0xba: {  	s0 =	sor.u32 s1, s0  }
0xbb: {  	s0 =	sadd.s32 $0x8F2B, s0  }
0xbc: {  	[sflag:s0] =	ssyncadd.remote.s32 $0x1  }
0xbd: {  	_ =	sfence.sel $0xFFFF  }
0xbe: {  	[dreg:$0x0] =	wrdreg $0xFFFFFFFF;
	(pc) =	sbr.abs _section_cstart, $3  }
0xbf: {  	[dreg:$0x1] =	wrdreg $0xFFFFFFFF  }
0xc0: {  	_ =	task.clear_ibuf [dreg:s6], $0x2FFFF;
	_ =	strace $0x9FFFFFFF  }
0xc1: {  	(tm) =	ssettm $0x7FFFFFFF  }
tec
execute0_lowered:
.L_overlay_start_1:
0x0: {  	(tag) =	ssettag $0x1  }
0x1: {  	v0 =	vimm.s32 $0xEDCBA987;
	v1 =	vimm.s32 $0x65432100  }
0x2: {  	v2 =	vimm.s32 $0xDCBA9876;
	v3 =	vimm.s32 $0x54321000;
	v59 =	vimm.s32 $0xE40000  }
0x3: {  	v60 =	vimm.s32 $0xBA987654;
	v4 =	vimm.s32 $0x32100000;
	vm0 =	vmmov $0x3  }
0x4: {  	vm2 =	vcmask $0x3F30;
	vm1 =	vmmov $0xf;
	vm3 =	vcmask $0x320  }
0x5: {  	vm4 =	vcmask $0x324;
	vm5 =	vcmask $0x1F24;
	v6 =	vimm.s32 $0x81  }
0x6: {  	v7 =	vimm.s32 $0x82;
	v8 =	vimm.s32 $0x83;
	v0 =	vunpack.c.l.s4.s8 v0  }
0x7: {  	v9 =	vimm.s32 $0x84;
	v10 =	vimm.s32 $0x85;
	v1 =	vunpack.c.l.s4.s8 v1  }
0x8: {  	v11 =	vimm.s32 $0x86;
	v12 =	vimm.s32 $0x87;
	v0 =	vunpack.c.0.s8.s32 v0  }
0x9: {  	v15 =	vimm.s32 $0x101;
	v16 =	vimm.s32 $0x102;
	v1 =	vunpack.c.0.s8.s32 v1  }
0xa: {  	v17 =	vimm.s32 $0x103;
	v2 =	vunpack.c.l.s4.s8 v2;
	v0 =	vand.u32 $0xF, v0  }
0xb: {  	v18 =	vimm.s32 $0x104;
	v58 =	vunpack.c.l.s4.s8 v3;
	v0 =	vcombine.low v1, v0  }
0xc: {  	s0 =	rddreg [dreg:$0x0];
	v19 =	vimm.s32 $0x105;
	v20 =	vimm.s32 $0x106;
	v2 =	vunpack.c.0.s8.s32 v2  }
0xd: {  	s5 =	stileid.u32;
	s2 =	simm.s32 $0x0;
	s1 =	srdreg.scid;
	v3 =	vunpack.c.l.s4.s8 v60;
	v1 =	vunpack.c.l.s2.s4 v59;
	[tilespmem:$0x1FFC0] =	vst v0;
	v0 =	vunpack.c.0.s8.s32 v58  }
0xe: {  	v21 =	vimm.s32 $0x107;
	s12 =	simm.s32 $0x5;
	s14 =	simm.s32 $0x1000;
	s15 =	simm.s32 $0x400;
	v4 =	vunpack.c.l.s4.s8 v4;
	v2 =	vand.u32 $0xF, v2  }
0xf: {  	s16 =	simm.s32 $0x800;
	s17 =	simm.s32 $0xC00;
	s18 =	simm.s32 $0x4;
	v61 =	vunpack.c.0.s8.s32 v3;
	v1 =	vunpack.c.l.s4.s8 v1;
	v0 =	vcombine.low v0, v2  }
0x10: {  	v23 =	vimm.s32 $0x180;
	v24 =	vimm.s32 $0x181;
	s19 =	simm.s32 $0x3;
	s20 =	simm.s32 $0x0;
	s3 =	sshll.u32 s5, $0x1;
	v62 =	vunpack.c.0.s8.s32 v4  }
0x11: {  	[smem:$0x7FF] =	sst s2;
	s1 =	sand.u32 $0x1, s1;
	s28 =	sadd.s32 $0x1A00, s0;
	v4 =	vimm.s32 $0x7060504;
	v1 =	vunpack.c.0.s8.s32 v1;
	[tilespmem:$0x1FFD0] =	vst v0;
	v0 =	vand.u32 $0xF, v61  }
0x12: {  	v25 =	vimm.s32 $0x182;
	s10 =	sshrl.u32 s5, $0x3;
	s29 =	sadd.s32 $0x1C00, s0;
	s4 =	sand.u32 $0xE, s3;
	v4 =	vunpack.c.0.s8.s32 v4;
	v0 =	vcombine.low v62, v0  }
0x13: {  	v26 =	vimm.s32 $0x183;
	v27 =	vimm.s32 $0x184;
	s6 =	sadd.s32 $0x81E00, s0;
	s8 =	sor.u32 s1, s4;
	s1 =	ssub.s32 $0x2, s1;
	v63 =	vand.u32 $0x3, v1  }
0x14: {  	v28 =	vimm.s32 $0x185;
	v29 =	vimm.s32 $0x186;
	s3 =	sadd.s32 $0x1E00, s0;
	s7 =	smul.u32 $0xC000, s8;
	s30 =	sshrl.u32 s1, $0x1;
	[tilespmem:$0x1FFE0] =	vst v0;
	v0 =	vsel vm2, v4, v63  }
0x15: {  	v30 =	vimm.s32 $0x187;
	v31 =	vimm.s32 $0x188;
	v32 =	vimm.s32 $0x200;
	s9 =	sshll.u32 s10, $0x7;
	s10 =	smul.u32 $0x180000, s10;
	s0 =	ssub.s32 s1, s30;
	[tilespmem:$0x1FFF0] =	vst v0  }
0x16: {  	v33 =	vimm.s32 $0x201;
	v34 =	vimm.s32 $0x202;
	v35 =	vimm.s32 $0x203;
	s7 =	sor.u32 s9, s7;
	_ =	strace $0x80000047;
	[dreg:$0x2] =	wrdreg s28  }
0x17: {  	v36 =	vimm.s32 $0x204;
	v37 =	vimm.s32 $0x205;
	v38 =	vimm.s32 $0x206;
	s0 =	smax.u32 s0, $0x1;
	s31 =	sshrl.u32 s7, $0x3;
	[dreg:$0x3] =	wrdreg s29  }
0x18: {  	v39 =	vimm.s32 $0x207;
	v40 =	vimm.s32 $0x208;
	s8 =	smul.u32 $0x6000, s8;
	s9 =	sadd.s32 s3, s31;
	vm2 =	vmmov $0xff;
	[dreg:$0x4] =	wrdreg s0  }
.LBB2_1:
0x19: {  	s0 =	rddreg [dreg:$0x2]  }
0x1a: {  	[tilespmem:s2], [sflag:$0x5] =	stream.linear.gather [hbm4b:s0+s2], $0x200, $0x38;
	[tilespmem:$0x15080] =	vst v63  }
0x1b: {  	_ =	swait.ge [sflag:s12], $0x200  }
0x1c: {  	[sflag:s12] =	ssyncset.done $0x0  }
0x1d: {  	s1 =	simm.s32 $0x200;
	s31 =	rddreg [dreg:$0x3];
	[sflag:s12] =	ssyncadd.s32 $0xFFFFFE00  }
0x1e: {  	[tilespmem:s1], [sflag:$0x5] =	stream.linear.gather [hbm4b:s31+s2], $0x200, $0x38;
	[tilespmem:$0x15080] =	vst v63  }
0x1f: {  	_ =	swait.ge [sflag:s12], $0x200  }
0x20: {  	[sflag:s12] =	ssyncset.done $0x0  }
0x21: {  	v2 =	vld [tilespmem:$0x1FFC0];
	[sflag:s12] =	ssyncadd.s32 $0xFFFFFE00  }
0x22: {  	v0 =	vld [tilespmem:$0x0];
	_ =	sdelay $0x4  }
0x23: {  	v0 =	vand.u32 $0x7FFFFFFF, v0  }
0x24: {  	[tilespmem:$0x1000] =	vst v0  }
0x25: {  	v3 =	vlaneseq.u32;
	v1 =	vld.idx.msk [tilespmem:v2+s14+$0x0], $0xffff  }
0x26: {  	vm6 =	veq.s32 v3, $0x0;
	v3 =	vld [tilespmem:$0x1FFD0];
	_ =	sdelay $0x3  }
0x27: {  	v1 =	vsel vm6, $0x0, v1  }
0x28: {  	v1 =	vadd.f32 v1, v0;
	_ =	sdelay $0x1  }
0x29: {  	[tilespmem:$0x1000] =	vst v1  }
0x2a: {  	v41 =	vld.idx.msk [tilespmem:v3+s14+$0x0], $0xffff  }
0x2b: {  	v4 =	vld [tilespmem:$0x1FFE0];
	_ =	sdelay $0x3  }
0x2c: {  	v41 =	vsel vm0, $0x0, v41  }
0x2d: {  	v1 =	vadd.f32 v41, v1;
	_ =	sdelay $0x1  }
0x2e: {  	[tilespmem:$0x1000] =	vst v1  }
0x2f: {  	v48 =	vld.idx.msk [tilespmem:v4+s14+$0x0], $0xffff  }
0x30: {  	v5 =	vld [tilespmem:$0x1FFF0];
	_ =	sdelay $0x1  }
0x31: {  	v42 =	vld [tilespmem:$0x200];
	_ =	sdelay $0x1  }
0x32: {  	v41 =	vsel vm1, $0x0, v48  }
0x33: {  	v1 =	vadd.f32 v41, v1;
	_ =	sdelay $0x1  }
0x34: {  	v49 =	vand.u32 $0x7FFFFFFF, v42;
	[tilespmem:$0x1000] =	vst v1  }
0x35: {  	v50 =	vld.idx.msk [tilespmem:v5+s14+$0x0], $0xffff;
	[tilespmem:$0x1000] =	vst v49  }
0x36: {  	v43 =	vld.idx.msk [tilespmem:v2+s14+$0x0], $0xffff;
	_ =	sdelay $0x4  }
0x37: {  	v43 =	vsel vm6, $0x0, v43  }
0x38: {  	v43 =	vadd.f32 v43, v49;
	_ =	sdelay $0x1  }
0x39: {  	[tilespmem:$0x1000] =	vst v43  }
0x3a: {  	v44 =	vld.idx.msk [tilespmem:v3+s14+$0x0], $0xffff;
	_ =	sdelay $0x4  }
0x3b: {  	v44 =	vsel vm0, $0x0, v44  }
0x3c: {  	v43 =	vadd.f32 v44, v43;
	_ =	sdelay $0x1  }
0x3d: {  	[tilespmem:$0x1000] =	vst v43  }
0x3e: {  	v51 =	vld.idx.msk [tilespmem:v4+s14+$0x0], $0xffff;
	_ =	sdelay $0x4  }
0x3f: {  	(erf) = vrcp.f32 v0;
	v44 =	vsel vm1, $0x0, v51  }
0x40: {  	v43 =	vadd.f32 v44, v43;
	_ =	sdelay $0x1  }
0x41: {  	[tilespmem:$0x1000] =	vst v43  }
0x42: {  	v52 =	vld.idx.msk [tilespmem:v5+s14+$0x0], $0xffff;
	_ =	sdelay $0x2  }
0x43: {  	v42 =	vsel vm2, $0x0, v50  }
0x44: {  	v1 =	vadd.f32 v42, v1  }
0x45: {  	v54 =	vpop (erf);
	v53 =	vsel vm2, $0x0, v52  }
0x46: {  	v56 =	vld [tilespmem:$0x80];
	v55 =	vmul.f32 v54, v49;
	v0 =	vsub.f32 v1, v0;
	v42 =	vadd.f32 v53, v43;
	_ =	sdelay $0x1  }
0x47: {  	v1 =	vadd.f32 $-2.000000000e+00, v1;
	v0 =	vmul.f32 v0, v55;
	v41 =	vsub.f32 v42, v49;
	_ =	sdelay $0x1  }
0x48: {  	v1 =	vnsel vm2, $0x7F800000, v1;
	v0 =	vsub.f32 v41, v0  }
0x49: {  	v57 =	vand.u32 $0x7FFFFFFF, v56;
	[tilespmem:$0x480] =	vst v1  }
0x4a: {  	[tilespmem:$0x1000] =	vst v57;
	v43 =	vsel vm3, $0x0, v55;
	v0 =	vsel vm4, $0x0, v0  }
0x4b: {  	[tilespmem:$0x880] =	vst v43;
	v0 =	vsel vm5, v0, v41  }
0x4c: {  	[tilespmem:$0xC80] =	vst v0  }
0x4d: {  	v1 =	vld.idx.msk [tilespmem:v2+s14+$0x0], $0xffff;
	_ =	sdelay $0x4  }
0x4e: {  	v1 =	vsel vm6, $0x0, v1  }
0x4f: {  	v1 =	vadd.f32 v1, v57;
	_ =	sdelay $0x1  }
0x50: {  	[tilespmem:$0x1000] =	vst v1  }
0x51: {  	v58 =	vld.idx.msk [tilespmem:v3+s14+$0x0], $0xffff;
	_ =	sdelay $0x4  }
0x52: {  	v41 =	vsel vm0, $0x0, v58  }
0x53: {  	v1 =	vadd.f32 v41, v1;
	_ =	sdelay $0x1  }
0x54: {  	[tilespmem:$0x1000] =	vst v1  }
0x55: {  	v59 =	vld.idx.msk [tilespmem:v4+s14+$0x0], $0xffff;
	_ =	sdelay $0x2  }
0x56: {  	v60 =	vld [tilespmem:$0x280];
	_ =	sdelay $0x1  }
0x57: {  	v41 =	vsel vm1, $0x0, v59  }
0x58: {  	v1 =	vadd.f32 v41, v1;
	_ =	sdelay $0x1  }
0x59: {  	v61 =	vand.u32 $0x7FFFFFFF, v60;
	[tilespmem:$0x1000] =	vst v1  }
0x5a: {  	v62 =	vld.idx.msk [tilespmem:v5+s14+$0x0], $0xffff;
	[tilespmem:$0x1000] =	vst v61  }
0x5b: {  	v43 =	vld.idx.msk [tilespmem:v2+s14+$0x0], $0xffff;
	_ =	sdelay $0x4  }
0x5c: {  	v43 =	vsel vm6, $0x0, v43  }
0x5d: {  	v43 =	vadd.f32 v43, v61;
	_ =	sdelay $0x1  }
0x5e: {  	[tilespmem:$0x1000] =	vst v43  }
0x5f: {  	v63 =	vld.idx.msk [tilespmem:v3+s14+$0x0], $0xffff;
	_ =	sdelay $0x4  }
0x60: {  	v44 =	vsel vm0, $0x0, v63  }
0x61: {  	v43 =	vadd.f32 v44, v43;
	_ =	sdelay $0x1  }
0x62: {  	[tilespmem:$0x1000] =	vst v43  }
0x63: {  	v48 =	vld.idx.msk [tilespmem:v4+s14+$0x0], $0xffff;
	_ =	sdelay $0x4  }
0x64: {  	(erf) = vrcp.f32 v57;
	v44 =	vsel vm1, $0x0, v48  }
0x65: {  	v43 =	vadd.f32 v44, v43;
	_ =	sdelay $0x1  }
0x66: {  	[tilespmem:$0x1000] =	vst v43  }
0x67: {  	v49 =	vld.idx.msk [tilespmem:v5+s14+$0x0], $0xffff;
	_ =	sdelay $0x2  }
0x68: {  	v42 =	vsel vm2, $0x0, v62  }
0x69: {  	v1 =	vadd.f32 v42, v1  }
0x6a: {  	v51 =	vpop (erf);
	v50 =	vsel vm2, $0x0, v49  }
0x6b: {  	v52 =	vmul.f32 v51, v61;
	v53 =	vld [tilespmem:$0x100];
	v0 =	vsub.f32 v1, v57;
	v42 =	vadd.f32 v50, v43;
	_ =	sdelay $0x1  }
0x6c: {  	v1 =	vadd.f32 $-2.000000000e+00, v1;
	v0 =	vmul.f32 v0, v52;
	v41 =	vsub.f32 v42, v61;
	_ =	sdelay $0x1  }
0x6d: {  	v1 =	vnsel vm2, $0x7F800000, v1;
	v0 =	vsub.f32 v41, v0  }
0x6e: {  	v54 =	vand.u32 $0x7FFFFFFF, v53;
	[tilespmem:$0x500] =	vst v1  }
0x6f: {  	[tilespmem:$0x1000] =	vst v54;
	v43 =	vsel vm3, $0x0, v52;
	v0 =	vsel vm4, $0x0, v0  }
0x70: {  	[tilespmem:$0x900] =	vst v43;
	v0 =	vsel vm5, v0, v41  }
0x71: {  	[tilespmem:$0xD00] =	vst v0  }
0x72: {  	v1 =	vld.idx.msk [tilespmem:v2+s14+$0x0], $0xffff;
	_ =	sdelay $0x4  }
0x73: {  	v1 =	vsel vm6, $0x0, v1  }
0x74: {  	v1 =	vadd.f32 v1, v54;
	_ =	sdelay $0x1  }
0x75: {  	[tilespmem:$0x1000] =	vst v1  }
0x76: {  	v55 =	vld.idx.msk [tilespmem:v3+s14+$0x0], $0xffff;
	_ =	sdelay $0x4  }
0x77: {  	v41 =	vsel vm0, $0x0, v55  }
0x78: {  	v1 =	vadd.f32 v41, v1;
	_ =	sdelay $0x1  }
0x79: {  	[tilespmem:$0x1000] =	vst v1  }
0x7a: {  	v56 =	vld.idx.msk [tilespmem:v4+s14+$0x0], $0xffff;
	_ =	sdelay $0x2  }
0x7b: {  	v57 =	vld [tilespmem:$0x300];
	_ =	sdelay $0x1  }
0x7c: {  	v41 =	vsel vm1, $0x0, v56  }
0x7d: {  	v1 =	vadd.f32 v41, v1;
	_ =	sdelay $0x1  }
0x7e: {  	v58 =	vand.u32 $0x7FFFFFFF, v57;
	[tilespmem:$0x1000] =	vst v1  }
0x7f: {  	v59 =	vld.idx.msk [tilespmem:v5+s14+$0x0], $0xffff;
	[tilespmem:$0x1000] =	vst v58  }
0x80: {  	v43 =	vld.idx.msk [tilespmem:v2+s14+$0x0], $0xffff;
	_ =	sdelay $0x4  }
0x81: {  	v43 =	vsel vm6, $0x0, v43  }
0x82: {  	v43 =	vadd.f32 v43, v58;
	_ =	sdelay $0x1  }
0x83: {  	[tilespmem:$0x1000] =	vst v43  }
0x84: {  	v60 =	vld.idx.msk [tilespmem:v3+s14+$0x0], $0xffff;
	_ =	sdelay $0x4  }
0x85: {  	v44 =	vsel vm0, $0x0, v60  }
0x86: {  	v43 =	vadd.f32 v44, v43;
	_ =	sdelay $0x1  }
0x87: {  	[tilespmem:$0x1000] =	vst v43  }
0x88: {  	v61 =	vld.idx.msk [tilespmem:v4+s14+$0x0], $0xffff;
	_ =	sdelay $0x4  }
0x89: {  	(erf) = vrcp.f32 v54;
	v44 =	vsel vm1, $0x0, v61  }
0x8a: {  	v43 =	vadd.f32 v44, v43;
	_ =	sdelay $0x1  }
0x8b: {  	[tilespmem:$0x1000] =	vst v43  }
0x8c: {  	v62 =	vld.idx.msk [tilespmem:v5+s14+$0x0], $0xffff;
	_ =	sdelay $0x2  }
0x8d: {  	v42 =	vsel vm2, $0x0, v59  }
0x8e: {  	v1 =	vadd.f32 v42, v1  }
0x8f: {  	v48 =	vpop (erf);
	v63 =	vsel vm2, $0x0, v62  }
0x90: {  	v49 =	vmul.f32 v48, v58;
	v50 =	vld [tilespmem:$0x180];
	v0 =	vsub.f32 v1, v54;
	v42 =	vadd.f32 v63, v43;
	_ =	sdelay $0x1  }
0x91: {  	v1 =	vadd.f32 $-2.000000000e+00, v1;
	v0 =	vmul.f32 v0, v49;
	v41 =	vsub.f32 v42, v58;
	_ =	sdelay $0x1  }
0x92: {  	v1 =	vnsel vm2, $0x7F800000, v1;
	v0 =	vsub.f32 v41, v0  }
0x93: {  	v51 =	vand.u32 $0x7FFFFFFF, v50;
	[tilespmem:$0x580] =	vst v1  }
0x94: {  	[tilespmem:$0x1000] =	vst v51;
	v43 =	vsel vm3, $0x0, v49;
	v0 =	vsel vm4, $0x0, v0  }
0x95: {  	[tilespmem:$0x980] =	vst v43;
	v0 =	vsel vm5, v0, v41  }
0x96: {  	[tilespmem:$0xD80] =	vst v0  }
0x97: {  	v1 =	vld.idx.msk [tilespmem:v2+s14+$0x0], $0xffff;
	_ =	sdelay $0x4  }
0x98: {  	v1 =	vsel vm6, $0x0, v1  }
0x99: {  	v1 =	vadd.f32 v1, v51;
	_ =	sdelay $0x1  }
0x9a: {  	[tilespmem:$0x1000] =	vst v1  }
0x9b: {  	v52 =	vld.idx.msk [tilespmem:v3+s14+$0x0], $0xffff;
	_ =	sdelay $0x4  }
0x9c: {  	v41 =	vsel vm0, $0x0, v52  }
0x9d: {  	v1 =	vadd.f32 v41, v1;
	_ =	sdelay $0x1  }
0x9e: {  	[tilespmem:$0x1000] =	vst v1  }
0x9f: {  	v53 =	vld.idx.msk [tilespmem:v4+s14+$0x0], $0xffff;
	_ =	sdelay $0x2  }
0xa0: {  	v54 =	vld [tilespmem:$0x380];
	_ =	sdelay $0x1  }
0xa1: {  	v41 =	vsel vm1, $0x0, v53  }
0xa2: {  	v1 =	vadd.f32 v41, v1;
	_ =	sdelay $0x1  }
0xa3: {  	v55 =	vand.u32 $0x7FFFFFFF, v54;
	[tilespmem:$0x1000] =	vst v1  }
0xa4: {  	v56 =	vld.idx.msk [tilespmem:v5+s14+$0x0], $0xffff;
	[tilespmem:$0x1000] =	vst v55  }
0xa5: {  	v43 =	vld.idx.msk [tilespmem:v2+s14+$0x0], $0xffff;
	_ =	sdelay $0x4  }
0xa6: {  	v43 =	vsel vm6, $0x0, v43  }
0xa7: {  	v43 =	vadd.f32 v43, v55;
	_ =	sdelay $0x1  }
0xa8: {  	[tilespmem:$0x1000] =	vst v43  }
0xa9: {  	v57 =	vld.idx.msk [tilespmem:v3+s14+$0x0], $0xffff;
	_ =	sdelay $0x4  }
0xaa: {  	v44 =	vsel vm0, $0x0, v57  }
0xab: {  	v43 =	vadd.f32 v44, v43;
	_ =	sdelay $0x1  }
0xac: {  	[tilespmem:$0x1000] =	vst v43  }
0xad: {  	v58 =	vld.idx.msk [tilespmem:v4+s14+$0x0], $0xffff;
	_ =	sdelay $0x4  }
0xae: {  	(erf) = vrcp.f32 v51;
	v44 =	vsel vm1, $0x0, v58  }
0xaf: {  	v43 =	vadd.f32 v44, v43;
	_ =	sdelay $0x1  }
0xb0: {  	[tilespmem:$0x1000] =	vst v43  }
0xb1: {  	v59 =	vld.idx.msk [tilespmem:v5+s14+$0x0], $0xffff;
	_ =	sdelay $0x2  }
0xb2: {  	v42 =	vsel vm2, $0x0, v56  }
0xb3: {  	v1 =	vadd.f32 v42, v1  }
0xb4: {  	v61 =	vpop (erf);
	v60 =	vsel vm2, $0x0, v59  }
0xb5: {  	v62 =	vmul.f32 v61, v55;
	v0 =	vsub.f32 v1, v51;
	v42 =	vadd.f32 v60, v43;
	_ =	sdelay $0x1  }
0xb6: {  	v0 =	vmul.f32 v0, v62;
	v41 =	vsub.f32 v42, v55  }
0xb7: {  	v1 =	vadd.f32 $-2.000000000e+00, v1  }
0xb8: {  	v0 =	vsub.f32 v41, v0  }
0xb9: {  	v1 =	vnsel vm2, $0x7F800000, v1  }
0xba: {  	v63 =	vsel vm3, $0x0, v62;
	[tilespmem:$0x600] =	vst v1;
	v0 =	vsel vm4, $0x0, v0  }
0xbb: {  	[tilespmem:$0xA00] =	vst v63;
	v0 =	vsel vm5, v0, v41  }
0xbc: {  	s13 =	simm.s32 $0x0;
	s1 =	simm.s32 $0x1080;
	[tilespmem:$0xE00] =	vst v0  }
.LBB2_2:
0xbd: {  	p0 =	sne.s32 s13, $0x7E0  }
.Ltmp0:
0xbe: {  	_ = 	snop;
	(pc) =	sbr.rel @p0 .LBB2_2-.Ltmp0, $4  }
0xbf: {  	_ = 	snop  }
0xc0: {  	s21 =	sadd.s32 s13, s9;
	s0 =	simm.s32 $0x0  }
0xc1: {  	[tilespmem:s1], [sflag:$0x1] =	stream.linear.gather [hbm4b:s21+s0], $0x80, $0x38;
	[tilespmem:$0x15080] =	vst v63  }
0xc2: {  	s13 =	sadd.s32 $0x20, s13;
	s1 =	sadd.s32 $0x100, s1  }
0xc3: {  	p0 =	por $0x1, $0x1  }
.LBB2_4:
0xc4: {  	p1 =	seq.s32 s0, $0x2  }
.Ltmp1:
0xc5: {  	s13 =	sand.u32 $0x1, s0;
	(pc) =	sbr.rel @!p1 .LBB2_5-.Ltmp1, $4  }
0xc6: {  	s1 =	sadd.s32 $0x1, s13  }
0xc7: {  	_ =	swait.ge [sflag:s1], $0x2000  }
0xc8: {  	[sflag:s1] =	ssyncset.done $0x0  }
0xc9: {  	s21 =	sadd.s32 $0x1, s0;
	s22 =	sadd.s32 $0x3, s13;
	[sflag:s1] =	ssyncadd.s32 $0xFFFFE000  }
0xca: {  	_ =	swait.ge [sflag:s22], $0x2000  }
0xcb: {  	[sflag:s22] =	ssyncset.done $0x0  }
0xcc: {  	[sflag:s22] =	ssyncadd.s32 $0xFFFFE000  }
0xcd: {  	_ =	swait.ge [sflag:s22], $0x2000  }
0xce: {  	[sflag:s22] =	ssyncset.done $0x0  }
0xcf: {  	[sflag:s22] =	ssyncadd.s32 $0xFFFFE000  }
0xd0: {  	_ =	swait.ge [sflag:s22], $0x2000  }
.Ltmp2:
0xd1: {  	[sflag:s22] =	ssyncset.done $0x0;
	(pc) =	sbr.rel .LBB2_9-.Ltmp2, $4  }
0xd2: {  	[sflag:s22] =	ssyncadd.s32 $0xFFFFE000  }
0xd3: {  	_ =	swait.ge [sflag:s22], $0x2000  }
0xd4: {  	[sflag:s22] =	ssyncset.done $0x0  }
0xd5: {  	[sflag:s22] =	ssyncadd.s32 $0xFFFFE000  }
.LBB2_5:
0xd6: {  	s1 =	simm.s32 $0x1;
	s23 =	sshll.u32 s21, $0xE  }
0xd7: {  	s1 =	simm.s32 @!p0 $0x0;
	s23 =	sadd.s32 s7, s23  }
0xd8: {  	s24 =	sand.u32 $0x1, s21;
	s1 =	sshll.u32 s1, $0x7;
	s25 =	sshrl.u32 s23, $0x3  }
0xd9: {  	s23 =	sadd.s32 $0x1080, s1;
	s1 =	sadd.s32 $0x1, s24;
	s24 =	sadd.s32 s3, s25  }
0xda: {  	s25 =	simm.s32 $0x20;
	s28 =	sadd.s32 $0x0, s24;
	s26 =	sadd.s32 $0x100, s23  }
.LBB2_6:
0xdb: {  	[tilespmem:s23], [sflag:s1] =	stream.linear.gather [hbm4b:s28+s2], $0x80, $0x38;
	[tilespmem:$0x15080] =	vst v63  }
0xdc: {  	s28 =	smov.u32 s25;
	s23 =	smov.u32 s26;
	p1 =	seq.s32 s25, $0x7E0  }
.Ltmp3:
0xdd: {  	s25 =	sadd.s32 $0x20, s25;
	(pc) =	sbr.rel @!p1 .LBB2_6-.Ltmp3, $2  }
0xde: {  	_ =	sdelay $0x2  }
0xdf: {  	s26 =	sadd.s32 $0x100, s26;
	s28 =	sadd.s32 s28, s24  }
0xe0: {  	[tilespmem:s23], [sflag:s1] =	stream.linear.gather [hbm4b:s28+s2], $0x80, $0x38;
	[tilespmem:$0x15080] =	vst v63  }
.LBB2_9:
0xe1: {  	_ =	sdelay $0x3  }
0xe2: {  	v46 =	vld.idx.msk [tilespmem:v6+s15+$0x0], $0xffff  }
0xe3: {  	v45 =	vld.idx.msk [tilespmem:v7+s15+$0x0], $0xffff  }
0xe4: {  	v44 =	vld.idx.msk [tilespmem:v8+s15+$0x0], $0xffff  }
0xe5: {  	v43 =	vld.idx.msk [tilespmem:v9+s15+$0x0], $0xffff  }
0xe6: {  	v42 =	vld.idx.msk [tilespmem:v10+s15+$0x0], $0xffff  }
0xe7: {  	s1 =	sshll.u32 s0, $0x7;
	v48 =	vld.idx.msk [tilespmem:v6+s16+$0x0], $0xffff  }
0xe8: {  	v0 =	vimm.s32 $0x80;
	v49 =	vld.idx.msk [tilespmem:v7+s16+$0x0], $0xffff;
	s1 =	sand.u32 $0x80, s1  }
0xe9: {  	v50 =	vld.idx.msk [tilespmem:v8+s16+$0x0], $0xffff;
	v41 =	vmov s1  }
0xea: {  	s24 =	simm.s32 $0x0;
	v51 =	vld.idx.msk [tilespmem:v9+s16+$0x0], $0xffff  }
0xeb: {  	v52 =	vld.idx.msk [tilespmem:v10+s16+$0x0], $0xffff;
	s5 =	sand.u32 $0x3F00, s24  }
0xec: {  	v59 =	vld.idx.msk [tilespmem:v11+s16+$0x0], $0xffff;
	s26 =	sand.u32 $0x40, s24;
	s1 =	sadd.s32 $0x1080, s5  }
0xed: {  	s23 =	sor.u32 s26, s1;
	v47 =	vld.idx.msk [tilespmem:v0+s15+$0x0], $0xffff  }
0xee: {  	v0 =	vld.idx.msk [tilespmem:v41+s23+$0x0 ss:$0x1], $0xffff  }
0xef: {  	v60 =	vld.idx.msk [tilespmem:v12+s16+$0x0], $0xffff  }
0xf0: {  	v1 =	vld.idx.msk [tilespmem:v6+s17+$0x0], $0xffff  }
0xf1: {  	v63 =	vld.idx.msk [tilespmem:v7+s17+$0x0], $0xffff  }
0xf2: {  	v61 =	vld.idx.msk [tilespmem:v8+s17+$0x0], $0xffff  }
0xf3: {  	v53 =	vld.idx.msk [tilespmem:v9+s17+$0x0], $0xffff;
	v56 =	vmul.f32 v0, v48;
	v57 =	vmul.f32 v0, v49  }
0xf4: {  	v54 =	vld.idx.msk [tilespmem:v10+s17+$0x0], $0xffff;
	v22 =	vimm.s32 $0x88;
	v58 =	vmul.f32 v0, v50;
	v62 =	vmul.f32 v0, v51  }
0xf5: {  	v55 =	vld.idx.msk [tilespmem:v11+s17+$0x0], $0xffff;
	v3 =	vmul.f32 v0, v52;
	v4 =	vmul.f32 v0, v59;
	v2 =	vadd.f32 v56, v1  }
0xf6: {  	vm6 =	vge.f32 v0, v47;
	v13 =	vmul.f32 v0, v60;
	v56 =	vld.idx.msk [tilespmem:v12+s17+$0x0], $0xffff;
	v5 =	vadd.f32 v57, v63  }
0xf7: {  	v57 =	vld.idx.msk [tilespmem:v11+s15+$0x0], $0xffff;
	v14 =	vadd.f32 v58, v61;
	v2 =	vnsel vm6, $0x0, v2;
	vm6 =	vge.f32 v0, v46  }
0xf8: {  	v58 =	vld.idx.msk [tilespmem:v12+s15+$0x0], $0xffff;
	v2 =	vsel vm6, v5, v2;
	vm6 =	vge.f32 v0, v45;
	v5 =	vadd.f32 v62, v53  }
0xf9: {  	s11 =	simm.s32 $0x0;
	s23 =	sshll.u32 s13, $0xF;
	v3 =	vadd.f32 v3, v54;
	v62 =	vld.idx.msk [tilespmem:v22+s17+$0x0], $0xffff;
	v2 =	vsel vm6, v14, v2;
	vm6 =	vge.f32 v0, v44  }
0xfa: {  	s13 =	sand.u32 $0x1800, s11;
	s25 =	sor.u32 $0x5080, s23;
	v4 =	vadd.f32 v4, v55;
	v2 =	vsel vm6, v5, v2;
	vm6 =	vge.f32 v0, v43  }
0xfb: {  	s29 =	simm.s32 $0x0;
	s28 =	sand.u32 $0x400, s24;
	s13 =	sadd.s32 s13, s25;
	v2 =	vsel vm6, v3, v2;
	vm6 =	vge.f32 v0, v42;
	v3 =	vadd.f32 v13, v56  }
0xfc: {  	s29 =	sand.u32 $0x380, s29;
	s13 =	sadd.s32 s28, s13;
	v2 =	vsel vm6, v4, v2;
	vm6 =	vge.f32 v0, v57  }
0xfd: {  	s13 =	sadd.s32 s29, s13;
	v2 =	vsel vm6, v3, v2;
	vm6 =	vge.f32 v0, v58  }
0xfe: {  	s29 =	sor.u32 $0x10, s26;
	s28 =	sadd.s32 s26, s13;
	v0 =	vsel vm6, v62, v2  }
0xff: {  	[tilespmem:s28+$0x0] =	vst v0;
	s28 =	sor.u32 s29, s1  }
0x100: {  	v0 =	vld.idx.msk [tilespmem:v41+s28+$0x0 ss:$0x1], $0xffff;
	_ =	sdelay $0x4  }
0x101: {  	v2 =	vmul.f32 v0, v48;
	v3 =	vmul.f32 v0, v49  }
0x102: {  	v4 =	vmul.f32 v0, v50;
	v5 =	vmul.f32 v0, v51  }
0x103: {  	v13 =	vmul.f32 v0, v52;
	v14 =	vmul.f32 v0, v59;
	v2 =	vadd.f32 v2, v1  }
0x104: {  	vm6 =	vge.f32 v0, v47;
	v22 =	vmul.f32 v0, v60;
	v3 =	vadd.f32 v3, v63  }
0x105: {  	v4 =	vadd.f32 v4, v61;
	v2 =	vnsel vm6, $0x0, v2;
	vm6 =	vge.f32 v0, v46  }
0x106: {  	v2 =	vsel vm6, v3, v2;
	vm6 =	vge.f32 v0, v45;
	v3 =	vadd.f32 v5, v53  }
0x107: {  	v2 =	vsel vm6, v4, v2;
	vm6 =	vge.f32 v0, v44;
	v4 =	vadd.f32 v13, v54  }
0x108: {  	v2 =	vsel vm6, v3, v2;
	vm6 =	vge.f32 v0, v43;
	v3 =	vadd.f32 v14, v55  }
0x109: {  	v2 =	vsel vm6, v4, v2;
	vm6 =	vge.f32 v0, v42;
	v4 =	vadd.f32 v22, v56  }
0x10a: {  	v2 =	vsel vm6, v3, v2;
	vm6 =	vge.f32 v0, v57  }
0x10b: {  	v2 =	vsel vm6, v4, v2;
	vm6 =	vge.f32 v0, v58  }
0x10c: {  	s28 =	sadd.s32 s29, s13;
	s29 =	sor.u32 $0x20, s26;
	v0 =	vsel vm6, v62, v2  }
0x10d: {  	[tilespmem:s28+$0x0] =	vst v0;
	s28 =	sor.u32 s29, s1  }
0x10e: {  	v0 =	vld.idx.msk [tilespmem:v41+s28+$0x0 ss:$0x1], $0xffff;
	_ =	sdelay $0x4  }
0x10f: {  	v2 =	vmul.f32 v0, v48;
	v3 =	vmul.f32 v0, v49  }
0x110: {  	v4 =	vmul.f32 v0, v50;
	v5 =	vmul.f32 v0, v51  }
0x111: {  	v13 =	vmul.f32 v0, v52;
	v14 =	vmul.f32 v0, v59;
	v2 =	vadd.f32 v2, v1  }
0x112: {  	vm6 =	vge.f32 v0, v47;
	v22 =	vmul.f32 v0, v60;
	v3 =	vadd.f32 v3, v63  }
0x113: {  	v4 =	vadd.f32 v4, v61;
	v2 =	vnsel vm6, $0x0, v2;
	vm6 =	vge.f32 v0, v46  }
0x114: {  	v2 =	vsel vm6, v3, v2;
	vm6 =	vge.f32 v0, v45;
	v3 =	vadd.f32 v5, v53  }
0x115: {  	v2 =	vsel vm6, v4, v2;
	vm6 =	vge.f32 v0, v44;
	v4 =	vadd.f32 v13, v54  }
0x116: {  	v2 =	vsel vm6, v3, v2;
	vm6 =	vge.f32 v0, v43;
	v3 =	vadd.f32 v14, v55  }
0x117: {  	v2 =	vsel vm6, v4, v2;
	vm6 =	vge.f32 v0, v42;
	v4 =	vadd.f32 v22, v56  }
0x118: {  	v2 =	vsel vm6, v3, v2;
	vm6 =	vge.f32 v0, v57  }
0x119: {  	v2 =	vsel vm6, v4, v2;
	vm6 =	vge.f32 v0, v58  }
0x11a: {  	s28 =	sadd.s32 s29, s13;
	s29 =	sor.u32 $0x30, s26;
	v0 =	vsel vm6, v62, v2  }
0x11b: {  	s1 =	sor.u32 s29, s1;
	[tilespmem:s28+$0x0] =	vst v0  }
0x11c: {  	v0 =	vld.idx.msk [tilespmem:v41+s1+$0x0 ss:$0x1], $0xffff;
	_ =	sdelay $0x4  }
0x11d: {  	v2 =	vmul.f32 v0, v48;
	v3 =	vmul.f32 v0, v49  }
0x11e: {  	v4 =	vmul.f32 v0, v50;
	v5 =	vmul.f32 v0, v51  }
0x11f: {  	v13 =	vmul.f32 v0, v52;
	v14 =	vmul.f32 v0, v59;
	v2 =	vadd.f32 v2, v1  }
0x120: {  	vm6 =	vge.f32 v0, v47;
	v22 =	vmul.f32 v0, v60;
	v3 =	vadd.f32 v3, v63  }
0x121: {  	v4 =	vadd.f32 v4, v61;
	v2 =	vnsel vm6, $0x0, v2;
	vm6 =	vge.f32 v0, v46  }
0x122: {  	v2 =	vsel vm6, v3, v2;
	vm6 =	vge.f32 v0, v45;
	v3 =	vadd.f32 v5, v53  }
0x123: {  	v2 =	vsel vm6, v4, v2;
	vm6 =	vge.f32 v0, v44;
	v4 =	vadd.f32 v13, v54  }
0x124: {  	v2 =	vsel vm6, v3, v2;
	vm6 =	vge.f32 v0, v43;
	v3 =	vadd.f32 v14, v55  }
0x125: {  	s30 =	simm.s32 $0x1;
	v2 =	vsel vm6, v4, v2;
	vm6 =	vge.f32 v0, v42;
	v4 =	vadd.f32 v22, v56  }
0x126: {  	s31 =	simm.s32 $0x80;
	s26 =	sshll.u32 s0, $0xD;
	s0 =	simm.s32 $0x2;
	v2 =	vsel vm6, v3, v2;
	vm6 =	vge.f32 v0, v57  }
0x127: {  	s26 =	sadd.s32 s8, s26;
	s28 =	sand.u32 $0x3F00, s31;
	s1 =	simm.s32 $0x40;
	v2 =	vsel vm6, v4, v2;
	vm6 =	vge.f32 v0, v58  }
0x128: {  	s13 =	sadd.s32 s29, s13;
	s28 =	sadd.s32 $0x1080, s28;
	s29 =	sand.u32 $0x40, s1;
	v0 =	vsel vm6, v62, v2  }
.LBB2_10:
0x129: {  	p1 =	sne.s32 s0, $0x7F;
	s4 =	sor.u32 s29, s28;
	[tilespmem:s13+$0x0] =	vst v0;
	s24 =	sadd.s32 $0x200, s24  }
0x12a: {  	v0 =	vld.idx.msk [tilespmem:v41+s4+$0x0 ss:$0x1], $0xffff;
	s4 =	smov.u32 s0;
	s0 =	sadd.s32 $0x1, s0;
	_ =	sdelay $0x5  }
0x12b: {  	v2 =	vmul.f32 v0, v48;
	v3 =	vmul.f32 v0, v49  }
0x12c: {  	v4 =	vmul.f32 v0, v50;
	v5 =	vmul.f32 v0, v51  }
0x12d: {  	v13 =	vmul.f32 v0, v52;
	v14 =	vmul.f32 v0, v59;
	v2 =	vadd.f32 v2, v1  }
0x12e: {  	vm6 =	vge.f32 v0, v47;
	v22 =	vmul.f32 v0, v60;
	v3 =	vadd.f32 v3, v63  }
0x12f: {  	v4 =	vadd.f32 v4, v61;
	v2 =	vnsel vm6, $0x0, v2;
	vm6 =	vge.f32 v0, v46  }
0x130: {  	v2 =	vsel vm6, v3, v2;
	vm6 =	vge.f32 v0, v45;
	v3 =	vadd.f32 v5, v53  }
0x131: {  	s13 =	sshll.u32 s30, $0x6;
	v2 =	vsel vm6, v4, v2;
	vm6 =	vge.f32 v0, v44;
	v4 =	vadd.f32 v13, v54  }
0x132: {  	s13 =	sand.u32 $0x1800, s13;
	v2 =	vsel vm6, v3, v2;
	vm6 =	vge.f32 v0, v43;
	v3 =	vadd.f32 v14, v55  }
0x133: {  	s30 =	sshll.u32 s30, $0x5;
	s5 =	sand.u32 $0x400, s24;
	s13 =	sadd.s32 s13, s25;
	v2 =	vsel vm6, v4, v2;
	vm6 =	vge.f32 v0, v42;
	v4 =	vadd.f32 v22, v56  }
0x134: {  	s11 =	sand.u32 $0x380, s30;
	s30 =	smov.u32 s4;
	s5 =	sadd.s32 s5, s13;
	v2 =	vsel vm6, v3, v2;
	vm6 =	vge.f32 v0, v57  }
0x135: {  	s13 =	sadd.s32 s11, s5;
	v2 =	vsel vm6, v4, v2;
	vm6 =	vge.f32 v0, v58  }
0x136: {  	s5 =	sor.u32 $0x10, s29;
	s4 =	sadd.s32 s29, s13;
	v0 =	vsel vm6, v62, v2  }
0x137: {  	[tilespmem:s4+$0x0] =	vst v0;
	s4 =	sor.u32 s5, s28;
	s5 =	sadd.s32 s5, s13  }
0x138: {  	v0 =	vld.idx.msk [tilespmem:v41+s4+$0x0 ss:$0x1], $0xffff;
	_ =	sdelay $0x5  }
0x139: {  	v2 =	vmul.f32 v0, v48;
	v3 =	vmul.f32 v0, v49  }
0x13a: {  	v4 =	vmul.f32 v0, v50;
	v5 =	vmul.f32 v0, v51  }
0x13b: {  	v13 =	vmul.f32 v0, v52;
	v14 =	vmul.f32 v0, v59;
	v2 =	vadd.f32 v2, v1  }
0x13c: {  	vm6 =	vge.f32 v0, v47;
	v22 =	vmul.f32 v0, v60;
	v3 =	vadd.f32 v3, v63  }
0x13d: {  	v4 =	vadd.f32 v4, v61;
	v2 =	vnsel vm6, $0x0, v2;
	vm6 =	vge.f32 v0, v46  }
0x13e: {  	v2 =	vsel vm6, v3, v2;
	vm6 =	vge.f32 v0, v45;
	v3 =	vadd.f32 v5, v53  }
0x13f: {  	v2 =	vsel vm6, v4, v2;
	vm6 =	vge.f32 v0, v44;
	v4 =	vadd.f32 v13, v54  }
0x140: {  	v2 =	vsel vm6, v3, v2;
	vm6 =	vge.f32 v0, v43;
	v3 =	vadd.f32 v14, v55  }
0x141: {  	v2 =	vsel vm6, v4, v2;
	vm6 =	vge.f32 v0, v42;
	v4 =	vadd.f32 v22, v56  }
0x142: {  	v2 =	vsel vm6, v3, v2;
	vm6 =	vge.f32 v0, v57  }
0x143: {  	v2 =	vsel vm6, v4, v2;
	vm6 =	vge.f32 v0, v58  }
0x144: {  	s4 =	sor.u32 $0x20, s29;
	v0 =	vsel vm6, v62, v2  }
0x145: {  	[tilespmem:s5+$0x0] =	vst v0;
	s5 =	sor.u32 s4, s28  }
0x146: {  	v0 =	vld.idx.msk [tilespmem:v41+s5+$0x0 ss:$0x1], $0xffff;
	_ =	sdelay $0x5  }
0x147: {  	v2 =	vmul.f32 v0, v48;
	v3 =	vmul.f32 v0, v49  }
0x148: {  	v4 =	vmul.f32 v0, v50;
	v5 =	vmul.f32 v0, v51  }
0x149: {  	v13 =	vmul.f32 v0, v52;
	v14 =	vmul.f32 v0, v59;
	v2 =	vadd.f32 v2, v1  }
0x14a: {  	vm6 =	vge.f32 v0, v47;
	v22 =	vmul.f32 v0, v60;
	v3 =	vadd.f32 v3, v63  }
0x14b: {  	v4 =	vadd.f32 v4, v61;
	v2 =	vnsel vm6, $0x0, v2;
	vm6 =	vge.f32 v0, v46  }
0x14c: {  	v2 =	vsel vm6, v3, v2;
	vm6 =	vge.f32 v0, v45;
	v3 =	vadd.f32 v5, v53  }
0x14d: {  	v2 =	vsel vm6, v4, v2;
	vm6 =	vge.f32 v0, v44;
	v4 =	vadd.f32 v13, v54  }
0x14e: {  	v2 =	vsel vm6, v3, v2;
	vm6 =	vge.f32 v0, v43;
	v3 =	vadd.f32 v14, v55  }
0x14f: {  	v2 =	vsel vm6, v4, v2;
	vm6 =	vge.f32 v0, v42;
	v4 =	vadd.f32 v22, v56  }
0x150: {  	v2 =	vsel vm6, v3, v2;
	vm6 =	vge.f32 v0, v57  }
0x151: {  	v2 =	vsel vm6, v4, v2;
	vm6 =	vge.f32 v0, v58  }
0x152: {  	s4 =	sadd.s32 s4, s13;
	s5 =	sor.u32 $0x30, s29;
	v0 =	vsel vm6, v62, v2  }
0x153: {  	s13 =	sadd.s32 s5, s13;
	[tilespmem:s4+$0x0] =	vst v0;
	s4 =	sor.u32 s5, s28  }
0x154: {  	v0 =	vld.idx.msk [tilespmem:v41+s4+$0x0 ss:$0x1], $0xffff;
	_ =	sdelay $0x5  }
0x155: {  	v2 =	vmul.f32 v0, v48;
	v3 =	vmul.f32 v0, v49  }
0x156: {  	v4 =	vmul.f32 v0, v50;
	v5 =	vmul.f32 v0, v51  }
0x157: {  	v13 =	vmul.f32 v0, v52;
	v14 =	vmul.f32 v0, v59;
	v2 =	vadd.f32 v2, v1  }
0x158: {  	vm6 =	vge.f32 v0, v47;
	v22 =	vmul.f32 v0, v60;
	v3 =	vadd.f32 v3, v63  }
0x159: {  	v4 =	vadd.f32 v4, v61;
	v2 =	vnsel vm6, $0x0, v2;
	vm6 =	vge.f32 v0, v46  }
0x15a: {  	v2 =	vsel vm6, v3, v2;
	vm6 =	vge.f32 v0, v45;
	v3 =	vadd.f32 v5, v53  }
0x15b: {  	v2 =	vsel vm6, v4, v2;
	vm6 =	vge.f32 v0, v44;
	v4 =	vadd.f32 v13, v54  }
.Ltmp4:
0x15c: {  	v2 =	vsel vm6, v3, v2;
	vm6 =	vge.f32 v0, v43;
	v3 =	vadd.f32 v14, v55;
	(pc) =	sbr.rel @p1 .LBB2_10-.Ltmp4, $4  }
0x15d: {  	v2 =	vsel vm6, v4, v2;
	vm6 =	vge.f32 v0, v42;
	v4 =	vadd.f32 v22, v56  }
0x15e: {  	s31 =	sadd.s32 $0x80, s31;
	v2 =	vsel vm6, v3, v2;
	vm6 =	vge.f32 v0, v57  }
0x15f: {  	s1 =	sadd.s32 $0x40, s1;
	s4 =	sand.u32 $0x3F00, s31;
	v2 =	vsel vm6, v4, v2;
	vm6 =	vge.f32 v0, v58  }
0x160: {  	s29 =	sand.u32 $0x40, s1;
	s28 =	sadd.s32 $0x1080, s4;
	v0 =	vsel vm6, v62, v2  }
0x161: {  	_ =	sdelay $0x2  }
0x162: {  	s0 =	sor.u32 s29, s28;
	[tilespmem:s13+$0x0] =	vst v0  }
0x163: {  	v0 =	vld.idx.msk [tilespmem:v41+s0+$0x0 ss:$0x1], $0xffff;
	_ =	sdelay $0x4  }
0x164: {  	v2 =	vmul.f32 v0, v48;
	v3 =	vmul.f32 v0, v49  }
0x165: {  	v4 =	vmul.f32 v0, v50;
	v5 =	vmul.f32 v0, v51  }
0x166: {  	v13 =	vmul.f32 v0, v52;
	v14 =	vmul.f32 v0, v59;
	v2 =	vadd.f32 v2, v1  }
0x167: {  	vm6 =	vge.f32 v0, v47;
	v22 =	vmul.f32 v0, v60;
	v3 =	vadd.f32 v3, v63  }
0x168: {  	v4 =	vadd.f32 v4, v61;
	v2 =	vnsel vm6, $0x0, v2;
	vm6 =	vge.f32 v0, v46  }
0x169: {  	v2 =	vsel vm6, v3, v2;
	vm6 =	vge.f32 v0, v45;
	v3 =	vadd.f32 v5, v53  }
0x16a: {  	s11 =	sshll.u32 s30, $0x6;
	v2 =	vsel vm6, v4, v2;
	vm6 =	vge.f32 v0, v44;
	v4 =	vadd.f32 v13, v54  }
0x16b: {  	s1 =	sadd.s32 $0x200, s24;
	s0 =	sand.u32 $0x1800, s11;
	v2 =	vsel vm6, v3, v2;
	vm6 =	vge.f32 v0, v43;
	v3 =	vadd.f32 v14, v55  }
0x16c: {  	s4 =	sshll.u32 s30, $0x5;
	s1 =	sand.u32 $0x400, s1;
	s0 =	sadd.s32 s0, s25;
	v2 =	vsel vm6, v4, v2;
	vm6 =	vge.f32 v0, v42;
	v4 =	vadd.f32 v22, v56  }
0x16d: {  	s4 =	sand.u32 $0x380, s4;
	s0 =	sadd.s32 s1, s0;
	v2 =	vsel vm6, v3, v2;
	vm6 =	vge.f32 v0, v57  }
0x16e: {  	s0 =	sadd.s32 s4, s0;
	v2 =	vsel vm6, v4, v2;
	vm6 =	vge.f32 v0, v58  }
0x16f: {  	s24 =	sor.u32 $0x10, s29;
	s13 =	sadd.s32 s29, s0;
	v0 =	vsel vm6, v62, v2  }
0x170: {  	s5 =	sor.u32 s24, s28;
	[tilespmem:s13+$0x0] =	vst v0  }
0x171: {  	v0 =	vld.idx.msk [tilespmem:v41+s5+$0x0 ss:$0x1], $0xffff;
	_ =	sdelay $0x4  }
0x172: {  	v2 =	vmul.f32 v0, v48;
	v3 =	vmul.f32 v0, v49  }
0x173: {  	v4 =	vmul.f32 v0, v50;
	v5 =	vmul.f32 v0, v51  }
0x174: {  	v13 =	vmul.f32 v0, v52;
	v14 =	vmul.f32 v0, v59;
	v2 =	vadd.f32 v2, v1  }
0x175: {  	vm6 =	vge.f32 v0, v47;
	v22 =	vmul.f32 v0, v60;
	v3 =	vadd.f32 v3, v63  }
0x176: {  	v4 =	vadd.f32 v4, v61;
	v2 =	vnsel vm6, $0x0, v2;
	vm6 =	vge.f32 v0, v46  }
0x177: {  	v2 =	vsel vm6, v3, v2;
	vm6 =	vge.f32 v0, v45;
	v3 =	vadd.f32 v5, v53  }
0x178: {  	v2 =	vsel vm6, v4, v2;
	vm6 =	vge.f32 v0, v44;
	v4 =	vadd.f32 v13, v54  }
0x179: {  	v2 =	vsel vm6, v3, v2;
	vm6 =	vge.f32 v0, v43;
	v3 =	vadd.f32 v14, v55  }
0x17a: {  	v2 =	vsel vm6, v4, v2;
	vm6 =	vge.f32 v0, v42;
	v4 =	vadd.f32 v22, v56  }
0x17b: {  	v2 =	vsel vm6, v3, v2;
	vm6 =	vge.f32 v0, v57  }
0x17c: {  	v2 =	vsel vm6, v4, v2;
	vm6 =	vge.f32 v0, v58  }
0x17d: {  	s11 =	sadd.s32 s24, s0;
	s13 =	sor.u32 $0x20, s29;
	v0 =	vsel vm6, v62, v2  }
0x17e: {  	s24 =	sor.u32 s13, s28;
	[tilespmem:s11+$0x0] =	vst v0  }
0x17f: {  	v0 =	vld.idx.msk [tilespmem:v41+s24+$0x0 ss:$0x1], $0xffff;
	_ =	sdelay $0x4  }
0x180: {  	v2 =	vmul.f32 v0, v48;
	v3 =	vmul.f32 v0, v49  }
0x181: {  	v4 =	vmul.f32 v0, v50;
	v5 =	vmul.f32 v0, v51  }
0x182: {  	v13 =	vmul.f32 v0, v52;
	v14 =	vmul.f32 v0, v59;
	v2 =	vadd.f32 v2, v1  }
0x183: {  	vm6 =	vge.f32 v0, v47;
	v22 =	vmul.f32 v0, v60;
	v3 =	vadd.f32 v3, v63  }
0x184: {  	v4 =	vadd.f32 v4, v61;
	v2 =	vnsel vm6, $0x0, v2;
	vm6 =	vge.f32 v0, v46  }
0x185: {  	v2 =	vsel vm6, v3, v2;
	vm6 =	vge.f32 v0, v45;
	v3 =	vadd.f32 v5, v53  }
0x186: {  	v2 =	vsel vm6, v4, v2;
	vm6 =	vge.f32 v0, v44;
	v4 =	vadd.f32 v13, v54  }
0x187: {  	v2 =	vsel vm6, v3, v2;
	vm6 =	vge.f32 v0, v43;
	v3 =	vadd.f32 v14, v55  }
0x188: {  	v2 =	vsel vm6, v4, v2;
	vm6 =	vge.f32 v0, v42;
	v4 =	vadd.f32 v22, v56  }
0x189: {  	v2 =	vsel vm6, v3, v2;
	vm6 =	vge.f32 v0, v57  }
0x18a: {  	v2 =	vsel vm6, v4, v2;
	vm6 =	vge.f32 v0, v58  }
0x18b: {  	s5 =	sadd.s32 s13, s0;
	s11 =	sor.u32 $0x30, s29;
	v0 =	vsel vm6, v62, v2  }
0x18c: {  	s13 =	sor.u32 s11, s28;
	[tilespmem:s5+$0x0] =	vst v0  }
0x18d: {  	v0 =	vld.idx.msk [tilespmem:v41+s13+$0x0 ss:$0x1], $0xffff;
	_ =	sdelay $0x4  }
0x18e: {  	v2 =	vmul.f32 v0, v48;
	v3 =	vmul.f32 v0, v49  }
0x18f: {  	v4 =	vmul.f32 v0, v50;
	v5 =	vmul.f32 v0, v51  }
0x190: {  	v13 =	vmul.f32 v0, v59;
	vm6 =	vge.f32 v0, v47;
	v1 =	vadd.f32 v2, v1  }
0x191: {  	v14 =	vmul.f32 v0, v60;
	v2 =	vmul.f32 v0, v52;
	v3 =	vadd.f32 v3, v63  }
0x192: {  	v4 =	vadd.f32 v4, v61;
	v1 =	vnsel vm6, $0x0, v1;
	vm6 =	vge.f32 v0, v46  }
0x193: {  	v1 =	vsel vm6, v3, v1;
	vm6 =	vge.f32 v0, v45;
	v3 =	vadd.f32 v5, v53  }
0x194: {  	v2 =	vadd.f32 v2, v54;
	v1 =	vsel vm6, v4, v1;
	vm6 =	vge.f32 v0, v44  }
0x195: {  	v1 =	vsel vm6, v3, v1;
	vm6 =	vge.f32 v0, v43;
	v3 =	vadd.f32 v13, v55  }
0x196: {  	s24 =	sand.u32 $0xE0000, s26;
	v1 =	vsel vm6, v2, v1;
	vm6 =	vge.f32 v0, v42;
	v2 =	vadd.f32 v14, v56  }
0x197: {  	s1 =	sadd.s32 s10, s24;
	s5 =	sand.u32 $0x1E000, s26;
	v1 =	vsel vm6, v3, v1;
	vm6 =	vge.f32 v0, v57  }
0x198: {  	s1 =	sor.u32 s5, s1;
	v1 =	vsel vm6, v2, v1;
	vm6 =	vge.f32 v0, v58  }
0x199: {  	s0 =	sadd.s32 s11, s0;
	s1 =	sshrl.u32 s1, $0x3;
	v0 =	vsel vm6, v62, v1  }
0x19a: {  	s26 =	simm.s32 $0x0;
	s24 =	sadd.s32 s6, s1;
	[tilespmem:s0+$0x0] =	vst v0  }
0x19b: {  	[hbm4b:s24+s26] =	stream.linear.scatter [tilespmem:s25], [sflag:s22], $0x2000, $0x38;
	[tilespmem:$0x15080] =	vst v63  }
0x19c: {  	v46 =	vld.idx.msk [tilespmem:v15+s15+$0x0], $0xffff  }
0x19d: {  	v45 =	vld.idx.msk [tilespmem:v16+s15+$0x0], $0xffff  }
0x19e: {  	v0 =	vimm.s32 $0x100;
	v44 =	vld.idx.msk [tilespmem:v17+s15+$0x0], $0xffff  }
0x19f: {  	v43 =	vld.idx.msk [tilespmem:v18+s15+$0x0], $0xffff  }
0x1a0: {  	v42 =	vld.idx.msk [tilespmem:v19+s15+$0x0], $0xffff  }
0x1a1: {  	s4 =	sand.u32 $0x3F00, s26;
	v48 =	vld.idx.msk [tilespmem:v15+s16+$0x0], $0xffff  }
0x1a2: {  	s1 =	sand.u32 $0x40, s26;
	s0 =	sadd.s32 $0x1080, s4;
	v49 =	vld.idx.msk [tilespmem:v16+s16+$0x0], $0xffff  }
0x1a3: {  	s5 =	sor.u32 s1, s0;
	v47 =	vld.idx.msk [tilespmem:v0+s15+$0x0], $0xffff  }
0x1a4: {  	v0 =	vld.idx.msk [tilespmem:v41+s5+$0x0 ss:$0x1], $0xffff  }
0x1a5: {  	v50 =	vld.idx.msk [tilespmem:v17+s16+$0x0], $0xffff  }
0x1a6: {  	v63 =	vld.idx.msk [tilespmem:v15+s17+$0x0], $0xffff  }
0x1a7: {  	v61 =	vld.idx.msk [tilespmem:v16+s17+$0x0], $0xffff  }
0x1a8: {  	v51 =	vld.idx.msk [tilespmem:v18+s16+$0x0], $0xffff  }
0x1a9: {  	v52 =	vld.idx.msk [tilespmem:v19+s16+$0x0], $0xffff;
	v1 =	vmul.f32 v0, v48  }
0x1aa: {  	v57 =	vld.idx.msk [tilespmem:v20+s16+$0x0], $0xffff;
	v2 =	vmul.f32 v0, v49  }
0x1ab: {  	v58 =	vld.idx.msk [tilespmem:v21+s16+$0x0], $0xffff;
	v1 =	vadd.f32 v1, v63  }
0x1ac: {  	v59 =	vld.idx.msk [tilespmem:v17+s17+$0x0], $0xffff;
	vm6 =	vge.f32 v0, v47;
	v2 =	vadd.f32 v2, v61  }
0x1ad: {  	v53 =	vld.idx.msk [tilespmem:v18+s17+$0x0], $0xffff;
	v22 =	vnsel vm6, $0x0, v1;
	vm6 =	vge.f32 v0, v46  }
0x1ae: {  	v54 =	vld.idx.msk [tilespmem:v19+s17+$0x0], $0xffff;
	v2 =	vsel vm6, v2, v22;
	v22 =	vimm.s32 $0x108  }
0x1af: {  	v55 =	vld.idx.msk [tilespmem:v20+s17+$0x0], $0xffff;
	v3 =	vmul.f32 v0, v50  }
0x1b0: {  	v56 =	vld.idx.msk [tilespmem:v21+s17+$0x0], $0xffff;
	v4 =	vmul.f32 v0, v51  }
0x1b1: {  	v60 =	vld.idx.msk [tilespmem:v20+s15+$0x0], $0xffff;
	v5 =	vmul.f32 v0, v52;
	v13 =	vmul.f32 v0, v57;
	v3 =	vadd.f32 v3, v59  }
0x1b2: {  	v14 =	vmul.f32 v0, v58;
	v4 =	vadd.f32 v4, v53;
	v1 =	vld.idx.msk [tilespmem:v21+s15+$0x0], $0xffff;
	vm6 =	vge.f32 v0, v45  }
0x1b3: {  	s11 =	simm.s32 $0x0;
	v2 =	vsel vm6, v3, v2;
	vm6 =	vge.f32 v0, v44;
	v3 =	vadd.f32 v5, v54;
	v62 =	vld.idx.msk [tilespmem:v22+s17+$0x0], $0xffff  }
0x1b4: {  	s4 =	sand.u32 $0x1800, s11;
	s25 =	sadd.s32 $0x7080, s23;
	v2 =	vsel vm6, v4, v2;
	vm6 =	vge.f32 v0, v43;
	v4 =	vadd.f32 v13, v55  }
0x1b5: {  	s13 =	sand.u32 $0x400, s26;
	s11 =	simm.s32 $0x0;
	s4 =	sadd.s32 s4, s25;
	v2 =	vsel vm6, v3, v2;
	vm6 =	vge.f32 v0, v42;
	v3 =	vadd.f32 v14, v56  }
0x1b6: {  	s11 =	sand.u32 $0x380, s11;
	s4 =	sadd.s32 s13, s4;
	v2 =	vsel vm6, v4, v2;
	vm6 =	vge.f32 v0, v60  }
0x1b7: {  	s13 =	sadd.s32 s11, s4;
	v2 =	vsel vm6, v3, v2;
	vm6 =	vge.f32 v0, v1  }
0x1b8: {  	s4 =	sadd.s32 s1, s13;
	s5 =	sor.u32 $0x10, s1;
	v0 =	vsel vm6, v62, v2  }
0x1b9: {  	s11 =	sor.u32 s5, s0;
	[tilespmem:s4+$0x0] =	vst v0  }
0x1ba: {  	v0 =	vld.idx.msk [tilespmem:v41+s11+$0x0 ss:$0x1], $0xffff;
	_ =	sdelay $0x4  }
0x1bb: {  	v2 =	vmul.f32 v0, v48;
	v3 =	vmul.f32 v0, v49  }
0x1bc: {  	v4 =	vmul.f32 v0, v50;
	v5 =	vmul.f32 v0, v51  }
0x1bd: {  	v13 =	vmul.f32 v0, v52;
	v14 =	vmul.f32 v0, v57;
	v2 =	vadd.f32 v2, v63  }
0x1be: {  	vm6 =	vge.f32 v0, v47;
	v22 =	vmul.f32 v0, v58;
	v3 =	vadd.f32 v3, v61  }
0x1bf: {  	v4 =	vadd.f32 v4, v59;
	v2 =	vnsel vm6, $0x0, v2;
	vm6 =	vge.f32 v0, v46  }
0x1c0: {  	v2 =	vsel vm6, v3, v2;
	vm6 =	vge.f32 v0, v45;
	v3 =	vadd.f32 v5, v53  }
0x1c1: {  	v2 =	vsel vm6, v4, v2;
	vm6 =	vge.f32 v0, v44;
	v4 =	vadd.f32 v13, v54  }
0x1c2: {  	v2 =	vsel vm6, v3, v2;
	vm6 =	vge.f32 v0, v43;
	v3 =	vadd.f32 v14, v55  }
0x1c3: {  	v2 =	vsel vm6, v4, v2;
	vm6 =	vge.f32 v0, v42;
	v4 =	vadd.f32 v22, v56  }
0x1c4: {  	v2 =	vsel vm6, v3, v2;
	vm6 =	vge.f32 v0, v60  }
0x1c5: {  	v2 =	vsel vm6, v4, v2;
	vm6 =	vge.f32 v0, v1  }
0x1c6: {  	s11 =	sadd.s32 s5, s13;
	s5 =	sor.u32 $0x20, s1;
	v0 =	vsel vm6, v62, v2  }
0x1c7: {  	[tilespmem:s11+$0x0] =	vst v0;
	s11 =	sor.u32 s5, s0  }
0x1c8: {  	v0 =	vld.idx.msk [tilespmem:v41+s11+$0x0 ss:$0x1], $0xffff;
	_ =	sdelay $0x4  }
0x1c9: {  	v2 =	vmul.f32 v0, v48;
	v3 =	vmul.f32 v0, v49  }
0x1ca: {  	v4 =	vmul.f32 v0, v50;
	v5 =	vmul.f32 v0, v51  }
0x1cb: {  	v13 =	vmul.f32 v0, v52;
	v14 =	vmul.f32 v0, v57;
	v2 =	vadd.f32 v2, v63  }
0x1cc: {  	vm6 =	vge.f32 v0, v47;
	v22 =	vmul.f32 v0, v58;
	v3 =	vadd.f32 v3, v61  }
0x1cd: {  	v4 =	vadd.f32 v4, v59;
	v2 =	vnsel vm6, $0x0, v2;
	vm6 =	vge.f32 v0, v46  }
0x1ce: {  	v2 =	vsel vm6, v3, v2;
	vm6 =	vge.f32 v0, v45;
	v3 =	vadd.f32 v5, v53  }
0x1cf: {  	v2 =	vsel vm6, v4, v2;
	vm6 =	vge.f32 v0, v44;
	v4 =	vadd.f32 v13, v54  }
0x1d0: {  	v2 =	vsel vm6, v3, v2;
	vm6 =	vge.f32 v0, v43;
	v3 =	vadd.f32 v14, v55  }
0x1d1: {  	v2 =	vsel vm6, v4, v2;
	vm6 =	vge.f32 v0, v42;
	v4 =	vadd.f32 v22, v56  }
0x1d2: {  	v2 =	vsel vm6, v3, v2;
	vm6 =	vge.f32 v0, v60  }
0x1d3: {  	v2 =	vsel vm6, v4, v2;
	vm6 =	vge.f32 v0, v1  }
0x1d4: {  	s11 =	sadd.s32 s5, s13;
	s5 =	sor.u32 $0x30, s1;
	v0 =	vsel vm6, v62, v2  }
0x1d5: {  	s0 =	sor.u32 s5, s0;
	[tilespmem:s11+$0x0] =	vst v0  }
0x1d6: {  	v0 =	vld.idx.msk [tilespmem:v41+s0+$0x0 ss:$0x1], $0xffff;
	_ =	sdelay $0x4  }
0x1d7: {  	v2 =	vmul.f32 v0, v48;
	v3 =	vmul.f32 v0, v49  }
0x1d8: {  	v4 =	vmul.f32 v0, v50;
	v5 =	vmul.f32 v0, v51  }
0x1d9: {  	v13 =	vmul.f32 v0, v52;
	v14 =	vmul.f32 v0, v57;
	v2 =	vadd.f32 v2, v63  }
0x1da: {  	vm6 =	vge.f32 v0, v47;
	v22 =	vmul.f32 v0, v58;
	v3 =	vadd.f32 v3, v61  }
0x1db: {  	v4 =	vadd.f32 v4, v59;
	v2 =	vnsel vm6, $0x0, v2;
	vm6 =	vge.f32 v0, v46  }
0x1dc: {  	v2 =	vsel vm6, v3, v2;
	vm6 =	vge.f32 v0, v45;
	v3 =	vadd.f32 v5, v53  }
0x1dd: {  	v2 =	vsel vm6, v4, v2;
	vm6 =	vge.f32 v0, v44;
	v4 =	vadd.f32 v13, v54  }
0x1de: {  	v2 =	vsel vm6, v3, v2;
	vm6 =	vge.f32 v0, v43;
	v3 =	vadd.f32 v14, v55  }
0x1df: {  	v2 =	vsel vm6, v4, v2;
	vm6 =	vge.f32 v0, v42;
	v4 =	vadd.f32 v22, v56  }
0x1e0: {  	s30 =	simm.s32 $0x1;
	s31 =	simm.s32 $0x80;
	v2 =	vsel vm6, v3, v2;
	vm6 =	vge.f32 v0, v60  }
0x1e1: {  	s1 =	simm.s32 $0x40;
	s13 =	sadd.s32 s5, s13;
	s11 =	sand.u32 $0x3F00, s31;
	v2 =	vsel vm6, v4, v2;
	vm6 =	vge.f32 v0, v1  }
0x1e2: {  	s29 =	sand.u32 $0x40, s1;
	s0 =	simm.s32 $0x2;
	s28 =	sadd.s32 $0x1080, s11;
	v0 =	vsel vm6, v62, v2  }
.LBB2_12:
0x1e3: {  	p1 =	sne.s32 s0, $0x7F;
	s4 =	sor.u32 s29, s28;
	[tilespmem:s13+$0x0] =	vst v0;
	s26 =	sadd.s32 $0x200, s26  }
0x1e4: {  	v0 =	vld.idx.msk [tilespmem:v41+s4+$0x0 ss:$0x1], $0xffff;
	s4 =	smov.u32 s0;
	s0 =	sadd.s32 $0x1, s0;
	_ =	sdelay $0x5  }
0x1e5: {  	v2 =	vmul.f32 v0, v48;
	v3 =	vmul.f32 v0, v49  }
0x1e6: {  	v4 =	vmul.f32 v0, v50;
	v5 =	vmul.f32 v0, v51  }
0x1e7: {  	v13 =	vmul.f32 v0, v52;
	v14 =	vmul.f32 v0, v57;
	v2 =	vadd.f32 v2, v63  }
0x1e8: {  	vm6 =	vge.f32 v0, v47;
	v22 =	vmul.f32 v0, v58;
	v3 =	vadd.f32 v3, v61  }
0x1e9: {  	v4 =	vadd.f32 v4, v59;
	v2 =	vnsel vm6, $0x0, v2;
	vm6 =	vge.f32 v0, v46  }
0x1ea: {  	v2 =	vsel vm6, v3, v2;
	vm6 =	vge.f32 v0, v45;
	v3 =	vadd.f32 v5, v53  }
0x1eb: {  	s5 =	sshll.u32 s30, $0x6;
	v2 =	vsel vm6, v4, v2;
	vm6 =	vge.f32 v0, v44;
	v4 =	vadd.f32 v13, v54  }
0x1ec: {  	s5 =	sand.u32 $0x1800, s5;
	v2 =	vsel vm6, v3, v2;
	vm6 =	vge.f32 v0, v43;
	v3 =	vadd.f32 v14, v55  }
0x1ed: {  	s13 =	sshll.u32 s30, $0x5;
	s11 =	sand.u32 $0x400, s26;
	s5 =	sadd.s32 s5, s25;
	v2 =	vsel vm6, v4, v2;
	vm6 =	vge.f32 v0, v42;
	v4 =	vadd.f32 v22, v56  }
0x1ee: {  	s13 =	sand.u32 $0x380, s13;
	s30 =	smov.u32 s4;
	s5 =	sadd.s32 s11, s5;
	v2 =	vsel vm6, v3, v2;
	vm6 =	vge.f32 v0, v60  }
0x1ef: {  	s13 =	sadd.s32 s13, s5;
	v2 =	vsel vm6, v4, v2;
	vm6 =	vge.f32 v0, v1  }
0x1f0: {  	s5 =	sor.u32 $0x10, s29;
	s4 =	sadd.s32 s29, s13;
	v0 =	vsel vm6, v62, v2  }
0x1f1: {  	[tilespmem:s4+$0x0] =	vst v0;
	s4 =	sor.u32 s5, s28;
	s5 =	sadd.s32 s5, s13  }
0x1f2: {  	v0 =	vld.idx.msk [tilespmem:v41+s4+$0x0 ss:$0x1], $0xffff;
	_ =	sdelay $0x5  }
0x1f3: {  	v2 =	vmul.f32 v0, v48;
	v3 =	vmul.f32 v0, v49  }
0x1f4: {  	v4 =	vmul.f32 v0, v50;
	v5 =	vmul.f32 v0, v51  }
0x1f5: {  	v13 =	vmul.f32 v0, v52;
	v14 =	vmul.f32 v0, v57;
	v2 =	vadd.f32 v2, v63  }
0x1f6: {  	vm6 =	vge.f32 v0, v47;
	v22 =	vmul.f32 v0, v58;
	v3 =	vadd.f32 v3, v61  }
0x1f7: {  	v4 =	vadd.f32 v4, v59;
	v2 =	vnsel vm6, $0x0, v2;
	vm6 =	vge.f32 v0, v46  }
0x1f8: {  	v2 =	vsel vm6, v3, v2;
	vm6 =	vge.f32 v0, v45;
	v3 =	vadd.f32 v5, v53  }
0x1f9: {  	v2 =	vsel vm6, v4, v2;
	vm6 =	vge.f32 v0, v44;
	v4 =	vadd.f32 v13, v54  }
0x1fa: {  	v2 =	vsel vm6, v3, v2;
	vm6 =	vge.f32 v0, v43;
	v3 =	vadd.f32 v14, v55  }
0x1fb: {  	v2 =	vsel vm6, v4, v2;
	vm6 =	vge.f32 v0, v42;
	v4 =	vadd.f32 v22, v56  }
0x1fc: {  	v2 =	vsel vm6, v3, v2;
	vm6 =	vge.f32 v0, v60  }
0x1fd: {  	v2 =	vsel vm6, v4, v2;
	vm6 =	vge.f32 v0, v1  }
0x1fe: {  	s4 =	sor.u32 $0x20, s29;
	v0 =	vsel vm6, v62, v2  }
0x1ff: {  	[tilespmem:s5+$0x0] =	vst v0;
	s5 =	sor.u32 s4, s28  }
0x200: {  	v0 =	vld.idx.msk [tilespmem:v41+s5+$0x0 ss:$0x1], $0xffff;
	_ =	sdelay $0x5  }
0x201: {  	v2 =	vmul.f32 v0, v48;
	v3 =	vmul.f32 v0, v49  }
0x202: {  	v4 =	vmul.f32 v0, v50;
	v5 =	vmul.f32 v0, v51  }
0x203: {  	v13 =	vmul.f32 v0, v52;
	v14 =	vmul.f32 v0, v57;
	v2 =	vadd.f32 v2, v63  }
0x204: {  	vm6 =	vge.f32 v0, v47;
	v22 =	vmul.f32 v0, v58;
	v3 =	vadd.f32 v3, v61  }
0x205: {  	v4 =	vadd.f32 v4, v59;
	v2 =	vnsel vm6, $0x0, v2;
	vm6 =	vge.f32 v0, v46  }
0x206: {  	v2 =	vsel vm6, v3, v2;
	vm6 =	vge.f32 v0, v45;
	v3 =	vadd.f32 v5, v53  }
0x207: {  	v2 =	vsel vm6, v4, v2;
	vm6 =	vge.f32 v0, v44;
	v4 =	vadd.f32 v13, v54  }
0x208: {  	v2 =	vsel vm6, v3, v2;
	vm6 =	vge.f32 v0, v43;
	v3 =	vadd.f32 v14, v55  }
0x209: {  	v2 =	vsel vm6, v4, v2;
	vm6 =	vge.f32 v0, v42;
	v4 =	vadd.f32 v22, v56  }
0x20a: {  	v2 =	vsel vm6, v3, v2;
	vm6 =	vge.f32 v0, v60  }
0x20b: {  	v2 =	vsel vm6, v4, v2;
	vm6 =	vge.f32 v0, v1  }
0x20c: {  	s4 =	sadd.s32 s4, s13;
	s5 =	sor.u32 $0x30, s29;
	v0 =	vsel vm6, v62, v2  }
0x20d: {  	s13 =	sadd.s32 s5, s13;
	[tilespmem:s4+$0x0] =	vst v0;
	s4 =	sor.u32 s5, s28  }
0x20e: {  	v0 =	vld.idx.msk [tilespmem:v41+s4+$0x0 ss:$0x1], $0xffff;
	_ =	sdelay $0x5  }
0x20f: {  	v2 =	vmul.f32 v0, v48;
	v3 =	vmul.f32 v0, v49  }
0x210: {  	v4 =	vmul.f32 v0, v50;
	v5 =	vmul.f32 v0, v51  }
0x211: {  	v13 =	vmul.f32 v0, v52;
	v14 =	vmul.f32 v0, v57;
	v2 =	vadd.f32 v2, v63  }
0x212: {  	vm6 =	vge.f32 v0, v47;
	v22 =	vmul.f32 v0, v58;
	v3 =	vadd.f32 v3, v61  }
0x213: {  	v4 =	vadd.f32 v4, v59;
	v2 =	vnsel vm6, $0x0, v2;
	vm6 =	vge.f32 v0, v46  }
0x214: {  	v2 =	vsel vm6, v3, v2;
	vm6 =	vge.f32 v0, v45;
	v3 =	vadd.f32 v5, v53  }
0x215: {  	v2 =	vsel vm6, v4, v2;
	vm6 =	vge.f32 v0, v44;
	v4 =	vadd.f32 v13, v54  }
.Ltmp5:
0x216: {  	v2 =	vsel vm6, v3, v2;
	vm6 =	vge.f32 v0, v43;
	v3 =	vadd.f32 v14, v55;
	(pc) =	sbr.rel @p1 .LBB2_12-.Ltmp5, $4  }
0x217: {  	v2 =	vsel vm6, v4, v2;
	vm6 =	vge.f32 v0, v42;
	v4 =	vadd.f32 v22, v56  }
0x218: {  	s31 =	sadd.s32 $0x80, s31;
	v2 =	vsel vm6, v3, v2;
	vm6 =	vge.f32 v0, v60  }
0x219: {  	s1 =	sadd.s32 $0x40, s1;
	s4 =	sand.u32 $0x3F00, s31;
	v2 =	vsel vm6, v4, v2;
	vm6 =	vge.f32 v0, v1  }
0x21a: {  	s29 =	sand.u32 $0x40, s1;
	s28 =	sadd.s32 $0x1080, s4;
	v0 =	vsel vm6, v62, v2  }
0x21b: {  	_ =	sdelay $0x2  }
0x21c: {  	s0 =	sor.u32 s29, s28;
	[tilespmem:s13+$0x0] =	vst v0  }
0x21d: {  	v0 =	vld.idx.msk [tilespmem:v41+s0+$0x0 ss:$0x1], $0xffff;
	_ =	sdelay $0x4  }
0x21e: {  	v2 =	vmul.f32 v0, v48;
	v3 =	vmul.f32 v0, v49  }
0x21f: {  	v4 =	vmul.f32 v0, v50;
	v5 =	vmul.f32 v0, v51  }
0x220: {  	v13 =	vmul.f32 v0, v52;
	v14 =	vmul.f32 v0, v57;
	v2 =	vadd.f32 v2, v63  }
0x221: {  	vm6 =	vge.f32 v0, v47;
	v22 =	vmul.f32 v0, v58;
	v3 =	vadd.f32 v3, v61  }
0x222: {  	v4 =	vadd.f32 v4, v59;
	v2 =	vnsel vm6, $0x0, v2;
	vm6 =	vge.f32 v0, v46  }
0x223: {  	v2 =	vsel vm6, v3, v2;
	vm6 =	vge.f32 v0, v45;
	v3 =	vadd.f32 v5, v53  }
0x224: {  	s5 =	sshll.u32 s30, $0x6;
	v2 =	vsel vm6, v4, v2;
	vm6 =	vge.f32 v0, v44;
	v4 =	vadd.f32 v13, v54  }
0x225: {  	s1 =	sadd.s32 $0x200, s26;
	s0 =	sand.u32 $0x1800, s5;
	v2 =	vsel vm6, v3, v2;
	vm6 =	vge.f32 v0, v43;
	v3 =	vadd.f32 v14, v55  }
0x226: {  	s4 =	sshll.u32 s30, $0x5;
	s1 =	sand.u32 $0x400, s1;
	s0 =	sadd.s32 s0, s25;
	v2 =	vsel vm6, v4, v2;
	vm6 =	vge.f32 v0, v42;
	v4 =	vadd.f32 v22, v56  }
0x227: {  	s4 =	sand.u32 $0x380, s4;
	s0 =	sadd.s32 s1, s0;
	v2 =	vsel vm6, v3, v2;
	vm6 =	vge.f32 v0, v60  }
0x228: {  	s0 =	sadd.s32 s4, s0;
	v2 =	vsel vm6, v4, v2;
	vm6 =	vge.f32 v0, v1  }
0x229: {  	s13 =	sor.u32 $0x10, s29;
	s11 =	sadd.s32 s29, s0;
	v0 =	vsel vm6, v62, v2  }
0x22a: {  	s26 =	sor.u32 s13, s28;
	[tilespmem:s11+$0x0] =	vst v0  }
0x22b: {  	v0 =	vld.idx.msk [tilespmem:v41+s26+$0x0 ss:$0x1], $0xffff;
	_ =	sdelay $0x4  }
0x22c: {  	v2 =	vmul.f32 v0, v48;
	v3 =	vmul.f32 v0, v49  }
0x22d: {  	v4 =	vmul.f32 v0, v50;
	v5 =	vmul.f32 v0, v51  }
0x22e: {  	v13 =	vmul.f32 v0, v52;
	v14 =	vmul.f32 v0, v57;
	v2 =	vadd.f32 v2, v63  }
0x22f: {  	vm6 =	vge.f32 v0, v47;
	v22 =	vmul.f32 v0, v58;
	v3 =	vadd.f32 v3, v61  }
0x230: {  	v4 =	vadd.f32 v4, v59;
	v2 =	vnsel vm6, $0x0, v2;
	vm6 =	vge.f32 v0, v46  }
0x231: {  	v2 =	vsel vm6, v3, v2;
	vm6 =	vge.f32 v0, v45;
	v3 =	vadd.f32 v5, v53  }
0x232: {  	v2 =	vsel vm6, v4, v2;
	vm6 =	vge.f32 v0, v44;
	v4 =	vadd.f32 v13, v54  }
0x233: {  	v2 =	vsel vm6, v3, v2;
	vm6 =	vge.f32 v0, v43;
	v3 =	vadd.f32 v14, v55  }
0x234: {  	v2 =	vsel vm6, v4, v2;
	vm6 =	vge.f32 v0, v42;
	v4 =	vadd.f32 v22, v56  }
0x235: {  	v2 =	vsel vm6, v3, v2;
	vm6 =	vge.f32 v0, v60  }
0x236: {  	v2 =	vsel vm6, v4, v2;
	vm6 =	vge.f32 v0, v1  }
0x237: {  	s5 =	sor.u32 $0x20, s29;
	s4 =	sadd.s32 s13, s0;
	v0 =	vsel vm6, v62, v2  }
0x238: {  	s11 =	sor.u32 s5, s28;
	[tilespmem:s4+$0x0] =	vst v0  }
0x239: {  	v0 =	vld.idx.msk [tilespmem:v41+s11+$0x0 ss:$0x1], $0xffff;
	_ =	sdelay $0x4  }
0x23a: {  	v2 =	vmul.f32 v0, v48;
	v3 =	vmul.f32 v0, v49  }
0x23b: {  	v4 =	vmul.f32 v0, v50;
	v5 =	vmul.f32 v0, v51  }
0x23c: {  	v13 =	vmul.f32 v0, v52;
	v14 =	vmul.f32 v0, v57;
	v2 =	vadd.f32 v2, v63  }
0x23d: {  	vm6 =	vge.f32 v0, v47;
	v22 =	vmul.f32 v0, v58;
	v3 =	vadd.f32 v3, v61  }
0x23e: {  	v4 =	vadd.f32 v4, v59;
	v2 =	vnsel vm6, $0x0, v2;
	vm6 =	vge.f32 v0, v46  }
0x23f: {  	v2 =	vsel vm6, v3, v2;
	vm6 =	vge.f32 v0, v45;
	v3 =	vadd.f32 v5, v53  }
0x240: {  	v2 =	vsel vm6, v4, v2;
	vm6 =	vge.f32 v0, v44;
	v4 =	vadd.f32 v13, v54  }
0x241: {  	v2 =	vsel vm6, v3, v2;
	vm6 =	vge.f32 v0, v43;
	v3 =	vadd.f32 v14, v55  }
0x242: {  	v2 =	vsel vm6, v4, v2;
	vm6 =	vge.f32 v0, v42;
	v4 =	vadd.f32 v22, v56  }
0x243: {  	v2 =	vsel vm6, v3, v2;
	vm6 =	vge.f32 v0, v60  }
0x244: {  	v2 =	vsel vm6, v4, v2;
	vm6 =	vge.f32 v0, v1  }
0x245: {  	s13 =	sadd.s32 s5, s0;
	s26 =	sor.u32 $0x30, s29;
	v0 =	vsel vm6, v62, v2  }
0x246: {  	s5 =	sor.u32 s26, s28;
	[tilespmem:s13+$0x0] =	vst v0  }
0x247: {  	v0 =	vld.idx.msk [tilespmem:v41+s5+$0x0 ss:$0x1], $0xffff;
	_ =	sdelay $0x4  }
0x248: {  	v2 =	vmul.f32 v0, v48;
	v3 =	vmul.f32 v0, v49  }
0x249: {  	v4 =	vmul.f32 v0, v50;
	v5 =	vmul.f32 v0, v51  }
0x24a: {  	v13 =	vmul.f32 v0, v52;
	v14 =	vmul.f32 v0, v57;
	v2 =	vadd.f32 v2, v63  }
0x24b: {  	vm6 =	vge.f32 v0, v47;
	v22 =	vmul.f32 v0, v58;
	v3 =	vadd.f32 v3, v61  }
0x24c: {  	v4 =	vadd.f32 v4, v59;
	v2 =	vnsel vm6, $0x0, v2;
	vm6 =	vge.f32 v0, v46  }
0x24d: {  	v2 =	vsel vm6, v3, v2;
	vm6 =	vge.f32 v0, v45;
	v3 =	vadd.f32 v5, v53  }
0x24e: {  	v2 =	vsel vm6, v4, v2;
	vm6 =	vge.f32 v0, v44;
	v4 =	vadd.f32 v13, v54  }
0x24f: {  	v2 =	vsel vm6, v3, v2;
	vm6 =	vge.f32 v0, v43;
	v3 =	vadd.f32 v14, v55  }
0x250: {  	v2 =	vsel vm6, v4, v2;
	vm6 =	vge.f32 v0, v42;
	v4 =	vadd.f32 v22, v56  }
0x251: {  	v2 =	vsel vm6, v3, v2;
	vm6 =	vge.f32 v0, v60  }
0x252: {  	v2 =	vsel vm6, v4, v2;
	vm6 =	vge.f32 v0, v1  }
0x253: {  	s0 =	sadd.s32 s26, s0;
	v0 =	vsel vm6, v62, v2  }
0x254: {  	s26 =	simm.s32 $0x0;
	s11 =	sadd.s32 $0xC000, s24;
	[tilespmem:s0+$0x0] =	vst v0  }
0x255: {  	[hbm4b:s11+s26] =	stream.linear.scatter [tilespmem:s25], [sflag:s22], $0x2000, $0x38;
	[tilespmem:$0x15080] =	vst v63  }
0x256: {  	v47 =	vld.idx.msk [tilespmem:v23+s15+$0x0], $0xffff  }
0x257: {  	v46 =	vld.idx.msk [tilespmem:v24+s15+$0x0], $0xffff  }
0x258: {  	v45 =	vld.idx.msk [tilespmem:v25+s15+$0x0], $0xffff  }
0x259: {  	v44 =	vld.idx.msk [tilespmem:v26+s15+$0x0], $0xffff  }
0x25a: {  	v43 =	vld.idx.msk [tilespmem:v27+s15+$0x0], $0xffff  }
0x25b: {  	v42 =	vld.idx.msk [tilespmem:v28+s15+$0x0], $0xffff  }
0x25c: {  	v48 =	vld.idx.msk [tilespmem:v24+s16+$0x0], $0xffff  }
0x25d: {  	v49 =	vld.idx.msk [tilespmem:v25+s16+$0x0], $0xffff  }
0x25e: {  	v50 =	vld.idx.msk [tilespmem:v26+s16+$0x0], $0xffff  }
0x25f: {  	s13 =	sand.u32 $0x3F00, s26;
	v51 =	vld.idx.msk [tilespmem:v27+s16+$0x0], $0xffff  }
0x260: {  	s1 =	sand.u32 $0x40, s26;
	s0 =	sadd.s32 $0x1080, s13;
	v52 =	vld.idx.msk [tilespmem:v28+s16+$0x0], $0xffff  }
0x261: {  	s25 =	sor.u32 s1, s0;
	v57 =	vld.idx.msk [tilespmem:v29+s16+$0x0], $0xffff  }
0x262: {  	v0 =	vld.idx.msk [tilespmem:v41+s25+$0x0 ss:$0x1], $0xffff  }
0x263: {  	v58 =	vld.idx.msk [tilespmem:v30+s16+$0x0], $0xffff  }
0x264: {  	v63 =	vld.idx.msk [tilespmem:v24+s17+$0x0], $0xffff  }
0x265: {  	v61 =	vld.idx.msk [tilespmem:v25+s17+$0x0], $0xffff  }
0x266: {  	v59 =	vld.idx.msk [tilespmem:v26+s17+$0x0], $0xffff  }
0x267: {  	v53 =	vld.idx.msk [tilespmem:v27+s17+$0x0], $0xffff;
	v1 =	vmul.f32 v0, v48;
	v2 =	vmul.f32 v0, v49  }
0x268: {  	v54 =	vld.idx.msk [tilespmem:v28+s17+$0x0], $0xffff;
	v3 =	vmul.f32 v0, v50;
	v4 =	vmul.f32 v0, v51  }
0x269: {  	v55 =	vld.idx.msk [tilespmem:v29+s17+$0x0], $0xffff;
	v5 =	vmul.f32 v0, v52;
	v13 =	vmul.f32 v0, v57;
	v1 =	vadd.f32 v1, v63  }
0x26a: {  	v56 =	vld.idx.msk [tilespmem:v30+s17+$0x0], $0xffff;
	vm6 =	vge.f32 v0, v47;
	v14 =	vmul.f32 v0, v58;
	v2 =	vadd.f32 v2, v61  }
0x26b: {  	v60 =	vld.idx.msk [tilespmem:v29+s15+$0x0], $0xffff;
	v3 =	vadd.f32 v3, v59;
	v22 =	vnsel vm6, $0x0, v1;
	vm6 =	vge.f32 v0, v46  }
0x26c: {  	v4 =	vadd.f32 v4, v53;
	v1 =	vld.idx.msk [tilespmem:v30+s15+$0x0], $0xffff;
	v2 =	vsel vm6, v2, v22;
	vm6 =	vge.f32 v0, v45  }
0x26d: {  	s5 =	simm.s32 $0x0;
	v62 =	vld.idx.msk [tilespmem:v31+s17+$0x0], $0xffff;
	v2 =	vsel vm6, v3, v2;
	vm6 =	vge.f32 v0, v44;
	v3 =	vadd.f32 v5, v54  }
0x26e: {  	s4 =	sand.u32 $0x1800, s5;
	s25 =	sadd.s32 $0x9080, s23;
	v2 =	vsel vm6, v4, v2;
	vm6 =	vge.f32 v0, v43;
	v4 =	vadd.f32 v13, v55  }
0x26f: {  	s5 =	sand.u32 $0x400, s26;
	s11 =	simm.s32 $0x0;
	s4 =	sadd.s32 s4, s25;
	v2 =	vsel vm6, v3, v2;
	vm6 =	vge.f32 v0, v42;
	v3 =	vadd.f32 v14, v56  }
0x270: {  	s11 =	sand.u32 $0x380, s11;
	s4 =	sadd.s32 s5, s4;
	v2 =	vsel vm6, v4, v2;
	vm6 =	vge.f32 v0, v60  }
0x271: {  	s13 =	sadd.s32 s11, s4;
	v2 =	vsel vm6, v3, v2;
	vm6 =	vge.f32 v0, v1  }
0x272: {  	s5 =	sor.u32 $0x10, s1;
	s4 =	sadd.s32 s1, s13;
	v0 =	vsel vm6, v62, v2  }
0x273: {  	s11 =	sor.u32 s5, s0;
	[tilespmem:s4+$0x0] =	vst v0  }
0x274: {  	v0 =	vld.idx.msk [tilespmem:v41+s11+$0x0 ss:$0x1], $0xffff;
	_ =	sdelay $0x4  }
0x275: {  	v2 =	vmul.f32 v0, v48;
	v3 =	vmul.f32 v0, v49  }
0x276: {  	v4 =	vmul.f32 v0, v50;
	v5 =	vmul.f32 v0, v51  }
0x277: {  	v13 =	vmul.f32 v0, v52;
	v14 =	vmul.f32 v0, v57;
	v2 =	vadd.f32 v2, v63  }
0x278: {  	vm6 =	vge.f32 v0, v47;
	v22 =	vmul.f32 v0, v58;
	v3 =	vadd.f32 v3, v61  }
0x279: {  	v4 =	vadd.f32 v4, v59;
	v2 =	vnsel vm6, $0x0, v2;
	vm6 =	vge.f32 v0, v46  }
0x27a: {  	v2 =	vsel vm6, v3, v2;
	vm6 =	vge.f32 v0, v45;
	v3 =	vadd.f32 v5, v53  }
0x27b: {  	v2 =	vsel vm6, v4, v2;
	vm6 =	vge.f32 v0, v44;
	v4 =	vadd.f32 v13, v54  }
0x27c: {  	v2 =	vsel vm6, v3, v2;
	vm6 =	vge.f32 v0, v43;
	v3 =	vadd.f32 v14, v55  }
0x27d: {  	v2 =	vsel vm6, v4, v2;
	vm6 =	vge.f32 v0, v42;
	v4 =	vadd.f32 v22, v56  }
0x27e: {  	v2 =	vsel vm6, v3, v2;
	vm6 =	vge.f32 v0, v60  }
0x27f: {  	v2 =	vsel vm6, v4, v2;
	vm6 =	vge.f32 v0, v1  }
0x280: {  	s11 =	sadd.s32 s5, s13;
	s5 =	sor.u32 $0x20, s1;
	v0 =	vsel vm6, v62, v2  }
0x281: {  	[tilespmem:s11+$0x0] =	vst v0;
	s11 =	sor.u32 s5, s0  }
0x282: {  	v0 =	vld.idx.msk [tilespmem:v41+s11+$0x0 ss:$0x1], $0xffff;
	_ =	sdelay $0x4  }
0x283: {  	v2 =	vmul.f32 v0, v48;
	v3 =	vmul.f32 v0, v49  }
0x284: {  	v4 =	vmul.f32 v0, v50;
	v5 =	vmul.f32 v0, v51  }
0x285: {  	v13 =	vmul.f32 v0, v52;
	v14 =	vmul.f32 v0, v57;
	v2 =	vadd.f32 v2, v63  }
0x286: {  	vm6 =	vge.f32 v0, v47;
	v22 =	vmul.f32 v0, v58;
	v3 =	vadd.f32 v3, v61  }
0x287: {  	v4 =	vadd.f32 v4, v59;
	v2 =	vnsel vm6, $0x0, v2;
	vm6 =	vge.f32 v0, v46  }
0x288: {  	v2 =	vsel vm6, v3, v2;
	vm6 =	vge.f32 v0, v45;
	v3 =	vadd.f32 v5, v53  }
0x289: {  	v2 =	vsel vm6, v4, v2;
	vm6 =	vge.f32 v0, v44;
	v4 =	vadd.f32 v13, v54  }
0x28a: {  	v2 =	vsel vm6, v3, v2;
	vm6 =	vge.f32 v0, v43;
	v3 =	vadd.f32 v14, v55  }
0x28b: {  	v2 =	vsel vm6, v4, v2;
	vm6 =	vge.f32 v0, v42;
	v4 =	vadd.f32 v22, v56  }
0x28c: {  	v2 =	vsel vm6, v3, v2;
	vm6 =	vge.f32 v0, v60  }
0x28d: {  	v2 =	vsel vm6, v4, v2;
	vm6 =	vge.f32 v0, v1  }
0x28e: {  	s11 =	sadd.s32 s5, s13;
	s5 =	sor.u32 $0x30, s1;
	v0 =	vsel vm6, v62, v2  }
0x28f: {  	s0 =	sor.u32 s5, s0;
	[tilespmem:s11+$0x0] =	vst v0  }
0x290: {  	v0 =	vld.idx.msk [tilespmem:v41+s0+$0x0 ss:$0x1], $0xffff;
	_ =	sdelay $0x4  }
0x291: {  	v2 =	vmul.f32 v0, v48;
	v3 =	vmul.f32 v0, v49  }
0x292: {  	v4 =	vmul.f32 v0, v50;
	v5 =	vmul.f32 v0, v51  }
0x293: {  	v13 =	vmul.f32 v0, v52;
	v14 =	vmul.f32 v0, v57;
	v2 =	vadd.f32 v2, v63  }
0x294: {  	vm6 =	vge.f32 v0, v47;
	v22 =	vmul.f32 v0, v58;
	v3 =	vadd.f32 v3, v61  }
0x295: {  	v4 =	vadd.f32 v4, v59;
	v2 =	vnsel vm6, $0x0, v2;
	vm6 =	vge.f32 v0, v46  }
0x296: {  	v2 =	vsel vm6, v3, v2;
	vm6 =	vge.f32 v0, v45;
	v3 =	vadd.f32 v5, v53  }
0x297: {  	v2 =	vsel vm6, v4, v2;
	vm6 =	vge.f32 v0, v44;
	v4 =	vadd.f32 v13, v54  }
0x298: {  	v2 =	vsel vm6, v3, v2;
	vm6 =	vge.f32 v0, v43;
	v3 =	vadd.f32 v14, v55  }
0x299: {  	v2 =	vsel vm6, v4, v2;
	vm6 =	vge.f32 v0, v42;
	v4 =	vadd.f32 v22, v56  }
0x29a: {  	s30 =	simm.s32 $0x1;
	s31 =	simm.s32 $0x80;
	v2 =	vsel vm6, v3, v2;
	vm6 =	vge.f32 v0, v60  }
0x29b: {  	s1 =	simm.s32 $0x40;
	s13 =	sadd.s32 s5, s13;
	s11 =	sand.u32 $0x3F00, s31;
	v2 =	vsel vm6, v4, v2;
	vm6 =	vge.f32 v0, v1  }
0x29c: {  	s29 =	sand.u32 $0x40, s1;
	s0 =	simm.s32 $0x2;
	s28 =	sadd.s32 $0x1080, s11;
	v0 =	vsel vm6, v62, v2  }
.LBB2_14:
0x29d: {  	p1 =	sne.s32 s0, $0x7F;
	s4 =	sor.u32 s29, s28;
	[tilespmem:s13+$0x0] =	vst v0;
	s26 =	sadd.s32 $0x200, s26  }
0x29e: {  	v0 =	vld.idx.msk [tilespmem:v41+s4+$0x0 ss:$0x1], $0xffff;
	s4 =	smov.u32 s0;
	s0 =	sadd.s32 $0x1, s0;
	_ =	sdelay $0x5  }
0x29f: {  	v2 =	vmul.f32 v0, v48;
	v3 =	vmul.f32 v0, v49  }
0x2a0: {  	v4 =	vmul.f32 v0, v50;
	v5 =	vmul.f32 v0, v51  }
0x2a1: {  	v13 =	vmul.f32 v0, v52;
	v14 =	vmul.f32 v0, v57;
	v2 =	vadd.f32 v2, v63  }
0x2a2: {  	vm6 =	vge.f32 v0, v47;
	v22 =	vmul.f32 v0, v58;
	v3 =	vadd.f32 v3, v61  }
0x2a3: {  	v4 =	vadd.f32 v4, v59;
	v2 =	vnsel vm6, $0x0, v2;
	vm6 =	vge.f32 v0, v46  }
0x2a4: {  	v2 =	vsel vm6, v3, v2;
	vm6 =	vge.f32 v0, v45;
	v3 =	vadd.f32 v5, v53  }
0x2a5: {  	s5 =	sshll.u32 s30, $0x6;
	v2 =	vsel vm6, v4, v2;
	vm6 =	vge.f32 v0, v44;
	v4 =	vadd.f32 v13, v54  }
0x2a6: {  	s5 =	sand.u32 $0x1800, s5;
	v2 =	vsel vm6, v3, v2;
	vm6 =	vge.f32 v0, v43;
	v3 =	vadd.f32 v14, v55  }
0x2a7: {  	s13 =	sshll.u32 s30, $0x5;
	s11 =	sand.u32 $0x400, s26;
	s5 =	sadd.s32 s5, s25;
	v2 =	vsel vm6, v4, v2;
	vm6 =	vge.f32 v0, v42;
	v4 =	vadd.f32 v22, v56  }
0x2a8: {  	s13 =	sand.u32 $0x380, s13;
	s30 =	smov.u32 s4;
	s5 =	sadd.s32 s11, s5;
	v2 =	vsel vm6, v3, v2;
	vm6 =	vge.f32 v0, v60  }
0x2a9: {  	s13 =	sadd.s32 s13, s5;
	v2 =	vsel vm6, v4, v2;
	vm6 =	vge.f32 v0, v1  }
0x2aa: {  	s5 =	sor.u32 $0x10, s29;
	s4 =	sadd.s32 s29, s13;
	v0 =	vsel vm6, v62, v2  }
0x2ab: {  	[tilespmem:s4+$0x0] =	vst v0;
	s4 =	sor.u32 s5, s28;
	s5 =	sadd.s32 s5, s13  }
0x2ac: {  	v0 =	vld.idx.msk [tilespmem:v41+s4+$0x0 ss:$0x1], $0xffff;
	_ =	sdelay $0x5  }
0x2ad: {  	v2 =	vmul.f32 v0, v48;
	v3 =	vmul.f32 v0, v49  }
0x2ae: {  	v4 =	vmul.f32 v0, v50;
	v5 =	vmul.f32 v0, v51  }
0x2af: {  	v13 =	vmul.f32 v0, v52;
	v14 =	vmul.f32 v0, v57;
	v2 =	vadd.f32 v2, v63  }
0x2b0: {  	vm6 =	vge.f32 v0, v47;
	v22 =	vmul.f32 v0, v58;
	v3 =	vadd.f32 v3, v61  }
0x2b1: {  	v4 =	vadd.f32 v4, v59;
	v2 =	vnsel vm6, $0x0, v2;
	vm6 =	vge.f32 v0, v46  }
0x2b2: {  	v2 =	vsel vm6, v3, v2;
	vm6 =	vge.f32 v0, v45;
	v3 =	vadd.f32 v5, v53  }
0x2b3: {  	v2 =	vsel vm6, v4, v2;
	vm6 =	vge.f32 v0, v44;
	v4 =	vadd.f32 v13, v54  }
0x2b4: {  	v2 =	vsel vm6, v3, v2;
	vm6 =	vge.f32 v0, v43;
	v3 =	vadd.f32 v14, v55  }
0x2b5: {  	v2 =	vsel vm6, v4, v2;
	vm6 =	vge.f32 v0, v42;
	v4 =	vadd.f32 v22, v56  }
0x2b6: {  	v2 =	vsel vm6, v3, v2;
	vm6 =	vge.f32 v0, v60  }
0x2b7: {  	v2 =	vsel vm6, v4, v2;
	vm6 =	vge.f32 v0, v1  }
0x2b8: {  	s4 =	sor.u32 $0x20, s29;
	v0 =	vsel vm6, v62, v2  }
0x2b9: {  	[tilespmem:s5+$0x0] =	vst v0;
	s5 =	sor.u32 s4, s28  }
0x2ba: {  	v0 =	vld.idx.msk [tilespmem:v41+s5+$0x0 ss:$0x1], $0xffff;
	_ =	sdelay $0x5  }
0x2bb: {  	v2 =	vmul.f32 v0, v48;
	v3 =	vmul.f32 v0, v49  }
0x2bc: {  	v4 =	vmul.f32 v0, v50;
	v5 =	vmul.f32 v0, v51  }
0x2bd: {  	v13 =	vmul.f32 v0, v52;
	v14 =	vmul.f32 v0, v57;
	v2 =	vadd.f32 v2, v63  }
0x2be: {  	vm6 =	vge.f32 v0, v47;
	v22 =	vmul.f32 v0, v58;
	v3 =	vadd.f32 v3, v61  }
0x2bf: {  	v4 =	vadd.f32 v4, v59;
	v2 =	vnsel vm6, $0x0, v2;
	vm6 =	vge.f32 v0, v46  }
0x2c0: {  	v2 =	vsel vm6, v3, v2;
	vm6 =	vge.f32 v0, v45;
	v3 =	vadd.f32 v5, v53  }
0x2c1: {  	v2 =	vsel vm6, v4, v2;
	vm6 =	vge.f32 v0, v44;
	v4 =	vadd.f32 v13, v54  }
0x2c2: {  	v2 =	vsel vm6, v3, v2;
	vm6 =	vge.f32 v0, v43;
	v3 =	vadd.f32 v14, v55  }
0x2c3: {  	v2 =	vsel vm6, v4, v2;
	vm6 =	vge.f32 v0, v42;
	v4 =	vadd.f32 v22, v56  }
0x2c4: {  	v2 =	vsel vm6, v3, v2;
	vm6 =	vge.f32 v0, v60  }
0x2c5: {  	v2 =	vsel vm6, v4, v2;
	vm6 =	vge.f32 v0, v1  }
0x2c6: {  	s4 =	sadd.s32 s4, s13;
	s5 =	sor.u32 $0x30, s29;
	v0 =	vsel vm6, v62, v2  }
0x2c7: {  	s13 =	sadd.s32 s5, s13;
	[tilespmem:s4+$0x0] =	vst v0;
	s4 =	sor.u32 s5, s28  }
0x2c8: {  	v0 =	vld.idx.msk [tilespmem:v41+s4+$0x0 ss:$0x1], $0xffff;
	_ =	sdelay $0x5  }
0x2c9: {  	v2 =	vmul.f32 v0, v48;
	v3 =	vmul.f32 v0, v49  }
0x2ca: {  	v4 =	vmul.f32 v0, v50;
	v5 =	vmul.f32 v0, v51  }
0x2cb: {  	v13 =	vmul.f32 v0, v52;
	v14 =	vmul.f32 v0, v57;
	v2 =	vadd.f32 v2, v63  }
0x2cc: {  	vm6 =	vge.f32 v0, v47;
	v22 =	vmul.f32 v0, v58;
	v3 =	vadd.f32 v3, v61  }
0x2cd: {  	v4 =	vadd.f32 v4, v59;
	v2 =	vnsel vm6, $0x0, v2;
	vm6 =	vge.f32 v0, v46  }
0x2ce: {  	v2 =	vsel vm6, v3, v2;
	vm6 =	vge.f32 v0, v45;
	v3 =	vadd.f32 v5, v53  }
0x2cf: {  	v2 =	vsel vm6, v4, v2;
	vm6 =	vge.f32 v0, v44;
	v4 =	vadd.f32 v13, v54  }
.Ltmp6:
0x2d0: {  	v2 =	vsel vm6, v3, v2;
	vm6 =	vge.f32 v0, v43;
	v3 =	vadd.f32 v14, v55;
	(pc) =	sbr.rel @p1 .LBB2_14-.Ltmp6, $4  }
0x2d1: {  	v2 =	vsel vm6, v4, v2;
	vm6 =	vge.f32 v0, v42;
	v4 =	vadd.f32 v22, v56  }
0x2d2: {  	s31 =	sadd.s32 $0x80, s31;
	v2 =	vsel vm6, v3, v2;
	vm6 =	vge.f32 v0, v60  }
0x2d3: {  	s1 =	sadd.s32 $0x40, s1;
	s4 =	sand.u32 $0x3F00, s31;
	v2 =	vsel vm6, v4, v2;
	vm6 =	vge.f32 v0, v1  }
0x2d4: {  	s29 =	sand.u32 $0x40, s1;
	s28 =	sadd.s32 $0x1080, s4;
	v0 =	vsel vm6, v62, v2  }
0x2d5: {  	_ =	sdelay $0x2  }
0x2d6: {  	s0 =	sor.u32 s29, s28;
	[tilespmem:s13+$0x0] =	vst v0  }
0x2d7: {  	v0 =	vld.idx.msk [tilespmem:v41+s0+$0x0 ss:$0x1], $0xffff;
	_ =	sdelay $0x4  }
0x2d8: {  	v2 =	vmul.f32 v0, v48;
	v3 =	vmul.f32 v0, v49  }
0x2d9: {  	v4 =	vmul.f32 v0, v50;
	v5 =	vmul.f32 v0, v51  }
0x2da: {  	v13 =	vmul.f32 v0, v52;
	v14 =	vmul.f32 v0, v57;
	v2 =	vadd.f32 v2, v63  }
0x2db: {  	vm6 =	vge.f32 v0, v47;
	v22 =	vmul.f32 v0, v58;
	v3 =	vadd.f32 v3, v61  }
0x2dc: {  	v4 =	vadd.f32 v4, v59;
	v2 =	vnsel vm6, $0x0, v2;
	vm6 =	vge.f32 v0, v46  }
0x2dd: {  	v2 =	vsel vm6, v3, v2;
	vm6 =	vge.f32 v0, v45;
	v3 =	vadd.f32 v5, v53  }
0x2de: {  	s11 =	sshll.u32 s30, $0x6;
	v2 =	vsel vm6, v4, v2;
	vm6 =	vge.f32 v0, v44;
	v4 =	vadd.f32 v13, v54  }
0x2df: {  	s1 =	sadd.s32 $0x200, s26;
	s0 =	sand.u32 $0x1800, s11;
	v2 =	vsel vm6, v3, v2;
	vm6 =	vge.f32 v0, v43;
	v3 =	vadd.f32 v14, v55  }
0x2e0: {  	s4 =	sshll.u32 s30, $0x5;
	s1 =	sand.u32 $0x400, s1;
	s0 =	sadd.s32 s0, s25;
	v2 =	vsel vm6, v4, v2;
	vm6 =	vge.f32 v0, v42;
	v4 =	vadd.f32 v22, v56  }
0x2e1: {  	s4 =	sand.u32 $0x380, s4;
	s0 =	sadd.s32 s1, s0;
	v2 =	vsel vm6, v3, v2;
	vm6 =	vge.f32 v0, v60  }
0x2e2: {  	s0 =	sadd.s32 s4, s0;
	v2 =	vsel vm6, v4, v2;
	vm6 =	vge.f32 v0, v1  }
0x2e3: {  	s26 =	sor.u32 $0x10, s29;
	s13 =	sadd.s32 s29, s0;
	v0 =	vsel vm6, v62, v2  }
0x2e4: {  	s31 =	sor.u32 s26, s28;
	[tilespmem:s13+$0x0] =	vst v0  }
0x2e5: {  	v0 =	vld.idx.msk [tilespmem:v41+s31+$0x0 ss:$0x1], $0xffff;
	_ =	sdelay $0x4  }
0x2e6: {  	v2 =	vmul.f32 v0, v48;
	v3 =	vmul.f32 v0, v49  }
0x2e7: {  	v4 =	vmul.f32 v0, v50;
	v5 =	vmul.f32 v0, v51  }
0x2e8: {  	v13 =	vmul.f32 v0, v52;
	v14 =	vmul.f32 v0, v57;
	v2 =	vadd.f32 v2, v63  }
0x2e9: {  	vm6 =	vge.f32 v0, v47;
	v22 =	vmul.f32 v0, v58;
	v3 =	vadd.f32 v3, v61  }
0x2ea: {  	v4 =	vadd.f32 v4, v59;
	v2 =	vnsel vm6, $0x0, v2;
	vm6 =	vge.f32 v0, v46  }
0x2eb: {  	v2 =	vsel vm6, v3, v2;
	vm6 =	vge.f32 v0, v45;
	v3 =	vadd.f32 v5, v53  }
0x2ec: {  	v2 =	vsel vm6, v4, v2;
	vm6 =	vge.f32 v0, v44;
	v4 =	vadd.f32 v13, v54  }
0x2ed: {  	v2 =	vsel vm6, v3, v2;
	vm6 =	vge.f32 v0, v43;
	v3 =	vadd.f32 v14, v55  }
0x2ee: {  	v2 =	vsel vm6, v4, v2;
	vm6 =	vge.f32 v0, v42;
	v4 =	vadd.f32 v22, v56  }
0x2ef: {  	v2 =	vsel vm6, v3, v2;
	vm6 =	vge.f32 v0, v60  }
0x2f0: {  	v2 =	vsel vm6, v4, v2;
	vm6 =	vge.f32 v0, v1  }
0x2f1: {  	s5 =	sor.u32 $0x20, s29;
	s4 =	sadd.s32 s26, s0;
	v0 =	vsel vm6, v62, v2  }
0x2f2: {  	s11 =	sor.u32 s5, s28;
	[tilespmem:s4+$0x0] =	vst v0  }
0x2f3: {  	v0 =	vld.idx.msk [tilespmem:v41+s11+$0x0 ss:$0x1], $0xffff;
	_ =	sdelay $0x4  }
0x2f4: {  	v2 =	vmul.f32 v0, v48;
	v3 =	vmul.f32 v0, v49  }
0x2f5: {  	v4 =	vmul.f32 v0, v50;
	v5 =	vmul.f32 v0, v51  }
0x2f6: {  	v13 =	vmul.f32 v0, v52;
	v14 =	vmul.f32 v0, v57;
	v2 =	vadd.f32 v2, v63  }
0x2f7: {  	vm6 =	vge.f32 v0, v47;
	v22 =	vmul.f32 v0, v58;
	v3 =	vadd.f32 v3, v61  }
0x2f8: {  	v4 =	vadd.f32 v4, v59;
	v2 =	vnsel vm6, $0x0, v2;
	vm6 =	vge.f32 v0, v46  }
0x2f9: {  	v2 =	vsel vm6, v3, v2;
	vm6 =	vge.f32 v0, v45;
	v3 =	vadd.f32 v5, v53  }
0x2fa: {  	v2 =	vsel vm6, v4, v2;
	vm6 =	vge.f32 v0, v44;
	v4 =	vadd.f32 v13, v54  }
0x2fb: {  	v2 =	vsel vm6, v3, v2;
	vm6 =	vge.f32 v0, v43;
	v3 =	vadd.f32 v14, v55  }
0x2fc: {  	v2 =	vsel vm6, v4, v2;
	vm6 =	vge.f32 v0, v42;
	v4 =	vadd.f32 v22, v56  }
0x2fd: {  	v2 =	vsel vm6, v3, v2;
	vm6 =	vge.f32 v0, v60  }
0x2fe: {  	v2 =	vsel vm6, v4, v2;
	vm6 =	vge.f32 v0, v1  }
0x2ff: {  	s26 =	sor.u32 $0x30, s29;
	s13 =	sadd.s32 s5, s0;
	v0 =	vsel vm6, v62, v2  }
0x300: {  	s31 =	sor.u32 s26, s28;
	[tilespmem:s13+$0x0] =	vst v0  }
0x301: {  	v0 =	vld.idx.msk [tilespmem:v41+s31+$0x0 ss:$0x1], $0xffff;
	_ =	sdelay $0x4  }
0x302: {  	v2 =	vmul.f32 v0, v48;
	v3 =	vmul.f32 v0, v49  }
0x303: {  	v4 =	vmul.f32 v0, v50;
	v5 =	vmul.f32 v0, v51  }
0x304: {  	v13 =	vmul.f32 v0, v52;
	v14 =	vmul.f32 v0, v57;
	v2 =	vadd.f32 v2, v63  }
0x305: {  	vm6 =	vge.f32 v0, v47;
	v22 =	vmul.f32 v0, v58;
	v3 =	vadd.f32 v3, v61  }
0x306: {  	v4 =	vadd.f32 v4, v59;
	v2 =	vnsel vm6, $0x0, v2;
	vm6 =	vge.f32 v0, v46  }
0x307: {  	v2 =	vsel vm6, v3, v2;
	vm6 =	vge.f32 v0, v45;
	v3 =	vadd.f32 v5, v53  }
0x308: {  	v2 =	vsel vm6, v4, v2;
	vm6 =	vge.f32 v0, v44;
	v4 =	vadd.f32 v13, v54  }
0x309: {  	v2 =	vsel vm6, v3, v2;
	vm6 =	vge.f32 v0, v43;
	v3 =	vadd.f32 v14, v55  }
0x30a: {  	v2 =	vsel vm6, v4, v2;
	vm6 =	vge.f32 v0, v42;
	v4 =	vadd.f32 v22, v56  }
0x30b: {  	v2 =	vsel vm6, v3, v2;
	vm6 =	vge.f32 v0, v60  }
0x30c: {  	v2 =	vsel vm6, v4, v2;
	vm6 =	vge.f32 v0, v1  }
0x30d: {  	s0 =	sadd.s32 s26, s0;
	v0 =	vsel vm6, v62, v2  }
0x30e: {  	s26 =	simm.s32 $0x0;
	s4 =	sadd.s32 $0x18000, s24;
	[tilespmem:s0+$0x0] =	vst v0  }
0x30f: {  	[hbm4b:s4+s26] =	stream.linear.scatter [tilespmem:s25], [sflag:s22], $0x2000, $0x38;
	[tilespmem:$0x15080] =	vst v63  }
0x310: {  	v47 =	vld.idx.msk [tilespmem:v32+s15+$0x0], $0xffff  }
0x311: {  	v46 =	vld.idx.msk [tilespmem:v33+s15+$0x0], $0xffff  }
0x312: {  	v45 =	vld.idx.msk [tilespmem:v34+s15+$0x0], $0xffff  }
0x313: {  	v44 =	vld.idx.msk [tilespmem:v35+s15+$0x0], $0xffff  }
0x314: {  	v43 =	vld.idx.msk [tilespmem:v36+s15+$0x0], $0xffff  }
0x315: {  	v42 =	vld.idx.msk [tilespmem:v37+s15+$0x0], $0xffff  }
0x316: {  	v48 =	vld.idx.msk [tilespmem:v33+s16+$0x0], $0xffff  }
0x317: {  	v49 =	vld.idx.msk [tilespmem:v34+s16+$0x0], $0xffff  }
0x318: {  	v50 =	vld.idx.msk [tilespmem:v35+s16+$0x0], $0xffff  }
0x319: {  	s5 =	sand.u32 $0x3F00, s26;
	v51 =	vld.idx.msk [tilespmem:v36+s16+$0x0], $0xffff  }
0x31a: {  	s1 =	sand.u32 $0x40, s26;
	s0 =	sadd.s32 $0x1080, s5;
	v52 =	vld.idx.msk [tilespmem:v37+s16+$0x0], $0xffff  }
0x31b: {  	s11 =	sor.u32 s1, s0;
	v57 =	vld.idx.msk [tilespmem:v38+s16+$0x0], $0xffff  }
0x31c: {  	v0 =	vld.idx.msk [tilespmem:v41+s11+$0x0 ss:$0x1], $0xffff  }
0x31d: {  	v58 =	vld.idx.msk [tilespmem:v39+s16+$0x0], $0xffff  }
0x31e: {  	v63 =	vld.idx.msk [tilespmem:v33+s17+$0x0], $0xffff  }
0x31f: {  	v61 =	vld.idx.msk [tilespmem:v34+s17+$0x0], $0xffff  }
0x320: {  	v59 =	vld.idx.msk [tilespmem:v35+s17+$0x0], $0xffff  }
0x321: {  	v53 =	vld.idx.msk [tilespmem:v36+s17+$0x0], $0xffff;
	v1 =	vmul.f32 v0, v48;
	v2 =	vmul.f32 v0, v49  }
0x322: {  	v54 =	vld.idx.msk [tilespmem:v37+s17+$0x0], $0xffff;
	v3 =	vmul.f32 v0, v50;
	v4 =	vmul.f32 v0, v51  }
0x323: {  	v55 =	vld.idx.msk [tilespmem:v38+s17+$0x0], $0xffff;
	v5 =	vmul.f32 v0, v52;
	v13 =	vmul.f32 v0, v57;
	v1 =	vadd.f32 v1, v63  }
0x324: {  	v56 =	vld.idx.msk [tilespmem:v39+s17+$0x0], $0xffff;
	vm6 =	vge.f32 v0, v47;
	v14 =	vmul.f32 v0, v58;
	v2 =	vadd.f32 v2, v61  }
0x325: {  	v60 =	vld.idx.msk [tilespmem:v38+s15+$0x0], $0xffff;
	v3 =	vadd.f32 v3, v59;
	v22 =	vnsel vm6, $0x0, v1;
	vm6 =	vge.f32 v0, v46  }
0x326: {  	v4 =	vadd.f32 v4, v53;
	v1 =	vld.idx.msk [tilespmem:v39+s15+$0x0], $0xffff;
	v2 =	vsel vm6, v2, v22;
	vm6 =	vge.f32 v0, v45  }
0x327: {  	s13 =	simm.s32 $0x0;
	v62 =	vld.idx.msk [tilespmem:v40+s17+$0x0], $0xffff;
	v2 =	vsel vm6, v3, v2;
	vm6 =	vge.f32 v0, v44;
	v3 =	vadd.f32 v5, v54  }
0x328: {  	s23 =	sadd.s32 $0xB080, s23;
	s4 =	sand.u32 $0x1800, s13;
	v2 =	vsel vm6, v4, v2;
	vm6 =	vge.f32 v0, v43;
	v4 =	vadd.f32 v13, v55  }
0x329: {  	s5 =	sand.u32 $0x400, s26;
	s11 =	simm.s32 $0x0;
	s4 =	sadd.s32 s4, s23;
	v2 =	vsel vm6, v3, v2;
	vm6 =	vge.f32 v0, v42;
	v3 =	vadd.f32 v14, v56  }
0x32a: {  	s11 =	sand.u32 $0x380, s11;
	s4 =	sadd.s32 s5, s4;
	v2 =	vsel vm6, v4, v2;
	vm6 =	vge.f32 v0, v60  }
0x32b: {  	s13 =	sadd.s32 s11, s4;
	v2 =	vsel vm6, v3, v2;
	vm6 =	vge.f32 v0, v1  }
0x32c: {  	s25 =	sor.u32 $0x10, s1;
	s4 =	sadd.s32 s1, s13;
	v0 =	vsel vm6, v62, v2  }
0x32d: {  	s31 =	sor.u32 s25, s0;
	[tilespmem:s4+$0x0] =	vst v0  }
0x32e: {  	v0 =	vld.idx.msk [tilespmem:v41+s31+$0x0 ss:$0x1], $0xffff;
	_ =	sdelay $0x4  }
0x32f: {  	v2 =	vmul.f32 v0, v48;
	v3 =	vmul.f32 v0, v49  }
0x330: {  	v4 =	vmul.f32 v0, v50;
	v5 =	vmul.f32 v0, v51  }
0x331: {  	v13 =	vmul.f32 v0, v52;
	v14 =	vmul.f32 v0, v57;
	v2 =	vadd.f32 v2, v63  }
0x332: {  	vm6 =	vge.f32 v0, v47;
	v22 =	vmul.f32 v0, v58;
	v3 =	vadd.f32 v3, v61  }
0x333: {  	v4 =	vadd.f32 v4, v59;
	v2 =	vnsel vm6, $0x0, v2;
	vm6 =	vge.f32 v0, v46  }
0x334: {  	v2 =	vsel vm6, v3, v2;
	vm6 =	vge.f32 v0, v45;
	v3 =	vadd.f32 v5, v53  }
0x335: {  	v2 =	vsel vm6, v4, v2;
	vm6 =	vge.f32 v0, v44;
	v4 =	vadd.f32 v13, v54  }
0x336: {  	v2 =	vsel vm6, v3, v2;
	vm6 =	vge.f32 v0, v43;
	v3 =	vadd.f32 v14, v55  }
0x337: {  	v2 =	vsel vm6, v4, v2;
	vm6 =	vge.f32 v0, v42;
	v4 =	vadd.f32 v22, v56  }
0x338: {  	v2 =	vsel vm6, v3, v2;
	vm6 =	vge.f32 v0, v60  }
0x339: {  	v2 =	vsel vm6, v4, v2;
	vm6 =	vge.f32 v0, v1  }
0x33a: {  	s11 =	sadd.s32 s25, s13;
	s25 =	sor.u32 $0x20, s1;
	v0 =	vsel vm6, v62, v2  }
0x33b: {  	s31 =	sor.u32 s25, s0;
	[tilespmem:s11+$0x0] =	vst v0  }
0x33c: {  	v0 =	vld.idx.msk [tilespmem:v41+s31+$0x0 ss:$0x1], $0xffff;
	_ =	sdelay $0x4  }
0x33d: {  	v2 =	vmul.f32 v0, v48;
	v3 =	vmul.f32 v0, v49  }
0x33e: {  	v4 =	vmul.f32 v0, v50;
	v5 =	vmul.f32 v0, v51  }
0x33f: {  	v13 =	vmul.f32 v0, v52;
	v14 =	vmul.f32 v0, v57;
	v2 =	vadd.f32 v2, v63  }
0x340: {  	vm6 =	vge.f32 v0, v47;
	v22 =	vmul.f32 v0, v58;
	v3 =	vadd.f32 v3, v61  }
0x341: {  	v4 =	vadd.f32 v4, v59;
	v2 =	vnsel vm6, $0x0, v2;
	vm6 =	vge.f32 v0, v46  }
0x342: {  	v2 =	vsel vm6, v3, v2;
	vm6 =	vge.f32 v0, v45;
	v3 =	vadd.f32 v5, v53  }
0x343: {  	v2 =	vsel vm6, v4, v2;
	vm6 =	vge.f32 v0, v44;
	v4 =	vadd.f32 v13, v54  }
0x344: {  	v2 =	vsel vm6, v3, v2;
	vm6 =	vge.f32 v0, v43;
	v3 =	vadd.f32 v14, v55  }
0x345: {  	v2 =	vsel vm6, v4, v2;
	vm6 =	vge.f32 v0, v42;
	v4 =	vadd.f32 v22, v56  }
0x346: {  	v2 =	vsel vm6, v3, v2;
	vm6 =	vge.f32 v0, v60  }
0x347: {  	v2 =	vsel vm6, v4, v2;
	vm6 =	vge.f32 v0, v1  }
0x348: {  	s11 =	sadd.s32 s25, s13;
	s25 =	sor.u32 $0x30, s1;
	v0 =	vsel vm6, v62, v2  }
0x349: {  	s0 =	sor.u32 s25, s0;
	[tilespmem:s11+$0x0] =	vst v0  }
0x34a: {  	v0 =	vld.idx.msk [tilespmem:v41+s0+$0x0 ss:$0x1], $0xffff;
	_ =	sdelay $0x4  }
0x34b: {  	v2 =	vmul.f32 v0, v48;
	v3 =	vmul.f32 v0, v49  }
0x34c: {  	v4 =	vmul.f32 v0, v50;
	v5 =	vmul.f32 v0, v51  }
0x34d: {  	v13 =	vmul.f32 v0, v52;
	v14 =	vmul.f32 v0, v57;
	v2 =	vadd.f32 v2, v63  }
0x34e: {  	vm6 =	vge.f32 v0, v47;
	v22 =	vmul.f32 v0, v58;
	v3 =	vadd.f32 v3, v61  }
0x34f: {  	v4 =	vadd.f32 v4, v59;
	v2 =	vnsel vm6, $0x0, v2;
	vm6 =	vge.f32 v0, v46  }
0x350: {  	v2 =	vsel vm6, v3, v2;
	vm6 =	vge.f32 v0, v45;
	v3 =	vadd.f32 v5, v53  }
0x351: {  	v2 =	vsel vm6, v4, v2;
	vm6 =	vge.f32 v0, v44;
	v4 =	vadd.f32 v13, v54  }
0x352: {  	v2 =	vsel vm6, v3, v2;
	vm6 =	vge.f32 v0, v43;
	v3 =	vadd.f32 v14, v55  }
0x353: {  	v2 =	vsel vm6, v4, v2;
	vm6 =	vge.f32 v0, v42;
	v4 =	vadd.f32 v22, v56  }
0x354: {  	s30 =	simm.s32 $0x80;
	s29 =	simm.s32 $0x1;
	v2 =	vsel vm6, v3, v2;
	vm6 =	vge.f32 v0, v60  }
0x355: {  	s1 =	simm.s32 $0x40;
	s31 =	sand.u32 $0x3F00, s30;
	s13 =	sadd.s32 s25, s13;
	v2 =	vsel vm6, v4, v2;
	vm6 =	vge.f32 v0, v1  }
0x356: {  	s28 =	sand.u32 $0x40, s1;
	s25 =	sadd.s32 $0x1080, s31;
	s0 =	simm.s32 $0x2;
	v0 =	vsel vm6, v62, v2  }
.LBB2_16:
0x357: {  	p1 =	sne.s32 s0, $0x7F;
	s4 =	sor.u32 s28, s25;
	[tilespmem:s13+$0x0] =	vst v0;
	s26 =	sadd.s32 $0x200, s26  }
0x358: {  	v0 =	vld.idx.msk [tilespmem:v41+s4+$0x0 ss:$0x1], $0xffff;
	s4 =	smov.u32 s0;
	s0 =	sadd.s32 $0x1, s0;
	_ =	sdelay $0x5  }
0x359: {  	v2 =	vmul.f32 v0, v48;
	v3 =	vmul.f32 v0, v49  }
0x35a: {  	v4 =	vmul.f32 v0, v50;
	v5 =	vmul.f32 v0, v51  }
0x35b: {  	v13 =	vmul.f32 v0, v52;
	v14 =	vmul.f32 v0, v57;
	v2 =	vadd.f32 v2, v63  }
0x35c: {  	vm6 =	vge.f32 v0, v47;
	v22 =	vmul.f32 v0, v58;
	v3 =	vadd.f32 v3, v61  }
0x35d: {  	v4 =	vadd.f32 v4, v59;
	v2 =	vnsel vm6, $0x0, v2;
	vm6 =	vge.f32 v0, v46  }
0x35e: {  	v2 =	vsel vm6, v3, v2;
	vm6 =	vge.f32 v0, v45;
	v3 =	vadd.f32 v5, v53  }
0x35f: {  	s5 =	sshll.u32 s29, $0x6;
	v2 =	vsel vm6, v4, v2;
	vm6 =	vge.f32 v0, v44;
	v4 =	vadd.f32 v13, v54  }
0x360: {  	s5 =	sand.u32 $0x1800, s5;
	v2 =	vsel vm6, v3, v2;
	vm6 =	vge.f32 v0, v43;
	v3 =	vadd.f32 v14, v55  }
0x361: {  	s13 =	sshll.u32 s29, $0x5;
	s11 =	sand.u32 $0x400, s26;
	s5 =	sadd.s32 s5, s23;
	v2 =	vsel vm6, v4, v2;
	vm6 =	vge.f32 v0, v42;
	v4 =	vadd.f32 v22, v56  }
0x362: {  	s13 =	sand.u32 $0x380, s13;
	s29 =	smov.u32 s4;
	s5 =	sadd.s32 s11, s5;
	v2 =	vsel vm6, v3, v2;
	vm6 =	vge.f32 v0, v60  }
0x363: {  	s13 =	sadd.s32 s13, s5;
	v2 =	vsel vm6, v4, v2;
	vm6 =	vge.f32 v0, v1  }
0x364: {  	s5 =	sor.u32 $0x10, s28;
	s4 =	sadd.s32 s28, s13;
	v0 =	vsel vm6, v62, v2  }
0x365: {  	[tilespmem:s4+$0x0] =	vst v0;
	s4 =	sor.u32 s5, s25;
	s5 =	sadd.s32 s5, s13  }
0x366: {  	v0 =	vld.idx.msk [tilespmem:v41+s4+$0x0 ss:$0x1], $0xffff;
	_ =	sdelay $0x5  }
0x367: {  	v2 =	vmul.f32 v0, v48;
	v3 =	vmul.f32 v0, v49  }
0x368: {  	v4 =	vmul.f32 v0, v50;
	v5 =	vmul.f32 v0, v51  }
0x369: {  	v13 =	vmul.f32 v0, v52;
	v14 =	vmul.f32 v0, v57;
	v2 =	vadd.f32 v2, v63  }
0x36a: {  	vm6 =	vge.f32 v0, v47;
	v22 =	vmul.f32 v0, v58;
	v3 =	vadd.f32 v3, v61  }
0x36b: {  	v4 =	vadd.f32 v4, v59;
	v2 =	vnsel vm6, $0x0, v2;
	vm6 =	vge.f32 v0, v46  }
0x36c: {  	v2 =	vsel vm6, v3, v2;
	vm6 =	vge.f32 v0, v45;
	v3 =	vadd.f32 v5, v53  }
0x36d: {  	v2 =	vsel vm6, v4, v2;
	vm6 =	vge.f32 v0, v44;
	v4 =	vadd.f32 v13, v54  }
0x36e: {  	v2 =	vsel vm6, v3, v2;
	vm6 =	vge.f32 v0, v43;
	v3 =	vadd.f32 v14, v55  }
0x36f: {  	v2 =	vsel vm6, v4, v2;
	vm6 =	vge.f32 v0, v42;
	v4 =	vadd.f32 v22, v56  }
0x370: {  	v2 =	vsel vm6, v3, v2;
	vm6 =	vge.f32 v0, v60  }
0x371: {  	v2 =	vsel vm6, v4, v2;
	vm6 =	vge.f32 v0, v1  }
0x372: {  	s4 =	sor.u32 $0x20, s28;
	v0 =	vsel vm6, v62, v2  }
0x373: {  	[tilespmem:s5+$0x0] =	vst v0;
	s5 =	sor.u32 s4, s25  }
0x374: {  	v0 =	vld.idx.msk [tilespmem:v41+s5+$0x0 ss:$0x1], $0xffff;
	_ =	sdelay $0x5  }
0x375: {  	v2 =	vmul.f32 v0, v48;
	v3 =	vmul.f32 v0, v49  }
0x376: {  	v4 =	vmul.f32 v0, v50;
	v5 =	vmul.f32 v0, v51  }
0x377: {  	v13 =	vmul.f32 v0, v52;
	v14 =	vmul.f32 v0, v57;
	v2 =	vadd.f32 v2, v63  }
0x378: {  	vm6 =	vge.f32 v0, v47;
	v22 =	vmul.f32 v0, v58;
	v3 =	vadd.f32 v3, v61  }
0x379: {  	v4 =	vadd.f32 v4, v59;
	v2 =	vnsel vm6, $0x0, v2;
	vm6 =	vge.f32 v0, v46  }
0x37a: {  	v2 =	vsel vm6, v3, v2;
	vm6 =	vge.f32 v0, v45;
	v3 =	vadd.f32 v5, v53  }
0x37b: {  	v2 =	vsel vm6, v4, v2;
	vm6 =	vge.f32 v0, v44;
	v4 =	vadd.f32 v13, v54  }
0x37c: {  	v2 =	vsel vm6, v3, v2;
	vm6 =	vge.f32 v0, v43;
	v3 =	vadd.f32 v14, v55  }
0x37d: {  	v2 =	vsel vm6, v4, v2;
	vm6 =	vge.f32 v0, v42;
	v4 =	vadd.f32 v22, v56  }
0x37e: {  	v2 =	vsel vm6, v3, v2;
	vm6 =	vge.f32 v0, v60  }
0x37f: {  	v2 =	vsel vm6, v4, v2;
	vm6 =	vge.f32 v0, v1  }
0x380: {  	s4 =	sadd.s32 s4, s13;
	s5 =	sor.u32 $0x30, s28;
	v0 =	vsel vm6, v62, v2  }
0x381: {  	s13 =	sadd.s32 s5, s13;
	[tilespmem:s4+$0x0] =	vst v0;
	s4 =	sor.u32 s5, s25  }
0x382: {  	v0 =	vld.idx.msk [tilespmem:v41+s4+$0x0 ss:$0x1], $0xffff;
	_ =	sdelay $0x5  }
0x383: {  	v2 =	vmul.f32 v0, v48;
	v3 =	vmul.f32 v0, v49  }
0x384: {  	v4 =	vmul.f32 v0, v50;
	v5 =	vmul.f32 v0, v51  }
0x385: {  	v13 =	vmul.f32 v0, v52;
	v14 =	vmul.f32 v0, v57;
	v2 =	vadd.f32 v2, v63  }
0x386: {  	vm6 =	vge.f32 v0, v47;
	v22 =	vmul.f32 v0, v58;
	v3 =	vadd.f32 v3, v61  }
0x387: {  	v4 =	vadd.f32 v4, v59;
	v2 =	vnsel vm6, $0x0, v2;
	vm6 =	vge.f32 v0, v46  }
0x388: {  	v2 =	vsel vm6, v3, v2;
	vm6 =	vge.f32 v0, v45;
	v3 =	vadd.f32 v5, v53  }
0x389: {  	v2 =	vsel vm6, v4, v2;
	vm6 =	vge.f32 v0, v44;
	v4 =	vadd.f32 v13, v54  }
.Ltmp7:
0x38a: {  	v2 =	vsel vm6, v3, v2;
	vm6 =	vge.f32 v0, v43;
	v3 =	vadd.f32 v14, v55;
	(pc) =	sbr.rel @p1 .LBB2_16-.Ltmp7, $4  }
0x38b: {  	v2 =	vsel vm6, v4, v2;
	vm6 =	vge.f32 v0, v42;
	v4 =	vadd.f32 v22, v56  }
0x38c: {  	s30 =	sadd.s32 $0x80, s30;
	v2 =	vsel vm6, v3, v2;
	vm6 =	vge.f32 v0, v60  }
0x38d: {  	s1 =	sadd.s32 $0x40, s1;
	s4 =	sand.u32 $0x3F00, s30;
	v2 =	vsel vm6, v4, v2;
	vm6 =	vge.f32 v0, v1  }
0x38e: {  	s28 =	sand.u32 $0x40, s1;
	s25 =	sadd.s32 $0x1080, s4;
	v0 =	vsel vm6, v62, v2  }
0x38f: {  	_ =	sdelay $0x2  }
0x390: {  	s0 =	sor.u32 s28, s25;
	[tilespmem:s13+$0x0] =	vst v0  }
0x391: {  	v0 =	vld.idx.msk [tilespmem:v41+s0+$0x0 ss:$0x1], $0xffff;
	_ =	sdelay $0x4  }
0x392: {  	v2 =	vmul.f32 v0, v48;
	v3 =	vmul.f32 v0, v49  }
0x393: {  	v4 =	vmul.f32 v0, v50;
	v5 =	vmul.f32 v0, v51  }
0x394: {  	v13 =	vmul.f32 v0, v52;
	v14 =	vmul.f32 v0, v57;
	v2 =	vadd.f32 v2, v63  }
0x395: {  	vm6 =	vge.f32 v0, v47;
	v22 =	vmul.f32 v0, v58;
	v3 =	vadd.f32 v3, v61  }
0x396: {  	v4 =	vadd.f32 v4, v59;
	v2 =	vnsel vm6, $0x0, v2;
	vm6 =	vge.f32 v0, v46  }
0x397: {  	v2 =	vsel vm6, v3, v2;
	vm6 =	vge.f32 v0, v45;
	v3 =	vadd.f32 v5, v53  }
0x398: {  	s13 =	sshll.u32 s29, $0x6;
	v2 =	vsel vm6, v4, v2;
	vm6 =	vge.f32 v0, v44;
	v4 =	vadd.f32 v13, v54  }
0x399: {  	s1 =	sadd.s32 $0x200, s26;
	s0 =	sand.u32 $0x1800, s13;
	v2 =	vsel vm6, v3, v2;
	vm6 =	vge.f32 v0, v43;
	v3 =	vadd.f32 v14, v55  }
0x39a: {  	s4 =	sshll.u32 s29, $0x5;
	s1 =	sand.u32 $0x400, s1;
	s0 =	sadd.s32 s0, s23;
	v2 =	vsel vm6, v4, v2;
	vm6 =	vge.f32 v0, v42;
	v4 =	vadd.f32 v22, v56  }
0x39b: {  	s4 =	sand.u32 $0x380, s4;
	s0 =	sadd.s32 s1, s0;
	v2 =	vsel vm6, v3, v2;
	vm6 =	vge.f32 v0, v60  }
0x39c: {  	s0 =	sadd.s32 s4, s0;
	v2 =	vsel vm6, v4, v2;
	vm6 =	vge.f32 v0, v1  }
0x39d: {  	s30 =	sor.u32 $0x10, s28;
	s29 =	sadd.s32 s28, s0;
	v0 =	vsel vm6, v62, v2  }
0x39e: {  	s31 =	sor.u32 s30, s25;
	[tilespmem:s29+$0x0] =	vst v0  }
0x39f: {  	v0 =	vld.idx.msk [tilespmem:v41+s31+$0x0 ss:$0x1], $0xffff;
	_ =	sdelay $0x4  }
0x3a0: {  	v2 =	vmul.f32 v0, v48;
	v3 =	vmul.f32 v0, v49  }
0x3a1: {  	v4 =	vmul.f32 v0, v50;
	v5 =	vmul.f32 v0, v51  }
0x3a2: {  	v13 =	vmul.f32 v0, v52;
	v14 =	vmul.f32 v0, v57;
	v2 =	vadd.f32 v2, v63  }
0x3a3: {  	vm6 =	vge.f32 v0, v47;
	v22 =	vmul.f32 v0, v58;
	v3 =	vadd.f32 v3, v61  }
0x3a4: {  	v4 =	vadd.f32 v4, v59;
	v2 =	vnsel vm6, $0x0, v2;
	vm6 =	vge.f32 v0, v46  }
0x3a5: {  	v2 =	vsel vm6, v3, v2;
	vm6 =	vge.f32 v0, v45;
	v3 =	vadd.f32 v5, v53  }
0x3a6: {  	v2 =	vsel vm6, v4, v2;
	vm6 =	vge.f32 v0, v44;
	v4 =	vadd.f32 v13, v54  }
0x3a7: {  	v2 =	vsel vm6, v3, v2;
	vm6 =	vge.f32 v0, v43;
	v3 =	vadd.f32 v14, v55  }
0x3a8: {  	v2 =	vsel vm6, v4, v2;
	vm6 =	vge.f32 v0, v42;
	v4 =	vadd.f32 v22, v56  }
0x3a9: {  	v2 =	vsel vm6, v3, v2;
	vm6 =	vge.f32 v0, v60  }
0x3aa: {  	v2 =	vsel vm6, v4, v2;
	vm6 =	vge.f32 v0, v1  }
0x3ab: {  	s11 =	sor.u32 $0x20, s28;
	s5 =	sadd.s32 s30, s0;
	v0 =	vsel vm6, v62, v2  }
0x3ac: {  	s13 =	sor.u32 s11, s25;
	[tilespmem:s5+$0x0] =	vst v0  }
0x3ad: {  	v0 =	vld.idx.msk [tilespmem:v41+s13+$0x0 ss:$0x1], $0xffff;
	_ =	sdelay $0x4  }
0x3ae: {  	v2 =	vmul.f32 v0, v48;
	v3 =	vmul.f32 v0, v49  }
0x3af: {  	v4 =	vmul.f32 v0, v50;
	v5 =	vmul.f32 v0, v51  }
0x3b0: {  	v13 =	vmul.f32 v0, v52;
	v14 =	vmul.f32 v0, v57;
	v2 =	vadd.f32 v2, v63  }
0x3b1: {  	vm6 =	vge.f32 v0, v47;
	v22 =	vmul.f32 v0, v58;
	v3 =	vadd.f32 v3, v61  }
0x3b2: {  	v4 =	vadd.f32 v4, v59;
	v2 =	vnsel vm6, $0x0, v2;
	vm6 =	vge.f32 v0, v46  }
0x3b3: {  	v2 =	vsel vm6, v3, v2;
	vm6 =	vge.f32 v0, v45;
	v3 =	vadd.f32 v5, v53  }
0x3b4: {  	v2 =	vsel vm6, v4, v2;
	vm6 =	vge.f32 v0, v44;
	v4 =	vadd.f32 v13, v54  }
0x3b5: {  	v2 =	vsel vm6, v3, v2;
	vm6 =	vge.f32 v0, v43;
	v3 =	vadd.f32 v14, v55  }
0x3b6: {  	v2 =	vsel vm6, v4, v2;
	vm6 =	vge.f32 v0, v42;
	v4 =	vadd.f32 v22, v56  }
0x3b7: {  	v2 =	vsel vm6, v3, v2;
	vm6 =	vge.f32 v0, v60  }
0x3b8: {  	v2 =	vsel vm6, v4, v2;
	vm6 =	vge.f32 v0, v1  }
0x3b9: {  	s26 =	sadd.s32 s11, s0;
	s29 =	sor.u32 $0x30, s28;
	v0 =	vsel vm6, v62, v2  }
0x3ba: {  	s30 =	sor.u32 s29, s25;
	[tilespmem:s26+$0x0] =	vst v0  }
0x3bb: {  	v0 =	vld.idx.msk [tilespmem:v41+s30+$0x0 ss:$0x1], $0xffff;
	_ =	sdelay $0x4  }
0x3bc: {  	v48 =	vmul.f32 v0, v48;
	v49 =	vmul.f32 v0, v49  }
0x3bd: {  	v4 =	vmul.f32 v0, v50;
	v5 =	vmul.f32 v0, v51  }
0x3be: {  	v13 =	vmul.f32 v0, v52;
	v14 =	vmul.f32 v0, v57;
	v2 =	vadd.f32 v48, v63  }
0x3bf: {  	vm6 =	vge.f32 v0, v47;
	v22 =	vmul.f32 v0, v58;
	v3 =	vadd.f32 v49, v61  }
0x3c0: {  	v4 =	vadd.f32 v4, v59;
	v2 =	vnsel vm6, $0x0, v2;
	vm6 =	vge.f32 v0, v46  }
0x3c1: {  	v61 =	vadd.f32 v5, v53;
	v2 =	vsel vm6, v3, v2;
	vm6 =	vge.f32 v0, v45  }
0x3c2: {  	v2 =	vsel vm6, v4, v2;
	vm6 =	vge.f32 v0, v44;
	v4 =	vadd.f32 v13, v54  }
0x3c3: {  	v63 =	vadd.f32 v14, v55;
	v2 =	vsel vm6, v61, v2;
	vm6 =	vge.f32 v0, v43  }
0x3c4: {  	p1 =	sne.s32 s21, $0x3;
	v2 =	vsel vm6, v4, v2;
	vm6 =	vge.f32 v0, v42;
	v4 =	vadd.f32 v22, v56  }
.Ltmp8:
0x3c5: {  	v2 =	vsel vm6, v63, v2;
	vm6 =	vge.f32 v0, v60;
	(pc) =	sbr.rel @p1 .LBB2_4-.Ltmp8, $4  }
0x3c6: {  	v2 =	vsel vm6, v4, v2;
	vm6 =	vge.f32 v0, v1  }
0x3c7: {  	s0 =	sadd.s32 s29, s0;
	v0 =	vsel vm6, v62, v2  }
0x3c8: {  	p0 =	por !p0, !p0;
	s31 =	sadd.s32 $0x24000, s24;
	[tilespmem:s0+$0x0] =	vst v0;
	s0 =	smov.u32 s21  }
0x3c9: {  	[hbm4b:s31+s2] =	stream.linear.scatter [tilespmem:s23], [sflag:s22], $0x2000, $0x38;
	[tilespmem:$0x15080] =	vst v63  }
0x3ca: {  	_ =	swait.ge [sflag:s18], $0x2000  }
0x3cb: {  	[sflag:s18] =	ssyncset.done $0x0  }
0x3cc: {  	[sflag:s18] =	ssyncadd.s32 $0xFFFFE000  }
0x3cd: {  	_ =	swait.ge [sflag:s18], $0x2000  }
0x3ce: {  	[sflag:s18] =	ssyncset.done $0x0  }
0x3cf: {  	[sflag:s18] =	ssyncadd.s32 $0xFFFFE000  }
0x3d0: {  	_ =	swait.ge [sflag:s18], $0x2000  }
0x3d1: {  	[sflag:s18] =	ssyncset.done $0x0  }
0x3d2: {  	[sflag:s18] =	ssyncadd.s32 $0xFFFFE000  }
0x3d3: {  	_ =	swait.ge [sflag:s18], $0x2000  }
0x3d4: {  	[sflag:s18] =	ssyncset.done $0x0  }
0x3d5: {  	[sflag:s18] =	ssyncadd.s32 $0xFFFFE000  }
0x3d6: {  	_ =	swait.ge [sflag:s19], $0x2000  }
0x3d7: {  	[sflag:s19] =	ssyncset.done $0x0  }
0x3d8: {  	[sflag:s19] =	ssyncadd.s32 $0xFFFFE000  }
0x3d9: {  	_ =	swait.ge [sflag:s19], $0x2000  }
0x3da: {  	[sflag:s19] =	ssyncset.done $0x0  }
0x3db: {  	[sflag:s19] =	ssyncadd.s32 $0xFFFFE000  }
0x3dc: {  	_ =	swait.ge [sflag:s19], $0x2000  }
0x3dd: {  	[sflag:s19] =	ssyncset.done $0x0  }
0x3de: {  	[sflag:s19] =	ssyncadd.s32 $0xFFFFE000  }
0x3df: {  	_ =	swait.ge [sflag:s19], $0x2000  }
0x3e0: {  	s20 =	sadd.s32 $0x1, s20;
	s0 =	rddreg [dreg:$0x4]  }
0x3e1: {  	p0 =	sne.s32 s20, s0  }
.Ltmp9:
0x3e2: {  	_ = 	snop;
	(pc) =	sbr.rel @p0 .LBB2_1-.Ltmp9, $3  }
0x3e3: {  	_ =	sdelay $0x1  }
0x3e4: {  	[sflag:s19] =	ssyncset.done $0x0  }
0x3e5: {  	[sflag:s19] =	ssyncadd.s32 $0xFFFFE000  }
0x3e6: {  	_ =	sfence.sel $0x180000  }
0x3e7: {  	[bflag:$0x0] =	sbarrier.arrive $0xFFFF  }
0x3e8: {  	_ =	strace $0x90000047  }
0x3e9: {  	s0 =	stileid.u32;
	[bflag:$0x2] =	sbarrier.arrive $0xFFFF  }
0x3ea: {  	p0 =	sne.s32 s0, $0x0;
	s0 =	rddreg [dreg:$0x1]  }
0x3eb: {  	s0 =	sadd.s32 @!p0 $0x100000, s0  }
0x3ec: {  	[sflag:s0] =	ssyncadd.tile.s32 @!p0 $0x1;
	_ =	shalt  }
.Lfunc_end2:
_tile_overlayer_lowered:
.L_overlay_start_2:
0x3ed: {  	(tag) =	ssettag $0x2  }
0x3ee: {  	s0 =	rddreg [dreg:$0x0];
	s2 =	stileid.u32  }
0x3ef: {  	s1 =	rddreg [dreg:$0x1];
	p0 =	sne.s32 s2, $0x0  }
0x3f0: {  	s3 =	rddreg [dreg:$0x2];
	[bflag:$0x3] =	sbarrier.arrive $0xFFFF;
	s2 =	simm.s32 @!p0 $0x1C05  }
0x3f1: {  	[timem:s3], [sflag:s2] =	dma.local @!p0 [hbm:s0], s1  }
0x3f2: {  	s0 =	simm.s32 @!p0 $0x5  }
0x3f3: {  	_ =	swait.ge @!p0 [sflag:s0], s1  }
0x3f4: {  	s1 =	ssub.s32 @!p0 $0x0, s1;
	[sflag:s0] =	ssyncset.done @!p0 $0x0  }
0x3f5: {  	[sflag:s0] =	ssyncadd.s32 @!p0 s1  }
0x3f6: {  	[bflag:$0x3] =	sbarrier.arrive $0xFFFF  }
0x3f7: {  	_ =	shalt  }

</sc_bundles>
